<compile_context>
chip_gen: v7x
topology: tpu7x:2x2x1
jax: 0.10.2.dev20260603
libtpu: 0.0.44.dev20260713+nightly
codegen_flags: <defaults>
</compile_context>

<pallas_src>
import functools
import math

import jax
import jax.numpy as jnp
from jax import lax
from jax.experimental import pallas as pl
from jax.experimental.pallas import tpu as pltpu
from jax.experimental.pallas import tpu_sc as plsc

N = 10000
E = 320000
F = 128
H = 16
B = 16
INV = 1.0 / math.sqrt(1.0 + 1e-3)

NC = 2
NS = 16
NW = NC * NS
CW = 128
NCH = 79
EPW = NCH * CW
EPAD = NW * EPW
NA = N + 16
RPT = NA // NS
NP = N // 8
PK = 8 * H


def _sigbn(v):
    return jax.nn.sigmoid(INV * v)


def _dot(a, b):
    return jnp.dot(a, b, preferred_element_type=jnp.float32)


def _seg_body(m_hbm, srcr, dstr, zeros_hbm, out_hbm, acc_sh, idxs_v, idxd_v,
              r0, r1, r2, r3, g0, g1, g2, g3, s0, s1, s2, s3):
    rows = (r0, r1, r2, r3)
    gsem = (g0, g1, g2, g3)
    ssem = (s0, s1, s2, s3)
    cid = lax.axis_index("c")
    sid = lax.axis_index("s")
    w = cid * NS + sid
    pltpu.sync_copy(zeros_hbm.at[pl.ds(sid * RPT, RPT)],
                    acc_sh.at[pl.ds(sid * RPT, RPT)])
    pltpu.sync_copy(srcr.at[w], idxs_v)
    pltpu.sync_copy(dstr.at[w], idxd_v)
    plsc.subcore_barrier()

    def gst(j, b):
        pltpu.make_async_copy(m_hbm.at[idxs_v.at[j]], rows[b], gsem[b]).start()

    def gwt(b):
        pltpu.make_async_copy(m_hbm.at[idxs_v.at[0]], rows[b], gsem[b]).wait()

    def sst(j, b):
        pltpu.make_async_copy(rows[b], acc_sh.at[idxd_v.at[j]],
                              ssem[b]).start(add=True)

    def swt(b):
        pltpu.make_async_copy(rows[b], acc_sh.at[idxd_v.at[0]],
                              ssem[b]).wait()

    for b in range(4):
        gst(b, b)

    def body(k, carry):
        j = k * 4
        for b in range(4):
            gwt(b)
            sst(j + b, b)
        for b in range(4):
            swt(b)
            gst(j + 4 + b, b)
        return carry

    lax.fori_loop(0, NCH // 4 - 1, body, 0)
    for b in range(4):
        gwt(b)
        sst(NCH - 4 + b, b)
    for b in range(4):
        swt(b)
    plsc.subcore_barrier()
    pltpu.sync_copy(acc_sh.at[pl.ds(sid * RPT, RPT)],
                    out_hbm.at[cid, pl.ds(sid * RPT, RPT)])


_seg_call = functools.partial(
    pl.kernel,
    out_type=jax.ShapeDtypeStruct((NC, NA, H), jnp.float32),
    mesh=plsc.VectorSubcoreMesh(core_axis_name="c", subcore_axis_name="s"),
    compiler_params=pltpu.CompilerParams(use_tc_tiling_on_sc=False),
    scratch_types=(
        [pltpu.VMEM_SHARED((NA, H), jnp.float32),
         pltpu.VMEM((NCH, CW), jnp.int32),
         pltpu.VMEM((NCH, CW), jnp.int32)]
        + [pltpu.VMEM((CW, H), jnp.float32)] * 4
        + [pltpu.SemaphoreType.DMA] * 8
    ),
)(_seg_body)


def _full(shape):
    return pl.BlockSpec(shape, lambda: tuple(0 for _ in shape))


def _pre_body(x_ref, w0_ref, b0_ref, w1bd_ref, b1_ref, wmbd_ref, bm_ref,
              hp_ref, m_ref):
    x3 = x_ref[...].reshape(NP, 8, F)
    w0 = w0_ref[...]
    parts = [_dot(x3[:, a, :], w0) for a in range(8)]
    h = _sigbn(jnp.concatenate(parts, axis=1) + b0_ref[...])
    h = _sigbn(_dot(h, w1bd_ref[...]) + b1_ref[...])
    hp_ref[...] = h
    m_ref[...] = _dot(h, wmbd_ref[...]) + bm_ref[...]


def _pre_call(x, w0, b0t, w1bd, b1t, wmbd, bmt):
    return pl.pallas_call(
        _pre_body,
        grid=(),
        in_specs=[_full((N, F)), _full((F, H)), _full((1, PK)),
                  _full((PK, PK)), _full((1, PK)),
                  _full((PK, PK)), _full((1, PK))],
        out_specs=[_full((NP, PK)), _full((NP, PK))],
        out_shape=[jax.ShapeDtypeStruct((NP, PK), jnp.float32),
                   jax.ShapeDtypeStruct((NP, PK), jnp.float32)],
    )(x, w0, b0t, w1bd, b1t, wmbd, bmt)


def _make_mid_body(nz):
    def body(*refs):
        p_ref = refs[0]
        piece_refs = refs[1:1 + nz]
        w_refs = refs[1 + nz:2 + 2 * nz]
        b_ref = refs[2 + 2 * nz]
        z_ref, m_ref = refs[3 + 2 * nz], refs[4 + 2 * nz]
        z = _sigbn(p_ref[0, :NP, :] + p_ref[1, :NP, :])
        z_ref[...] = z
        m = _dot(z, w_refs[0][...]) + b_ref[...]
        for pr, wr in zip(piece_refs, w_refs[1:]):
            m = m + _dot(pr[...], wr[...])
        m_ref[...] = m
    return body


def _mid_call(p, pieces, wbd_slices, bt):
    nz = len(pieces)
    return pl.pallas_call(
        _make_mid_body(nz),
        grid=(),
        in_specs=([_full((NC, NA * H // PK, PK))]
                  + [_full((NP, PK))] * nz
                  + [_full((PK, PK))] * (nz + 1)
                  + [_full((1, PK))]),
        out_specs=[_full((NP, PK)), _full((NP, PK))],
        out_shape=[jax.ShapeDtypeStruct((NP, PK), jnp.float32),
                   jax.ShapeDtypeStruct((NP, PK), jnp.float32)],
    )(p, *pieces, *wbd_slices, bt)


def _final_body(p_ref, z3_ref, z2_ref, z1_ref, hp_ref, bidx_ref,
                wp0_ref, bp0_ref, wp1_ref, bp1_ref, wo_ref, bo_ref, out_ref):
    z4 = _sigbn(p_ref[0, :NP, :] + p_ref[1, :NP, :])
    pieces = [z4, z3_ref[...], z2_ref[...], z1_ref[...], hp_ref[...]]
    bidx = bidx_ref[...]
    iota = lax.broadcasted_iota(jnp.int32, (B, NP), 0)
    g = jnp.zeros((B, 5 * H), jnp.float32)
    for a in range(8):
        oh = (bidx[a, :][None, :] == iota).astype(jnp.float32)
        cols = jnp.concatenate([pc[:, a * H:(a + 1) * H] for pc in pieces],
                               axis=1)
        g = g + _dot(oh, cols)
    g = _sigbn(_dot(g, wp0_ref[...]) + bp0_ref[...])
    g = _sigbn(_dot(g, wp1_ref[...]) + bp1_ref[...])
    out_ref[...] = jax.nn.sigmoid(_dot(g, wo_ref[...]) + bo_ref[...])


def _final_call(p, pieces, bidx_s, wp0, bp0, wp1, bp1, wo, bo):
    return pl.pallas_call(
        _final_body,
        grid=(),
        in_specs=([_full((NC, NA * H // PK, PK))]
                  + [_full((NP, PK))] * 4
                  + [_full((8, NP))]
                  + [_full((5 * H, H)), _full((1, H)),
                     _full((H, H)), _full((1, H)),
                     _full((H, 1)), _full((1, 1))]),
        out_specs=_full((B, 1)),
        out_shape=jax.ShapeDtypeStruct((B, 1), jnp.float32),
    )(p, *pieces, bidx_s, wp0, bp0, wp1, bp1, wo, bo)


def kernel(x, edge_index, batch_idx, W_pre0, b_pre0, W_pre1, b_pre1,
           W_mp0, b_mp0, W_mp1, b_mp1, W_mp2, b_mp2, W_mp3, b_mp3,
           W_post0, b_post0, W_post1, b_post1, W_out, b_out):
    npad = EPAD - E
    pad_i = jnp.arange(npad, dtype=jnp.int32)
    src_r = jnp.concatenate([edge_index[0], (pad_i * 37) % N]) \
        .reshape(NW, NCH, CW)
    dst_r = jnp.concatenate([edge_index[1], N + (pad_i % 16)]) \
        .reshape(NW, NCH, CW)
    zeros = jnp.zeros((NA, H), jnp.float32)
    bidx_s = batch_idx.reshape(NP, 8).T

    def bd(wm):
        return jnp.kron(jnp.eye(8, dtype=jnp.float32), wm)

    def bt(b):
        return jnp.tile(b, 8).reshape(1, PK)

    def bd_slices(wm):
        return [bd(wm[k * H:(k + 1) * H]) for k in range(wm.shape[0] // H)]

    hp, m = _pre_call(x, W_pre0, bt(b_pre0), bd(W_pre1), bt(b_pre1),
                      bd(W_mp0), bt(b_mp0))
    pieces = [hp]
    for wm, bm in ((W_mp1, b_mp1), (W_mp2, b_mp2), (W_mp3, b_mp3)):
        p = _seg_call(m.reshape(N, H), src_r, dst_r, zeros)
        z, m = _mid_call(p.reshape(NC, NA * H // PK, PK), pieces,
                         bd_slices(wm), bt(bm))
        pieces.insert(0, z)
    p = _seg_call(m.reshape(N, H), src_r, dst_r, zeros)
    return _final_call(p.reshape(NC, NA * H // PK, PK), pieces, bidx_s,
                       W_post0, b_post0.reshape(1, H),
                       W_post1, b_post1.reshape(1, H),
                       W_out, b_out.reshape(1, 1))

# --- scband reference (transcript-rebuilt; emitter-appended) ---
"""Pipeline reference for scband-gnn-model-87582973100471 (READ-ONLY COPY).

The authoritative reference and input builder live on the scoring server;
editing this copy changes nothing except your own understanding.
"""

import jax, jax.numpy as jnp
import numpy as np

N = 10000
E = 320000
F = 128
H = 16
B = 16
EPS = 1e-3

def _glorot(k, shape):
    lim = float(np.sqrt(6.0 / (shape[0] + shape[1])))
    return jax.random.uniform(k, shape, jnp.float32, -lim, lim)

def setup_inputs(seed: int = 0):
    key = jax.random.key(seed)
    ks = jax.random.split(key, 24)
    inp = {}
    inp['x'] = jax.random.normal(ks[0], (N, F), dtype=jnp.float32)
    inp['edge_index'] = jax.random.randint(ks[1], (2, E), 0, N, dtype=jnp.int32)
    inp['batch_idx'] = jnp.sort(jax.random.randint(ks[2], (N,), 0, B, dtype=jnp.int32))
    inp['W_pre0'] = _glorot(ks[3], (F, H)); inp['b_pre0'] = jnp.zeros((H,), jnp.float32)
    inp['W_pre1'] = _glorot(ks[4], (H, H)); inp['b_pre1'] = jnp.zeros((H,), jnp.float32)
    dims = [H, 2 * H, 3 * H, 4 * H]
    for j in range(4):
        inp['W_mp%d' % j] = _glorot(ks[5 + j], (dims[j], H))
        inp['b_mp%d' % j] = jnp.zeros((H,), jnp.float32)
    inp['W_post0'] = _glorot(ks[9], (5 * H, H)); inp['b_post0'] = jnp.zeros((H,), jnp.float32)
    inp['W_post1'] = _glorot(ks[10], (H, H)); inp['b_post1'] = jnp.zeros((H,), jnp.float32)
    inp['W_out'] = _glorot(ks[11], (H, 1)); inp['b_out'] = jnp.zeros((1,), jnp.float32)
    return inp

def _bn(h):
    # BatchNorm at inference with moving_mean=0, moving_var=1 (keras eps=1e-3)
    return h / jnp.sqrt(1.0 + EPS)

def reference(x, edge_index, batch_idx, W_pre0, b_pre0, W_pre1, b_pre1, W_mp0, b_mp0, W_mp1, b_mp1, W_mp2, b_mp2, W_mp3, b_mp3, W_post0, b_post0, W_post1, b_post1, W_out, b_out):
    src = edge_index[0]
    dst = edge_index[1]
    # pre-process MLP (2 layers, hidden=16, sigmoid, batch_norm)
    h = jax.nn.sigmoid(_bn(x @ W_pre0 + b_pre0))
    h = jax.nn.sigmoid(_bn(h @ W_pre1 + b_pre1))
    # 4 GeneralConv layers, aggregate='sum', connectivity='cat' (skip concat)
    for W, b in ((W_mp0, b_mp0), (W_mp1, b_mp1), (W_mp2, b_mp2), (W_mp3, b_mp3)):
        m = h @ W + b
        agg = jax.ops.segment_sum(m[src], dst, num_segments=N)
        z = jax.nn.sigmoid(_bn(agg))
        h = jnp.concatenate([z, h], axis=-1)
    # pool='sum' over disjoint batch index
    g = jax.ops.segment_sum(h, batch_idx, num_segments=B)
    # post-process MLP (2 layers) + final Dense(1, sigmoid)
    g = jax.nn.sigmoid(_bn(g @ W_post0 + b_post0))
    g = jax.nn.sigmoid(_bn(g @ W_post1 + b_post1))
    out = jax.nn.sigmoid(g @ W_out + b_out)
    return out

if __name__ == "__main__":
    import jax
    _d = setup_inputs()
    print(jax.jit(kernel)(*tuple(_d.values())))

</pallas_src>

<mosaic_0001>
#map = affine_map<(d0, d1) -> (0, 0)>
#map1 = affine_map<(d0, d1) -> (0, 0, 0)>
module attributes {stable_mosaic.version = 14 : i64} {
  func.func @_seg_body(%arg0: i32, %arg1: i32, %arg2: memref<10000x16xf32, #tpu.memory_space<hbm>>, %arg3: memref<32x79x128xi32, #tpu.memory_space<hbm>>, %arg4: memref<32x79x128xi32, #tpu.memory_space<hbm>>, %arg5: memref<10016x16xf32, #tpu.memory_space<hbm>>, %arg6: memref<2x10016x16xf32, #tpu.memory_space<hbm>>, %arg7: memref<10016x16xf32, #tpu.memory_space<vmem_shared>>, %arg8: memref<79x128xi32, #tpu.memory_space<vmem>>, %arg9: memref<79x128xi32, #tpu.memory_space<vmem>>, %arg10: memref<128x16xf32, #tpu.memory_space<vmem>>, %arg11: memref<128x16xf32, #tpu.memory_space<vmem>>, %arg12: memref<128x16xf32, #tpu.memory_space<vmem>>, %arg13: memref<128x16xf32, #tpu.memory_space<vmem>>, %arg14: memref<!tpu.dma_semaphore, #tpu.memory_space<semaphore_mem>>, %arg15: memref<!tpu.dma_semaphore, #tpu.memory_space<semaphore_mem>>, %arg16: memref<!tpu.dma_semaphore, #tpu.memory_space<semaphore_mem>>, %arg17: memref<!tpu.dma_semaphore, #tpu.memory_space<semaphore_mem>>, %arg18: memref<!tpu.dma_semaphore, #tpu.memory_space<semaphore_mem>>, %arg19: memref<!tpu.dma_semaphore, #tpu.memory_space<semaphore_mem>>, %arg20: memref<!tpu.dma_semaphore, #tpu.memory_space<semaphore_mem>>, %arg21: memref<!tpu.dma_semaphore, #tpu.memory_space<semaphore_mem>>) attributes {dimension_semantics = [#tpu.dimension_semantics<core_parallel>, #tpu.dimension_semantics<subcore_parallel>], iteration_bounds = array<i64: 2, 16>, scalar_prefetch = 0 : i64, scratch_operands = 15 : i64, tpu.core_type = #tpu.core_type<sc_vector_subcore>, window_params = [{transform_indices = #map}, {transform_indices = #map1}, {transform_indices = #map1}, {transform_indices = #map}, {transform_indices = #map1}]} {
    %mul3A = arith.constant 16 : i32
    %mul3A_0 = arith.muli %arg0, %mul3A : i32
    %add3A = arith.addi %mul3A_0, %arg1 : i32
    %mul3A_1 = arith.constant 626 : i32
    %mul3A_2 = arith.muli %arg1, %mul3A_1 : i32
    %mul3A_3 = arith.constant 626 : i32
    %mul3A_4 = arith.muli %arg1, %mul3A_3 : i32
    "tpu.region"() ({
      %run_scoped3A = tpu.sem_alloc : memref<!tpu.dma_semaphore, #tpu.memory_space<semaphore_mem>>
      %dma_start3A_125 = arith.constant 0 : i32
      %dma_start3A_126 = tpu.memref_slice %arg7[%mul3A_4, %dma_start3A_125] : memref<10016x16xf32, #tpu.memory_space<vmem_shared>> -> memref<626x16xf32, #tpu.memory_space<vmem_shared>>
      %dma_start3A_127 = arith.constant 0 : i32
      %dma_start3A_128 = tpu.memref_slice %arg5[%mul3A_2, %dma_start3A_127] : memref<10016x16xf32, #tpu.memory_space<hbm>> -> memref<626x16xf32, #tpu.memory_space<hbm>>
      tpu.enqueue_dma source(%dma_start3A_128 : memref<626x16xf32, #tpu.memory_space<hbm>>) target(%dma_start3A_126 : memref<626x16xf32, #tpu.memory_space<vmem_shared>>) target_semaphore(%run_scoped3A : memref<!tpu.dma_semaphore, #tpu.memory_space<semaphore_mem>>)
      %dma_wait3A_129 = arith.constant 0 : i32
      %dma_wait3A_130 = tpu.memref_slice %arg7[%mul3A_4, %dma_wait3A_129] : memref<10016x16xf32, #tpu.memory_space<vmem_shared>> -> memref<626x16xf32, #tpu.memory_space<vmem_shared>>
      %dma_wait3A_131 = arith.constant 0 : i32
      %dma_wait3A_132 = tpu.memref_slice %arg5[%mul3A_2, %dma_wait3A_131] : memref<10016x16xf32, #tpu.memory_space<hbm>> -> memref<626x16xf32, #tpu.memory_space<hbm>>
      tpu.wait_dma2 semaphore(%run_scoped3A : memref<!tpu.dma_semaphore, #tpu.memory_space<semaphore_mem>>) src(%dma_wait3A_132 : memref<626x16xf32, #tpu.memory_space<hbm>>) dst(%dma_wait3A_130 : memref<626x16xf32, #tpu.memory_space<vmem_shared>>)
      tpu.yield
    }) : () -> ()
    "tpu.region"() ({
      %run_scoped3A = tpu.sem_alloc : memref<!tpu.dma_semaphore, #tpu.memory_space<semaphore_mem>>
      %dma_start3A_125 = arith.constant 0 : i32
      %dma_start3A_126 = arith.constant 0 : i32
      %dma_start3A_127 = tpu.memref_slice %arg3[%add3A, %dma_start3A_125, %dma_start3A_126] : memref<32x79x128xi32, #tpu.memory_space<hbm>> -> memref<1x79x128xi32, #tpu.memory_space<hbm>>
      %dma_start3A_128 = tpu.memref_squeeze %dma_start3A_127 : memref<1x79x128xi32, #tpu.memory_space<hbm>> -> memref<79x128xi32, #tpu.memory_space<hbm>>
      %dma_start3A_129 = arith.constant 0 : i32
      %dma_start3A_130 = arith.constant 0 : i32
      %dma_start3A_131 = tpu.memref_slice %arg3[%add3A, %dma_start3A_129, %dma_start3A_130] : memref<32x79x128xi32, #tpu.memory_space<hbm>> -> memref<1x79x128xi32, #tpu.memory_space<hbm>>
      %dma_start3A_132 = tpu.memref_squeeze %dma_start3A_131 : memref<1x79x128xi32, #tpu.memory_space<hbm>> -> memref<79x128xi32, #tpu.memory_space<hbm>>
      tpu.enqueue_dma source(%dma_start3A_132 : memref<79x128xi32, #tpu.memory_space<hbm>>) target(%arg8 : memref<79x128xi32, #tpu.memory_space<vmem>>) target_semaphore(%run_scoped3A : memref<!tpu.dma_semaphore, #tpu.memory_space<semaphore_mem>>)
      %dma_wait3A_133 = arith.constant 0 : i32
      %dma_wait3A_134 = arith.constant 0 : i32
      %dma_wait3A_135 = tpu.memref_slice %arg3[%add3A, %dma_wait3A_133, %dma_wait3A_134] : memref<32x79x128xi32, #tpu.memory_space<hbm>> -> memref<1x79x128xi32, #tpu.memory_space<hbm>>
      %dma_wait3A_136 = tpu.memref_squeeze %dma_wait3A_135 : memref<1x79x128xi32, #tpu.memory_space<hbm>> -> memref<79x128xi32, #tpu.memory_space<hbm>>
      %dma_wait3A_137 = arith.constant 0 : i32
      %dma_wait3A_138 = arith.constant 0 : i32
      %dma_wait3A_139 = tpu.memref_slice %arg3[%add3A, %dma_wait3A_137, %dma_wait3A_138] : memref<32x79x128xi32, #tpu.memory_space<hbm>> -> memref<1x79x128xi32, #tpu.memory_space<hbm>>
      %dma_wait3A_140 = tpu.memref_squeeze %dma_wait3A_139 : memref<1x79x128xi32, #tpu.memory_space<hbm>> -> memref<79x128xi32, #tpu.memory_space<hbm>>
      tpu.wait_dma2 semaphore(%run_scoped3A : memref<!tpu.dma_semaphore, #tpu.memory_space<semaphore_mem>>) src(%dma_wait3A_140 : memref<79x128xi32, #tpu.memory_space<hbm>>) dst(%arg8 : memref<79x128xi32, #tpu.memory_space<vmem>>)
      tpu.yield
    }) : () -> ()
    "tpu.region"() ({
      %run_scoped3A = tpu.sem_alloc : memref<!tpu.dma_semaphore, #tpu.memory_space<semaphore_mem>>
      %dma_start3A_125 = arith.constant 0 : i32
      %dma_start3A_126 = arith.constant 0 : i32
      %dma_start3A_127 = tpu.memref_slice %arg4[%add3A, %dma_start3A_125, %dma_start3A_126] : memref<32x79x128xi32, #tpu.memory_space<hbm>> -> memref<1x79x128xi32, #tpu.memory_space<hbm>>
      %dma_start3A_128 = tpu.memref_squeeze %dma_start3A_127 : memref<1x79x128xi32, #tpu.memory_space<hbm>> -> memref<79x128xi32, #tpu.memory_space<hbm>>
      %dma_start3A_129 = arith.constant 0 : i32
      %dma_start3A_130 = arith.constant 0 : i32
      %dma_start3A_131 = tpu.memref_slice %arg4[%add3A, %dma_start3A_129, %dma_start3A_130] : memref<32x79x128xi32, #tpu.memory_space<hbm>> -> memref<1x79x128xi32, #tpu.memory_space<hbm>>
      %dma_start3A_132 = tpu.memref_squeeze %dma_start3A_131 : memref<1x79x128xi32, #tpu.memory_space<hbm>> -> memref<79x128xi32, #tpu.memory_space<hbm>>
      tpu.enqueue_dma source(%dma_start3A_132 : memref<79x128xi32, #tpu.memory_space<hbm>>) target(%arg9 : memref<79x128xi32, #tpu.memory_space<vmem>>) target_semaphore(%run_scoped3A : memref<!tpu.dma_semaphore, #tpu.memory_space<semaphore_mem>>)
      %dma_wait3A_133 = arith.constant 0 : i32
      %dma_wait3A_134 = arith.constant 0 : i32
      %dma_wait3A_135 = tpu.memref_slice %arg4[%add3A, %dma_wait3A_133, %dma_wait3A_134] : memref<32x79x128xi32, #tpu.memory_space<hbm>> -> memref<1x79x128xi32, #tpu.memory_space<hbm>>
      %dma_wait3A_136 = tpu.memref_squeeze %dma_wait3A_135 : memref<1x79x128xi32, #tpu.memory_space<hbm>> -> memref<79x128xi32, #tpu.memory_space<hbm>>
      %dma_wait3A_137 = arith.constant 0 : i32
      %dma_wait3A_138 = arith.constant 0 : i32
      %dma_wait3A_139 = tpu.memref_slice %arg4[%add3A, %dma_wait3A_137, %dma_wait3A_138] : memref<32x79x128xi32, #tpu.memory_space<hbm>> -> memref<1x79x128xi32, #tpu.memory_space<hbm>>
      %dma_wait3A_140 = tpu.memref_squeeze %dma_wait3A_139 : memref<1x79x128xi32, #tpu.memory_space<hbm>> -> memref<79x128xi32, #tpu.memory_space<hbm>>
      tpu.wait_dma2 semaphore(%run_scoped3A : memref<!tpu.dma_semaphore, #tpu.memory_space<semaphore_mem>>) src(%dma_wait3A_140 : memref<79x128xi32, #tpu.memory_space<hbm>>) dst(%arg9 : memref<79x128xi32, #tpu.memory_space<vmem>>)
      tpu.yield
    }) : () -> ()
    %barrier3A = arith.constant 0 : index
    tpu.barrier barrier_id(%barrier3A)
    %dma_start3A = arith.constant 0 : i32
    %dma_start3A_5 = arith.constant 0 : i32
    %dma_start3A_6 = tpu.memref_slice %arg8[%dma_start3A, %dma_start3A_5] : memref<79x128xi32, #tpu.memory_space<vmem>> -> memref<1x128xi32, #tpu.memory_space<vmem>>
    %dma_start3A_7 = tpu.memref_squeeze %dma_start3A_6 : memref<1x128xi32, #tpu.memory_space<vmem>> -> memref<128xi32, #tpu.memory_space<vmem>>
    %dma_start3A_8 = arith.constant 0 : i32
    %dma_start3A_9 = arith.constant 0 : i32
    %dma_start3A_10 = tpu.memref_slice %arg2[%dma_start3A_8, %dma_start3A_9] : memref<10000x16xf32, #tpu.memory_space<hbm>> -> memref<10000x16xf32, #tpu.memory_space<hbm>>
    tpu.enqueue_indirect_dma source(%dma_start3A_10 : memref<10000x16xf32, #tpu.memory_space<hbm>>) target(%arg10 : memref<128x16xf32, #tpu.memory_space<vmem>>) offsets(%dma_start3A_7 : memref<128xi32, #tpu.memory_space<vmem>>) semaphore(%arg14 : memref<!tpu.dma_semaphore, #tpu.memory_space<semaphore_mem>>)
    %dma_start3A_11 = arith.constant 1 : i32
    %dma_start3A_12 = arith.constant 0 : i32
    %dma_start3A_13 = tpu.memref_slice %arg8[%dma_start3A_11, %dma_start3A_12] : memref<79x128xi32, #tpu.memory_space<vmem>> -> memref<1x128xi32, #tpu.memory_space<vmem>>
    %dma_start3A_14 = tpu.memref_squeeze %dma_start3A_13 : memref<1x128xi32, #tpu.memory_space<vmem>> -> memref<128xi32, #tpu.memory_space<vmem>>
    %dma_start3A_15 = arith.constant 0 : i32
    %dma_start3A_16 = arith.constant 0 : i32
    %dma_start3A_17 = tpu.memref_slice %arg2[%dma_start3A_15, %dma_start3A_16] : memref<10000x16xf32, #tpu.memory_space<hbm>> -> memref<10000x16xf32, #tpu.memory_space<hbm>>
    tpu.enqueue_indirect_dma source(%dma_start3A_17 : memref<10000x16xf32, #tpu.memory_space<hbm>>) target(%arg11 : memref<128x16xf32, #tpu.memory_space<vmem>>) offsets(%dma_start3A_14 : memref<128xi32, #tpu.memory_space<vmem>>) semaphore(%arg15 : memref<!tpu.dma_semaphore, #tpu.memory_space<semaphore_mem>>)
    %dma_start3A_18 = arith.constant 2 : i32
    %dma_start3A_19 = arith.constant 0 : i32
    %dma_start3A_20 = tpu.memref_slice %arg8[%dma_start3A_18, %dma_start3A_19] : memref<79x128xi32, #tpu.memory_space<vmem>> -> memref<1x128xi32, #tpu.memory_space<vmem>>
    %dma_start3A_21 = tpu.memref_squeeze %dma_start3A_20 : memref<1x128xi32, #tpu.memory_space<vmem>> -> memref<128xi32, #tpu.memory_space<vmem>>
    %dma_start3A_22 = arith.constant 0 : i32
    %dma_start3A_23 = arith.constant 0 : i32
    %dma_start3A_24 = tpu.memref_slice %arg2[%dma_start3A_22, %dma_start3A_23] : memref<10000x16xf32, #tpu.memory_space<hbm>> -> memref<10000x16xf32, #tpu.memory_space<hbm>>
    tpu.enqueue_indirect_dma source(%dma_start3A_24 : memref<10000x16xf32, #tpu.memory_space<hbm>>) target(%arg12 : memref<128x16xf32, #tpu.memory_space<vmem>>) offsets(%dma_start3A_21 : memref<128xi32, #tpu.memory_space<vmem>>) semaphore(%arg16 : memref<!tpu.dma_semaphore, #tpu.memory_space<semaphore_mem>>)
    %dma_start3A_25 = arith.constant 3 : i32
    %dma_start3A_26 = arith.constant 0 : i32
    %dma_start3A_27 = tpu.memref_slice %arg8[%dma_start3A_25, %dma_start3A_26] : memref<79x128xi32, #tpu.memory_space<vmem>> -> memref<1x128xi32, #tpu.memory_space<vmem>>
    %dma_start3A_28 = tpu.memref_squeeze %dma_start3A_27 : memref<1x128xi32, #tpu.memory_space<vmem>> -> memref<128xi32, #tpu.memory_space<vmem>>
    %dma_start3A_29 = arith.constant 0 : i32
    %dma_start3A_30 = arith.constant 0 : i32
    %dma_start3A_31 = tpu.memref_slice %arg2[%dma_start3A_29, %dma_start3A_30] : memref<10000x16xf32, #tpu.memory_space<hbm>> -> memref<10000x16xf32, #tpu.memory_space<hbm>>
    tpu.enqueue_indirect_dma source(%dma_start3A_31 : memref<10000x16xf32, #tpu.memory_space<hbm>>) target(%arg13 : memref<128x16xf32, #tpu.memory_space<vmem>>) offsets(%dma_start3A_28 : memref<128xi32, #tpu.memory_space<vmem>>) semaphore(%arg17 : memref<!tpu.dma_semaphore, #tpu.memory_space<semaphore_mem>>)
    %scan3A = arith.constant 0 : i32
    %scan3A_32 = arith.constant 0 : i32
    %scan3A_33 = arith.constant 18 : i32
    %scan3A_34 = arith.addi %scan3A_32, %scan3A_33 : i32
    %scan3A_35 = arith.constant 1 : i32
    scf.for %scan3A_125 = %scan3A_32 to %scan3A_34 step %scan3A_35  : i32 {
      %mul3A_126 = arith.constant 4 : i32
      %mul3A_127 = arith.muli %scan3A_125, %mul3A_126 : i32
      %dma_wait3A_128 = arith.constant 0 : i32
      %dma_wait3A_129 = arith.constant 0 : i32
      %dma_wait3A_130 = tpu.memref_slice %arg8[%dma_wait3A_128, %dma_wait3A_129] : memref<79x128xi32, #tpu.memory_space<vmem>> -> memref<1x128xi32, #tpu.memory_space<vmem>>
      %dma_wait3A_131 = tpu.memref_squeeze %dma_wait3A_130 : memref<1x128xi32, #tpu.memory_space<vmem>> -> memref<128xi32, #tpu.memory_space<vmem>>
      %dma_wait3A_132 = arith.constant 0 : i32
      %dma_wait3A_133 = arith.constant 0 : i32
      %dma_wait3A_134 = tpu.memref_slice %arg2[%dma_wait3A_132, %dma_wait3A_133] : memref<10000x16xf32, #tpu.memory_space<hbm>> -> memref<10000x16xf32, #tpu.memory_space<hbm>>
      tpu.wait_indirect_dma semaphore(%arg14 : memref<!tpu.dma_semaphore, #tpu.memory_space<semaphore_mem>>) src(%dma_wait3A_134 : memref<10000x16xf32, #tpu.memory_space<hbm>>) dst(%arg10 : memref<128x16xf32, #tpu.memory_space<vmem>>)
      %add3A_135 = arith.constant 0 : i32
      %add3A_136 = arith.addi %mul3A_127, %add3A_135 : i32
      %dma_start3A_137 = arith.constant 0 : i32
      %dma_start3A_138 = tpu.memref_slice %arg9[%add3A_136, %dma_start3A_137] : memref<79x128xi32, #tpu.memory_space<vmem>> -> memref<1x128xi32, #tpu.memory_space<vmem>>
      %dma_start3A_139 = tpu.memref_squeeze %dma_start3A_138 : memref<1x128xi32, #tpu.memory_space<vmem>> -> memref<128xi32, #tpu.memory_space<vmem>>
      %dma_start3A_140 = arith.constant 0 : i32
      %dma_start3A_141 = arith.constant 0 : i32
      %dma_start3A_142 = tpu.memref_slice %arg7[%dma_start3A_140, %dma_start3A_141] : memref<10016x16xf32, #tpu.memory_space<vmem_shared>> -> memref<10016x16xf32, #tpu.memory_space<vmem_shared>>
      tpu.enqueue_indirect_dma source(%arg10 : memref<128x16xf32, #tpu.memory_space<vmem>>) target(%dma_start3A_142 : memref<10016x16xf32, #tpu.memory_space<vmem_shared>>) offsets(%dma_start3A_139 : memref<128xi32, #tpu.memory_space<vmem>>) semaphore(%arg18 : memref<!tpu.dma_semaphore, #tpu.memory_space<semaphore_mem>>) {add = true}
      %dma_wait3A_143 = arith.constant 0 : i32
      %dma_wait3A_144 = arith.constant 0 : i32
      %dma_wait3A_145 = tpu.memref_slice %arg8[%dma_wait3A_143, %dma_wait3A_144] : memref<79x128xi32, #tpu.memory_space<vmem>> -> memref<1x128xi32, #tpu.memory_space<vmem>>
      %dma_wait3A_146 = tpu.memref_squeeze %dma_wait3A_145 : memref<1x128xi32, #tpu.memory_space<vmem>> -> memref<128xi32, #tpu.memory_space<vmem>>
      %dma_wait3A_147 = arith.constant 0 : i32
      %dma_wait3A_148 = arith.constant 0 : i32
      %dma_wait3A_149 = tpu.memref_slice %arg2[%dma_wait3A_147, %dma_wait3A_148] : memref<10000x16xf32, #tpu.memory_space<hbm>> -> memref<10000x16xf32, #tpu.memory_space<hbm>>
      tpu.wait_indirect_dma semaphore(%arg15 : memref<!tpu.dma_semaphore, #tpu.memory_space<semaphore_mem>>) src(%dma_wait3A_149 : memref<10000x16xf32, #tpu.memory_space<hbm>>) dst(%arg11 : memref<128x16xf32, #tpu.memory_space<vmem>>)
      %add3A_150 = arith.constant 1 : i32
      %add3A_151 = arith.addi %mul3A_127, %add3A_150 : i32
      %dma_start3A_152 = arith.constant 0 : i32
      %dma_start3A_153 = tpu.memref_slice %arg9[%add3A_151, %dma_start3A_152] : memref<79x128xi32, #tpu.memory_space<vmem>> -> memref<1x128xi32, #tpu.memory_space<vmem>>
      %dma_start3A_154 = tpu.memref_squeeze %dma_start3A_153 : memref<1x128xi32, #tpu.memory_space<vmem>> -> memref<128xi32, #tpu.memory_space<vmem>>
      %dma_start3A_155 = arith.constant 0 : i32
      %dma_start3A_156 = arith.constant 0 : i32
      %dma_start3A_157 = tpu.memref_slice %arg7[%dma_start3A_155, %dma_start3A_156] : memref<10016x16xf32, #tpu.memory_space<vmem_shared>> -> memref<10016x16xf32, #tpu.memory_space<vmem_shared>>
      tpu.enqueue_indirect_dma source(%arg11 : memref<128x16xf32, #tpu.memory_space<vmem>>) target(%dma_start3A_157 : memref<10016x16xf32, #tpu.memory_space<vmem_shared>>) offsets(%dma_start3A_154 : memref<128xi32, #tpu.memory_space<vmem>>) semaphore(%arg19 : memref<!tpu.dma_semaphore, #tpu.memory_space<semaphore_mem>>) {add = true}
      %dma_wait3A_158 = arith.constant 0 : i32
      %dma_wait3A_159 = arith.constant 0 : i32
      %dma_wait3A_160 = tpu.memref_slice %arg8[%dma_wait3A_158, %dma_wait3A_159] : memref<79x128xi32, #tpu.memory_space<vmem>> -> memref<1x128xi32, #tpu.memory_space<vmem>>
      %dma_wait3A_161 = tpu.memref_squeeze %dma_wait3A_160 : memref<1x128xi32, #tpu.memory_space<vmem>> -> memref<128xi32, #tpu.memory_space<vmem>>
      %dma_wait3A_162 = arith.constant 0 : i32
      %dma_wait3A_163 = arith.constant 0 : i32
      %dma_wait3A_164 = tpu.memref_slice %arg2[%dma_wait3A_162, %dma_wait3A_163] : memref<10000x16xf32, #tpu.memory_space<hbm>> -> memref<10000x16xf32, #tpu.memory_space<hbm>>
      tpu.wait_indirect_dma semaphore(%arg16 : memref<!tpu.dma_semaphore, #tpu.memory_space<semaphore_mem>>) src(%dma_wait3A_164 : memref<10000x16xf32, #tpu.memory_space<hbm>>) dst(%arg12 : memref<128x16xf32, #tpu.memory_space<vmem>>)
      %add3A_165 = arith.constant 2 : i32
      %add3A_166 = arith.addi %mul3A_127, %add3A_165 : i32
      %dma_start3A_167 = arith.constant 0 : i32
      %dma_start3A_168 = tpu.memref_slice %arg9[%add3A_166, %dma_start3A_167] : memref<79x128xi32, #tpu.memory_space<vmem>> -> memref<1x128xi32, #tpu.memory_space<vmem>>
      %dma_start3A_169 = tpu.memref_squeeze %dma_start3A_168 : memref<1x128xi32, #tpu.memory_space<vmem>> -> memref<128xi32, #tpu.memory_space<vmem>>
      %dma_start3A_170 = arith.constant 0 : i32
      %dma_start3A_171 = arith.constant 0 : i32
      %dma_start3A_172 = tpu.memref_slice %arg7[%dma_start3A_170, %dma_start3A_171] : memref<10016x16xf32, #tpu.memory_space<vmem_shared>> -> memref<10016x16xf32, #tpu.memory_space<vmem_shared>>
      tpu.enqueue_indirect_dma source(%arg12 : memref<128x16xf32, #tpu.memory_space<vmem>>) target(%dma_start3A_172 : memref<10016x16xf32, #tpu.memory_space<vmem_shared>>) offsets(%dma_start3A_169 : memref<128xi32, #tpu.memory_space<vmem>>) semaphore(%arg20 : memref<!tpu.dma_semaphore, #tpu.memory_space<semaphore_mem>>) {add = true}
      %dma_wait3A_173 = arith.constant 0 : i32
      %dma_wait3A_174 = arith.constant 0 : i32
      %dma_wait3A_175 = tpu.memref_slice %arg8[%dma_wait3A_173, %dma_wait3A_174] : memref<79x128xi32, #tpu.memory_space<vmem>> -> memref<1x128xi32, #tpu.memory_space<vmem>>
      %dma_wait3A_176 = tpu.memref_squeeze %dma_wait3A_175 : memref<1x128xi32, #tpu.memory_space<vmem>> -> memref<128xi32, #tpu.memory_space<vmem>>
      %dma_wait3A_177 = arith.constant 0 : i32
      %dma_wait3A_178 = arith.constant 0 : i32
      %dma_wait3A_179 = tpu.memref_slice %arg2[%dma_wait3A_177, %dma_wait3A_178] : memref<10000x16xf32, #tpu.memory_space<hbm>> -> memref<10000x16xf32, #tpu.memory_space<hbm>>
      tpu.wait_indirect_dma semaphore(%arg17 : memref<!tpu.dma_semaphore, #tpu.memory_space<semaphore_mem>>) src(%dma_wait3A_179 : memref<10000x16xf32, #tpu.memory_space<hbm>>) dst(%arg13 : memref<128x16xf32, #tpu.memory_space<vmem>>)
      %add3A_180 = arith.constant 3 : i32
      %add3A_181 = arith.addi %mul3A_127, %add3A_180 : i32
      %dma_start3A_182 = arith.constant 0 : i32
      %dma_start3A_183 = tpu.memref_slice %arg9[%add3A_181, %dma_start3A_182] : memref<79x128xi32, #tpu.memory_space<vmem>> -> memref<1x128xi32, #tpu.memory_space<vmem>>
      %dma_start3A_184 = tpu.memref_squeeze %dma_start3A_183 : memref<1x128xi32, #tpu.memory_space<vmem>> -> memref<128xi32, #tpu.memory_space<vmem>>
      %dma_start3A_185 = arith.constant 0 : i32
      %dma_start3A_186 = arith.constant 0 : i32
      %dma_start3A_187 = tpu.memref_slice %arg7[%dma_start3A_185, %dma_start3A_186] : memref<10016x16xf32, #tpu.memory_space<vmem_shared>> -> memref<10016x16xf32, #tpu.memory_space<vmem_shared>>
      tpu.enqueue_indirect_dma source(%arg13 : memref<128x16xf32, #tpu.memory_space<vmem>>) target(%dma_start3A_187 : memref<10016x16xf32, #tpu.memory_space<vmem_shared>>) offsets(%dma_start3A_184 : memref<128xi32, #tpu.memory_space<vmem>>) semaphore(%arg21 : memref<!tpu.dma_semaphore, #tpu.memory_space<semaphore_mem>>) {add = true}
      %dma_wait3A_188 = arith.constant 0 : i32
      %dma_wait3A_189 = arith.constant 0 : i32
      %dma_wait3A_190 = tpu.memref_slice %arg9[%dma_wait3A_188, %dma_wait3A_189] : memref<79x128xi32, #tpu.memory_space<vmem>> -> memref<1x128xi32, #tpu.memory_space<vmem>>
      %dma_wait3A_191 = tpu.memref_squeeze %dma_wait3A_190 : memref<1x128xi32, #tpu.memory_space<vmem>> -> memref<128xi32, #tpu.memory_space<vmem>>
      %dma_wait3A_192 = arith.constant 0 : i32
      %dma_wait3A_193 = arith.constant 0 : i32
      %dma_wait3A_194 = tpu.memref_slice %arg7[%dma_wait3A_192, %dma_wait3A_193] : memref<10016x16xf32, #tpu.memory_space<vmem_shared>> -> memref<10016x16xf32, #tpu.memory_space<vmem_shared>>
      tpu.wait_indirect_dma semaphore(%arg18 : memref<!tpu.dma_semaphore, #tpu.memory_space<semaphore_mem>>) src(%arg10 : memref<128x16xf32, #tpu.memory_space<vmem>>) dst(%dma_wait3A_194 : memref<10016x16xf32, #tpu.memory_space<vmem_shared>>)
      %add3A_195 = arith.constant 4 : i32
      %add3A_196 = arith.addi %mul3A_127, %add3A_195 : i32
      %add3A_197 = arith.constant 0 : i32
      %add3A_198 = arith.addi %add3A_196, %add3A_197 : i32
      %dma_start3A_199 = arith.constant 0 : i32
      %dma_start3A_200 = tpu.memref_slice %arg8[%add3A_198, %dma_start3A_199] : memref<79x128xi32, #tpu.memory_space<vmem>> -> memref<1x128xi32, #tpu.memory_space<vmem>>
      %dma_start3A_201 = tpu.memref_squeeze %dma_start3A_200 : memref<1x128xi32, #tpu.memory_space<vmem>> -> memref<128xi32, #tpu.memory_space<vmem>>
      %dma_start3A_202 = arith.constant 0 : i32
      %dma_start3A_203 = arith.constant 0 : i32
      %dma_start3A_204 = tpu.memref_slice %arg2[%dma_start3A_202, %dma_start3A_203] : memref<10000x16xf32, #tpu.memory_space<hbm>> -> memref<10000x16xf32, #tpu.memory_space<hbm>>
      tpu.enqueue_indirect_dma source(%dma_start3A_204 : memref<10000x16xf32, #tpu.memory_space<hbm>>) target(%arg10 : memref<128x16xf32, #tpu.memory_space<vmem>>) offsets(%dma_start3A_201 : memref<128xi32, #tpu.memory_space<vmem>>) semaphore(%arg14 : memref<!tpu.dma_semaphore, #tpu.memory_space<semaphore_mem>>)
      %dma_wait3A_205 = arith.constant 0 : i32
      %dma_wait3A_206 = arith.constant 0 : i32
      %dma_wait3A_207 = tpu.memref_slice %arg9[%dma_wait3A_205, %dma_wait3A_206] : memref<79x128xi32, #tpu.memory_space<vmem>> -> memref<1x128xi32, #tpu.memory_space<vmem>>
      %dma_wait3A_208 = tpu.memref_squeeze %dma_wait3A_207 : memref<1x128xi32, #tpu.memory_space<vmem>> -> memref<128xi32, #tpu.memory_space<vmem>>
      %dma_wait3A_209 = arith.constant 0 : i32
      %dma_wait3A_210 = arith.constant 0 : i32
      %dma_wait3A_211 = tpu.memref_slice %arg7[%dma_wait3A_209, %dma_wait3A_210] : memref<10016x16xf32, #tpu.memory_space<vmem_shared>> -> memref<10016x16xf32, #tpu.memory_space<vmem_shared>>
      tpu.wait_indirect_dma semaphore(%arg19 : memref<!tpu.dma_semaphore, #tpu.memory_space<semaphore_mem>>) src(%arg11 : memref<128x16xf32, #tpu.memory_space<vmem>>) dst(%dma_wait3A_211 : memref<10016x16xf32, #tpu.memory_space<vmem_shared>>)
      %add3A_212 = arith.constant 4 : i32
      %add3A_213 = arith.addi %mul3A_127, %add3A_212 : i32
      %add3A_214 = arith.constant 1 : i32
      %add3A_215 = arith.addi %add3A_213, %add3A_214 : i32
      %dma_start3A_216 = arith.constant 0 : i32
      %dma_start3A_217 = tpu.memref_slice %arg8[%add3A_215, %dma_start3A_216] : memref<79x128xi32, #tpu.memory_space<vmem>> -> memref<1x128xi32, #tpu.memory_space<vmem>>
      %dma_start3A_218 = tpu.memref_squeeze %dma_start3A_217 : memref<1x128xi32, #tpu.memory_space<vmem>> -> memref<128xi32, #tpu.memory_space<vmem>>
      %dma_start3A_219 = arith.constant 0 : i32
      %dma_start3A_220 = arith.constant 0 : i32
      %dma_start3A_221 = tpu.memref_slice %arg2[%dma_start3A_219, %dma_start3A_220] : memref<10000x16xf32, #tpu.memory_space<hbm>> -> memref<10000x16xf32, #tpu.memory_space<hbm>>
      tpu.enqueue_indirect_dma source(%dma_start3A_221 : memref<10000x16xf32, #tpu.memory_space<hbm>>) target(%arg11 : memref<128x16xf32, #tpu.memory_space<vmem>>) offsets(%dma_start3A_218 : memref<128xi32, #tpu.memory_space<vmem>>) semaphore(%arg15 : memref<!tpu.dma_semaphore, #tpu.memory_space<semaphore_mem>>)
      %dma_wait3A_222 = arith.constant 0 : i32
      %dma_wait3A_223 = arith.constant 0 : i32
      %dma_wait3A_224 = tpu.memref_slice %arg9[%dma_wait3A_222, %dma_wait3A_223] : memref<79x128xi32, #tpu.memory_space<vmem>> -> memref<1x128xi32, #tpu.memory_space<vmem>>
      %dma_wait3A_225 = tpu.memref_squeeze %dma_wait3A_224 : memref<1x128xi32, #tpu.memory_space<vmem>> -> memref<128xi32, #tpu.memory_space<vmem>>
      %dma_wait3A_226 = arith.constant 0 : i32
      %dma_wait3A_227 = arith.constant 0 : i32
      %dma_wait3A_228 = tpu.memref_slice %arg7[%dma_wait3A_226, %dma_wait3A_227] : memref<10016x16xf32, #tpu.memory_space<vmem_shared>> -> memref<10016x16xf32, #tpu.memory_space<vmem_shared>>
      tpu.wait_indirect_dma semaphore(%arg20 : memref<!tpu.dma_semaphore, #tpu.memory_space<semaphore_mem>>) src(%arg12 : memref<128x16xf32, #tpu.memory_space<vmem>>) dst(%dma_wait3A_228 : memref<10016x16xf32, #tpu.memory_space<vmem_shared>>)
      %add3A_229 = arith.constant 4 : i32
      %add3A_230 = arith.addi %mul3A_127, %add3A_229 : i32
      %add3A_231 = arith.constant 2 : i32
      %add3A_232 = arith.addi %add3A_230, %add3A_231 : i32
      %dma_start3A_233 = arith.constant 0 : i32
      %dma_start3A_234 = tpu.memref_slice %arg8[%add3A_232, %dma_start3A_233] : memref<79x128xi32, #tpu.memory_space<vmem>> -> memref<1x128xi32, #tpu.memory_space<vmem>>
      %dma_start3A_235 = tpu.memref_squeeze %dma_start3A_234 : memref<1x128xi32, #tpu.memory_space<vmem>> -> memref<128xi32, #tpu.memory_space<vmem>>
      %dma_start3A_236 = arith.constant 0 : i32
      %dma_start3A_237 = arith.constant 0 : i32
      %dma_start3A_238 = tpu.memref_slice %arg2[%dma_start3A_236, %dma_start3A_237] : memref<10000x16xf32, #tpu.memory_space<hbm>> -> memref<10000x16xf32, #tpu.memory_space<hbm>>
      tpu.enqueue_indirect_dma source(%dma_start3A_238 : memref<10000x16xf32, #tpu.memory_space<hbm>>) target(%arg12 : memref<128x16xf32, #tpu.memory_space<vmem>>) offsets(%dma_start3A_235 : memref<128xi32, #tpu.memory_space<vmem>>) semaphore(%arg16 : memref<!tpu.dma_semaphore, #tpu.memory_space<semaphore_mem>>)
      %dma_wait3A_239 = arith.constant 0 : i32
      %dma_wait3A_240 = arith.constant 0 : i32
      %dma_wait3A_241 = tpu.memref_slice %arg9[%dma_wait3A_239, %dma_wait3A_240] : memref<79x128xi32, #tpu.memory_space<vmem>> -> memref<1x128xi32, #tpu.memory_space<vmem>>
      %dma_wait3A_242 = tpu.memref_squeeze %dma_wait3A_241 : memref<1x128xi32, #tpu.memory_space<vmem>> -> memref<128xi32, #tpu.memory_space<vmem>>
      %dma_wait3A_243 = arith.constant 0 : i32
      %dma_wait3A_244 = arith.constant 0 : i32
      %dma_wait3A_245 = tpu.memref_slice %arg7[%dma_wait3A_243, %dma_wait3A_244] : memref<10016x16xf32, #tpu.memory_space<vmem_shared>> -> memref<10016x16xf32, #tpu.memory_space<vmem_shared>>
      tpu.wait_indirect_dma semaphore(%arg21 : memref<!tpu.dma_semaphore, #tpu.memory_space<semaphore_mem>>) src(%arg13 : memref<128x16xf32, #tpu.memory_space<vmem>>) dst(%dma_wait3A_245 : memref<10016x16xf32, #tpu.memory_space<vmem_shared>>)
      %add3A_246 = arith.constant 4 : i32
      %add3A_247 = arith.addi %mul3A_127, %add3A_246 : i32
      %add3A_248 = arith.constant 3 : i32
      %add3A_249 = arith.addi %add3A_247, %add3A_248 : i32
      %dma_start3A_250 = arith.constant 0 : i32
      %dma_start3A_251 = tpu.memref_slice %arg8[%add3A_249, %dma_start3A_250] : memref<79x128xi32, #tpu.memory_space<vmem>> -> memref<1x128xi32, #tpu.memory_space<vmem>>
      %dma_start3A_252 = tpu.memref_squeeze %dma_start3A_251 : memref<1x128xi32, #tpu.memory_space<vmem>> -> memref<128xi32, #tpu.memory_space<vmem>>
      %dma_start3A_253 = arith.constant 0 : i32
      %dma_start3A_254 = arith.constant 0 : i32
      %dma_start3A_255 = tpu.memref_slice %arg2[%dma_start3A_253, %dma_start3A_254] : memref<10000x16xf32, #tpu.memory_space<hbm>> -> memref<10000x16xf32, #tpu.memory_space<hbm>>
      tpu.enqueue_indirect_dma source(%dma_start3A_255 : memref<10000x16xf32, #tpu.memory_space<hbm>>) target(%arg13 : memref<128x16xf32, #tpu.memory_space<vmem>>) offsets(%dma_start3A_252 : memref<128xi32, #tpu.memory_space<vmem>>) semaphore(%arg17 : memref<!tpu.dma_semaphore, #tpu.memory_space<semaphore_mem>>)
    }
    %scan3A_36 = arith.constant 18 : i32
    %dma_wait3A = arith.constant 0 : i32
    %dma_wait3A_37 = arith.constant 0 : i32
    %dma_wait3A_38 = tpu.memref_slice %arg8[%dma_wait3A, %dma_wait3A_37] : memref<79x128xi32, #tpu.memory_space<vmem>> -> memref<1x128xi32, #tpu.memory_space<vmem>>
    %dma_wait3A_39 = tpu.memref_squeeze %dma_wait3A_38 : memref<1x128xi32, #tpu.memory_space<vmem>> -> memref<128xi32, #tpu.memory_space<vmem>>
    %dma_wait3A_40 = arith.constant 0 : i32
    %dma_wait3A_41 = arith.constant 0 : i32
    %dma_wait3A_42 = tpu.memref_slice %arg2[%dma_wait3A_40, %dma_wait3A_41] : memref<10000x16xf32, #tpu.memory_space<hbm>> -> memref<10000x16xf32, #tpu.memory_space<hbm>>
    tpu.wait_indirect_dma semaphore(%arg14 : memref<!tpu.dma_semaphore, #tpu.memory_space<semaphore_mem>>) src(%dma_wait3A_42 : memref<10000x16xf32, #tpu.memory_space<hbm>>) dst(%arg10 : memref<128x16xf32, #tpu.memory_space<vmem>>)
    %dma_start3A_43 = arith.constant 75 : i32
    %dma_start3A_44 = arith.constant 0 : i32
    %dma_start3A_45 = tpu.memref_slice %arg9[%dma_start3A_43, %dma_start3A_44] : memref<79x128xi32, #tpu.memory_space<vmem>> -> memref<1x128xi32, #tpu.memory_space<vmem>>
    %dma_start3A_46 = tpu.memref_squeeze %dma_start3A_45 : memref<1x128xi32, #tpu.memory_space<vmem>> -> memref<128xi32, #tpu.memory_space<vmem>>
    %dma_start3A_47 = arith.constant 0 : i32
    %dma_start3A_48 = arith.constant 0 : i32
    %dma_start3A_49 = tpu.memref_slice %arg7[%dma_start3A_47, %dma_start3A_48] : memref<10016x16xf32, #tpu.memory_space<vmem_shared>> -> memref<10016x16xf32, #tpu.memory_space<vmem_shared>>
    tpu.enqueue_indirect_dma source(%arg10 : memref<128x16xf32, #tpu.memory_space<vmem>>) target(%dma_start3A_49 : memref<10016x16xf32, #tpu.memory_space<vmem_shared>>) offsets(%dma_start3A_46 : memref<128xi32, #tpu.memory_space<vmem>>) semaphore(%arg18 : memref<!tpu.dma_semaphore, #tpu.memory_space<semaphore_mem>>) {add = true}
    %dma_wait3A_50 = arith.constant 0 : i32
    %dma_wait3A_51 = arith.constant 0 : i32
    %dma_wait3A_52 = tpu.memref_slice %arg8[%dma_wait3A_50, %dma_wait3A_51] : memref<79x128xi32, #tpu.memory_space<vmem>> -> memref<1x128xi32, #tpu.memory_space<vmem>>
    %dma_wait3A_53 = tpu.memref_squeeze %dma_wait3A_52 : memref<1x128xi32, #tpu.memory_space<vmem>> -> memref<128xi32, #tpu.memory_space<vmem>>
    %dma_wait3A_54 = arith.constant 0 : i32
    %dma_wait3A_55 = arith.constant 0 : i32
    %dma_wait3A_56 = tpu.memref_slice %arg2[%dma_wait3A_54, %dma_wait3A_55] : memref<10000x16xf32, #tpu.memory_space<hbm>> -> memref<10000x16xf32, #tpu.memory_space<hbm>>
    tpu.wait_indirect_dma semaphore(%arg15 : memref<!tpu.dma_semaphore, #tpu.memory_space<semaphore_mem>>) src(%dma_wait3A_56 : memref<10000x16xf32, #tpu.memory_space<hbm>>) dst(%arg11 : memref<128x16xf32, #tpu.memory_space<vmem>>)
    %dma_start3A_57 = arith.constant 76 : i32
    %dma_start3A_58 = arith.constant 0 : i32
    %dma_start3A_59 = tpu.memref_slice %arg9[%dma_start3A_57, %dma_start3A_58] : memref<79x128xi32, #tpu.memory_space<vmem>> -> memref<1x128xi32, #tpu.memory_space<vmem>>
    %dma_start3A_60 = tpu.memref_squeeze %dma_start3A_59 : memref<1x128xi32, #tpu.memory_space<vmem>> -> memref<128xi32, #tpu.memory_space<vmem>>
    %dma_start3A_61 = arith.constant 0 : i32
    %dma_start3A_62 = arith.constant 0 : i32
    %dma_start3A_63 = tpu.memref_slice %arg7[%dma_start3A_61, %dma_start3A_62] : memref<10016x16xf32, #tpu.memory_space<vmem_shared>> -> memref<10016x16xf32, #tpu.memory_space<vmem_shared>>
    tpu.enqueue_indirect_dma source(%arg11 : memref<128x16xf32, #tpu.memory_space<vmem>>) target(%dma_start3A_63 : memref<10016x16xf32, #tpu.memory_space<vmem_shared>>) offsets(%dma_start3A_60 : memref<128xi32, #tpu.memory_space<vmem>>) semaphore(%arg19 : memref<!tpu.dma_semaphore, #tpu.memory_space<semaphore_mem>>) {add = true}
    %dma_wait3A_64 = arith.constant 0 : i32
    %dma_wait3A_65 = arith.constant 0 : i32
    %dma_wait3A_66 = tpu.memref_slice %arg8[%dma_wait3A_64, %dma_wait3A_65] : memref<79x128xi32, #tpu.memory_space<vmem>> -> memref<1x128xi32, #tpu.memory_space<vmem>>
    %dma_wait3A_67 = tpu.memref_squeeze %dma_wait3A_66 : memref<1x128xi32, #tpu.memory_space<vmem>> -> memref<128xi32, #tpu.memory_space<vmem>>
    %dma_wait3A_68 = arith.constant 0 : i32
    %dma_wait3A_69 = arith.constant 0 : i32
    %dma_wait3A_70 = tpu.memref_slice %arg2[%dma_wait3A_68, %dma_wait3A_69] : memref<10000x16xf32, #tpu.memory_space<hbm>> -> memref<10000x16xf32, #tpu.memory_space<hbm>>
    tpu.wait_indirect_dma semaphore(%arg16 : memref<!tpu.dma_semaphore, #tpu.memory_space<semaphore_mem>>) src(%dma_wait3A_70 : memref<10000x16xf32, #tpu.memory_space<hbm>>) dst(%arg12 : memref<128x16xf32, #tpu.memory_space<vmem>>)
    %dma_start3A_71 = arith.constant 77 : i32
    %dma_start3A_72 = arith.constant 0 : i32
    %dma_start3A_73 = tpu.memref_slice %arg9[%dma_start3A_71, %dma_start3A_72] : memref<79x128xi32, #tpu.memory_space<vmem>> -> memref<1x128xi32, #tpu.memory_space<vmem>>
    %dma_start3A_74 = tpu.memref_squeeze %dma_start3A_73 : memref<1x128xi32, #tpu.memory_space<vmem>> -> memref<128xi32, #tpu.memory_space<vmem>>
    %dma_start3A_75 = arith.constant 0 : i32
    %dma_start3A_76 = arith.constant 0 : i32
    %dma_start3A_77 = tpu.memref_slice %arg7[%dma_start3A_75, %dma_start3A_76] : memref<10016x16xf32, #tpu.memory_space<vmem_shared>> -> memref<10016x16xf32, #tpu.memory_space<vmem_shared>>
    tpu.enqueue_indirect_dma source(%arg12 : memref<128x16xf32, #tpu.memory_space<vmem>>) target(%dma_start3A_77 : memref<10016x16xf32, #tpu.memory_space<vmem_shared>>) offsets(%dma_start3A_74 : memref<128xi32, #tpu.memory_space<vmem>>) semaphore(%arg20 : memref<!tpu.dma_semaphore, #tpu.memory_space<semaphore_mem>>) {add = true}
    %dma_wait3A_78 = arith.constant 0 : i32
    %dma_wait3A_79 = arith.constant 0 : i32
    %dma_wait3A_80 = tpu.memref_slice %arg8[%dma_wait3A_78, %dma_wait3A_79] : memref<79x128xi32, #tpu.memory_space<vmem>> -> memref<1x128xi32, #tpu.memory_space<vmem>>
    %dma_wait3A_81 = tpu.memref_squeeze %dma_wait3A_80 : memref<1x128xi32, #tpu.memory_space<vmem>> -> memref<128xi32, #tpu.memory_space<vmem>>
    %dma_wait3A_82 = arith.constant 0 : i32
    %dma_wait3A_83 = arith.constant 0 : i32
    %dma_wait3A_84 = tpu.memref_slice %arg2[%dma_wait3A_82, %dma_wait3A_83] : memref<10000x16xf32, #tpu.memory_space<hbm>> -> memref<10000x16xf32, #tpu.memory_space<hbm>>
    tpu.wait_indirect_dma semaphore(%arg17 : memref<!tpu.dma_semaphore, #tpu.memory_space<semaphore_mem>>) src(%dma_wait3A_84 : memref<10000x16xf32, #tpu.memory_space<hbm>>) dst(%arg13 : memref<128x16xf32, #tpu.memory_space<vmem>>)
    %dma_start3A_85 = arith.constant 78 : i32
    %dma_start3A_86 = arith.constant 0 : i32
    %dma_start3A_87 = tpu.memref_slice %arg9[%dma_start3A_85, %dma_start3A_86] : memref<79x128xi32, #tpu.memory_space<vmem>> -> memref<1x128xi32, #tpu.memory_space<vmem>>
    %dma_start3A_88 = tpu.memref_squeeze %dma_start3A_87 : memref<1x128xi32, #tpu.memory_space<vmem>> -> memref<128xi32, #tpu.memory_space<vmem>>
    %dma_start3A_89 = arith.constant 0 : i32
    %dma_start3A_90 = arith.constant 0 : i32
    %dma_start3A_91 = tpu.memref_slice %arg7[%dma_start3A_89, %dma_start3A_90] : memref<10016x16xf32, #tpu.memory_space<vmem_shared>> -> memref<10016x16xf32, #tpu.memory_space<vmem_shared>>
    tpu.enqueue_indirect_dma source(%arg13 : memref<128x16xf32, #tpu.memory_space<vmem>>) target(%dma_start3A_91 : memref<10016x16xf32, #tpu.memory_space<vmem_shared>>) offsets(%dma_start3A_88 : memref<128xi32, #tpu.memory_space<vmem>>) semaphore(%arg21 : memref<!tpu.dma_semaphore, #tpu.memory_space<semaphore_mem>>) {add = true}
    %dma_wait3A_92 = arith.constant 0 : i32
    %dma_wait3A_93 = arith.constant 0 : i32
    %dma_wait3A_94 = tpu.memref_slice %arg9[%dma_wait3A_92, %dma_wait3A_93] : memref<79x128xi32, #tpu.memory_space<vmem>> -> memref<1x128xi32, #tpu.memory_space<vmem>>
    %dma_wait3A_95 = tpu.memref_squeeze %dma_wait3A_94 : memref<1x128xi32, #tpu.memory_space<vmem>> -> memref<128xi32, #tpu.memory_space<vmem>>
    %dma_wait3A_96 = arith.constant 0 : i32
    %dma_wait3A_97 = arith.constant 0 : i32
    %dma_wait3A_98 = tpu.memref_slice %arg7[%dma_wait3A_96, %dma_wait3A_97] : memref<10016x16xf32, #tpu.memory_space<vmem_shared>> -> memref<10016x16xf32, #tpu.memory_space<vmem_shared>>
    tpu.wait_indirect_dma semaphore(%arg18 : memref<!tpu.dma_semaphore, #tpu.memory_space<semaphore_mem>>) src(%arg10 : memref<128x16xf32, #tpu.memory_space<vmem>>) dst(%dma_wait3A_98 : memref<10016x16xf32, #tpu.memory_space<vmem_shared>>)
    %dma_wait3A_99 = arith.constant 0 : i32
    %dma_wait3A_100 = arith.constant 0 : i32
    %dma_wait3A_101 = tpu.memref_slice %arg9[%dma_wait3A_99, %dma_wait3A_100] : memref<79x128xi32, #tpu.memory_space<vmem>> -> memref<1x128xi32, #tpu.memory_space<vmem>>
    %dma_wait3A_102 = tpu.memref_squeeze %dma_wait3A_101 : memref<1x128xi32, #tpu.memory_space<vmem>> -> memref<128xi32, #tpu.memory_space<vmem>>
    %dma_wait3A_103 = arith.constant 0 : i32
    %dma_wait3A_104 = arith.constant 0 : i32
    %dma_wait3A_105 = tpu.memref_slice %arg7[%dma_wait3A_103, %dma_wait3A_104] : memref<10016x16xf32, #tpu.memory_space<vmem_shared>> -> memref<10016x16xf32, #tpu.memory_space<vmem_shared>>
    tpu.wait_indirect_dma semaphore(%arg19 : memref<!tpu.dma_semaphore, #tpu.memory_space<semaphore_mem>>) src(%arg11 : memref<128x16xf32, #tpu.memory_space<vmem>>) dst(%dma_wait3A_105 : memref<10016x16xf32, #tpu.memory_space<vmem_shared>>)
    %dma_wait3A_106 = arith.constant 0 : i32
    %dma_wait3A_107 = arith.constant 0 : i32
    %dma_wait3A_108 = tpu.memref_slice %arg9[%dma_wait3A_106, %dma_wait3A_107] : memref<79x128xi32, #tpu.memory_space<vmem>> -> memref<1x128xi32, #tpu.memory_space<vmem>>
    %dma_wait3A_109 = tpu.memref_squeeze %dma_wait3A_108 : memref<1x128xi32, #tpu.memory_space<vmem>> -> memref<128xi32, #tpu.memory_space<vmem>>
    %dma_wait3A_110 = arith.constant 0 : i32
    %dma_wait3A_111 = arith.constant 0 : i32
    %dma_wait3A_112 = tpu.memref_slice %arg7[%dma_wait3A_110, %dma_wait3A_111] : memref<10016x16xf32, #tpu.memory_space<vmem_shared>> -> memref<10016x16xf32, #tpu.memory_space<vmem_shared>>
    tpu.wait_indirect_dma semaphore(%arg20 : memref<!tpu.dma_semaphore, #tpu.memory_space<semaphore_mem>>) src(%arg12 : memref<128x16xf32, #tpu.memory_space<vmem>>) dst(%dma_wait3A_112 : memref<10016x16xf32, #tpu.memory_space<vmem_shared>>)
    %dma_wait3A_113 = arith.constant 0 : i32
    %dma_wait3A_114 = arith.constant 0 : i32
    %dma_wait3A_115 = tpu.memref_slice %arg9[%dma_wait3A_113, %dma_wait3A_114] : memref<79x128xi32, #tpu.memory_space<vmem>> -> memref<1x128xi32, #tpu.memory_space<vmem>>
    %dma_wait3A_116 = tpu.memref_squeeze %dma_wait3A_115 : memref<1x128xi32, #tpu.memory_space<vmem>> -> memref<128xi32, #tpu.memory_space<vmem>>
    %dma_wait3A_117 = arith.constant 0 : i32
    %dma_wait3A_118 = arith.constant 0 : i32
    %dma_wait3A_119 = tpu.memref_slice %arg7[%dma_wait3A_117, %dma_wait3A_118] : memref<10016x16xf32, #tpu.memory_space<vmem_shared>> -> memref<10016x16xf32, #tpu.memory_space<vmem_shared>>
    tpu.wait_indirect_dma semaphore(%arg21 : memref<!tpu.dma_semaphore, #tpu.memory_space<semaphore_mem>>) src(%arg13 : memref<128x16xf32, #tpu.memory_space<vmem>>) dst(%dma_wait3A_119 : memref<10016x16xf32, #tpu.memory_space<vmem_shared>>)
    %barrier3A_120 = arith.constant 0 : index
    tpu.barrier barrier_id(%barrier3A_120)
    %mul3A_121 = arith.constant 626 : i32
    %mul3A_122 = arith.muli %arg1, %mul3A_121 : i32
    %mul3A_123 = arith.constant 626 : i32
    %mul3A_124 = arith.muli %arg1, %mul3A_123 : i32
    "tpu.region"() ({
      %run_scoped3A = tpu.sem_alloc : memref<!tpu.dma_semaphore, #tpu.memory_space<semaphore_mem>>
      %dma_start3A_125 = arith.constant 0 : i32
      %dma_start3A_126 = tpu.memref_slice %arg6[%arg0, %mul3A_124, %dma_start3A_125] : memref<2x10016x16xf32, #tpu.memory_space<hbm>> -> memref<1x626x16xf32, #tpu.memory_space<hbm>>
      %dma_start3A_127 = tpu.memref_squeeze %dma_start3A_126 : memref<1x626x16xf32, #tpu.memory_space<hbm>> -> memref<626x16xf32, #tpu.memory_space<hbm>>
      %dma_start3A_128 = arith.constant 0 : i32
      %dma_start3A_129 = tpu.memref_slice %arg7[%mul3A_122, %dma_start3A_128] : memref<10016x16xf32, #tpu.memory_space<vmem_shared>> -> memref<626x16xf32, #tpu.memory_space<vmem_shared>>
      tpu.enqueue_dma source(%dma_start3A_129 : memref<626x16xf32, #tpu.memory_space<vmem_shared>>) target(%dma_start3A_127 : memref<626x16xf32, #tpu.memory_space<hbm>>) target_semaphore(%run_scoped3A : memref<!tpu.dma_semaphore, #tpu.memory_space<semaphore_mem>>)
      %dma_wait3A_130 = arith.constant 0 : i32
      %dma_wait3A_131 = tpu.memref_slice %arg6[%arg0, %mul3A_124, %dma_wait3A_130] : memref<2x10016x16xf32, #tpu.memory_space<hbm>> -> memref<1x626x16xf32, #tpu.memory_space<hbm>>
      %dma_wait3A_132 = tpu.memref_squeeze %dma_wait3A_131 : memref<1x626x16xf32, #tpu.memory_space<hbm>> -> memref<626x16xf32, #tpu.memory_space<hbm>>
      %dma_wait3A_133 = arith.constant 0 : i32
      %dma_wait3A_134 = tpu.memref_slice %arg7[%mul3A_122, %dma_wait3A_133] : memref<10016x16xf32, #tpu.memory_space<vmem_shared>> -> memref<626x16xf32, #tpu.memory_space<vmem_shared>>
      tpu.wait_dma2 semaphore(%run_scoped3A : memref<!tpu.dma_semaphore, #tpu.memory_space<semaphore_mem>>) src(%dma_wait3A_134 : memref<626x16xf32, #tpu.memory_space<vmem_shared>>) dst(%dma_wait3A_132 : memref<626x16xf32, #tpu.memory_space<hbm>>)
      tpu.yield
    }) : () -> ()
    return
  }
}

#map = affine_map<(d0, d1) -> (0, 0)>
#map1 = affine_map<(d0, d1) -> (0, 0, 0)>
module attributes {stable_mosaic.version = 14 : i64} {
  func.func @_seg_body(%arg0: i32, %arg1: i32, %arg2: memref<10000x16xf32, #tpu.memory_space<hbm>>, %arg3: memref<32x79x128xi32, #tpu.memory_space<hbm>>, %arg4: memref<32x79x128xi32, #tpu.memory_space<hbm>>, %arg5: memref<10016x16xf32, #tpu.memory_space<hbm>>, %arg6: memref<2x10016x16xf32, #tpu.memory_space<hbm>>, %arg7: memref<10016x16xf32, #tpu.memory_space<vmem_shared>>, %arg8: memref<79x128xi32, #tpu.memory_space<vmem>>, %arg9: memref<79x128xi32, #tpu.memory_space<vmem>>, %arg10: memref<128x16xf32, #tpu.memory_space<vmem>>, %arg11: memref<128x16xf32, #tpu.memory_space<vmem>>, %arg12: memref<128x16xf32, #tpu.memory_space<vmem>>, %arg13: memref<128x16xf32, #tpu.memory_space<vmem>>, %arg14: memref<!tpu.dma_semaphore, #tpu.memory_space<semaphore_mem>>, %arg15: memref<!tpu.dma_semaphore, #tpu.memory_space<semaphore_mem>>, %arg16: memref<!tpu.dma_semaphore, #tpu.memory_space<semaphore_mem>>, %arg17: memref<!tpu.dma_semaphore, #tpu.memory_space<semaphore_mem>>, %arg18: memref<!tpu.dma_semaphore, #tpu.memory_space<semaphore_mem>>, %arg19: memref<!tpu.dma_semaphore, #tpu.memory_space<semaphore_mem>>, %arg20: memref<!tpu.dma_semaphore, #tpu.memory_space<semaphore_mem>>, %arg21: memref<!tpu.dma_semaphore, #tpu.memory_space<semaphore_mem>>) attributes {dimension_semantics = [#tpu.dimension_semantics<core_parallel>, #tpu.dimension_semantics<subcore_parallel>], iteration_bounds = array<i64: 2, 16>, scalar_prefetch = 0 : i64, scratch_operands = 15 : i64, tpu.core_type = #tpu.core_type<sc_vector_subcore>, window_params = [{transform_indices = #map}, {transform_indices = #map1}, {transform_indices = #map1}, {transform_indices = #map}, {transform_indices = #map1}]} {
    %mul3A = arith.constant 16 : i32
    %mul3A_0 = arith.muli %arg0, %mul3A : i32
    %add3A = arith.addi %mul3A_0, %arg1 : i32
    %mul3A_1 = arith.constant 626 : i32
    %mul3A_2 = arith.muli %arg1, %mul3A_1 : i32
    %mul3A_3 = arith.constant 626 : i32
    %mul3A_4 = arith.muli %arg1, %mul3A_3 : i32
    "tpu.region"() ({
      %run_scoped3A = tpu.sem_alloc : memref<!tpu.dma_semaphore, #tpu.memory_space<semaphore_mem>>
      %dma_start3A_125 = arith.constant 0 : i32
      %dma_start3A_126 = tpu.memref_slice %arg7[%mul3A_4, %dma_start3A_125] : memref<10016x16xf32, #tpu.memory_space<vmem_shared>> -> memref<626x16xf32, #tpu.memory_space<vmem_shared>>
      %dma_start3A_127 = arith.constant 0 : i32
      %dma_start3A_128 = tpu.memref_slice %arg5[%mul3A_2, %dma_start3A_127] : memref<10016x16xf32, #tpu.memory_space<hbm>> -> memref<626x16xf32, #tpu.memory_space<hbm>>
      tpu.enqueue_dma source(%dma_start3A_128 : memref<626x16xf32, #tpu.memory_space<hbm>>) target(%dma_start3A_126 : memref<626x16xf32, #tpu.memory_space<vmem_shared>>) target_semaphore(%run_scoped3A : memref<!tpu.dma_semaphore, #tpu.memory_space<semaphore_mem>>)
      %dma_wait3A_129 = arith.constant 0 : i32
      %dma_wait3A_130 = tpu.memref_slice %arg7[%mul3A_4, %dma_wait3A_129] : memref<10016x16xf32, #tpu.memory_space<vmem_shared>> -> memref<626x16xf32, #tpu.memory_space<vmem_shared>>
      %dma_wait3A_131 = arith.constant 0 : i32
      %dma_wait3A_132 = tpu.memref_slice %arg5[%mul3A_2, %dma_wait3A_131] : memref<10016x16xf32, #tpu.memory_space<hbm>> -> memref<626x16xf32, #tpu.memory_space<hbm>>
      tpu.wait_dma2 semaphore(%run_scoped3A : memref<!tpu.dma_semaphore, #tpu.memory_space<semaphore_mem>>) src(%dma_wait3A_132 : memref<626x16xf32, #tpu.memory_space<hbm>>) dst(%dma_wait3A_130 : memref<626x16xf32, #tpu.memory_space<vmem_shared>>)
      tpu.yield
    }) : () -> ()
    "tpu.region"() ({
      %run_scoped3A = tpu.sem_alloc : memref<!tpu.dma_semaphore, #tpu.memory_space<semaphore_mem>>
      %dma_start3A_125 = arith.constant 0 : i32
      %dma_start3A_126 = arith.constant 0 : i32
      %dma_start3A_127 = tpu.memref_slice %arg3[%add3A, %dma_start3A_125, %dma_start3A_126] : memref<32x79x128xi32, #tpu.memory_space<hbm>> -> memref<1x79x128xi32, #tpu.memory_space<hbm>>
      %dma_start3A_128 = tpu.memref_squeeze %dma_start3A_127 : memref<1x79x128xi32, #tpu.memory_space<hbm>> -> memref<79x128xi32, #tpu.memory_space<hbm>>
      %dma_start3A_129 = arith.constant 0 : i32
      %dma_start3A_130 = arith.constant 0 : i32
      %dma_start3A_131 = tpu.memref_slice %arg3[%add3A, %dma_start3A_129, %dma_start3A_130] : memref<32x79x128xi32, #tpu.memory_space<hbm>> -> memref<1x79x128xi32, #tpu.memory_space<hbm>>
      %dma_start3A_132 = tpu.memref_squeeze %dma_start3A_131 : memref<1x79x128xi32, #tpu.memory_space<hbm>> -> memref<79x128xi32, #tpu.memory_space<hbm>>
      tpu.enqueue_dma source(%dma_start3A_132 : memref<79x128xi32, #tpu.memory_space<hbm>>) target(%arg8 : memref<79x128xi32, #tpu.memory_space<vmem>>) target_semaphore(%run_scoped3A : memref<!tpu.dma_semaphore, #tpu.memory_space<semaphore_mem>>)
      %dma_wait3A_133 = arith.constant 0 : i32
      %dma_wait3A_134 = arith.constant 0 : i32
      %dma_wait3A_135 = tpu.memref_slice %arg3[%add3A, %dma_wait3A_133, %dma_wait3A_134] : memref<32x79x128xi32, #tpu.memory_space<hbm>> -> memref<1x79x128xi32, #tpu.memory_space<hbm>>
      %dma_wait3A_136 = tpu.memref_squeeze %dma_wait3A_135 : memref<1x79x128xi32, #tpu.memory_space<hbm>> -> memref<79x128xi32, #tpu.memory_space<hbm>>
      %dma_wait3A_137 = arith.constant 0 : i32
      %dma_wait3A_138 = arith.constant 0 : i32
      %dma_wait3A_139 = tpu.memref_slice %arg3[%add3A, %dma_wait3A_137, %dma_wait3A_138] : memref<32x79x128xi32, #tpu.memory_space<hbm>> -> memref<1x79x128xi32, #tpu.memory_space<hbm>>
      %dma_wait3A_140 = tpu.memref_squeeze %dma_wait3A_139 : memref<1x79x128xi32, #tpu.memory_space<hbm>> -> memref<79x128xi32, #tpu.memory_space<hbm>>
      tpu.wait_dma2 semaphore(%run_scoped3A : memref<!tpu.dma_semaphore, #tpu.memory_space<semaphore_mem>>) src(%dma_wait3A_140 : memref<79x128xi32, #tpu.memory_space<hbm>>) dst(%arg8 : memref<79x128xi32, #tpu.memory_space<vmem>>)
      tpu.yield
    }) : () -> ()
    "tpu.region"() ({
      %run_scoped3A = tpu.sem_alloc : memref<!tpu.dma_semaphore, #tpu.memory_space<semaphore_mem>>
      %dma_start3A_125 = arith.constant 0 : i32
      %dma_start3A_126 = arith.constant 0 : i32
      %dma_start3A_127 = tpu.memref_slice %arg4[%add3A, %dma_start3A_125, %dma_start3A_126] : memref<32x79x128xi32, #tpu.memory_space<hbm>> -> memref<1x79x128xi32, #tpu.memory_space<hbm>>
      %dma_start3A_128 = tpu.memref_squeeze %dma_start3A_127 : memref<1x79x128xi32, #tpu.memory_space<hbm>> -> memref<79x128xi32, #tpu.memory_space<hbm>>
      %dma_start3A_129 = arith.constant 0 : i32
      %dma_start3A_130 = arith.constant 0 : i32
      %dma_start3A_131 = tpu.memref_slice %arg4[%add3A, %dma_start3A_129, %dma_start3A_130] : memref<32x79x128xi32, #tpu.memory_space<hbm>> -> memref<1x79x128xi32, #tpu.memory_space<hbm>>
      %dma_start3A_132 = tpu.memref_squeeze %dma_start3A_131 : memref<1x79x128xi32, #tpu.memory_space<hbm>> -> memref<79x128xi32, #tpu.memory_space<hbm>>
      tpu.enqueue_dma source(%dma_start3A_132 : memref<79x128xi32, #tpu.memory_space<hbm>>) target(%arg9 : memref<79x128xi32, #tpu.memory_space<vmem>>) target_semaphore(%run_scoped3A : memref<!tpu.dma_semaphore, #tpu.memory_space<semaphore_mem>>)
      %dma_wait3A_133 = arith.constant 0 : i32
      %dma_wait3A_134 = arith.constant 0 : i32
      %dma_wait3A_135 = tpu.memref_slice %arg4[%add3A, %dma_wait3A_133, %dma_wait3A_134] : memref<32x79x128xi32, #tpu.memory_space<hbm>> -> memref<1x79x128xi32, #tpu.memory_space<hbm>>
      %dma_wait3A_136 = tpu.memref_squeeze %dma_wait3A_135 : memref<1x79x128xi32, #tpu.memory_space<hbm>> -> memref<79x128xi32, #tpu.memory_space<hbm>>
      %dma_wait3A_137 = arith.constant 0 : i32
      %dma_wait3A_138 = arith.constant 0 : i32
      %dma_wait3A_139 = tpu.memref_slice %arg4[%add3A, %dma_wait3A_137, %dma_wait3A_138] : memref<32x79x128xi32, #tpu.memory_space<hbm>> -> memref<1x79x128xi32, #tpu.memory_space<hbm>>
      %dma_wait3A_140 = tpu.memref_squeeze %dma_wait3A_139 : memref<1x79x128xi32, #tpu.memory_space<hbm>> -> memref<79x128xi32, #tpu.memory_space<hbm>>
      tpu.wait_dma2 semaphore(%run_scoped3A : memref<!tpu.dma_semaphore, #tpu.memory_space<semaphore_mem>>) src(%dma_wait3A_140 : memref<79x128xi32, #tpu.memory_space<hbm>>) dst(%arg9 : memref<79x128xi32, #tpu.memory_space<vmem>>)
      tpu.yield
    }) : () -> ()
    %barrier3A = arith.constant 0 : index
    tpu.barrier barrier_id(%barrier3A)
    %dma_start3A = arith.constant 0 : i32
    %dma_start3A_5 = arith.constant 0 : i32
    %dma_start3A_6 = tpu.memref_slice %arg8[%dma_start3A, %dma_start3A_5] : memref<79x128xi32, #tpu.memory_space<vmem>> -> memref<1x128xi32, #tpu.memory_space<vmem>>
    %dma_start3A_7 = tpu.memref_squeeze %dma_start3A_6 : memref<1x128xi32, #tpu.memory_space<vmem>> -> memref<128xi32, #tpu.memory_space<vmem>>
    %dma_start3A_8 = arith.constant 0 : i32
    %dma_start3A_9 = arith.constant 0 : i32
    %dma_start3A_10 = tpu.memref_slice %arg2[%dma_start3A_8, %dma_start3A_9] : memref<10000x16xf32, #tpu.memory_space<hbm>> -> memref<10000x16xf32, #tpu.memory_space<hbm>>
    tpu.enqueue_indirect_dma source(%dma_start3A_10 : memref<10000x16xf32, #tpu.memory_space<hbm>>) target(%arg10 : memref<128x16xf32, #tpu.memory_space<vmem>>) offsets(%dma_start3A_7 : memref<128xi32, #tpu.memory_space<vmem>>) semaphore(%arg14 : memref<!tpu.dma_semaphore, #tpu.memory_space<semaphore_mem>>)
    %dma_start3A_11 = arith.constant 1 : i32
    %dma_start3A_12 = arith.constant 0 : i32
    %dma_start3A_13 = tpu.memref_slice %arg8[%dma_start3A_11, %dma_start3A_12] : memref<79x128xi32, #tpu.memory_space<vmem>> -> memref<1x128xi32, #tpu.memory_space<vmem>>
    %dma_start3A_14 = tpu.memref_squeeze %dma_start3A_13 : memref<1x128xi32, #tpu.memory_space<vmem>> -> memref<128xi32, #tpu.memory_space<vmem>>
    %dma_start3A_15 = arith.constant 0 : i32
    %dma_start3A_16 = arith.constant 0 : i32
    %dma_start3A_17 = tpu.memref_slice %arg2[%dma_start3A_15, %dma_start3A_16] : memref<10000x16xf32, #tpu.memory_space<hbm>> -> memref<10000x16xf32, #tpu.memory_space<hbm>>
    tpu.enqueue_indirect_dma source(%dma_start3A_17 : memref<10000x16xf32, #tpu.memory_space<hbm>>) target(%arg11 : memref<128x16xf32, #tpu.memory_space<vmem>>) offsets(%dma_start3A_14 : memref<128xi32, #tpu.memory_space<vmem>>) semaphore(%arg15 : memref<!tpu.dma_semaphore, #tpu.memory_space<semaphore_mem>>)
    %dma_start3A_18 = arith.constant 2 : i32
    %dma_start3A_19 = arith.constant 0 : i32
    %dma_start3A_20 = tpu.memref_slice %arg8[%dma_start3A_18, %dma_start3A_19] : memref<79x128xi32, #tpu.memory_space<vmem>> -> memref<1x128xi32, #tpu.memory_space<vmem>>
    %dma_start3A_21 = tpu.memref_squeeze %dma_start3A_20 : memref<1x128xi32, #tpu.memory_space<vmem>> -> memref<128xi32, #tpu.memory_space<vmem>>
    %dma_start3A_22 = arith.constant 0 : i32
    %dma_start3A_23 = arith.constant 0 : i32
    %dma_start3A_24 = tpu.memref_slice %arg2[%dma_start3A_22, %dma_start3A_23] : memref<10000x16xf32, #tpu.memory_space<hbm>> -> memref<10000x16xf32, #tpu.memory_space<hbm>>
    tpu.enqueue_indirect_dma source(%dma_start3A_24 : memref<10000x16xf32, #tpu.memory_space<hbm>>) target(%arg12 : memref<128x16xf32, #tpu.memory_space<vmem>>) offsets(%dma_start3A_21 : memref<128xi32, #tpu.memory_space<vmem>>) semaphore(%arg16 : memref<!tpu.dma_semaphore, #tpu.memory_space<semaphore_mem>>)
    %dma_start3A_25 = arith.constant 3 : i32
    %dma_start3A_26 = arith.constant 0 : i32
    %dma_start3A_27 = tpu.memref_slice %arg8[%dma_start3A_25, %dma_start3A_26] : memref<79x128xi32, #tpu.memory_space<vmem>> -> memref<1x128xi32, #tpu.memory_space<vmem>>
    %dma_start3A_28 = tpu.memref_squeeze %dma_start3A_27 : memref<1x128xi32, #tpu.memory_space<vmem>> -> memref<128xi32, #tpu.memory_space<vmem>>
    %dma_start3A_29 = arith.constant 0 : i32
    %dma_start3A_30 = arith.constant 0 : i32
    %dma_start3A_31 = tpu.memref_slice %arg2[%dma_start3A_29, %dma_start3A_30] : memref<10000x16xf32, #tpu.memory_space<hbm>> -> memref<10000x16xf32, #tpu.memory_space<hbm>>
    tpu.enqueue_indirect_dma source(%dma_start3A_31 : memref<10000x16xf32, #tpu.memory_space<hbm>>) target(%arg13 : memref<128x16xf32, #tpu.memory_space<vmem>>) offsets(%dma_start3A_28 : memref<128xi32, #tpu.memory_space<vmem>>) semaphore(%arg17 : memref<!tpu.dma_semaphore, #tpu.memory_space<semaphore_mem>>)
    %scan3A = arith.constant 0 : i32
    %scan3A_32 = arith.constant 0 : i32
    %scan3A_33 = arith.constant 18 : i32
    %scan3A_34 = arith.addi %scan3A_32, %scan3A_33 : i32
    %scan3A_35 = arith.constant 1 : i32
    scf.for %scan3A_125 = %scan3A_32 to %scan3A_34 step %scan3A_35  : i32 {
      %mul3A_126 = arith.constant 4 : i32
      %mul3A_127 = arith.muli %scan3A_125, %mul3A_126 : i32
      %dma_wait3A_128 = arith.constant 0 : i32
      %dma_wait3A_129 = arith.constant 0 : i32
      %dma_wait3A_130 = tpu.memref_slice %arg8[%dma_wait3A_128, %dma_wait3A_129] : memref<79x128xi32, #tpu.memory_space<vmem>> -> memref<1x128xi32, #tpu.memory_space<vmem>>
      %dma_wait3A_131 = tpu.memref_squeeze %dma_wait3A_130 : memref<1x128xi32, #tpu.memory_space<vmem>> -> memref<128xi32, #tpu.memory_space<vmem>>
      %dma_wait3A_132 = arith.constant 0 : i32
      %dma_wait3A_133 = arith.constant 0 : i32
      %dma_wait3A_134 = tpu.memref_slice %arg2[%dma_wait3A_132, %dma_wait3A_133] : memref<10000x16xf32, #tpu.memory_space<hbm>> -> memref<10000x16xf32, #tpu.memory_space<hbm>>
      tpu.wait_indirect_dma semaphore(%arg14 : memref<!tpu.dma_semaphore, #tpu.memory_space<semaphore_mem>>) src(%dma_wait3A_134 : memref<10000x16xf32, #tpu.memory_space<hbm>>) dst(%arg10 : memref<128x16xf32, #tpu.memory_space<vmem>>)
      %add3A_135 = arith.constant 0 : i32
      %add3A_136 = arith.addi %mul3A_127, %add3A_135 : i32
      %dma_start3A_137 = arith.constant 0 : i32
      %dma_start3A_138 = tpu.memref_slice %arg9[%add3A_136, %dma_start3A_137] : memref<79x128xi32, #tpu.memory_space<vmem>> -> memref<1x128xi32, #tpu.memory_space<vmem>>
      %dma_start3A_139 = tpu.memref_squeeze %dma_start3A_138 : memref<1x128xi32, #tpu.memory_space<vmem>> -> memref<128xi32, #tpu.memory_space<vmem>>
      %dma_start3A_140 = arith.constant 0 : i32
      %dma_start3A_141 = arith.constant 0 : i32
      %dma_start3A_142 = tpu.memref_slice %arg7[%dma_start3A_140, %dma_start3A_141] : memref<10016x16xf32, #tpu.memory_space<vmem_shared>> -> memref<10016x16xf32, #tpu.memory_space<vmem_shared>>
      tpu.enqueue_indirect_dma source(%arg10 : memref<128x16xf32, #tpu.memory_space<vmem>>) target(%dma_start3A_142 : memref<10016x16xf32, #tpu.memory_space<vmem_shared>>) offsets(%dma_start3A_139 : memref<128xi32, #tpu.memory_space<vmem>>) semaphore(%arg18 : memref<!tpu.dma_semaphore, #tpu.memory_space<semaphore_mem>>) {add = true}
      %dma_wait3A_143 = arith.constant 0 : i32
      %dma_wait3A_144 = arith.constant 0 : i32
      %dma_wait3A_145 = tpu.memref_slice %arg8[%dma_wait3A_143, %dma_wait3A_144] : memref<79x128xi32, #tpu.memory_space<vmem>> -> memref<1x128xi32, #tpu.memory_space<vmem>>
      %dma_wait3A_146 = tpu.memref_squeeze %dma_wait3A_145 : memref<1x128xi32, #tpu.memory_space<vmem>> -> memref<128xi32, #tpu.memory_space<vmem>>
      %dma_wait3A_147 = arith.constant 0 : i32
      %dma_wait3A_148 = arith.constant 0 : i32
      %dma_wait3A_149 = tpu.memref_slice %arg2[%dma_wait3A_147, %dma_wait3A_148] : memref<10000x16xf32, #tpu.memory_space<hbm>> -> memref<10000x16xf32, #tpu.memory_space<hbm>>
      tpu.wait_indirect_dma semaphore(%arg15 : memref<!tpu.dma_semaphore, #tpu.memory_space<semaphore_mem>>) src(%dma_wait3A_149 : memref<10000x16xf32, #tpu.memory_space<hbm>>) dst(%arg11 : memref<128x16xf32, #tpu.memory_space<vmem>>)
      %add3A_150 = arith.constant 1 : i32
      %add3A_151 = arith.addi %mul3A_127, %add3A_150 : i32
      %dma_start3A_152 = arith.constant 0 : i32
      %dma_start3A_153 = tpu.memref_slice %arg9[%add3A_151, %dma_start3A_152] : memref<79x128xi32, #tpu.memory_space<vmem>> -> memref<1x128xi32, #tpu.memory_space<vmem>>
      %dma_start3A_154 = tpu.memref_squeeze %dma_start3A_153 : memref<1x128xi32, #tpu.memory_space<vmem>> -> memref<128xi32, #tpu.memory_space<vmem>>
      %dma_start3A_155 = arith.constant 0 : i32
      %dma_start3A_156 = arith.constant 0 : i32
      %dma_start3A_157 = tpu.memref_slice %arg7[%dma_start3A_155, %dma_start3A_156] : memref<10016x16xf32, #tpu.memory_space<vmem_shared>> -> memref<10016x16xf32, #tpu.memory_space<vmem_shared>>
      tpu.enqueue_indirect_dma source(%arg11 : memref<128x16xf32, #tpu.memory_space<vmem>>) target(%dma_start3A_157 : memref<10016x16xf32, #tpu.memory_space<vmem_shared>>) offsets(%dma_start3A_154 : memref<128xi32, #tpu.memory_space<vmem>>) semaphore(%arg19 : memref<!tpu.dma_semaphore, #tpu.memory_space<semaphore_mem>>) {add = true}
      %dma_wait3A_158 = arith.constant 0 : i32
      %dma_wait3A_159 = arith.constant 0 : i32
      %dma_wait3A_160 = tpu.memref_slice %arg8[%dma_wait3A_158, %dma_wait3A_159] : memref<79x128xi32, #tpu.memory_space<vmem>> -> memref<1x128xi32, #tpu.memory_space<vmem>>
      %dma_wait3A_161 = tpu.memref_squeeze %dma_wait3A_160 : memref<1x128xi32, #tpu.memory_space<vmem>> -> memref<128xi32, #tpu.memory_space<vmem>>
      %dma_wait3A_162 = arith.constant 0 : i32
      %dma_wait3A_163 = arith.constant 0 : i32
      %dma_wait3A_164 = tpu.memref_slice %arg2[%dma_wait3A_162, %dma_wait3A_163] : memref<10000x16xf32, #tpu.memory_space<hbm>> -> memref<10000x16xf32, #tpu.memory_space<hbm>>
      tpu.wait_indirect_dma semaphore(%arg16 : memref<!tpu.dma_semaphore, #tpu.memory_space<semaphore_mem>>) src(%dma_wait3A_164 : memref<10000x16xf32, #tpu.memory_space<hbm>>) dst(%arg12 : memref<128x16xf32, #tpu.memory_space<vmem>>)
      %add3A_165 = arith.constant 2 : i32
      %add3A_166 = arith.addi %mul3A_127, %add3A_165 : i32
      %dma_start3A_167 = arith.constant 0 : i32
      %dma_start3A_168 = tpu.memref_slice %arg9[%add3A_166, %dma_start3A_167] : memref<79x128xi32, #tpu.memory_space<vmem>> -> memref<1x128xi32, #tpu.memory_space<vmem>>
      %dma_start3A_169 = tpu.memref_squeeze %dma_start3A_168 : memref<1x128xi32, #tpu.memory_space<vmem>> -> memref<128xi32, #tpu.memory_space<vmem>>
      %dma_start3A_170 = arith.constant 0 : i32
      %dma_start3A_171 = arith.constant 0 : i32
      %dma_start3A_172 = tpu.memref_slice %arg7[%dma_start3A_170, %dma_start3A_171] : memref<10016x16xf32, #tpu.memory_space<vmem_shared>> -> memref<10016x16xf32, #tpu.memory_space<vmem_shared>>
      tpu.enqueue_indirect_dma source(%arg12 : memref<128x16xf32, #tpu.memory_space<vmem>>) target(%dma_start3A_172 : memref<10016x16xf32, #tpu.memory_space<vmem_shared>>) offsets(%dma_start3A_169 : memref<128xi32, #tpu.memory_space<vmem>>) semaphore(%arg20 : memref<!tpu.dma_semaphore, #tpu.memory_space<semaphore_mem>>) {add = true}
      %dma_wait3A_173 = arith.constant 0 : i32
      %dma_wait3A_174 = arith.constant 0 : i32
      %dma_wait3A_175 = tpu.memref_slice %arg8[%dma_wait3A_173, %dma_wait3A_174] : memref<79x128xi32, #tpu.memory_space<vmem>> -> memref<1x128xi32, #tpu.memory_space<vmem>>
      %dma_wait3A_176 = tpu.memref_squeeze %dma_wait3A_175 : memref<1x128xi32, #tpu.memory_space<vmem>> -> memref<128xi32, #tpu.memory_space<vmem>>
      %dma_wait3A_177 = arith.constant 0 : i32
      %dma_wait3A_178 = arith.constant 0 : i32
      %dma_wait3A_179 = tpu.memref_slice %arg2[%dma_wait3A_177, %dma_wait3A_178] : memref<10000x16xf32, #tpu.memory_space<hbm>> -> memref<10000x16xf32, #tpu.memory_space<hbm>>
      tpu.wait_indirect_dma semaphore(%arg17 : memref<!tpu.dma_semaphore, #tpu.memory_space<semaphore_mem>>) src(%dma_wait3A_179 : memref<10000x16xf32, #tpu.memory_space<hbm>>) dst(%arg13 : memref<128x16xf32, #tpu.memory_space<vmem>>)
      %add3A_180 = arith.constant 3 : i32
      %add3A_181 = arith.addi %mul3A_127, %add3A_180 : i32
      %dma_start3A_182 = arith.constant 0 : i32
      %dma_start3A_183 = tpu.memref_slice %arg9[%add3A_181, %dma_start3A_182] : memref<79x128xi32, #tpu.memory_space<vmem>> -> memref<1x128xi32, #tpu.memory_space<vmem>>
      %dma_start3A_184 = tpu.memref_squeeze %dma_start3A_183 : memref<1x128xi32, #tpu.memory_space<vmem>> -> memref<128xi32, #tpu.memory_space<vmem>>
      %dma_start3A_185 = arith.constant 0 : i32
      %dma_start3A_186 = arith.constant 0 : i32
      %dma_start3A_187 = tpu.memref_slice %arg7[%dma_start3A_185, %dma_start3A_186] : memref<10016x16xf32, #tpu.memory_space<vmem_shared>> -> memref<10016x16xf32, #tpu.memory_space<vmem_shared>>
      tpu.enqueue_indirect_dma source(%arg13 : memref<128x16xf32, #tpu.memory_space<vmem>>) target(%dma_start3A_187 : memref<10016x16xf32, #tpu.memory_space<vmem_shared>>) offsets(%dma_start3A_184 : memref<128xi32, #tpu.memory_space<vmem>>) semaphore(%arg21 : memref<!tpu.dma_semaphore, #tpu.memory_space<semaphore_mem>>) {add = true}
      %dma_wait3A_188 = arith.constant 0 : i32
      %dma_wait3A_189 = arith.constant 0 : i32
      %dma_wait3A_190 = tpu.memref_slice %arg9[%dma_wait3A_188, %dma_wait3A_189] : memref<79x128xi32, #tpu.memory_space<vmem>> -> memref<1x128xi32, #tpu.memory_space<vmem>>
      %dma_wait3A_191 = tpu.memref_squeeze %dma_wait3A_190 : memref<1x128xi32, #tpu.memory_space<vmem>> -> memref<128xi32, #tpu.memory_space<vmem>>
      %dma_wait3A_192 = arith.constant 0 : i32
      %dma_wait3A_193 = arith.constant 0 : i32
      %dma_wait3A_194 = tpu.memref_slice %arg7[%dma_wait3A_192, %dma_wait3A_193] : memref<10016x16xf32, #tpu.memory_space<vmem_shared>> -> memref<10016x16xf32, #tpu.memory_space<vmem_shared>>
      tpu.wait_indirect_dma semaphore(%arg18 : memref<!tpu.dma_semaphore, #tpu.memory_space<semaphore_mem>>) src(%arg10 : memref<128x16xf32, #tpu.memory_space<vmem>>) dst(%dma_wait3A_194 : memref<10016x16xf32, #tpu.memory_space<vmem_shared>>)
      %add3A_195 = arith.constant 4 : i32
      %add3A_196 = arith.addi %mul3A_127, %add3A_195 : i32
      %add3A_197 = arith.constant 0 : i32
      %add3A_198 = arith.addi %add3A_196, %add3A_197 : i32
      %dma_start3A_199 = arith.constant 0 : i32
      %dma_start3A_200 = tpu.memref_slice %arg8[%add3A_198, %dma_start3A_199] : memref<79x128xi32, #tpu.memory_space<vmem>> -> memref<1x128xi32, #tpu.memory_space<vmem>>
      %dma_start3A_201 = tpu.memref_squeeze %dma_start3A_200 : memref<1x128xi32, #tpu.memory_space<vmem>> -> memref<128xi32, #tpu.memory_space<vmem>>
      %dma_start3A_202 = arith.constant 0 : i32
      %dma_start3A_203 = arith.constant 0 : i32
      %dma_start3A_204 = tpu.memref_slice %arg2[%dma_start3A_202, %dma_start3A_203] : memref<10000x16xf32, #tpu.memory_space<hbm>> -> memref<10000x16xf32, #tpu.memory_space<hbm>>
      tpu.enqueue_indirect_dma source(%dma_start3A_204 : memref<10000x16xf32, #tpu.memory_space<hbm>>) target(%arg10 : memref<128x16xf32, #tpu.memory_space<vmem>>) offsets(%dma_start3A_201 : memref<128xi32, #tpu.memory_space<vmem>>) semaphore(%arg14 : memref<!tpu.dma_semaphore, #tpu.memory_space<semaphore_mem>>)
      %dma_wait3A_205 = arith.constant 0 : i32
      %dma_wait3A_206 = arith.constant 0 : i32
      %dma_wait3A_207 = tpu.memref_slice %arg9[%dma_wait3A_205, %dma_wait3A_206] : memref<79x128xi32, #tpu.memory_space<vmem>> -> memref<1x128xi32, #tpu.memory_space<vmem>>
      %dma_wait3A_208 = tpu.memref_squeeze %dma_wait3A_207 : memref<1x128xi32, #tpu.memory_space<vmem>> -> memref<128xi32, #tpu.memory_space<vmem>>
      %dma_wait3A_209 = arith.constant 0 : i32
      %dma_wait3A_210 = arith.constant 0 : i32
      %dma_wait3A_211 = tpu.memref_slice %arg7[%dma_wait3A_209, %dma_wait3A_210] : memref<10016x16xf32, #tpu.memory_space<vmem_shared>> -> memref<10016x16xf32, #tpu.memory_space<vmem_shared>>
      tpu.wait_indirect_dma semaphore(%arg19 : memref<!tpu.dma_semaphore, #tpu.memory_space<semaphore_mem>>) src(%arg11 : memref<128x16xf32, #tpu.memory_space<vmem>>) dst(%dma_wait3A_211 : memref<10016x16xf32, #tpu.memory_space<vmem_shared>>)
      %add3A_212 = arith.constant 4 : i32
      %add3A_213 = arith.addi %mul3A_127, %add3A_212 : i32
      %add3A_214 = arith.constant 1 : i32
      %add3A_215 = arith.addi %add3A_213, %add3A_214 : i32
      %dma_start3A_216 = arith.constant 0 : i32
      %dma_start3A_217 = tpu.memref_slice %arg8[%add3A_215, %dma_start3A_216] : memref<79x128xi32, #tpu.memory_space<vmem>> -> memref<1x128xi32, #tpu.memory_space<vmem>>
      %dma_start3A_218 = tpu.memref_squeeze %dma_start3A_217 : memref<1x128xi32, #tpu.memory_space<vmem>> -> memref<128xi32, #tpu.memory_space<vmem>>
      %dma_start3A_219 = arith.constant 0 : i32
      %dma_start3A_220 = arith.constant 0 : i32
      %dma_start3A_221 = tpu.memref_slice %arg2[%dma_start3A_219, %dma_start3A_220] : memref<10000x16xf32, #tpu.memory_space<hbm>> -> memref<10000x16xf32, #tpu.memory_space<hbm>>
      tpu.enqueue_indirect_dma source(%dma_start3A_221 : memref<10000x16xf32, #tpu.memory_space<hbm>>) target(%arg11 : memref<128x16xf32, #tpu.memory_space<vmem>>) offsets(%dma_start3A_218 : memref<128xi32, #tpu.memory_space<vmem>>) semaphore(%arg15 : memref<!tpu.dma_semaphore, #tpu.memory_space<semaphore_mem>>)
      %dma_wait3A_222 = arith.constant 0 : i32
      %dma_wait3A_223 = arith.constant 0 : i32
      %dma_wait3A_224 = tpu.memref_slice %arg9[%dma_wait3A_222, %dma_wait3A_223] : memref<79x128xi32, #tpu.memory_space<vmem>> -> memref<1x128xi32, #tpu.memory_space<vmem>>
      %dma_wait3A_225 = tpu.memref_squeeze %dma_wait3A_224 : memref<1x128xi32, #tpu.memory_space<vmem>> -> memref<128xi32, #tpu.memory_space<vmem>>
      %dma_wait3A_226 = arith.constant 0 : i32
      %dma_wait3A_227 = arith.constant 0 : i32
      %dma_wait3A_228 = tpu.memref_slice %arg7[%dma_wait3A_226, %dma_wait3A_227] : memref<10016x16xf32, #tpu.memory_space<vmem_shared>> -> memref<10016x16xf32, #tpu.memory_space<vmem_shared>>
      tpu.wait_indirect_dma semaphore(%arg20 : memref<!tpu.dma_semaphore, #tpu.memory_space<semaphore_mem>>) src(%arg12 : memref<128x16xf32, #tpu.memory_space<vmem>>) dst(%dma_wait3A_228 : memref<10016x16xf32, #tpu.memory_space<vmem_shared>>)
      %add3A_229 = arith.constant 4 : i32
      %add3A_230 = arith.addi %mul3A_127, %add3A_229 : i32
      %add3A_231 = arith.constant 2 : i32
      %add3A_232 = arith.addi %add3A_230, %add3A_231 : i32
      %dma_start3A_233 = arith.constant 0 : i32
      %dma_start3A_234 = tpu.memref_slice %arg8[%add3A_232, %dma_start3A_233] : memref<79x128xi32, #tpu.memory_space<vmem>> -> memref<1x128xi32, #tpu.memory_space<vmem>>
      %dma_start3A_235 = tpu.memref_squeeze %dma_start3A_234 : memref<1x128xi32, #tpu.memory_space<vmem>> -> memref<128xi32, #tpu.memory_space<vmem>>
      %dma_start3A_236 = arith.constant 0 : i32
      %dma_start3A_237 = arith.constant 0 : i32
      %dma_start3A_238 = tpu.memref_slice %arg2[%dma_start3A_236, %dma_start3A_237] : memref<10000x16xf32, #tpu.memory_space<hbm>> -> memref<10000x16xf32, #tpu.memory_space<hbm>>
      tpu.enqueue_indirect_dma source(%dma_start3A_238 : memref<10000x16xf32, #tpu.memory_space<hbm>>) target(%arg12 : memref<128x16xf32, #tpu.memory_space<vmem>>) offsets(%dma_start3A_235 : memref<128xi32, #tpu.memory_space<vmem>>) semaphore(%arg16 : memref<!tpu.dma_semaphore, #tpu.memory_space<semaphore_mem>>)
      %dma_wait3A_239 = arith.constant 0 : i32
      %dma_wait3A_240 = arith.constant 0 : i32
      %dma_wait3A_241 = tpu.memref_slice %arg9[%dma_wait3A_239, %dma_wait3A_240] : memref<79x128xi32, #tpu.memory_space<vmem>> -> memref<1x128xi32, #tpu.memory_space<vmem>>
      %dma_wait3A_242 = tpu.memref_squeeze %dma_wait3A_241 : memref<1x128xi32, #tpu.memory_space<vmem>> -> memref<128xi32, #tpu.memory_space<vmem>>
      %dma_wait3A_243 = arith.constant 0 : i32
      %dma_wait3A_244 = arith.constant 0 : i32
      %dma_wait3A_245 = tpu.memref_slice %arg7[%dma_wait3A_243, %dma_wait3A_244] : memref<10016x16xf32, #tpu.memory_space<vmem_shared>> -> memref<10016x16xf32, #tpu.memory_space<vmem_shared>>
      tpu.wait_indirect_dma semaphore(%arg21 : memref<!tpu.dma_semaphore, #tpu.memory_space<semaphore_mem>>) src(%arg13 : memref<128x16xf32, #tpu.memory_space<vmem>>) dst(%dma_wait3A_245 : memref<10016x16xf32, #tpu.memory_space<vmem_shared>>)
      %add3A_246 = arith.constant 4 : i32
      %add3A_247 = arith.addi %mul3A_127, %add3A_246 : i32
      %add3A_248 = arith.constant 3 : i32
      %add3A_249 = arith.addi %add3A_247, %add3A_248 : i32
      %dma_start3A_250 = arith.constant 0 : i32
      %dma_start3A_251 = tpu.memref_slice %arg8[%add3A_249, %dma_start3A_250] : memref<79x128xi32, #tpu.memory_space<vmem>> -> memref<1x128xi32, #tpu.memory_space<vmem>>
      %dma_start3A_252 = tpu.memref_squeeze %dma_start3A_251 : memref<1x128xi32, #tpu.memory_space<vmem>> -> memref<128xi32, #tpu.memory_space<vmem>>
      %dma_start3A_253 = arith.constant 0 : i32
      %dma_start3A_254 = arith.constant 0 : i32
      %dma_start3A_255 = tpu.memref_slice %arg2[%dma_start3A_253, %dma_start3A_254] : memref<10000x16xf32, #tpu.memory_space<hbm>> -> memref<10000x16xf32, #tpu.memory_space<hbm>>
      tpu.enqueue_indirect_dma source(%dma_start3A_255 : memref<10000x16xf32, #tpu.memory_space<hbm>>) target(%arg13 : memref<128x16xf32, #tpu.memory_space<vmem>>) offsets(%dma_start3A_252 : memref<128xi32, #tpu.memory_space<vmem>>) semaphore(%arg17 : memref<!tpu.dma_semaphore, #tpu.memory_space<semaphore_mem>>)
    }
    %scan3A_36 = arith.constant 18 : i32
    %dma_wait3A = arith.constant 0 : i32
    %dma_wait3A_37 = arith.constant 0 : i32
    %dma_wait3A_38 = tpu.memref_slice %arg8[%dma_wait3A, %dma_wait3A_37] : memref<79x128xi32, #tpu.memory_space<vmem>> -> memref<1x128xi32, #tpu.memory_space<vmem>>
    %dma_wait3A_39 = tpu.memref_squeeze %dma_wait3A_38 : memref<1x128xi32, #tpu.memory_space<vmem>> -> memref<128xi32, #tpu.memory_space<vmem>>
    %dma_wait3A_40 = arith.constant 0 : i32
    %dma_wait3A_41 = arith.constant 0 : i32
    %dma_wait3A_42 = tpu.memref_slice %arg2[%dma_wait3A_40, %dma_wait3A_41] : memref<10000x16xf32, #tpu.memory_space<hbm>> -> memref<10000x16xf32, #tpu.memory_space<hbm>>
    tpu.wait_indirect_dma semaphore(%arg14 : memref<!tpu.dma_semaphore, #tpu.memory_space<semaphore_mem>>) src(%dma_wait3A_42 : memref<10000x16xf32, #tpu.memory_space<hbm>>) dst(%arg10 : memref<128x16xf32, #tpu.memory_space<vmem>>)
    %dma_start3A_43 = arith.constant 75 : i32
    %dma_start3A_44 = arith.constant 0 : i32
    %dma_start3A_45 = tpu.memref_slice %arg9[%dma_start3A_43, %dma_start3A_44] : memref<79x128xi32, #tpu.memory_space<vmem>> -> memref<1x128xi32, #tpu.memory_space<vmem>>
    %dma_start3A_46 = tpu.memref_squeeze %dma_start3A_45 : memref<1x128xi32, #tpu.memory_space<vmem>> -> memref<128xi32, #tpu.memory_space<vmem>>
    %dma_start3A_47 = arith.constant 0 : i32
    %dma_start3A_48 = arith.constant 0 : i32
    %dma_start3A_49 = tpu.memref_slice %arg7[%dma_start3A_47, %dma_start3A_48] : memref<10016x16xf32, #tpu.memory_space<vmem_shared>> -> memref<10016x16xf32, #tpu.memory_space<vmem_shared>>
    tpu.enqueue_indirect_dma source(%arg10 : memref<128x16xf32, #tpu.memory_space<vmem>>) target(%dma_start3A_49 : memref<10016x16xf32, #tpu.memory_space<vmem_shared>>) offsets(%dma_start3A_46 : memref<128xi32, #tpu.memory_space<vmem>>) semaphore(%arg18 : memref<!tpu.dma_semaphore, #tpu.memory_space<semaphore_mem>>) {add = true}
    %dma_wait3A_50 = arith.constant 0 : i32
    %dma_wait3A_51 = arith.constant 0 : i32
    %dma_wait3A_52 = tpu.memref_slice %arg8[%dma_wait3A_50, %dma_wait3A_51] : memref<79x128xi32, #tpu.memory_space<vmem>> -> memref<1x128xi32, #tpu.memory_space<vmem>>
    %dma_wait3A_53 = tpu.memref_squeeze %dma_wait3A_52 : memref<1x128xi32, #tpu.memory_space<vmem>> -> memref<128xi32, #tpu.memory_space<vmem>>
    %dma_wait3A_54 = arith.constant 0 : i32
    %dma_wait3A_55 = arith.constant 0 : i32
    %dma_wait3A_56 = tpu.memref_slice %arg2[%dma_wait3A_54, %dma_wait3A_55] : memref<10000x16xf32, #tpu.memory_space<hbm>> -> memref<10000x16xf32, #tpu.memory_space<hbm>>
    tpu.wait_indirect_dma semaphore(%arg15 : memref<!tpu.dma_semaphore, #tpu.memory_space<semaphore_mem>>) src(%dma_wait3A_56 : memref<10000x16xf32, #tpu.memory_space<hbm>>) dst(%arg11 : memref<128x16xf32, #tpu.memory_space<vmem>>)
    %dma_start3A_57 = arith.constant 76 : i32
    %dma_start3A_58 = arith.constant 0 : i32
    %dma_start3A_59 = tpu.memref_slice %arg9[%dma_start3A_57, %dma_start3A_58] : memref<79x128xi32, #tpu.memory_space<vmem>> -> memref<1x128xi32, #tpu.memory_space<vmem>>
    %dma_start3A_60 = tpu.memref_squeeze %dma_start3A_59 : memref<1x128xi32, #tpu.memory_space<vmem>> -> memref<128xi32, #tpu.memory_space<vmem>>
    %dma_start3A_61 = arith.constant 0 : i32
    %dma_start3A_62 = arith.constant 0 : i32
    %dma_start3A_63 = tpu.memref_slice %arg7[%dma_start3A_61, %dma_start3A_62] : memref<10016x16xf32, #tpu.memory_space<vmem_shared>> -> memref<10016x16xf32, #tpu.memory_space<vmem_shared>>
    tpu.enqueue_indirect_dma source(%arg11 : memref<128x16xf32, #tpu.memory_space<vmem>>) target(%dma_start3A_63 : memref<10016x16xf32, #tpu.memory_space<vmem_shared>>) offsets(%dma_start3A_60 : memref<128xi32, #tpu.memory_space<vmem>>) semaphore(%arg19 : memref<!tpu.dma_semaphore, #tpu.memory_space<semaphore_mem>>) {add = true}
    %dma_wait3A_64 = arith.constant 0 : i32
    %dma_wait3A_65 = arith.constant 0 : i32
    %dma_wait3A_66 = tpu.memref_slice %arg8[%dma_wait3A_64, %dma_wait3A_65] : memref<79x128xi32, #tpu.memory_space<vmem>> -> memref<1x128xi32, #tpu.memory_space<vmem>>
    %dma_wait3A_67 = tpu.memref_squeeze %dma_wait3A_66 : memref<1x128xi32, #tpu.memory_space<vmem>> -> memref<128xi32, #tpu.memory_space<vmem>>
    %dma_wait3A_68 = arith.constant 0 : i32
    %dma_wait3A_69 = arith.constant 0 : i32
    %dma_wait3A_70 = tpu.memref_slice %arg2[%dma_wait3A_68, %dma_wait3A_69] : memref<10000x16xf32, #tpu.memory_space<hbm>> -> memref<10000x16xf32, #tpu.memory_space<hbm>>
    tpu.wait_indirect_dma semaphore(%arg16 : memref<!tpu.dma_semaphore, #tpu.memory_space<semaphore_mem>>) src(%dma_wait3A_70 : memref<10000x16xf32, #tpu.memory_space<hbm>>) dst(%arg12 : memref<128x16xf32, #tpu.memory_space<vmem>>)
    %dma_start3A_71 = arith.constant 77 : i32
    %dma_start3A_72 = arith.constant 0 : i32
    %dma_start3A_73 = tpu.memref_slice %arg9[%dma_start3A_71, %dma_start3A_72] : memref<79x128xi32, #tpu.memory_space<vmem>> -> memref<1x128xi32, #tpu.memory_space<vmem>>
    %dma_start3A_74 = tpu.memref_squeeze %dma_start3A_73 : memref<1x128xi32, #tpu.memory_space<vmem>> -> memref<128xi32, #tpu.memory_space<vmem>>
    %dma_start3A_75 = arith.constant 0 : i32
    %dma_start3A_76 = arith.constant 0 : i32
    %dma_start3A_77 = tpu.memref_slice %arg7[%dma_start3A_75, %dma_start3A_76] : memref<10016x16xf32, #tpu.memory_space<vmem_shared>> -> memref<10016x16xf32, #tpu.memory_space<vmem_shared>>
    tpu.enqueue_indirect_dma source(%arg12 : memref<128x16xf32, #tpu.memory_space<vmem>>) target(%dma_start3A_77 : memref<10016x16xf32, #tpu.memory_space<vmem_shared>>) offsets(%dma_start3A_74 : memref<128xi32, #tpu.memory_space<vmem>>) semaphore(%arg20 : memref<!tpu.dma_semaphore, #tpu.memory_space<semaphore_mem>>) {add = true}
    %dma_wait3A_78 = arith.constant 0 : i32
    %dma_wait3A_79 = arith.constant 0 : i32
    %dma_wait3A_80 = tpu.memref_slice %arg8[%dma_wait3A_78, %dma_wait3A_79] : memref<79x128xi32, #tpu.memory_space<vmem>> -> memref<1x128xi32, #tpu.memory_space<vmem>>
    %dma_wait3A_81 = tpu.memref_squeeze %dma_wait3A_80 : memref<1x128xi32, #tpu.memory_space<vmem>> -> memref<128xi32, #tpu.memory_space<vmem>>
    %dma_wait3A_82 = arith.constant 0 : i32
    %dma_wait3A_83 = arith.constant 0 : i32
    %dma_wait3A_84 = tpu.memref_slice %arg2[%dma_wait3A_82, %dma_wait3A_83] : memref<10000x16xf32, #tpu.memory_space<hbm>> -> memref<10000x16xf32, #tpu.memory_space<hbm>>
    tpu.wait_indirect_dma semaphore(%arg17 : memref<!tpu.dma_semaphore, #tpu.memory_space<semaphore_mem>>) src(%dma_wait3A_84 : memref<10000x16xf32, #tpu.memory_space<hbm>>) dst(%arg13 : memref<128x16xf32, #tpu.memory_space<vmem>>)
    %dma_start3A_85 = arith.constant 78 : i32
    %dma_start3A_86 = arith.constant 0 : i32
    %dma_start3A_87 = tpu.memref_slice %arg9[%dma_start3A_85, %dma_start3A_86] : memref<79x128xi32, #tpu.memory_space<vmem>> -> memref<1x128xi32, #tpu.memory_space<vmem>>
    %dma_start3A_88 = tpu.memref_squeeze %dma_start3A_87 : memref<1x128xi32, #tpu.memory_space<vmem>> -> memref<128xi32, #tpu.memory_space<vmem>>
    %dma_start3A_89 = arith.constant 0 : i32
    %dma_start3A_90 = arith.constant 0 : i32
    %dma_start3A_91 = tpu.memref_slice %arg7[%dma_start3A_89, %dma_start3A_90] : memref<10016x16xf32, #tpu.memory_space<vmem_shared>> -> memref<10016x16xf32, #tpu.memory_space<vmem_shared>>
    tpu.enqueue_indirect_dma source(%arg13 : memref<128x16xf32, #tpu.memory_space<vmem>>) target(%dma_start3A_91 : memref<10016x16xf32, #tpu.memory_space<vmem_shared>>) offsets(%dma_start3A_88 : memref<128xi32, #tpu.memory_space<vmem>>) semaphore(%arg21 : memref<!tpu.dma_semaphore, #tpu.memory_space<semaphore_mem>>) {add = true}
    %dma_wait3A_92 = arith.constant 0 : i32
    %dma_wait3A_93 = arith.constant 0 : i32
    %dma_wait3A_94 = tpu.memref_slice %arg9[%dma_wait3A_92, %dma_wait3A_93] : memref<79x128xi32, #tpu.memory_space<vmem>> -> memref<1x128xi32, #tpu.memory_space<vmem>>
    %dma_wait3A_95 = tpu.memref_squeeze %dma_wait3A_94 : memref<1x128xi32, #tpu.memory_space<vmem>> -> memref<128xi32, #tpu.memory_space<vmem>>
    %dma_wait3A_96 = arith.constant 0 : i32
    %dma_wait3A_97 = arith.constant 0 : i32
    %dma_wait3A_98 = tpu.memref_slice %arg7[%dma_wait3A_96, %dma_wait3A_97] : memref<10016x16xf32, #tpu.memory_space<vmem_shared>> -> memref<10016x16xf32, #tpu.memory_space<vmem_shared>>
    tpu.wait_indirect_dma semaphore(%arg18 : memref<!tpu.dma_semaphore, #tpu.memory_space<semaphore_mem>>) src(%arg10 : memref<128x16xf32, #tpu.memory_space<vmem>>) dst(%dma_wait3A_98 : memref<10016x16xf32, #tpu.memory_space<vmem_shared>>)
    %dma_wait3A_99 = arith.constant 0 : i32
    %dma_wait3A_100 = arith.constant 0 : i32
    %dma_wait3A_101 = tpu.memref_slice %arg9[%dma_wait3A_99, %dma_wait3A_100] : memref<79x128xi32, #tpu.memory_space<vmem>> -> memref<1x128xi32, #tpu.memory_space<vmem>>
    %dma_wait3A_102 = tpu.memref_squeeze %dma_wait3A_101 : memref<1x128xi32, #tpu.memory_space<vmem>> -> memref<128xi32, #tpu.memory_space<vmem>>
    %dma_wait3A_103 = arith.constant 0 : i32
    %dma_wait3A_104 = arith.constant 0 : i32
    %dma_wait3A_105 = tpu.memref_slice %arg7[%dma_wait3A_103, %dma_wait3A_104] : memref<10016x16xf32, #tpu.memory_space<vmem_shared>> -> memref<10016x16xf32, #tpu.memory_space<vmem_shared>>
    tpu.wait_indirect_dma semaphore(%arg19 : memref<!tpu.dma_semaphore, #tpu.memory_space<semaphore_mem>>) src(%arg11 : memref<128x16xf32, #tpu.memory_space<vmem>>) dst(%dma_wait3A_105 : memref<10016x16xf32, #tpu.memory_space<vmem_shared>>)
    %dma_wait3A_106 = arith.constant 0 : i32
    %dma_wait3A_107 = arith.constant 0 : i32
    %dma_wait3A_108 = tpu.memref_slice %arg9[%dma_wait3A_106, %dma_wait3A_107] : memref<79x128xi32, #tpu.memory_space<vmem>> -> memref<1x128xi32, #tpu.memory_space<vmem>>
    %dma_wait3A_109 = tpu.memref_squeeze %dma_wait3A_108 : memref<1x128xi32, #tpu.memory_space<vmem>> -> memref<128xi32, #tpu.memory_space<vmem>>
    %dma_wait3A_110 = arith.constant 0 : i32
    %dma_wait3A_111 = arith.constant 0 : i32
    %dma_wait3A_112 = tpu.memref_slice %arg7[%dma_wait3A_110, %dma_wait3A_111] : memref<10016x16xf32, #tpu.memory_space<vmem_shared>> -> memref<10016x16xf32, #tpu.memory_space<vmem_shared>>
    tpu.wait_indirect_dma semaphore(%arg20 : memref<!tpu.dma_semaphore, #tpu.memory_space<semaphore_mem>>) src(%arg12 : memref<128x16xf32, #tpu.memory_space<vmem>>) dst(%dma_wait3A_112 : memref<10016x16xf32, #tpu.memory_space<vmem_shared>>)
    %dma_wait3A_113 = arith.constant 0 : i32
    %dma_wait3A_114 = arith.constant 0 : i32
    %dma_wait3A_115 = tpu.memref_slice %arg9[%dma_wait3A_113, %dma_wait3A_114] : memref<79x128xi32, #tpu.memory_space<vmem>> -> memref<1x128xi32, #tpu.memory_space<vmem>>
    %dma_wait3A_116 = tpu.memref_squeeze %dma_wait3A_115 : memref<1x128xi32, #tpu.memory_space<vmem>> -> memref<128xi32, #tpu.memory_space<vmem>>
    %dma_wait3A_117 = arith.constant 0 : i32
    %dma_wait3A_118 = arith.constant 0 : i32
    %dma_wait3A_119 = tpu.memref_slice %arg7[%dma_wait3A_117, %dma_wait3A_118] : memref<10016x16xf32, #tpu.memory_space<vmem_shared>> -> memref<10016x16xf32, #tpu.memory_space<vmem_shared>>
    tpu.wait_indirect_dma semaphore(%arg21 : memref<!tpu.dma_semaphore, #tpu.memory_space<semaphore_mem>>) src(%arg13 : memref<128x16xf32, #tpu.memory_space<vmem>>) dst(%dma_wait3A_119 : memref<10016x16xf32, #tpu.memory_space<vmem_shared>>)
    %barrier3A_120 = arith.constant 0 : index
    tpu.barrier barrier_id(%barrier3A_120)
    %mul3A_121 = arith.constant 626 : i32
    %mul3A_122 = arith.muli %arg1, %mul3A_121 : i32
    %mul3A_123 = arith.constant 626 : i32
    %mul3A_124 = arith.muli %arg1, %mul3A_123 : i32
    "tpu.region"() ({
      %run_scoped3A = tpu.sem_alloc : memref<!tpu.dma_semaphore, #tpu.memory_space<semaphore_mem>>
      %dma_start3A_125 = arith.constant 0 : i32
      %dma_start3A_126 = tpu.memref_slice %arg6[%arg0, %mul3A_124, %dma_start3A_125] : memref<2x10016x16xf32, #tpu.memory_space<hbm>> -> memref<1x626x16xf32, #tpu.memory_space<hbm>>
      %dma_start3A_127 = tpu.memref_squeeze %dma_start3A_126 : memref<1x626x16xf32, #tpu.memory_space<hbm>> -> memref<626x16xf32, #tpu.memory_space<hbm>>
      %dma_start3A_128 = arith.constant 0 : i32
      %dma_start3A_129 = tpu.memref_slice %arg7[%mul3A_122, %dma_start3A_128] : memref<10016x16xf32, #tpu.memory_space<vmem_shared>> -> memref<626x16xf32, #tpu.memory_space<vmem_shared>>
      tpu.enqueue_dma source(%dma_start3A_129 : memref<626x16xf32, #tpu.memory_space<vmem_shared>>) target(%dma_start3A_127 : memref<626x16xf32, #tpu.memory_space<hbm>>) target_semaphore(%run_scoped3A : memref<!tpu.dma_semaphore, #tpu.memory_space<semaphore_mem>>)
      %dma_wait3A_130 = arith.constant 0 : i32
      %dma_wait3A_131 = tpu.memref_slice %arg6[%arg0, %mul3A_124, %dma_wait3A_130] : memref<2x10016x16xf32, #tpu.memory_space<hbm>> -> memref<1x626x16xf32, #tpu.memory_space<hbm>>
      %dma_wait3A_132 = tpu.memref_squeeze %dma_wait3A_131 : memref<1x626x16xf32, #tpu.memory_space<hbm>> -> memref<626x16xf32, #tpu.memory_space<hbm>>
      %dma_wait3A_133 = arith.constant 0 : i32
      %dma_wait3A_134 = tpu.memref_slice %arg7[%mul3A_122, %dma_wait3A_133] : memref<10016x16xf32, #tpu.memory_space<vmem_shared>> -> memref<626x16xf32, #tpu.memory_space<vmem_shared>>
      tpu.wait_dma2 semaphore(%run_scoped3A : memref<!tpu.dma_semaphore, #tpu.memory_space<semaphore_mem>>) src(%dma_wait3A_134 : memref<626x16xf32, #tpu.memory_space<vmem_shared>>) dst(%dma_wait3A_132 : memref<626x16xf32, #tpu.memory_space<hbm>>)
      tpu.yield
    }) : () -> ()
    return
  }
}

#map = affine_map<(d0, d1) -> (0, 0)>
#map1 = affine_map<(d0, d1) -> (0, 0, 0)>
module attributes {stable_mosaic.version = 14 : i64} {
  func.func @_seg_body(%arg0: i32, %arg1: i32, %arg2: memref<10000x16xf32, #tpu.memory_space<hbm>>, %arg3: memref<32x79x128xi32, #tpu.memory_space<hbm>>, %arg4: memref<32x79x128xi32, #tpu.memory_space<hbm>>, %arg5: memref<10016x16xf32, #tpu.memory_space<hbm>>, %arg6: memref<2x10016x16xf32, #tpu.memory_space<hbm>>, %arg7: memref<10016x16xf32, #tpu.memory_space<vmem_shared>>, %arg8: memref<79x128xi32, #tpu.memory_space<vmem>>, %arg9: memref<79x128xi32, #tpu.memory_space<vmem>>, %arg10: memref<128x16xf32, #tpu.memory_space<vmem>>, %arg11: memref<128x16xf32, #tpu.memory_space<vmem>>, %arg12: memref<128x16xf32, #tpu.memory_space<vmem>>, %arg13: memref<128x16xf32, #tpu.memory_space<vmem>>, %arg14: memref<!tpu.dma_semaphore, #tpu.memory_space<semaphore_mem>>, %arg15: memref<!tpu.dma_semaphore, #tpu.memory_space<semaphore_mem>>, %arg16: memref<!tpu.dma_semaphore, #tpu.memory_space<semaphore_mem>>, %arg17: memref<!tpu.dma_semaphore, #tpu.memory_space<semaphore_mem>>, %arg18: memref<!tpu.dma_semaphore, #tpu.memory_space<semaphore_mem>>, %arg19: memref<!tpu.dma_semaphore, #tpu.memory_space<semaphore_mem>>, %arg20: memref<!tpu.dma_semaphore, #tpu.memory_space<semaphore_mem>>, %arg21: memref<!tpu.dma_semaphore, #tpu.memory_space<semaphore_mem>>) attributes {dimension_semantics = [#tpu.dimension_semantics<core_parallel>, #tpu.dimension_semantics<subcore_parallel>], iteration_bounds = array<i64: 2, 16>, scalar_prefetch = 0 : i64, scratch_operands = 15 : i64, tpu.core_type = #tpu.core_type<sc_vector_subcore>, window_params = [{transform_indices = #map}, {transform_indices = #map1}, {transform_indices = #map1}, {transform_indices = #map}, {transform_indices = #map1}]} {
    %mul3A = arith.constant 16 : i32
    %mul3A_0 = arith.muli %arg0, %mul3A : i32
    %add3A = arith.addi %mul3A_0, %arg1 : i32
    %mul3A_1 = arith.constant 626 : i32
    %mul3A_2 = arith.muli %arg1, %mul3A_1 : i32
    %mul3A_3 = arith.constant 626 : i32
    %mul3A_4 = arith.muli %arg1, %mul3A_3 : i32
    "tpu.region"() ({
      %run_scoped3A = tpu.sem_alloc : memref<!tpu.dma_semaphore, #tpu.memory_space<semaphore_mem>>
      %dma_start3A_125 = arith.constant 0 : i32
      %dma_start3A_126 = tpu.memref_slice %arg7[%mul3A_4, %dma_start3A_125] : memref<10016x16xf32, #tpu.memory_space<vmem_shared>> -> memref<626x16xf32, #tpu.memory_space<vmem_shared>>
      %dma_start3A_127 = arith.constant 0 : i32
      %dma_start3A_128 = tpu.memref_slice %arg5[%mul3A_2, %dma_start3A_127] : memref<10016x16xf32, #tpu.memory_space<hbm>> -> memref<626x16xf32, #tpu.memory_space<hbm>>
      tpu.enqueue_dma source(%dma_start3A_128 : memref<626x16xf32, #tpu.memory_space<hbm>>) target(%dma_start3A_126 : memref<626x16xf32, #tpu.memory_space<vmem_shared>>) target_semaphore(%run_scoped3A : memref<!tpu.dma_semaphore, #tpu.memory_space<semaphore_mem>>)
      %dma_wait3A_129 = arith.constant 0 : i32
      %dma_wait3A_130 = tpu.memref_slice %arg7[%mul3A_4, %dma_wait3A_129] : memref<10016x16xf32, #tpu.memory_space<vmem_shared>> -> memref<626x16xf32, #tpu.memory_space<vmem_shared>>
      %dma_wait3A_131 = arith.constant 0 : i32
      %dma_wait3A_132 = tpu.memref_slice %arg5[%mul3A_2, %dma_wait3A_131] : memref<10016x16xf32, #tpu.memory_space<hbm>> -> memref<626x16xf32, #tpu.memory_space<hbm>>
      tpu.wait_dma2 semaphore(%run_scoped3A : memref<!tpu.dma_semaphore, #tpu.memory_space<semaphore_mem>>) src(%dma_wait3A_132 : memref<626x16xf32, #tpu.memory_space<hbm>>) dst(%dma_wait3A_130 : memref<626x16xf32, #tpu.memory_space<vmem_shared>>)
      tpu.yield
    }) : () -> ()
    "tpu.region"() ({
      %run_scoped3A = tpu.sem_alloc : memref<!tpu.dma_semaphore, #tpu.memory_space<semaphore_mem>>
      %dma_start3A_125 = arith.constant 0 : i32
      %dma_start3A_126 = arith.constant 0 : i32
      %dma_start3A_127 = tpu.memref_slice %arg3[%add3A, %dma_start3A_125, %dma_start3A_126] : memref<32x79x128xi32, #tpu.memory_space<hbm>> -> memref<1x79x128xi32, #tpu.memory_space<hbm>>
      %dma_start3A_128 = tpu.memref_squeeze %dma_start3A_127 : memref<1x79x128xi32, #tpu.memory_space<hbm>> -> memref<79x128xi32, #tpu.memory_space<hbm>>
      %dma_start3A_129 = arith.constant 0 : i32
      %dma_start3A_130 = arith.constant 0 : i32
      %dma_start3A_131 = tpu.memref_slice %arg3[%add3A, %dma_start3A_129, %dma_start3A_130] : memref<32x79x128xi32, #tpu.memory_space<hbm>> -> memref<1x79x128xi32, #tpu.memory_space<hbm>>
      %dma_start3A_132 = tpu.memref_squeeze %dma_start3A_131 : memref<1x79x128xi32, #tpu.memory_space<hbm>> -> memref<79x128xi32, #tpu.memory_space<hbm>>
      tpu.enqueue_dma source(%dma_start3A_132 : memref<79x128xi32, #tpu.memory_space<hbm>>) target(%arg8 : memref<79x128xi32, #tpu.memory_space<vmem>>) target_semaphore(%run_scoped3A : memref<!tpu.dma_semaphore, #tpu.memory_space<semaphore_mem>>)
      %dma_wait3A_133 = arith.constant 0 : i32
      %dma_wait3A_134 = arith.constant 0 : i32
      %dma_wait3A_135 = tpu.memref_slice %arg3[%add3A, %dma_wait3A_133, %dma_wait3A_134] : memref<32x79x128xi32, #tpu.memory_space<hbm>> -> memref<1x79x128xi32, #tpu.memory_space<hbm>>
      %dma_wait3A_136 = tpu.memref_squeeze %dma_wait3A_135 : memref<1x79x128xi32, #tpu.memory_space<hbm>> -> memref<79x128xi32, #tpu.memory_space<hbm>>
      %dma_wait3A_137 = arith.constant 0 : i32
      %dma_wait3A_138 = arith.constant 0 : i32
      %dma_wait3A_139 = tpu.memref_slice %arg3[%add3A, %dma_wait3A_137, %dma_wait3A_138] : memref<32x79x128xi32, #tpu.memory_space<hbm>> -> memref<1x79x128xi32, #tpu.memory_space<hbm>>
      %dma_wait3A_140 = tpu.memref_squeeze %dma_wait3A_139 : memref<1x79x128xi32, #tpu.memory_space<hbm>> -> memref<79x128xi32, #tpu.memory_space<hbm>>
      tpu.wait_dma2 semaphore(%run_scoped3A : memref<!tpu.dma_semaphore, #tpu.memory_space<semaphore_mem>>) src(%dma_wait3A_140 : memref<79x128xi32, #tpu.memory_space<hbm>>) dst(%arg8 : memref<79x128xi32, #tpu.memory_space<vmem>>)
      tpu.yield
    }) : () -> ()
    "tpu.region"() ({
      %run_scoped3A = tpu.sem_alloc : memref<!tpu.dma_semaphore, #tpu.memory_space<semaphore_mem>>
      %dma_start3A_125 = arith.constant 0 : i32
      %dma_start3A_126 = arith.constant 0 : i32
      %dma_start3A_127 = tpu.memref_slice %arg4[%add3A, %dma_start3A_125, %dma_start3A_126] : memref<32x79x128xi32, #tpu.memory_space<hbm>> -> memref<1x79x128xi32, #tpu.memory_space<hbm>>
      %dma_start3A_128 = tpu.memref_squeeze %dma_start3A_127 : memref<1x79x128xi32, #tpu.memory_space<hbm>> -> memref<79x128xi32, #tpu.memory_space<hbm>>
      %dma_start3A_129 = arith.constant 0 : i32
      %dma_start3A_130 = arith.constant 0 : i32
      %dma_start3A_131 = tpu.memref_slice %arg4[%add3A, %dma_start3A_129, %dma_start3A_130] : memref<32x79x128xi32, #tpu.memory_space<hbm>> -> memref<1x79x128xi32, #tpu.memory_space<hbm>>
      %dma_start3A_132 = tpu.memref_squeeze %dma_start3A_131 : memref<1x79x128xi32, #tpu.memory_space<hbm>> -> memref<79x128xi32, #tpu.memory_space<hbm>>
      tpu.enqueue_dma source(%dma_start3A_132 : memref<79x128xi32, #tpu.memory_space<hbm>>) target(%arg9 : memref<79x128xi32, #tpu.memory_space<vmem>>) target_semaphore(%run_scoped3A : memref<!tpu.dma_semaphore, #tpu.memory_space<semaphore_mem>>)
      %dma_wait3A_133 = arith.constant 0 : i32
      %dma_wait3A_134 = arith.constant 0 : i32
      %dma_wait3A_135 = tpu.memref_slice %arg4[%add3A, %dma_wait3A_133, %dma_wait3A_134] : memref<32x79x128xi32, #tpu.memory_space<hbm>> -> memref<1x79x128xi32, #tpu.memory_space<hbm>>
      %dma_wait3A_136 = tpu.memref_squeeze %dma_wait3A_135 : memref<1x79x128xi32, #tpu.memory_space<hbm>> -> memref<79x128xi32, #tpu.memory_space<hbm>>
      %dma_wait3A_137 = arith.constant 0 : i32
      %dma_wait3A_138 = arith.constant 0 : i32
      %dma_wait3A_139 = tpu.memref_slice %arg4[%add3A, %dma_wait3A_137, %dma_wait3A_138] : memref<32x79x128xi32, #tpu.memory_space<hbm>> -> memref<1x79x128xi32, #tpu.memory_space<hbm>>
      %dma_wait3A_140 = tpu.memref_squeeze %dma_wait3A_139 : memref<1x79x128xi32, #tpu.memory_space<hbm>> -> memref<79x128xi32, #tpu.memory_space<hbm>>
      tpu.wait_dma2 semaphore(%run_scoped3A : memref<!tpu.dma_semaphore, #tpu.memory_space<semaphore_mem>>) src(%dma_wait3A_140 : memref<79x128xi32, #tpu.memory_space<hbm>>) dst(%arg9 : memref<79x128xi32, #tpu.memory_space<vmem>>)
      tpu.yield
    }) : () -> ()
    %barrier3A = arith.constant 0 : index
    tpu.barrier barrier_id(%barrier3A)
    %dma_start3A = arith.constant 0 : i32
    %dma_start3A_5 = arith.constant 0 : i32
    %dma_start3A_6 = tpu.memref_slice %arg8[%dma_start3A, %dma_start3A_5] : memref<79x128xi32, #tpu.memory_space<vmem>> -> memref<1x128xi32, #tpu.memory_space<vmem>>
    %dma_start3A_7 = tpu.memref_squeeze %dma_start3A_6 : memref<1x128xi32, #tpu.memory_space<vmem>> -> memref<128xi32, #tpu.memory_space<vmem>>
    %dma_start3A_8 = arith.constant 0 : i32
    %dma_start3A_9 = arith.constant 0 : i32
    %dma_start3A_10 = tpu.memref_slice %arg2[%dma_start3A_8, %dma_start3A_9] : memref<10000x16xf32, #tpu.memory_space<hbm>> -> memref<10000x16xf32, #tpu.memory_space<hbm>>
    tpu.enqueue_indirect_dma source(%dma_start3A_10 : memref<10000x16xf32, #tpu.memory_space<hbm>>) target(%arg10 : memref<128x16xf32, #tpu.memory_space<vmem>>) offsets(%dma_start3A_7 : memref<128xi32, #tpu.memory_space<vmem>>) semaphore(%arg14 : memref<!tpu.dma_semaphore, #tpu.memory_space<semaphore_mem>>)
    %dma_start3A_11 = arith.constant 1 : i32
    %dma_start3A_12 = arith.constant 0 : i32
    %dma_start3A_13 = tpu.memref_slice %arg8[%dma_start3A_11, %dma_start3A_12] : memref<79x128xi32, #tpu.memory_space<vmem>> -> memref<1x128xi32, #tpu.memory_space<vmem>>
    %dma_start3A_14 = tpu.memref_squeeze %dma_start3A_13 : memref<1x128xi32, #tpu.memory_space<vmem>> -> memref<128xi32, #tpu.memory_space<vmem>>
    %dma_start3A_15 = arith.constant 0 : i32
    %dma_start3A_16 = arith.constant 0 : i32
    %dma_start3A_17 = tpu.memref_slice %arg2[%dma_start3A_15, %dma_start3A_16] : memref<10000x16xf32, #tpu.memory_space<hbm>> -> memref<10000x16xf32, #tpu.memory_space<hbm>>
    tpu.enqueue_indirect_dma source(%dma_start3A_17 : memref<10000x16xf32, #tpu.memory_space<hbm>>) target(%arg11 : memref<128x16xf32, #tpu.memory_space<vmem>>) offsets(%dma_start3A_14 : memref<128xi32, #tpu.memory_space<vmem>>) semaphore(%arg15 : memref<!tpu.dma_semaphore, #tpu.memory_space<semaphore_mem>>)
    %dma_start3A_18 = arith.constant 2 : i32
    %dma_start3A_19 = arith.constant 0 : i32
    %dma_start3A_20 = tpu.memref_slice %arg8[%dma_start3A_18, %dma_start3A_19] : memref<79x128xi32, #tpu.memory_space<vmem>> -> memref<1x128xi32, #tpu.memory_space<vmem>>
    %dma_start3A_21 = tpu.memref_squeeze %dma_start3A_20 : memref<1x128xi32, #tpu.memory_space<vmem>> -> memref<128xi32, #tpu.memory_space<vmem>>
    %dma_start3A_22 = arith.constant 0 : i32
    %dma_start3A_23 = arith.constant 0 : i32
    %dma_start3A_24 = tpu.memref_slice %arg2[%dma_start3A_22, %dma_start3A_23] : memref<10000x16xf32, #tpu.memory_space<hbm>> -> memref<10000x16xf32, #tpu.memory_space<hbm>>
    tpu.enqueue_indirect_dma source(%dma_start3A_24 : memref<10000x16xf32, #tpu.memory_space<hbm>>) target(%arg12 : memref<128x16xf32, #tpu.memory_space<vmem>>) offsets(%dma_start3A_21 : memref<128xi32, #tpu.memory_space<vmem>>) semaphore(%arg16 : memref<!tpu.dma_semaphore, #tpu.memory_space<semaphore_mem>>)
    %dma_start3A_25 = arith.constant 3 : i32
    %dma_start3A_26 = arith.constant 0 : i32
    %dma_start3A_27 = tpu.memref_slice %arg8[%dma_start3A_25, %dma_start3A_26] : memref<79x128xi32, #tpu.memory_space<vmem>> -> memref<1x128xi32, #tpu.memory_space<vmem>>
    %dma_start3A_28 = tpu.memref_squeeze %dma_start3A_27 : memref<1x128xi32, #tpu.memory_space<vmem>> -> memref<128xi32, #tpu.memory_space<vmem>>
    %dma_start3A_29 = arith.constant 0 : i32
    %dma_start3A_30 = arith.constant 0 : i32
    %dma_start3A_31 = tpu.memref_slice %arg2[%dma_start3A_29, %dma_start3A_30] : memref<10000x16xf32, #tpu.memory_space<hbm>> -> memref<10000x16xf32, #tpu.memory_space<hbm>>
    tpu.enqueue_indirect_dma source(%dma_start3A_31 : memref<10000x16xf32, #tpu.memory_space<hbm>>) target(%arg13 : memref<128x16xf32, #tpu.memory_space<vmem>>) offsets(%dma_start3A_28 : memref<128xi32, #tpu.memory_space<vmem>>) semaphore(%arg17 : memref<!tpu.dma_semaphore, #tpu.memory_space<semaphore_mem>>)
    %scan3A = arith.constant 0 : i32
    %scan3A_32 = arith.constant 0 : i32
    %scan3A_33 = arith.constant 18 : i32
    %scan3A_34 = arith.addi %scan3A_32, %scan3A_33 : i32
    %scan3A_35 = arith.constant 1 : i32
    scf.for %scan3A_125 = %scan3A_32 to %scan3A_34 step %scan3A_35  : i32 {
      %mul3A_126 = arith.constant 4 : i32
      %mul3A_127 = arith.muli %scan3A_125, %mul3A_126 : i32
      %dma_wait3A_128 = arith.constant 0 : i32
      %dma_wait3A_129 = arith.constant 0 : i32
      %dma_wait3A_130 = tpu.memref_slice %arg8[%dma_wait3A_128, %dma_wait3A_129] : memref<79x128xi32, #tpu.memory_space<vmem>> -> memref<1x128xi32, #tpu.memory_space<vmem>>
      %dma_wait3A_131 = tpu.memref_squeeze %dma_wait3A_130 : memref<1x128xi32, #tpu.memory_space<vmem>> -> memref<128xi32, #tpu.memory_space<vmem>>
      %dma_wait3A_132 = arith.constant 0 : i32
      %dma_wait3A_133 = arith.constant 0 : i32
      %dma_wait3A_134 = tpu.memref_slice %arg2[%dma_wait3A_132, %dma_wait3A_133] : memref<10000x16xf32, #tpu.memory_space<hbm>> -> memref<10000x16xf32, #tpu.memory_space<hbm>>
      tpu.wait_indirect_dma semaphore(%arg14 : memref<!tpu.dma_semaphore, #tpu.memory_space<semaphore_mem>>) src(%dma_wait3A_134 : memref<10000x16xf32, #tpu.memory_space<hbm>>) dst(%arg10 : memref<128x16xf32, #tpu.memory_space<vmem>>)
      %add3A_135 = arith.constant 0 : i32
      %add3A_136 = arith.addi %mul3A_127, %add3A_135 : i32
      %dma_start3A_137 = arith.constant 0 : i32
      %dma_start3A_138 = tpu.memref_slice %arg9[%add3A_136, %dma_start3A_137] : memref<79x128xi32, #tpu.memory_space<vmem>> -> memref<1x128xi32, #tpu.memory_space<vmem>>
      %dma_start3A_139 = tpu.memref_squeeze %dma_start3A_138 : memref<1x128xi32, #tpu.memory_space<vmem>> -> memref<128xi32, #tpu.memory_space<vmem>>
      %dma_start3A_140 = arith.constant 0 : i32
      %dma_start3A_141 = arith.constant 0 : i32
      %dma_start3A_142 = tpu.memref_slice %arg7[%dma_start3A_140, %dma_start3A_141] : memref<10016x16xf32, #tpu.memory_space<vmem_shared>> -> memref<10016x16xf32, #tpu.memory_space<vmem_shared>>
      tpu.enqueue_indirect_dma source(%arg10 : memref<128x16xf32, #tpu.memory_space<vmem>>) target(%dma_start3A_142 : memref<10016x16xf32, #tpu.memory_space<vmem_shared>>) offsets(%dma_start3A_139 : memref<128xi32, #tpu.memory_space<vmem>>) semaphore(%arg18 : memref<!tpu.dma_semaphore, #tpu.memory_space<semaphore_mem>>) {add = true}
      %dma_wait3A_143 = arith.constant 0 : i32
      %dma_wait3A_144 = arith.constant 0 : i32
      %dma_wait3A_145 = tpu.memref_slice %arg8[%dma_wait3A_143, %dma_wait3A_144] : memref<79x128xi32, #tpu.memory_space<vmem>> -> memref<1x128xi32, #tpu.memory_space<vmem>>
      %dma_wait3A_146 = tpu.memref_squeeze %dma_wait3A_145 : memref<1x128xi32, #tpu.memory_space<vmem>> -> memref<128xi32, #tpu.memory_space<vmem>>
      %dma_wait3A_147 = arith.constant 0 : i32
      %dma_wait3A_148 = arith.constant 0 : i32
      %dma_wait3A_149 = tpu.memref_slice %arg2[%dma_wait3A_147, %dma_wait3A_148] : memref<10000x16xf32, #tpu.memory_space<hbm>> -> memref<10000x16xf32, #tpu.memory_space<hbm>>
      tpu.wait_indirect_dma semaphore(%arg15 : memref<!tpu.dma_semaphore, #tpu.memory_space<semaphore_mem>>) src(%dma_wait3A_149 : memref<10000x16xf32, #tpu.memory_space<hbm>>) dst(%arg11 : memref<128x16xf32, #tpu.memory_space<vmem>>)
      %add3A_150 = arith.constant 1 : i32
      %add3A_151 = arith.addi %mul3A_127, %add3A_150 : i32
      %dma_start3A_152 = arith.constant 0 : i32
      %dma_start3A_153 = tpu.memref_slice %arg9[%add3A_151, %dma_start3A_152] : memref<79x128xi32, #tpu.memory_space<vmem>> -> memref<1x128xi32, #tpu.memory_space<vmem>>
      %dma_start3A_154 = tpu.memref_squeeze %dma_start3A_153 : memref<1x128xi32, #tpu.memory_space<vmem>> -> memref<128xi32, #tpu.memory_space<vmem>>
      %dma_start3A_155 = arith.constant 0 : i32
      %dma_start3A_156 = arith.constant 0 : i32
      %dma_start3A_157 = tpu.memref_slice %arg7[%dma_start3A_155, %dma_start3A_156] : memref<10016x16xf32, #tpu.memory_space<vmem_shared>> -> memref<10016x16xf32, #tpu.memory_space<vmem_shared>>
      tpu.enqueue_indirect_dma source(%arg11 : memref<128x16xf32, #tpu.memory_space<vmem>>) target(%dma_start3A_157 : memref<10016x16xf32, #tpu.memory_space<vmem_shared>>) offsets(%dma_start3A_154 : memref<128xi32, #tpu.memory_space<vmem>>) semaphore(%arg19 : memref<!tpu.dma_semaphore, #tpu.memory_space<semaphore_mem>>) {add = true}
      %dma_wait3A_158 = arith.constant 0 : i32
      %dma_wait3A_159 = arith.constant 0 : i32
      %dma_wait3A_160 = tpu.memref_slice %arg8[%dma_wait3A_158, %dma_wait3A_159] : memref<79x128xi32, #tpu.memory_space<vmem>> -> memref<1x128xi32, #tpu.memory_space<vmem>>
      %dma_wait3A_161 = tpu.memref_squeeze %dma_wait3A_160 : memref<1x128xi32, #tpu.memory_space<vmem>> -> memref<128xi32, #tpu.memory_space<vmem>>
      %dma_wait3A_162 = arith.constant 0 : i32
      %dma_wait3A_163 = arith.constant 0 : i32
      %dma_wait3A_164 = tpu.memref_slice %arg2[%dma_wait3A_162, %dma_wait3A_163] : memref<10000x16xf32, #tpu.memory_space<hbm>> -> memref<10000x16xf32, #tpu.memory_space<hbm>>
      tpu.wait_indirect_dma semaphore(%arg16 : memref<!tpu.dma_semaphore, #tpu.memory_space<semaphore_mem>>) src(%dma_wait3A_164 : memref<10000x16xf32, #tpu.memory_space<hbm>>) dst(%arg12 : memref<128x16xf32, #tpu.memory_space<vmem>>)
      %add3A_165 = arith.constant 2 : i32
      %add3A_166 = arith.addi %mul3A_127, %add3A_165 : i32
      %dma_start3A_167 = arith.constant 0 : i32
      %dma_start3A_168 = tpu.memref_slice %arg9[%add3A_166, %dma_start3A_167] : memref<79x128xi32, #tpu.memory_space<vmem>> -> memref<1x128xi32, #tpu.memory_space<vmem>>
      %dma_start3A_169 = tpu.memref_squeeze %dma_start3A_168 : memref<1x128xi32, #tpu.memory_space<vmem>> -> memref<128xi32, #tpu.memory_space<vmem>>
      %dma_start3A_170 = arith.constant 0 : i32
      %dma_start3A_171 = arith.constant 0 : i32
      %dma_start3A_172 = tpu.memref_slice %arg7[%dma_start3A_170, %dma_start3A_171] : memref<10016x16xf32, #tpu.memory_space<vmem_shared>> -> memref<10016x16xf32, #tpu.memory_space<vmem_shared>>
      tpu.enqueue_indirect_dma source(%arg12 : memref<128x16xf32, #tpu.memory_space<vmem>>) target(%dma_start3A_172 : memref<10016x16xf32, #tpu.memory_space<vmem_shared>>) offsets(%dma_start3A_169 : memref<128xi32, #tpu.memory_space<vmem>>) semaphore(%arg20 : memref<!tpu.dma_semaphore, #tpu.memory_space<semaphore_mem>>) {add = true}
      %dma_wait3A_173 = arith.constant 0 : i32
      %dma_wait3A_174 = arith.constant 0 : i32
      %dma_wait3A_175 = tpu.memref_slice %arg8[%dma_wait3A_173, %dma_wait3A_174] : memref<79x128xi32, #tpu.memory_space<vmem>> -> memref<1x128xi32, #tpu.memory_space<vmem>>
      %dma_wait3A_176 = tpu.memref_squeeze %dma_wait3A_175 : memref<1x128xi32, #tpu.memory_space<vmem>> -> memref<128xi32, #tpu.memory_space<vmem>>
      %dma_wait3A_177 = arith.constant 0 : i32
      %dma_wait3A_178 = arith.constant 0 : i32
      %dma_wait3A_179 = tpu.memref_slice %arg2[%dma_wait3A_177, %dma_wait3A_178] : memref<10000x16xf32, #tpu.memory_space<hbm>> -> memref<10000x16xf32, #tpu.memory_space<hbm>>
      tpu.wait_indirect_dma semaphore(%arg17 : memref<!tpu.dma_semaphore, #tpu.memory_space<semaphore_mem>>) src(%dma_wait3A_179 : memref<10000x16xf32, #tpu.memory_space<hbm>>) dst(%arg13 : memref<128x16xf32, #tpu.memory_space<vmem>>)
      %add3A_180 = arith.constant 3 : i32
      %add3A_181 = arith.addi %mul3A_127, %add3A_180 : i32
      %dma_start3A_182 = arith.constant 0 : i32
      %dma_start3A_183 = tpu.memref_slice %arg9[%add3A_181, %dma_start3A_182] : memref<79x128xi32, #tpu.memory_space<vmem>> -> memref<1x128xi32, #tpu.memory_space<vmem>>
      %dma_start3A_184 = tpu.memref_squeeze %dma_start3A_183 : memref<1x128xi32, #tpu.memory_space<vmem>> -> memref<128xi32, #tpu.memory_space<vmem>>
      %dma_start3A_185 = arith.constant 0 : i32
      %dma_start3A_186 = arith.constant 0 : i32
      %dma_start3A_187 = tpu.memref_slice %arg7[%dma_start3A_185, %dma_start3A_186] : memref<10016x16xf32, #tpu.memory_space<vmem_shared>> -> memref<10016x16xf32, #tpu.memory_space<vmem_shared>>
      tpu.enqueue_indirect_dma source(%arg13 : memref<128x16xf32, #tpu.memory_space<vmem>>) target(%dma_start3A_187 : memref<10016x16xf32, #tpu.memory_space<vmem_shared>>) offsets(%dma_start3A_184 : memref<128xi32, #tpu.memory_space<vmem>>) semaphore(%arg21 : memref<!tpu.dma_semaphore, #tpu.memory_space<semaphore_mem>>) {add = true}
      %dma_wait3A_188 = arith.constant 0 : i32
      %dma_wait3A_189 = arith.constant 0 : i32
      %dma_wait3A_190 = tpu.memref_slice %arg9[%dma_wait3A_188, %dma_wait3A_189] : memref<79x128xi32, #tpu.memory_space<vmem>> -> memref<1x128xi32, #tpu.memory_space<vmem>>
      %dma_wait3A_191 = tpu.memref_squeeze %dma_wait3A_190 : memref<1x128xi32, #tpu.memory_space<vmem>> -> memref<128xi32, #tpu.memory_space<vmem>>
      %dma_wait3A_192 = arith.constant 0 : i32
      %dma_wait3A_193 = arith.constant 0 : i32
      %dma_wait3A_194 = tpu.memref_slice %arg7[%dma_wait3A_192, %dma_wait3A_193] : memref<10016x16xf32, #tpu.memory_space<vmem_shared>> -> memref<10016x16xf32, #tpu.memory_space<vmem_shared>>
      tpu.wait_indirect_dma semaphore(%arg18 : memref<!tpu.dma_semaphore, #tpu.memory_space<semaphore_mem>>) src(%arg10 : memref<128x16xf32, #tpu.memory_space<vmem>>) dst(%dma_wait3A_194 : memref<10016x16xf32, #tpu.memory_space<vmem_shared>>)
      %add3A_195 = arith.constant 4 : i32
      %add3A_196 = arith.addi %mul3A_127, %add3A_195 : i32
      %add3A_197 = arith.constant 0 : i32
      %add3A_198 = arith.addi %add3A_196, %add3A_197 : i32
      %dma_start3A_199 = arith.constant 0 : i32
      %dma_start3A_200 = tpu.memref_slice %arg8[%add3A_198, %dma_start3A_199] : memref<79x128xi32, #tpu.memory_space<vmem>> -> memref<1x128xi32, #tpu.memory_space<vmem>>
      %dma_start3A_201 = tpu.memref_squeeze %dma_start3A_200 : memref<1x128xi32, #tpu.memory_space<vmem>> -> memref<128xi32, #tpu.memory_space<vmem>>
      %dma_start3A_202 = arith.constant 0 : i32
      %dma_start3A_203 = arith.constant 0 : i32
      %dma_start3A_204 = tpu.memref_slice %arg2[%dma_start3A_202, %dma_start3A_203] : memref<10000x16xf32, #tpu.memory_space<hbm>> -> memref<10000x16xf32, #tpu.memory_space<hbm>>
      tpu.enqueue_indirect_dma source(%dma_start3A_204 : memref<10000x16xf32, #tpu.memory_space<hbm>>) target(%arg10 : memref<128x16xf32, #tpu.memory_space<vmem>>) offsets(%dma_start3A_201 : memref<128xi32, #tpu.memory_space<vmem>>) semaphore(%arg14 : memref<!tpu.dma_semaphore, #tpu.memory_space<semaphore_mem>>)
      %dma_wait3A_205 = arith.constant 0 : i32
      %dma_wait3A_206 = arith.constant 0 : i32
      %dma_wait3A_207 = tpu.memref_slice %arg9[%dma_wait3A_205, %dma_wait3A_206] : memref<79x128xi32, #tpu.memory_space<vmem>> -> memref<1x128xi32, #tpu.memory_space<vmem>>
      %dma_wait3A_208 = tpu.memref_squeeze %dma_wait3A_207 : memref<1x128xi32, #tpu.memory_space<vmem>> -> memref<128xi32, #tpu.memory_space<vmem>>
      %dma_wait3A_209 = arith.constant 0 : i32
      %dma_wait3A_210 = arith.constant 0 : i32
      %dma_wait3A_211 = tpu.memref_slice %arg7[%dma_wait3A_209, %dma_wait3A_210] : memref<10016x16xf32, #tpu.memory_space<vmem_shared>> -> memref<10016x16xf32, #tpu.memory_space<vmem_shared>>
      tpu.wait_indirect_dma semaphore(%arg19 : memref<!tpu.dma_semaphore, #tpu.memory_space<semaphore_mem>>) src(%arg11 : memref<128x16xf32, #tpu.memory_space<vmem>>) dst(%dma_wait3A_211 : memref<10016x16xf32, #tpu.memory_space<vmem_shared>>)
      %add3A_212 = arith.constant 4 : i32
      %add3A_213 = arith.addi %mul3A_127, %add3A_212 : i32
      %add3A_214 = arith.constant 1 : i32
      %add3A_215 = arith.addi %add3A_213, %add3A_214 : i32
      %dma_start3A_216 = arith.constant 0 : i32
      %dma_start3A_217 = tpu.memref_slice %arg8[%add3A_215, %dma_start3A_216] : memref<79x128xi32, #tpu.memory_space<vmem>> -> memref<1x128xi32, #tpu.memory_space<vmem>>
      %dma_start3A_218 = tpu.memref_squeeze %dma_start3A_217 : memref<1x128xi32, #tpu.memory_space<vmem>> -> memref<128xi32, #tpu.memory_space<vmem>>
      %dma_start3A_219 = arith.constant 0 : i32
      %dma_start3A_220 = arith.constant 0 : i32
      %dma_start3A_221 = tpu.memref_slice %arg2[%dma_start3A_219, %dma_start3A_220] : memref<10000x16xf32, #tpu.memory_space<hbm>> -> memref<10000x16xf32, #tpu.memory_space<hbm>>
      tpu.enqueue_indirect_dma source(%dma_start3A_221 : memref<10000x16xf32, #tpu.memory_space<hbm>>) target(%arg11 : memref<128x16xf32, #tpu.memory_space<vmem>>) offsets(%dma_start3A_218 : memref<128xi32, #tpu.memory_space<vmem>>) semaphore(%arg15 : memref<!tpu.dma_semaphore, #tpu.memory_space<semaphore_mem>>)
      %dma_wait3A_222 = arith.constant 0 : i32
      %dma_wait3A_223 = arith.constant 0 : i32
      %dma_wait3A_224 = tpu.memref_slice %arg9[%dma_wait3A_222, %dma_wait3A_223] : memref<79x128xi32, #tpu.memory_space<vmem>> -> memref<1x128xi32, #tpu.memory_space<vmem>>
      %dma_wait3A_225 = tpu.memref_squeeze %dma_wait3A_224 : memref<1x128xi32, #tpu.memory_space<vmem>> -> memref<128xi32, #tpu.memory_space<vmem>>
      %dma_wait3A_226 = arith.constant 0 : i32
      %dma_wait3A_227 = arith.constant 0 : i32
      %dma_wait3A_228 = tpu.memref_slice %arg7[%dma_wait3A_226, %dma_wait3A_227] : memref<10016x16xf32, #tpu.memory_space<vmem_shared>> -> memref<10016x16xf32, #tpu.memory_space<vmem_shared>>
      tpu.wait_indirect_dma semaphore(%arg20 : memref<!tpu.dma_semaphore, #tpu.memory_space<semaphore_mem>>) src(%arg12 : memref<128x16xf32, #tpu.memory_space<vmem>>) dst(%dma_wait3A_228 : memref<10016x16xf32, #tpu.memory_space<vmem_shared>>)
      %add3A_229 = arith.constant 4 : i32
      %add3A_230 = arith.addi %mul3A_127, %add3A_229 : i32
      %add3A_231 = arith.constant 2 : i32
      %add3A_232 = arith.addi %add3A_230, %add3A_231 : i32
      %dma_start3A_233 = arith.constant 0 : i32
      %dma_start3A_234 = tpu.memref_slice %arg8[%add3A_232, %dma_start3A_233] : memref<79x128xi32, #tpu.memory_space<vmem>> -> memref<1x128xi32, #tpu.memory_space<vmem>>
      %dma_start3A_235 = tpu.memref_squeeze %dma_start3A_234 : memref<1x128xi32, #tpu.memory_space<vmem>> -> memref<128xi32, #tpu.memory_space<vmem>>
      %dma_start3A_236 = arith.constant 0 : i32
      %dma_start3A_237 = arith.constant 0 : i32
      %dma_start3A_238 = tpu.memref_slice %arg2[%dma_start3A_236, %dma_start3A_237] : memref<10000x16xf32, #tpu.memory_space<hbm>> -> memref<10000x16xf32, #tpu.memory_space<hbm>>
      tpu.enqueue_indirect_dma source(%dma_start3A_238 : memref<10000x16xf32, #tpu.memory_space<hbm>>) target(%arg12 : memref<128x16xf32, #tpu.memory_space<vmem>>) offsets(%dma_start3A_235 : memref<128xi32, #tpu.memory_space<vmem>>) semaphore(%arg16 : memref<!tpu.dma_semaphore, #tpu.memory_space<semaphore_mem>>)
      %dma_wait3A_239 = arith.constant 0 : i32
      %dma_wait3A_240 = arith.constant 0 : i32
      %dma_wait3A_241 = tpu.memref_slice %arg9[%dma_wait3A_239, %dma_wait3A_240] : memref<79x128xi32, #tpu.memory_space<vmem>> -> memref<1x128xi32, #tpu.memory_space<vmem>>
      %dma_wait3A_242 = tpu.memref_squeeze %dma_wait3A_241 : memref<1x128xi32, #tpu.memory_space<vmem>> -> memref<128xi32, #tpu.memory_space<vmem>>
      %dma_wait3A_243 = arith.constant 0 : i32
      %dma_wait3A_244 = arith.constant 0 : i32
      %dma_wait3A_245 = tpu.memref_slice %arg7[%dma_wait3A_243, %dma_wait3A_244] : memref<10016x16xf32, #tpu.memory_space<vmem_shared>> -> memref<10016x16xf32, #tpu.memory_space<vmem_shared>>
      tpu.wait_indirect_dma semaphore(%arg21 : memref<!tpu.dma_semaphore, #tpu.memory_space<semaphore_mem>>) src(%arg13 : memref<128x16xf32, #tpu.memory_space<vmem>>) dst(%dma_wait3A_245 : memref<10016x16xf32, #tpu.memory_space<vmem_shared>>)
      %add3A_246 = arith.constant 4 : i32
      %add3A_247 = arith.addi %mul3A_127, %add3A_246 : i32
      %add3A_248 = arith.constant 3 : i32
      %add3A_249 = arith.addi %add3A_247, %add3A_248 : i32
      %dma_start3A_250 = arith.constant 0 : i32
      %dma_start3A_251 = tpu.memref_slice %arg8[%add3A_249, %dma_start3A_250] : memref<79x128xi32, #tpu.memory_space<vmem>> -> memref<1x128xi32, #tpu.memory_space<vmem>>
      %dma_start3A_252 = tpu.memref_squeeze %dma_start3A_251 : memref<1x128xi32, #tpu.memory_space<vmem>> -> memref<128xi32, #tpu.memory_space<vmem>>
      %dma_start3A_253 = arith.constant 0 : i32
      %dma_start3A_254 = arith.constant 0 : i32
      %dma_start3A_255 = tpu.memref_slice %arg2[%dma_start3A_253, %dma_start3A_254] : memref<10000x16xf32, #tpu.memory_space<hbm>> -> memref<10000x16xf32, #tpu.memory_space<hbm>>
      tpu.enqueue_indirect_dma source(%dma_start3A_255 : memref<10000x16xf32, #tpu.memory_space<hbm>>) target(%arg13 : memref<128x16xf32, #tpu.memory_space<vmem>>) offsets(%dma_start3A_252 : memref<128xi32, #tpu.memory_space<vmem>>) semaphore(%arg17 : memref<!tpu.dma_semaphore, #tpu.memory_space<semaphore_mem>>)
    }
    %scan3A_36 = arith.constant 18 : i32
    %dma_wait3A = arith.constant 0 : i32
    %dma_wait3A_37 = arith.constant 0 : i32
    %dma_wait3A_38 = tpu.memref_slice %arg8[%dma_wait3A, %dma_wait3A_37] : memref<79x128xi32, #tpu.memory_space<vmem>> -> memref<1x128xi32, #tpu.memory_space<vmem>>
    %dma_wait3A_39 = tpu.memref_squeeze %dma_wait3A_38 : memref<1x128xi32, #tpu.memory_space<vmem>> -> memref<128xi32, #tpu.memory_space<vmem>>
    %dma_wait3A_40 = arith.constant 0 : i32
    %dma_wait3A_41 = arith.constant 0 : i32
    %dma_wait3A_42 = tpu.memref_slice %arg2[%dma_wait3A_40, %dma_wait3A_41] : memref<10000x16xf32, #tpu.memory_space<hbm>> -> memref<10000x16xf32, #tpu.memory_space<hbm>>
    tpu.wait_indirect_dma semaphore(%arg14 : memref<!tpu.dma_semaphore, #tpu.memory_space<semaphore_mem>>) src(%dma_wait3A_42 : memref<10000x16xf32, #tpu.memory_space<hbm>>) dst(%arg10 : memref<128x16xf32, #tpu.memory_space<vmem>>)
    %dma_start3A_43 = arith.constant 75 : i32
    %dma_start3A_44 = arith.constant 0 : i32
    %dma_start3A_45 = tpu.memref_slice %arg9[%dma_start3A_43, %dma_start3A_44] : memref<79x128xi32, #tpu.memory_space<vmem>> -> memref<1x128xi32, #tpu.memory_space<vmem>>
    %dma_start3A_46 = tpu.memref_squeeze %dma_start3A_45 : memref<1x128xi32, #tpu.memory_space<vmem>> -> memref<128xi32, #tpu.memory_space<vmem>>
    %dma_start3A_47 = arith.constant 0 : i32
    %dma_start3A_48 = arith.constant 0 : i32
    %dma_start3A_49 = tpu.memref_slice %arg7[%dma_start3A_47, %dma_start3A_48] : memref<10016x16xf32, #tpu.memory_space<vmem_shared>> -> memref<10016x16xf32, #tpu.memory_space<vmem_shared>>
    tpu.enqueue_indirect_dma source(%arg10 : memref<128x16xf32, #tpu.memory_space<vmem>>) target(%dma_start3A_49 : memref<10016x16xf32, #tpu.memory_space<vmem_shared>>) offsets(%dma_start3A_46 : memref<128xi32, #tpu.memory_space<vmem>>) semaphore(%arg18 : memref<!tpu.dma_semaphore, #tpu.memory_space<semaphore_mem>>) {add = true}
    %dma_wait3A_50 = arith.constant 0 : i32
    %dma_wait3A_51 = arith.constant 0 : i32
    %dma_wait3A_52 = tpu.memref_slice %arg8[%dma_wait3A_50, %dma_wait3A_51] : memref<79x128xi32, #tpu.memory_space<vmem>> -> memref<1x128xi32, #tpu.memory_space<vmem>>
    %dma_wait3A_53 = tpu.memref_squeeze %dma_wait3A_52 : memref<1x128xi32, #tpu.memory_space<vmem>> -> memref<128xi32, #tpu.memory_space<vmem>>
    %dma_wait3A_54 = arith.constant 0 : i32
    %dma_wait3A_55 = arith.constant 0 : i32
    %dma_wait3A_56 = tpu.memref_slice %arg2[%dma_wait3A_54, %dma_wait3A_55] : memref<10000x16xf32, #tpu.memory_space<hbm>> -> memref<10000x16xf32, #tpu.memory_space<hbm>>
    tpu.wait_indirect_dma semaphore(%arg15 : memref<!tpu.dma_semaphore, #tpu.memory_space<semaphore_mem>>) src(%dma_wait3A_56 : memref<10000x16xf32, #tpu.memory_space<hbm>>) dst(%arg11 : memref<128x16xf32, #tpu.memory_space<vmem>>)
    %dma_start3A_57 = arith.constant 76 : i32
    %dma_start3A_58 = arith.constant 0 : i32
    %dma_start3A_59 = tpu.memref_slice %arg9[%dma_start3A_57, %dma_start3A_58] : memref<79x128xi32, #tpu.memory_space<vmem>> -> memref<1x128xi32, #tpu.memory_space<vmem>>
    %dma_start3A_60 = tpu.memref_squeeze %dma_start3A_59 : memref<1x128xi32, #tpu.memory_space<vmem>> -> memref<128xi32, #tpu.memory_space<vmem>>
    %dma_start3A_61 = arith.constant 0 : i32
    %dma_start3A_62 = arith.constant 0 : i32
    %dma_start3A_63 = tpu.memref_slice %arg7[%dma_start3A_61, %dma_start3A_62] : memref<10016x16xf32, #tpu.memory_space<vmem_shared>> -> memref<10016x16xf32, #tpu.memory_space<vmem_shared>>
    tpu.enqueue_indirect_dma source(%arg11 : memref<128x16xf32, #tpu.memory_space<vmem>>) target(%dma_start3A_63 : memref<10016x16xf32, #tpu.memory_space<vmem_shared>>) offsets(%dma_start3A_60 : memref<128xi32, #tpu.memory_space<vmem>>) semaphore(%arg19 : memref<!tpu.dma_semaphore, #tpu.memory_space<semaphore_mem>>) {add = true}
    %dma_wait3A_64 = arith.constant 0 : i32
    %dma_wait3A_65 = arith.constant 0 : i32
    %dma_wait3A_66 = tpu.memref_slice %arg8[%dma_wait3A_64, %dma_wait3A_65] : memref<79x128xi32, #tpu.memory_space<vmem>> -> memref<1x128xi32, #tpu.memory_space<vmem>>
    %dma_wait3A_67 = tpu.memref_squeeze %dma_wait3A_66 : memref<1x128xi32, #tpu.memory_space<vmem>> -> memref<128xi32, #tpu.memory_space<vmem>>
    %dma_wait3A_68 = arith.constant 0 : i32
    %dma_wait3A_69 = arith.constant 0 : i32
    %dma_wait3A_70 = tpu.memref_slice %arg2[%dma_wait3A_68, %dma_wait3A_69] : memref<10000x16xf32, #tpu.memory_space<hbm>> -> memref<10000x16xf32, #tpu.memory_space<hbm>>
    tpu.wait_indirect_dma semaphore(%arg16 : memref<!tpu.dma_semaphore, #tpu.memory_space<semaphore_mem>>) src(%dma_wait3A_70 : memref<10000x16xf32, #tpu.memory_space<hbm>>) dst(%arg12 : memref<128x16xf32, #tpu.memory_space<vmem>>)
    %dma_start3A_71 = arith.constant 77 : i32
    %dma_start3A_72 = arith.constant 0 : i32
    %dma_start3A_73 = tpu.memref_slice %arg9[%dma_start3A_71, %dma_start3A_72] : memref<79x128xi32, #tpu.memory_space<vmem>> -> memref<1x128xi32, #tpu.memory_space<vmem>>
    %dma_start3A_74 = tpu.memref_squeeze %dma_start3A_73 : memref<1x128xi32, #tpu.memory_space<vmem>> -> memref<128xi32, #tpu.memory_space<vmem>>
    %dma_start3A_75 = arith.constant 0 : i32
    %dma_start3A_76 = arith.constant 0 : i32
    %dma_start3A_77 = tpu.memref_slice %arg7[%dma_start3A_75, %dma_start3A_76] : memref<10016x16xf32, #tpu.memory_space<vmem_shared>> -> memref<10016x16xf32, #tpu.memory_space<vmem_shared>>
    tpu.enqueue_indirect_dma source(%arg12 : memref<128x16xf32, #tpu.memory_space<vmem>>) target(%dma_start3A_77 : memref<10016x16xf32, #tpu.memory_space<vmem_shared>>) offsets(%dma_start3A_74 : memref<128xi32, #tpu.memory_space<vmem>>) semaphore(%arg20 : memref<!tpu.dma_semaphore, #tpu.memory_space<semaphore_mem>>) {add = true}
    %dma_wait3A_78 = arith.constant 0 : i32
    %dma_wait3A_79 = arith.constant 0 : i32
    %dma_wait3A_80 = tpu.memref_slice %arg8[%dma_wait3A_78, %dma_wait3A_79] : memref<79x128xi32, #tpu.memory_space<vmem>> -> memref<1x128xi32, #tpu.memory_space<vmem>>
    %dma_wait3A_81 = tpu.memref_squeeze %dma_wait3A_80 : memref<1x128xi32, #tpu.memory_space<vmem>> -> memref<128xi32, #tpu.memory_space<vmem>>
    %dma_wait3A_82 = arith.constant 0 : i32
    %dma_wait3A_83 = arith.constant 0 : i32
    %dma_wait3A_84 = tpu.memref_slice %arg2[%dma_wait3A_82, %dma_wait3A_83] : memref<10000x16xf32, #tpu.memory_space<hbm>> -> memref<10000x16xf32, #tpu.memory_space<hbm>>
    tpu.wait_indirect_dma semaphore(%arg17 : memref<!tpu.dma_semaphore, #tpu.memory_space<semaphore_mem>>) src(%dma_wait3A_84 : memref<10000x16xf32, #tpu.memory_space<hbm>>) dst(%arg13 : memref<128x16xf32, #tpu.memory_space<vmem>>)
    %dma_start3A_85 = arith.constant 78 : i32
    %dma_start3A_86 = arith.constant 0 : i32
    %dma_start3A_87 = tpu.memref_slice %arg9[%dma_start3A_85, %dma_start3A_86] : memref<79x128xi32, #tpu.memory_space<vmem>> -> memref<1x128xi32, #tpu.memory_space<vmem>>
    %dma_start3A_88 = tpu.memref_squeeze %dma_start3A_87 : memref<1x128xi32, #tpu.memory_space<vmem>> -> memref<128xi32, #tpu.memory_space<vmem>>
    %dma_start3A_89 = arith.constant 0 : i32
    %dma_start3A_90 = arith.constant 0 : i32
    %dma_start3A_91 = tpu.memref_slice %arg7[%dma_start3A_89, %dma_start3A_90] : memref<10016x16xf32, #tpu.memory_space<vmem_shared>> -> memref<10016x16xf32, #tpu.memory_space<vmem_shared>>
    tpu.enqueue_indirect_dma source(%arg13 : memref<128x16xf32, #tpu.memory_space<vmem>>) target(%dma_start3A_91 : memref<10016x16xf32, #tpu.memory_space<vmem_shared>>) offsets(%dma_start3A_88 : memref<128xi32, #tpu.memory_space<vmem>>) semaphore(%arg21 : memref<!tpu.dma_semaphore, #tpu.memory_space<semaphore_mem>>) {add = true}
    %dma_wait3A_92 = arith.constant 0 : i32
    %dma_wait3A_93 = arith.constant 0 : i32
    %dma_wait3A_94 = tpu.memref_slice %arg9[%dma_wait3A_92, %dma_wait3A_93] : memref<79x128xi32, #tpu.memory_space<vmem>> -> memref<1x128xi32, #tpu.memory_space<vmem>>
    %dma_wait3A_95 = tpu.memref_squeeze %dma_wait3A_94 : memref<1x128xi32, #tpu.memory_space<vmem>> -> memref<128xi32, #tpu.memory_space<vmem>>
    %dma_wait3A_96 = arith.constant 0 : i32
    %dma_wait3A_97 = arith.constant 0 : i32
    %dma_wait3A_98 = tpu.memref_slice %arg7[%dma_wait3A_96, %dma_wait3A_97] : memref<10016x16xf32, #tpu.memory_space<vmem_shared>> -> memref<10016x16xf32, #tpu.memory_space<vmem_shared>>
    tpu.wait_indirect_dma semaphore(%arg18 : memref<!tpu.dma_semaphore, #tpu.memory_space<semaphore_mem>>) src(%arg10 : memref<128x16xf32, #tpu.memory_space<vmem>>) dst(%dma_wait3A_98 : memref<10016x16xf32, #tpu.memory_space<vmem_shared>>)
    %dma_wait3A_99 = arith.constant 0 : i32
    %dma_wait3A_100 = arith.constant 0 : i32
    %dma_wait3A_101 = tpu.memref_slice %arg9[%dma_wait3A_99, %dma_wait3A_100] : memref<79x128xi32, #tpu.memory_space<vmem>> -> memref<1x128xi32, #tpu.memory_space<vmem>>
    %dma_wait3A_102 = tpu.memref_squeeze %dma_wait3A_101 : memref<1x128xi32, #tpu.memory_space<vmem>> -> memref<128xi32, #tpu.memory_space<vmem>>
    %dma_wait3A_103 = arith.constant 0 : i32
    %dma_wait3A_104 = arith.constant 0 : i32
    %dma_wait3A_105 = tpu.memref_slice %arg7[%dma_wait3A_103, %dma_wait3A_104] : memref<10016x16xf32, #tpu.memory_space<vmem_shared>> -> memref<10016x16xf32, #tpu.memory_space<vmem_shared>>
    tpu.wait_indirect_dma semaphore(%arg19 : memref<!tpu.dma_semaphore, #tpu.memory_space<semaphore_mem>>) src(%arg11 : memref<128x16xf32, #tpu.memory_space<vmem>>) dst(%dma_wait3A_105 : memref<10016x16xf32, #tpu.memory_space<vmem_shared>>)
    %dma_wait3A_106 = arith.constant 0 : i32
    %dma_wait3A_107 = arith.constant 0 : i32
    %dma_wait3A_108 = tpu.memref_slice %arg9[%dma_wait3A_106, %dma_wait3A_107] : memref<79x128xi32, #tpu.memory_space<vmem>> -> memref<1x128xi32, #tpu.memory_space<vmem>>
    %dma_wait3A_109 = tpu.memref_squeeze %dma_wait3A_108 : memref<1x128xi32, #tpu.memory_space<vmem>> -> memref<128xi32, #tpu.memory_space<vmem>>
    %dma_wait3A_110 = arith.constant 0 : i32
    %dma_wait3A_111 = arith.constant 0 : i32
    %dma_wait3A_112 = tpu.memref_slice %arg7[%dma_wait3A_110, %dma_wait3A_111] : memref<10016x16xf32, #tpu.memory_space<vmem_shared>> -> memref<10016x16xf32, #tpu.memory_space<vmem_shared>>
    tpu.wait_indirect_dma semaphore(%arg20 : memref<!tpu.dma_semaphore, #tpu.memory_space<semaphore_mem>>) src(%arg12 : memref<128x16xf32, #tpu.memory_space<vmem>>) dst(%dma_wait3A_112 : memref<10016x16xf32, #tpu.memory_space<vmem_shared>>)
    %dma_wait3A_113 = arith.constant 0 : i32
    %dma_wait3A_114 = arith.constant 0 : i32
    %dma_wait3A_115 = tpu.memref_slice %arg9[%dma_wait3A_113, %dma_wait3A_114] : memref<79x128xi32, #tpu.memory_space<vmem>> -> memref<1x128xi32, #tpu.memory_space<vmem>>
    %dma_wait3A_116 = tpu.memref_squeeze %dma_wait3A_115 : memref<1x128xi32, #tpu.memory_space<vmem>> -> memref<128xi32, #tpu.memory_space<vmem>>
    %dma_wait3A_117 = arith.constant 0 : i32
    %dma_wait3A_118 = arith.constant 0 : i32
    %dma_wait3A_119 = tpu.memref_slice %arg7[%dma_wait3A_117, %dma_wait3A_118] : memref<10016x16xf32, #tpu.memory_space<vmem_shared>> -> memref<10016x16xf32, #tpu.memory_space<vmem_shared>>
    tpu.wait_indirect_dma semaphore(%arg21 : memref<!tpu.dma_semaphore, #tpu.memory_space<semaphore_mem>>) src(%arg13 : memref<128x16xf32, #tpu.memory_space<vmem>>) dst(%dma_wait3A_119 : memref<10016x16xf32, #tpu.memory_space<vmem_shared>>)
    %barrier3A_120 = arith.constant 0 : index
    tpu.barrier barrier_id(%barrier3A_120)
    %mul3A_121 = arith.constant 626 : i32
    %mul3A_122 = arith.muli %arg1, %mul3A_121 : i32
    %mul3A_123 = arith.constant 626 : i32
    %mul3A_124 = arith.muli %arg1, %mul3A_123 : i32
    "tpu.region"() ({
      %run_scoped3A = tpu.sem_alloc : memref<!tpu.dma_semaphore, #tpu.memory_space<semaphore_mem>>
      %dma_start3A_125 = arith.constant 0 : i32
      %dma_start3A_126 = tpu.memref_slice %arg6[%arg0, %mul3A_124, %dma_start3A_125] : memref<2x10016x16xf32, #tpu.memory_space<hbm>> -> memref<1x626x16xf32, #tpu.memory_space<hbm>>
      %dma_start3A_127 = tpu.memref_squeeze %dma_start3A_126 : memref<1x626x16xf32, #tpu.memory_space<hbm>> -> memref<626x16xf32, #tpu.memory_space<hbm>>
      %dma_start3A_128 = arith.constant 0 : i32
      %dma_start3A_129 = tpu.memref_slice %arg7[%mul3A_122, %dma_start3A_128] : memref<10016x16xf32, #tpu.memory_space<vmem_shared>> -> memref<626x16xf32, #tpu.memory_space<vmem_shared>>
      tpu.enqueue_dma source(%dma_start3A_129 : memref<626x16xf32, #tpu.memory_space<vmem_shared>>) target(%dma_start3A_127 : memref<626x16xf32, #tpu.memory_space<hbm>>) target_semaphore(%run_scoped3A : memref<!tpu.dma_semaphore, #tpu.memory_space<semaphore_mem>>)
      %dma_wait3A_130 = arith.constant 0 : i32
      %dma_wait3A_131 = tpu.memref_slice %arg6[%arg0, %mul3A_124, %dma_wait3A_130] : memref<2x10016x16xf32, #tpu.memory_space<hbm>> -> memref<1x626x16xf32, #tpu.memory_space<hbm>>
      %dma_wait3A_132 = tpu.memref_squeeze %dma_wait3A_131 : memref<1x626x16xf32, #tpu.memory_space<hbm>> -> memref<626x16xf32, #tpu.memory_space<hbm>>
      %dma_wait3A_133 = arith.constant 0 : i32
      %dma_wait3A_134 = tpu.memref_slice %arg7[%mul3A_122, %dma_wait3A_133] : memref<10016x16xf32, #tpu.memory_space<vmem_shared>> -> memref<626x16xf32, #tpu.memory_space<vmem_shared>>
      tpu.wait_dma2 semaphore(%run_scoped3A : memref<!tpu.dma_semaphore, #tpu.memory_space<semaphore_mem>>) src(%dma_wait3A_134 : memref<626x16xf32, #tpu.memory_space<vmem_shared>>) dst(%dma_wait3A_132 : memref<626x16xf32, #tpu.memory_space<hbm>>)
      tpu.yield
    }) : () -> ()
    return
  }
}

#map = affine_map<(d0, d1) -> (0, 0)>
#map1 = affine_map<(d0, d1) -> (0, 0, 0)>
module attributes {stable_mosaic.version = 14 : i64} {
  func.func @_seg_body(%arg0: i32, %arg1: i32, %arg2: memref<10000x16xf32, #tpu.memory_space<hbm>>, %arg3: memref<32x79x128xi32, #tpu.memory_space<hbm>>, %arg4: memref<32x79x128xi32, #tpu.memory_space<hbm>>, %arg5: memref<10016x16xf32, #tpu.memory_space<hbm>>, %arg6: memref<2x10016x16xf32, #tpu.memory_space<hbm>>, %arg7: memref<10016x16xf32, #tpu.memory_space<vmem_shared>>, %arg8: memref<79x128xi32, #tpu.memory_space<vmem>>, %arg9: memref<79x128xi32, #tpu.memory_space<vmem>>, %arg10: memref<128x16xf32, #tpu.memory_space<vmem>>, %arg11: memref<128x16xf32, #tpu.memory_space<vmem>>, %arg12: memref<128x16xf32, #tpu.memory_space<vmem>>, %arg13: memref<128x16xf32, #tpu.memory_space<vmem>>, %arg14: memref<!tpu.dma_semaphore, #tpu.memory_space<semaphore_mem>>, %arg15: memref<!tpu.dma_semaphore, #tpu.memory_space<semaphore_mem>>, %arg16: memref<!tpu.dma_semaphore, #tpu.memory_space<semaphore_mem>>, %arg17: memref<!tpu.dma_semaphore, #tpu.memory_space<semaphore_mem>>, %arg18: memref<!tpu.dma_semaphore, #tpu.memory_space<semaphore_mem>>, %arg19: memref<!tpu.dma_semaphore, #tpu.memory_space<semaphore_mem>>, %arg20: memref<!tpu.dma_semaphore, #tpu.memory_space<semaphore_mem>>, %arg21: memref<!tpu.dma_semaphore, #tpu.memory_space<semaphore_mem>>) attributes {dimension_semantics = [#tpu.dimension_semantics<core_parallel>, #tpu.dimension_semantics<subcore_parallel>], iteration_bounds = array<i64: 2, 16>, scalar_prefetch = 0 : i64, scratch_operands = 15 : i64, tpu.core_type = #tpu.core_type<sc_vector_subcore>, window_params = [{transform_indices = #map}, {transform_indices = #map1}, {transform_indices = #map1}, {transform_indices = #map}, {transform_indices = #map1}]} {
    %mul3A = arith.constant 16 : i32
    %mul3A_0 = arith.muli %arg0, %mul3A : i32
    %add3A = arith.addi %mul3A_0, %arg1 : i32
    %mul3A_1 = arith.constant 626 : i32
    %mul3A_2 = arith.muli %arg1, %mul3A_1 : i32
    %mul3A_3 = arith.constant 626 : i32
    %mul3A_4 = arith.muli %arg1, %mul3A_3 : i32
    "tpu.region"() ({
      %run_scoped3A = tpu.sem_alloc : memref<!tpu.dma_semaphore, #tpu.memory_space<semaphore_mem>>
      %dma_start3A_125 = arith.constant 0 : i32
      %dma_start3A_126 = tpu.memref_slice %arg7[%mul3A_4, %dma_start3A_125] : memref<10016x16xf32, #tpu.memory_space<vmem_shared>> -> memref<626x16xf32, #tpu.memory_space<vmem_shared>>
      %dma_start3A_127 = arith.constant 0 : i32
      %dma_start3A_128 = tpu.memref_slice %arg5[%mul3A_2, %dma_start3A_127] : memref<10016x16xf32, #tpu.memory_space<hbm>> -> memref<626x16xf32, #tpu.memory_space<hbm>>
      tpu.enqueue_dma source(%dma_start3A_128 : memref<626x16xf32, #tpu.memory_space<hbm>>) target(%dma_start3A_126 : memref<626x16xf32, #tpu.memory_space<vmem_shared>>) target_semaphore(%run_scoped3A : memref<!tpu.dma_semaphore, #tpu.memory_space<semaphore_mem>>)
      %dma_wait3A_129 = arith.constant 0 : i32
      %dma_wait3A_130 = tpu.memref_slice %arg7[%mul3A_4, %dma_wait3A_129] : memref<10016x16xf32, #tpu.memory_space<vmem_shared>> -> memref<626x16xf32, #tpu.memory_space<vmem_shared>>
      %dma_wait3A_131 = arith.constant 0 : i32
      %dma_wait3A_132 = tpu.memref_slice %arg5[%mul3A_2, %dma_wait3A_131] : memref<10016x16xf32, #tpu.memory_space<hbm>> -> memref<626x16xf32, #tpu.memory_space<hbm>>
      tpu.wait_dma2 semaphore(%run_scoped3A : memref<!tpu.dma_semaphore, #tpu.memory_space<semaphore_mem>>) src(%dma_wait3A_132 : memref<626x16xf32, #tpu.memory_space<hbm>>) dst(%dma_wait3A_130 : memref<626x16xf32, #tpu.memory_space<vmem_shared>>)
      tpu.yield
    }) : () -> ()
    "tpu.region"() ({
      %run_scoped3A = tpu.sem_alloc : memref<!tpu.dma_semaphore, #tpu.memory_space<semaphore_mem>>
      %dma_start3A_125 = arith.constant 0 : i32
      %dma_start3A_126 = arith.constant 0 : i32
      %dma_start3A_127 = tpu.memref_slice %arg3[%add3A, %dma_start3A_125, %dma_start3A_126] : memref<32x79x128xi32, #tpu.memory_space<hbm>> -> memref<1x79x128xi32, #tpu.memory_space<hbm>>
      %dma_start3A_128 = tpu.memref_squeeze %dma_start3A_127 : memref<1x79x128xi32, #tpu.memory_space<hbm>> -> memref<79x128xi32, #tpu.memory_space<hbm>>
      %dma_start3A_129 = arith.constant 0 : i32
      %dma_start3A_130 = arith.constant 0 : i32
      %dma_start3A_131 = tpu.memref_slice %arg3[%add3A, %dma_start3A_129, %dma_start3A_130] : memref<32x79x128xi32, #tpu.memory_space<hbm>> -> memref<1x79x128xi32, #tpu.memory_space<hbm>>
      %dma_start3A_132 = tpu.memref_squeeze %dma_start3A_131 : memref<1x79x128xi32, #tpu.memory_space<hbm>> -> memref<79x128xi32, #tpu.memory_space<hbm>>
      tpu.enqueue_dma source(%dma_start3A_132 : memref<79x128xi32, #tpu.memory_space<hbm>>) target(%arg8 : memref<79x128xi32, #tpu.memory_space<vmem>>) target_semaphore(%run_scoped3A : memref<!tpu.dma_semaphore, #tpu.memory_space<semaphore_mem>>)
      %dma_wait3A_133 = arith.constant 0 : i32
      %dma_wait3A_134 = arith.constant 0 : i32
      %dma_wait3A_135 = tpu.memref_slice %arg3[%add3A, %dma_wait3A_133, %dma_wait3A_134] : memref<32x79x128xi32, #tpu.memory_space<hbm>> -> memref<1x79x128xi32, #tpu.memory_space<hbm>>
      %dma_wait3A_136 = tpu.memref_squeeze %dma_wait3A_135 : memref<1x79x128xi32, #tpu.memory_space<hbm>> -> memref<79x128xi32, #tpu.memory_space<hbm>>
      %dma_wait3A_137 = arith.constant 0 : i32
      %dma_wait3A_138 = arith.constant 0 : i32
      %dma_wait3A_139 = tpu.memref_slice %arg3[%add3A, %dma_wait3A_137, %dma_wait3A_138] : memref<32x79x128xi32, #tpu.memory_space<hbm>> -> memref<1x79x128xi32, #tpu.memory_space<hbm>>
      %dma_wait3A_140 = tpu.memref_squeeze %dma_wait3A_139 : memref<1x79x128xi32, #tpu.memory_space<hbm>> -> memref<79x128xi32, #tpu.memory_space<hbm>>
      tpu.wait_dma2 semaphore(%run_scoped3A : memref<!tpu.dma_semaphore, #tpu.memory_space<semaphore_mem>>) src(%dma_wait3A_140 : memref<79x128xi32, #tpu.memory_space<hbm>>) dst(%arg8 : memref<79x128xi32, #tpu.memory_space<vmem>>)
      tpu.yield
    }) : () -> ()
    "tpu.region"() ({
      %run_scoped3A = tpu.sem_alloc : memref<!tpu.dma_semaphore, #tpu.memory_space<semaphore_mem>>
      %dma_start3A_125 = arith.constant 0 : i32
      %dma_start3A_126 = arith.constant 0 : i32
      %dma_start3A_127 = tpu.memref_slice %arg4[%add3A, %dma_start3A_125, %dma_start3A_126] : memref<32x79x128xi32, #tpu.memory_space<hbm>> -> memref<1x79x128xi32, #tpu.memory_space<hbm>>
      %dma_start3A_128 = tpu.memref_squeeze %dma_start3A_127 : memref<1x79x128xi32, #tpu.memory_space<hbm>> -> memref<79x128xi32, #tpu.memory_space<hbm>>
      %dma_start3A_129 = arith.constant 0 : i32
      %dma_start3A_130 = arith.constant 0 : i32
      %dma_start3A_131 = tpu.memref_slice %arg4[%add3A, %dma_start3A_129, %dma_start3A_130] : memref<32x79x128xi32, #tpu.memory_space<hbm>> -> memref<1x79x128xi32, #tpu.memory_space<hbm>>
      %dma_start3A_132 = tpu.memref_squeeze %dma_start3A_131 : memref<1x79x128xi32, #tpu.memory_space<hbm>> -> memref<79x128xi32, #tpu.memory_space<hbm>>
      tpu.enqueue_dma source(%dma_start3A_132 : memref<79x128xi32, #tpu.memory_space<hbm>>) target(%arg9 : memref<79x128xi32, #tpu.memory_space<vmem>>) target_semaphore(%run_scoped3A : memref<!tpu.dma_semaphore, #tpu.memory_space<semaphore_mem>>)
      %dma_wait3A_133 = arith.constant 0 : i32
      %dma_wait3A_134 = arith.constant 0 : i32
      %dma_wait3A_135 = tpu.memref_slice %arg4[%add3A, %dma_wait3A_133, %dma_wait3A_134] : memref<32x79x128xi32, #tpu.memory_space<hbm>> -> memref<1x79x128xi32, #tpu.memory_space<hbm>>
      %dma_wait3A_136 = tpu.memref_squeeze %dma_wait3A_135 : memref<1x79x128xi32, #tpu.memory_space<hbm>> -> memref<79x128xi32, #tpu.memory_space<hbm>>
      %dma_wait3A_137 = arith.constant 0 : i32
      %dma_wait3A_138 = arith.constant 0 : i32
      %dma_wait3A_139 = tpu.memref_slice %arg4[%add3A, %dma_wait3A_137, %dma_wait3A_138] : memref<32x79x128xi32, #tpu.memory_space<hbm>> -> memref<1x79x128xi32, #tpu.memory_space<hbm>>
      %dma_wait3A_140 = tpu.memref_squeeze %dma_wait3A_139 : memref<1x79x128xi32, #tpu.memory_space<hbm>> -> memref<79x128xi32, #tpu.memory_space<hbm>>
      tpu.wait_dma2 semaphore(%run_scoped3A : memref<!tpu.dma_semaphore, #tpu.memory_space<semaphore_mem>>) src(%dma_wait3A_140 : memref<79x128xi32, #tpu.memory_space<hbm>>) dst(%arg9 : memref<79x128xi32, #tpu.memory_space<vmem>>)
      tpu.yield
    }) : () -> ()
    %barrier3A = arith.constant 0 : index
    tpu.barrier barrier_id(%barrier3A)
    %dma_start3A = arith.constant 0 : i32
    %dma_start3A_5 = arith.constant 0 : i32
    %dma_start3A_6 = tpu.memref_slice %arg8[%dma_start3A, %dma_start3A_5] : memref<79x128xi32, #tpu.memory_space<vmem>> -> memref<1x128xi32, #tpu.memory_space<vmem>>
    %dma_start3A_7 = tpu.memref_squeeze %dma_start3A_6 : memref<1x128xi32, #tpu.memory_space<vmem>> -> memref<128xi32, #tpu.memory_space<vmem>>
    %dma_start3A_8 = arith.constant 0 : i32
    %dma_start3A_9 = arith.constant 0 : i32
    %dma_start3A_10 = tpu.memref_slice %arg2[%dma_start3A_8, %dma_start3A_9] : memref<10000x16xf32, #tpu.memory_space<hbm>> -> memref<10000x16xf32, #tpu.memory_space<hbm>>
    tpu.enqueue_indirect_dma source(%dma_start3A_10 : memref<10000x16xf32, #tpu.memory_space<hbm>>) target(%arg10 : memref<128x16xf32, #tpu.memory_space<vmem>>) offsets(%dma_start3A_7 : memref<128xi32, #tpu.memory_space<vmem>>) semaphore(%arg14 : memref<!tpu.dma_semaphore, #tpu.memory_space<semaphore_mem>>)
    %dma_start3A_11 = arith.constant 1 : i32
    %dma_start3A_12 = arith.constant 0 : i32
    %dma_start3A_13 = tpu.memref_slice %arg8[%dma_start3A_11, %dma_start3A_12] : memref<79x128xi32, #tpu.memory_space<vmem>> -> memref<1x128xi32, #tpu.memory_space<vmem>>
    %dma_start3A_14 = tpu.memref_squeeze %dma_start3A_13 : memref<1x128xi32, #tpu.memory_space<vmem>> -> memref<128xi32, #tpu.memory_space<vmem>>
    %dma_start3A_15 = arith.constant 0 : i32
    %dma_start3A_16 = arith.constant 0 : i32
    %dma_start3A_17 = tpu.memref_slice %arg2[%dma_start3A_15, %dma_start3A_16] : memref<10000x16xf32, #tpu.memory_space<hbm>> -> memref<10000x16xf32, #tpu.memory_space<hbm>>
    tpu.enqueue_indirect_dma source(%dma_start3A_17 : memref<10000x16xf32, #tpu.memory_space<hbm>>) target(%arg11 : memref<128x16xf32, #tpu.memory_space<vmem>>) offsets(%dma_start3A_14 : memref<128xi32, #tpu.memory_space<vmem>>) semaphore(%arg15 : memref<!tpu.dma_semaphore, #tpu.memory_space<semaphore_mem>>)
    %dma_start3A_18 = arith.constant 2 : i32
    %dma_start3A_19 = arith.constant 0 : i32
    %dma_start3A_20 = tpu.memref_slice %arg8[%dma_start3A_18, %dma_start3A_19] : memref<79x128xi32, #tpu.memory_space<vmem>> -> memref<1x128xi32, #tpu.memory_space<vmem>>
    %dma_start3A_21 = tpu.memref_squeeze %dma_start3A_20 : memref<1x128xi32, #tpu.memory_space<vmem>> -> memref<128xi32, #tpu.memory_space<vmem>>
    %dma_start3A_22 = arith.constant 0 : i32
    %dma_start3A_23 = arith.constant 0 : i32
    %dma_start3A_24 = tpu.memref_slice %arg2[%dma_start3A_22, %dma_start3A_23] : memref<10000x16xf32, #tpu.memory_space<hbm>> -> memref<10000x16xf32, #tpu.memory_space<hbm>>
    tpu.enqueue_indirect_dma source(%dma_start3A_24 : memref<10000x16xf32, #tpu.memory_space<hbm>>) target(%arg12 : memref<128x16xf32, #tpu.memory_space<vmem>>) offsets(%dma_start3A_21 : memref<128xi32, #tpu.memory_space<vmem>>) semaphore(%arg16 : memref<!tpu.dma_semaphore, #tpu.memory_space<semaphore_mem>>)
    %dma_start3A_25 = arith.constant 3 : i32
    %dma_start3A_26 = arith.constant 0 : i32
    %dma_start3A_27 = tpu.memref_slice %arg8[%dma_start3A_25, %dma_start3A_26] : memref<79x128xi32, #tpu.memory_space<vmem>> -> memref<1x128xi32, #tpu.memory_space<vmem>>
    %dma_start3A_28 = tpu.memref_squeeze %dma_start3A_27 : memref<1x128xi32, #tpu.memory_space<vmem>> -> memref<128xi32, #tpu.memory_space<vmem>>
    %dma_start3A_29 = arith.constant 0 : i32
    %dma_start3A_30 = arith.constant 0 : i32
    %dma_start3A_31 = tpu.memref_slice %arg2[%dma_start3A_29, %dma_start3A_30] : memref<10000x16xf32, #tpu.memory_space<hbm>> -> memref<10000x16xf32, #tpu.memory_space<hbm>>
    tpu.enqueue_indirect_dma source(%dma_start3A_31 : memref<10000x16xf32, #tpu.memory_space<hbm>>) target(%arg13 : memref<128x16xf32, #tpu.memory_space<vmem>>) offsets(%dma_start3A_28 : memref<128xi32, #tpu.memory_space<vmem>>) semaphore(%arg17 : memref<!tpu.dma_semaphore, #tpu.memory_space<semaphore_mem>>)
    %scan3A = arith.constant 0 : i32
    %scan3A_32 = arith.constant 0 : i32
    %scan3A_33 = arith.constant 18 : i32
    %scan3A_34 = arith.addi %scan3A_32, %scan3A_33 : i32
    %scan3A_35 = arith.constant 1 : i32
    scf.for %scan3A_125 = %scan3A_32 to %scan3A_34 step %scan3A_35  : i32 {
      %mul3A_126 = arith.constant 4 : i32
      %mul3A_127 = arith.muli %scan3A_125, %mul3A_126 : i32
      %dma_wait3A_128 = arith.constant 0 : i32
      %dma_wait3A_129 = arith.constant 0 : i32
      %dma_wait3A_130 = tpu.memref_slice %arg8[%dma_wait3A_128, %dma_wait3A_129] : memref<79x128xi32, #tpu.memory_space<vmem>> -> memref<1x128xi32, #tpu.memory_space<vmem>>
      %dma_wait3A_131 = tpu.memref_squeeze %dma_wait3A_130 : memref<1x128xi32, #tpu.memory_space<vmem>> -> memref<128xi32, #tpu.memory_space<vmem>>
      %dma_wait3A_132 = arith.constant 0 : i32
      %dma_wait3A_133 = arith.constant 0 : i32
      %dma_wait3A_134 = tpu.memref_slice %arg2[%dma_wait3A_132, %dma_wait3A_133] : memref<10000x16xf32, #tpu.memory_space<hbm>> -> memref<10000x16xf32, #tpu.memory_space<hbm>>
      tpu.wait_indirect_dma semaphore(%arg14 : memref<!tpu.dma_semaphore, #tpu.memory_space<semaphore_mem>>) src(%dma_wait3A_134 : memref<10000x16xf32, #tpu.memory_space<hbm>>) dst(%arg10 : memref<128x16xf32, #tpu.memory_space<vmem>>)
      %add3A_135 = arith.constant 0 : i32
      %add3A_136 = arith.addi %mul3A_127, %add3A_135 : i32
      %dma_start3A_137 = arith.constant 0 : i32
      %dma_start3A_138 = tpu.memref_slice %arg9[%add3A_136, %dma_start3A_137] : memref<79x128xi32, #tpu.memory_space<vmem>> -> memref<1x128xi32, #tpu.memory_space<vmem>>
      %dma_start3A_139 = tpu.memref_squeeze %dma_start3A_138 : memref<1x128xi32, #tpu.memory_space<vmem>> -> memref<128xi32, #tpu.memory_space<vmem>>
      %dma_start3A_140 = arith.constant 0 : i32
      %dma_start3A_141 = arith.constant 0 : i32
      %dma_start3A_142 = tpu.memref_slice %arg7[%dma_start3A_140, %dma_start3A_141] : memref<10016x16xf32, #tpu.memory_space<vmem_shared>> -> memref<10016x16xf32, #tpu.memory_space<vmem_shared>>
      tpu.enqueue_indirect_dma source(%arg10 : memref<128x16xf32, #tpu.memory_space<vmem>>) target(%dma_start3A_142 : memref<10016x16xf32, #tpu.memory_space<vmem_shared>>) offsets(%dma_start3A_139 : memref<128xi32, #tpu.memory_space<vmem>>) semaphore(%arg18 : memref<!tpu.dma_semaphore, #tpu.memory_space<semaphore_mem>>) {add = true}
      %dma_wait3A_143 = arith.constant 0 : i32
      %dma_wait3A_144 = arith.constant 0 : i32
      %dma_wait3A_145 = tpu.memref_slice %arg8[%dma_wait3A_143, %dma_wait3A_144] : memref<79x128xi32, #tpu.memory_space<vmem>> -> memref<1x128xi32, #tpu.memory_space<vmem>>
      %dma_wait3A_146 = tpu.memref_squeeze %dma_wait3A_145 : memref<1x128xi32, #tpu.memory_space<vmem>> -> memref<128xi32, #tpu.memory_space<vmem>>
      %dma_wait3A_147 = arith.constant 0 : i32
      %dma_wait3A_148 = arith.constant 0 : i32
      %dma_wait3A_149 = tpu.memref_slice %arg2[%dma_wait3A_147, %dma_wait3A_148] : memref<10000x16xf32, #tpu.memory_space<hbm>> -> memref<10000x16xf32, #tpu.memory_space<hbm>>
      tpu.wait_indirect_dma semaphore(%arg15 : memref<!tpu.dma_semaphore, #tpu.memory_space<semaphore_mem>>) src(%dma_wait3A_149 : memref<10000x16xf32, #tpu.memory_space<hbm>>) dst(%arg11 : memref<128x16xf32, #tpu.memory_space<vmem>>)
      %add3A_150 = arith.constant 1 : i32
      %add3A_151 = arith.addi %mul3A_127, %add3A_150 : i32
      %dma_start3A_152 = arith.constant 0 : i32
      %dma_start3A_153 = tpu.memref_slice %arg9[%add3A_151, %dma_start3A_152] : memref<79x128xi32, #tpu.memory_space<vmem>> -> memref<1x128xi32, #tpu.memory_space<vmem>>
      %dma_start3A_154 = tpu.memref_squeeze %dma_start3A_153 : memref<1x128xi32, #tpu.memory_space<vmem>> -> memref<128xi32, #tpu.memory_space<vmem>>
      %dma_start3A_155 = arith.constant 0 : i32
      %dma_start3A_156 = arith.constant 0 : i32
      %dma_start3A_157 = tpu.memref_slice %arg7[%dma_start3A_155, %dma_start3A_156] : memref<10016x16xf32, #tpu.memory_space<vmem_shared>> -> memref<10016x16xf32, #tpu.memory_space<vmem_shared>>
      tpu.enqueue_indirect_dma source(%arg11 : memref<128x16xf32, #tpu.memory_space<vmem>>) target(%dma_start3A_157 : memref<10016x16xf32, #tpu.memory_space<vmem_shared>>) offsets(%dma_start3A_154 : memref<128xi32, #tpu.memory_space<vmem>>) semaphore(%arg19 : memref<!tpu.dma_semaphore, #tpu.memory_space<semaphore_mem>>) {add = true}
      %dma_wait3A_158 = arith.constant 0 : i32
      %dma_wait3A_159 = arith.constant 0 : i32
      %dma_wait3A_160 = tpu.memref_slice %arg8[%dma_wait3A_158, %dma_wait3A_159] : memref<79x128xi32, #tpu.memory_space<vmem>> -> memref<1x128xi32, #tpu.memory_space<vmem>>
      %dma_wait3A_161 = tpu.memref_squeeze %dma_wait3A_160 : memref<1x128xi32, #tpu.memory_space<vmem>> -> memref<128xi32, #tpu.memory_space<vmem>>
      %dma_wait3A_162 = arith.constant 0 : i32
      %dma_wait3A_163 = arith.constant 0 : i32
      %dma_wait3A_164 = tpu.memref_slice %arg2[%dma_wait3A_162, %dma_wait3A_163] : memref<10000x16xf32, #tpu.memory_space<hbm>> -> memref<10000x16xf32, #tpu.memory_space<hbm>>
      tpu.wait_indirect_dma semaphore(%arg16 : memref<!tpu.dma_semaphore, #tpu.memory_space<semaphore_mem>>) src(%dma_wait3A_164 : memref<10000x16xf32, #tpu.memory_space<hbm>>) dst(%arg12 : memref<128x16xf32, #tpu.memory_space<vmem>>)
      %add3A_165 = arith.constant 2 : i32
      %add3A_166 = arith.addi %mul3A_127, %add3A_165 : i32
      %dma_start3A_167 = arith.constant 0 : i32
      %dma_start3A_168 = tpu.memref_slice %arg9[%add3A_166, %dma_start3A_167] : memref<79x128xi32, #tpu.memory_space<vmem>> -> memref<1x128xi32, #tpu.memory_space<vmem>>
      %dma_start3A_169 = tpu.memref_squeeze %dma_start3A_168 : memref<1x128xi32, #tpu.memory_space<vmem>> -> memref<128xi32, #tpu.memory_space<vmem>>
      %dma_start3A_170 = arith.constant 0 : i32
      %dma_start3A_171 = arith.constant 0 : i32
      %dma_start3A_172 = tpu.memref_slice %arg7[%dma_start3A_170, %dma_start3A_171] : memref<10016x16xf32, #tpu.memory_space<vmem_shared>> -> memref<10016x16xf32, #tpu.memory_space<vmem_shared>>
      tpu.enqueue_indirect_dma source(%arg12 : memref<128x16xf32, #tpu.memory_space<vmem>>) target(%dma_start3A_172 : memref<10016x16xf32, #tpu.memory_space<vmem_shared>>) offsets(%dma_start3A_169 : memref<128xi32, #tpu.memory_space<vmem>>) semaphore(%arg20 : memref<!tpu.dma_semaphore, #tpu.memory_space<semaphore_mem>>) {add = true}
      %dma_wait3A_173 = arith.constant 0 : i32
      %dma_wait3A_174 = arith.constant 0 : i32
      %dma_wait3A_175 = tpu.memref_slice %arg8[%dma_wait3A_173, %dma_wait3A_174] : memref<79x128xi32, #tpu.memory_space<vmem>> -> memref<1x128xi32, #tpu.memory_space<vmem>>
      %dma_wait3A_176 = tpu.memref_squeeze %dma_wait3A_175 : memref<1x128xi32, #tpu.memory_space<vmem>> -> memref<128xi32, #tpu.memory_space<vmem>>
      %dma_wait3A_177 = arith.constant 0 : i32
      %dma_wait3A_178 = arith.constant 0 : i32
      %dma_wait3A_179 = tpu.memref_slice %arg2[%dma_wait3A_177, %dma_wait3A_178] : memref<10000x16xf32, #tpu.memory_space<hbm>> -> memref<10000x16xf32, #tpu.memory_space<hbm>>
      tpu.wait_indirect_dma semaphore(%arg17 : memref<!tpu.dma_semaphore, #tpu.memory_space<semaphore_mem>>) src(%dma_wait3A_179 : memref<10000x16xf32, #tpu.memory_space<hbm>>) dst(%arg13 : memref<128x16xf32, #tpu.memory_space<vmem>>)
      %add3A_180 = arith.constant 3 : i32
      %add3A_181 = arith.addi %mul3A_127, %add3A_180 : i32
      %dma_start3A_182 = arith.constant 0 : i32
      %dma_start3A_183 = tpu.memref_slice %arg9[%add3A_181, %dma_start3A_182] : memref<79x128xi32, #tpu.memory_space<vmem>> -> memref<1x128xi32, #tpu.memory_space<vmem>>
      %dma_start3A_184 = tpu.memref_squeeze %dma_start3A_183 : memref<1x128xi32, #tpu.memory_space<vmem>> -> memref<128xi32, #tpu.memory_space<vmem>>
      %dma_start3A_185 = arith.constant 0 : i32
      %dma_start3A_186 = arith.constant 0 : i32
      %dma_start3A_187 = tpu.memref_slice %arg7[%dma_start3A_185, %dma_start3A_186] : memref<10016x16xf32, #tpu.memory_space<vmem_shared>> -> memref<10016x16xf32, #tpu.memory_space<vmem_shared>>
      tpu.enqueue_indirect_dma source(%arg13 : memref<128x16xf32, #tpu.memory_space<vmem>>) target(%dma_start3A_187 : memref<10016x16xf32, #tpu.memory_space<vmem_shared>>) offsets(%dma_start3A_184 : memref<128xi32, #tpu.memory_space<vmem>>) semaphore(%arg21 : memref<!tpu.dma_semaphore, #tpu.memory_space<semaphore_mem>>) {add = true}
      %dma_wait3A_188 = arith.constant 0 : i32
      %dma_wait3A_189 = arith.constant 0 : i32
      %dma_wait3A_190 = tpu.memref_slice %arg9[%dma_wait3A_188, %dma_wait3A_189] : memref<79x128xi32, #tpu.memory_space<vmem>> -> memref<1x128xi32, #tpu.memory_space<vmem>>
      %dma_wait3A_191 = tpu.memref_squeeze %dma_wait3A_190 : memref<1x128xi32, #tpu.memory_space<vmem>> -> memref<128xi32, #tpu.memory_space<vmem>>
      %dma_wait3A_192 = arith.constant 0 : i32
      %dma_wait3A_193 = arith.constant 0 : i32
      %dma_wait3A_194 = tpu.memref_slice %arg7[%dma_wait3A_192, %dma_wait3A_193] : memref<10016x16xf32, #tpu.memory_space<vmem_shared>> -> memref<10016x16xf32, #tpu.memory_space<vmem_shared>>
      tpu.wait_indirect_dma semaphore(%arg18 : memref<!tpu.dma_semaphore, #tpu.memory_space<semaphore_mem>>) src(%arg10 : memref<128x16xf32, #tpu.memory_space<vmem>>) dst(%dma_wait3A_194 : memref<10016x16xf32, #tpu.memory_space<vmem_shared>>)
      %add3A_195 = arith.constant 4 : i32
      %add3A_196 = arith.addi %mul3A_127, %add3A_195 : i32
      %add3A_197 = arith.constant 0 : i32
      %add3A_198 = arith.addi %add3A_196, %add3A_197 : i32
      %dma_start3A_199 = arith.constant 0 : i32
      %dma_start3A_200 = tpu.memref_slice %arg8[%add3A_198, %dma_start3A_199] : memref<79x128xi32, #tpu.memory_space<vmem>> -> memref<1x128xi32, #tpu.memory_space<vmem>>
      %dma_start3A_201 = tpu.memref_squeeze %dma_start3A_200 : memref<1x128xi32, #tpu.memory_space<vmem>> -> memref<128xi32, #tpu.memory_space<vmem>>
      %dma_start3A_202 = arith.constant 0 : i32
      %dma_start3A_203 = arith.constant 0 : i32
      %dma_start3A_204 = tpu.memref_slice %arg2[%dma_start3A_202, %dma_start3A_203] : memref<10000x16xf32, #tpu.memory_space<hbm>> -> memref<10000x16xf32, #tpu.memory_space<hbm>>
      tpu.enqueue_indirect_dma source(%dma_start3A_204 : memref<10000x16xf32, #tpu.memory_space<hbm>>) target(%arg10 : memref<128x16xf32, #tpu.memory_space<vmem>>) offsets(%dma_start3A_201 : memref<128xi32, #tpu.memory_space<vmem>>) semaphore(%arg14 : memref<!tpu.dma_semaphore, #tpu.memory_space<semaphore_mem>>)
      %dma_wait3A_205 = arith.constant 0 : i32
      %dma_wait3A_206 = arith.constant 0 : i32
      %dma_wait3A_207 = tpu.memref_slice %arg9[%dma_wait3A_205, %dma_wait3A_206] : memref<79x128xi32, #tpu.memory_space<vmem>> -> memref<1x128xi32, #tpu.memory_space<vmem>>
      %dma_wait3A_208 = tpu.memref_squeeze %dma_wait3A_207 : memref<1x128xi32, #tpu.memory_space<vmem>> -> memref<128xi32, #tpu.memory_space<vmem>>
      %dma_wait3A_209 = arith.constant 0 : i32
      %dma_wait3A_210 = arith.constant 0 : i32
      %dma_wait3A_211 = tpu.memref_slice %arg7[%dma_wait3A_209, %dma_wait3A_210] : memref<10016x16xf32, #tpu.memory_space<vmem_shared>> -> memref<10016x16xf32, #tpu.memory_space<vmem_shared>>
      tpu.wait_indirect_dma semaphore(%arg19 : memref<!tpu.dma_semaphore, #tpu.memory_space<semaphore_mem>>) src(%arg11 : memref<128x16xf32, #tpu.memory_space<vmem>>) dst(%dma_wait3A_211 : memref<10016x16xf32, #tpu.memory_space<vmem_shared>>)
      %add3A_212 = arith.constant 4 : i32
      %add3A_213 = arith.addi %mul3A_127, %add3A_212 : i32
      %add3A_214 = arith.constant 1 : i32
      %add3A_215 = arith.addi %add3A_213, %add3A_214 : i32
      %dma_start3A_216 = arith.constant 0 : i32
      %dma_start3A_217 = tpu.memref_slice %arg8[%add3A_215, %dma_start3A_216] : memref<79x128xi32, #tpu.memory_space<vmem>> -> memref<1x128xi32, #tpu.memory_space<vmem>>
      %dma_start3A_218 = tpu.memref_squeeze %dma_start3A_217 : memref<1x128xi32, #tpu.memory_space<vmem>> -> memref<128xi32, #tpu.memory_space<vmem>>
      %dma_start3A_219 = arith.constant 0 : i32
      %dma_start3A_220 = arith.constant 0 : i32
      %dma_start3A_221 = tpu.memref_slice %arg2[%dma_start3A_219, %dma_start3A_220] : memref<10000x16xf32, #tpu.memory_space<hbm>> -> memref<10000x16xf32, #tpu.memory_space<hbm>>
      tpu.enqueue_indirect_dma source(%dma_start3A_221 : memref<10000x16xf32, #tpu.memory_space<hbm>>) target(%arg11 : memref<128x16xf32, #tpu.memory_space<vmem>>) offsets(%dma_start3A_218 : memref<128xi32, #tpu.memory_space<vmem>>) semaphore(%arg15 : memref<!tpu.dma_semaphore, #tpu.memory_space<semaphore_mem>>)
      %dma_wait3A_222 = arith.constant 0 : i32
      %dma_wait3A_223 = arith.constant 0 : i32
      %dma_wait3A_224 = tpu.memref_slice %arg9[%dma_wait3A_222, %dma_wait3A_223] : memref<79x128xi32, #tpu.memory_space<vmem>> -> memref<1x128xi32, #tpu.memory_space<vmem>>
      %dma_wait3A_225 = tpu.memref_squeeze %dma_wait3A_224 : memref<1x128xi32, #tpu.memory_space<vmem>> -> memref<128xi32, #tpu.memory_space<vmem>>
      %dma_wait3A_226 = arith.constant 0 : i32
      %dma_wait3A_227 = arith.constant 0 : i32
      %dma_wait3A_228 = tpu.memref_slice %arg7[%dma_wait3A_226, %dma_wait3A_227] : memref<10016x16xf32, #tpu.memory_space<vmem_shared>> -> memref<10016x16xf32, #tpu.memory_space<vmem_shared>>
      tpu.wait_indirect_dma semaphore(%arg20 : memref<!tpu.dma_semaphore, #tpu.memory_space<semaphore_mem>>) src(%arg12 : memref<128x16xf32, #tpu.memory_space<vmem>>) dst(%dma_wait3A_228 : memref<10016x16xf32, #tpu.memory_space<vmem_shared>>)
      %add3A_229 = arith.constant 4 : i32
      %add3A_230 = arith.addi %mul3A_127, %add3A_229 : i32
      %add3A_231 = arith.constant 2 : i32
      %add3A_232 = arith.addi %add3A_230, %add3A_231 : i32
      %dma_start3A_233 = arith.constant 0 : i32
      %dma_start3A_234 = tpu.memref_slice %arg8[%add3A_232, %dma_start3A_233] : memref<79x128xi32, #tpu.memory_space<vmem>> -> memref<1x128xi32, #tpu.memory_space<vmem>>
      %dma_start3A_235 = tpu.memref_squeeze %dma_start3A_234 : memref<1x128xi32, #tpu.memory_space<vmem>> -> memref<128xi32, #tpu.memory_space<vmem>>
      %dma_start3A_236 = arith.constant 0 : i32
      %dma_start3A_237 = arith.constant 0 : i32
      %dma_start3A_238 = tpu.memref_slice %arg2[%dma_start3A_236, %dma_start3A_237] : memref<10000x16xf32, #tpu.memory_space<hbm>> -> memref<10000x16xf32, #tpu.memory_space<hbm>>
      tpu.enqueue_indirect_dma source(%dma_start3A_238 : memref<10000x16xf32, #tpu.memory_space<hbm>>) target(%arg12 : memref<128x16xf32, #tpu.memory_space<vmem>>) offsets(%dma_start3A_235 : memref<128xi32, #tpu.memory_space<vmem>>) semaphore(%arg16 : memref<!tpu.dma_semaphore, #tpu.memory_space<semaphore_mem>>)
      %dma_wait3A_239 = arith.constant 0 : i32
      %dma_wait3A_240 = arith.constant 0 : i32
      %dma_wait3A_241 = tpu.memref_slice %arg9[%dma_wait3A_239, %dma_wait3A_240] : memref<79x128xi32, #tpu.memory_space<vmem>> -> memref<1x128xi32, #tpu.memory_space<vmem>>
      %dma_wait3A_242 = tpu.memref_squeeze %dma_wait3A_241 : memref<1x128xi32, #tpu.memory_space<vmem>> -> memref<128xi32, #tpu.memory_space<vmem>>
      %dma_wait3A_243 = arith.constant 0 : i32
      %dma_wait3A_244 = arith.constant 0 : i32
      %dma_wait3A_245 = tpu.memref_slice %arg7[%dma_wait3A_243, %dma_wait3A_244] : memref<10016x16xf32, #tpu.memory_space<vmem_shared>> -> memref<10016x16xf32, #tpu.memory_space<vmem_shared>>
      tpu.wait_indirect_dma semaphore(%arg21 : memref<!tpu.dma_semaphore, #tpu.memory_space<semaphore_mem>>) src(%arg13 : memref<128x16xf32, #tpu.memory_space<vmem>>) dst(%dma_wait3A_245 : memref<10016x16xf32, #tpu.memory_space<vmem_shared>>)
      %add3A_246 = arith.constant 4 : i32
      %add3A_247 = arith.addi %mul3A_127, %add3A_246 : i32
      %add3A_248 = arith.constant 3 : i32
      %add3A_249 = arith.addi %add3A_247, %add3A_248 : i32
      %dma_start3A_250 = arith.constant 0 : i32
      %dma_start3A_251 = tpu.memref_slice %arg8[%add3A_249, %dma_start3A_250] : memref<79x128xi32, #tpu.memory_space<vmem>> -> memref<1x128xi32, #tpu.memory_space<vmem>>
      %dma_start3A_252 = tpu.memref_squeeze %dma_start3A_251 : memref<1x128xi32, #tpu.memory_space<vmem>> -> memref<128xi32, #tpu.memory_space<vmem>>
      %dma_start3A_253 = arith.constant 0 : i32
      %dma_start3A_254 = arith.constant 0 : i32
      %dma_start3A_255 = tpu.memref_slice %arg2[%dma_start3A_253, %dma_start3A_254] : memref<10000x16xf32, #tpu.memory_space<hbm>> -> memref<10000x16xf32, #tpu.memory_space<hbm>>
      tpu.enqueue_indirect_dma source(%dma_start3A_255 : memref<10000x16xf32, #tpu.memory_space<hbm>>) target(%arg13 : memref<128x16xf32, #tpu.memory_space<vmem>>) offsets(%dma_start3A_252 : memref<128xi32, #tpu.memory_space<vmem>>) semaphore(%arg17 : memref<!tpu.dma_semaphore, #tpu.memory_space<semaphore_mem>>)
    }
    %scan3A_36 = arith.constant 18 : i32
    %dma_wait3A = arith.constant 0 : i32
    %dma_wait3A_37 = arith.constant 0 : i32
    %dma_wait3A_38 = tpu.memref_slice %arg8[%dma_wait3A, %dma_wait3A_37] : memref<79x128xi32, #tpu.memory_space<vmem>> -> memref<1x128xi32, #tpu.memory_space<vmem>>
    %dma_wait3A_39 = tpu.memref_squeeze %dma_wait3A_38 : memref<1x128xi32, #tpu.memory_space<vmem>> -> memref<128xi32, #tpu.memory_space<vmem>>
    %dma_wait3A_40 = arith.constant 0 : i32
    %dma_wait3A_41 = arith.constant 0 : i32
    %dma_wait3A_42 = tpu.memref_slice %arg2[%dma_wait3A_40, %dma_wait3A_41] : memref<10000x16xf32, #tpu.memory_space<hbm>> -> memref<10000x16xf32, #tpu.memory_space<hbm>>
    tpu.wait_indirect_dma semaphore(%arg14 : memref<!tpu.dma_semaphore, #tpu.memory_space<semaphore_mem>>) src(%dma_wait3A_42 : memref<10000x16xf32, #tpu.memory_space<hbm>>) dst(%arg10 : memref<128x16xf32, #tpu.memory_space<vmem>>)
    %dma_start3A_43 = arith.constant 75 : i32
    %dma_start3A_44 = arith.constant 0 : i32
    %dma_start3A_45 = tpu.memref_slice %arg9[%dma_start3A_43, %dma_start3A_44] : memref<79x128xi32, #tpu.memory_space<vmem>> -> memref<1x128xi32, #tpu.memory_space<vmem>>
    %dma_start3A_46 = tpu.memref_squeeze %dma_start3A_45 : memref<1x128xi32, #tpu.memory_space<vmem>> -> memref<128xi32, #tpu.memory_space<vmem>>
    %dma_start3A_47 = arith.constant 0 : i32
    %dma_start3A_48 = arith.constant 0 : i32
    %dma_start3A_49 = tpu.memref_slice %arg7[%dma_start3A_47, %dma_start3A_48] : memref<10016x16xf32, #tpu.memory_space<vmem_shared>> -> memref<10016x16xf32, #tpu.memory_space<vmem_shared>>
    tpu.enqueue_indirect_dma source(%arg10 : memref<128x16xf32, #tpu.memory_space<vmem>>) target(%dma_start3A_49 : memref<10016x16xf32, #tpu.memory_space<vmem_shared>>) offsets(%dma_start3A_46 : memref<128xi32, #tpu.memory_space<vmem>>) semaphore(%arg18 : memref<!tpu.dma_semaphore, #tpu.memory_space<semaphore_mem>>) {add = true}
    %dma_wait3A_50 = arith.constant 0 : i32
    %dma_wait3A_51 = arith.constant 0 : i32
    %dma_wait3A_52 = tpu.memref_slice %arg8[%dma_wait3A_50, %dma_wait3A_51] : memref<79x128xi32, #tpu.memory_space<vmem>> -> memref<1x128xi32, #tpu.memory_space<vmem>>
    %dma_wait3A_53 = tpu.memref_squeeze %dma_wait3A_52 : memref<1x128xi32, #tpu.memory_space<vmem>> -> memref<128xi32, #tpu.memory_space<vmem>>
    %dma_wait3A_54 = arith.constant 0 : i32
    %dma_wait3A_55 = arith.constant 0 : i32
    %dma_wait3A_56 = tpu.memref_slice %arg2[%dma_wait3A_54, %dma_wait3A_55] : memref<10000x16xf32, #tpu.memory_space<hbm>> -> memref<10000x16xf32, #tpu.memory_space<hbm>>
    tpu.wait_indirect_dma semaphore(%arg15 : memref<!tpu.dma_semaphore, #tpu.memory_space<semaphore_mem>>) src(%dma_wait3A_56 : memref<10000x16xf32, #tpu.memory_space<hbm>>) dst(%arg11 : memref<128x16xf32, #tpu.memory_space<vmem>>)
    %dma_start3A_57 = arith.constant 76 : i32
    %dma_start3A_58 = arith.constant 0 : i32
    %dma_start3A_59 = tpu.memref_slice %arg9[%dma_start3A_57, %dma_start3A_58] : memref<79x128xi32, #tpu.memory_space<vmem>> -> memref<1x128xi32, #tpu.memory_space<vmem>>
    %dma_start3A_60 = tpu.memref_squeeze %dma_start3A_59 : memref<1x128xi32, #tpu.memory_space<vmem>> -> memref<128xi32, #tpu.memory_space<vmem>>
    %dma_start3A_61 = arith.constant 0 : i32
    %dma_start3A_62 = arith.constant 0 : i32
    %dma_start3A_63 = tpu.memref_slice %arg7[%dma_start3A_61, %dma_start3A_62] : memref<10016x16xf32, #tpu.memory_space<vmem_shared>> -> memref<10016x16xf32, #tpu.memory_space<vmem_shared>>
    tpu.enqueue_indirect_dma source(%arg11 : memref<128x16xf32, #tpu.memory_space<vmem>>) target(%dma_start3A_63 : memref<10016x16xf32, #tpu.memory_space<vmem_shared>>) offsets(%dma_start3A_60 : memref<128xi32, #tpu.memory_space<vmem>>) semaphore(%arg19 : memref<!tpu.dma_semaphore, #tpu.memory_space<semaphore_mem>>) {add = true}
    %dma_wait3A_64 = arith.constant 0 : i32
    %dma_wait3A_65 = arith.constant 0 : i32
    %dma_wait3A_66 = tpu.memref_slice %arg8[%dma_wait3A_64, %dma_wait3A_65] : memref<79x128xi32, #tpu.memory_space<vmem>> -> memref<1x128xi32, #tpu.memory_space<vmem>>
    %dma_wait3A_67 = tpu.memref_squeeze %dma_wait3A_66 : memref<1x128xi32, #tpu.memory_space<vmem>> -> memref<128xi32, #tpu.memory_space<vmem>>
    %dma_wait3A_68 = arith.constant 0 : i32
    %dma_wait3A_69 = arith.constant 0 : i32
    %dma_wait3A_70 = tpu.memref_slice %arg2[%dma_wait3A_68, %dma_wait3A_69] : memref<10000x16xf32, #tpu.memory_space<hbm>> -> memref<10000x16xf32, #tpu.memory_space<hbm>>
    tpu.wait_indirect_dma semaphore(%arg16 : memref<!tpu.dma_semaphore, #tpu.memory_space<semaphore_mem>>) src(%dma_wait3A_70 : memref<10000x16xf32, #tpu.memory_space<hbm>>) dst(%arg12 : memref<128x16xf32, #tpu.memory_space<vmem>>)
    %dma_start3A_71 = arith.constant 77 : i32
    %dma_start3A_72 = arith.constant 0 : i32
    %dma_start3A_73 = tpu.memref_slice %arg9[%dma_start3A_71, %dma_start3A_72] : memref<79x128xi32, #tpu.memory_space<vmem>> -> memref<1x128xi32, #tpu.memory_space<vmem>>
    %dma_start3A_74 = tpu.memref_squeeze %dma_start3A_73 : memref<1x128xi32, #tpu.memory_space<vmem>> -> memref<128xi32, #tpu.memory_space<vmem>>
    %dma_start3A_75 = arith.constant 0 : i32
    %dma_start3A_76 = arith.constant 0 : i32
    %dma_start3A_77 = tpu.memref_slice %arg7[%dma_start3A_75, %dma_start3A_76] : memref<10016x16xf32, #tpu.memory_space<vmem_shared>> -> memref<10016x16xf32, #tpu.memory_space<vmem_shared>>
    tpu.enqueue_indirect_dma source(%arg12 : memref<128x16xf32, #tpu.memory_space<vmem>>) target(%dma_start3A_77 : memref<10016x16xf32, #tpu.memory_space<vmem_shared>>) offsets(%dma_start3A_74 : memref<128xi32, #tpu.memory_space<vmem>>) semaphore(%arg20 : memref<!tpu.dma_semaphore, #tpu.memory_space<semaphore_mem>>) {add = true}
    %dma_wait3A_78 = arith.constant 0 : i32
    %dma_wait3A_79 = arith.constant 0 : i32
    %dma_wait3A_80 = tpu.memref_slice %arg8[%dma_wait3A_78, %dma_wait3A_79] : memref<79x128xi32, #tpu.memory_space<vmem>> -> memref<1x128xi32, #tpu.memory_space<vmem>>
    %dma_wait3A_81 = tpu.memref_squeeze %dma_wait3A_80 : memref<1x128xi32, #tpu.memory_space<vmem>> -> memref<128xi32, #tpu.memory_space<vmem>>
    %dma_wait3A_82 = arith.constant 0 : i32
    %dma_wait3A_83 = arith.constant 0 : i32
    %dma_wait3A_84 = tpu.memref_slice %arg2[%dma_wait3A_82, %dma_wait3A_83] : memref<10000x16xf32, #tpu.memory_space<hbm>> -> memref<10000x16xf32, #tpu.memory_space<hbm>>
    tpu.wait_indirect_dma semaphore(%arg17 : memref<!tpu.dma_semaphore, #tpu.memory_space<semaphore_mem>>) src(%dma_wait3A_84 : memref<10000x16xf32, #tpu.memory_space<hbm>>) dst(%arg13 : memref<128x16xf32, #tpu.memory_space<vmem>>)
    %dma_start3A_85 = arith.constant 78 : i32
    %dma_start3A_86 = arith.constant 0 : i32
    %dma_start3A_87 = tpu.memref_slice %arg9[%dma_start3A_85, %dma_start3A_86] : memref<79x128xi32, #tpu.memory_space<vmem>> -> memref<1x128xi32, #tpu.memory_space<vmem>>
    %dma_start3A_88 = tpu.memref_squeeze %dma_start3A_87 : memref<1x128xi32, #tpu.memory_space<vmem>> -> memref<128xi32, #tpu.memory_space<vmem>>
    %dma_start3A_89 = arith.constant 0 : i32
    %dma_start3A_90 = arith.constant 0 : i32
    %dma_start3A_91 = tpu.memref_slice %arg7[%dma_start3A_89, %dma_start3A_90] : memref<10016x16xf32, #tpu.memory_space<vmem_shared>> -> memref<10016x16xf32, #tpu.memory_space<vmem_shared>>
    tpu.enqueue_indirect_dma source(%arg13 : memref<128x16xf32, #tpu.memory_space<vmem>>) target(%dma_start3A_91 : memref<10016x16xf32, #tpu.memory_space<vmem_shared>>) offsets(%dma_start3A_88 : memref<128xi32, #tpu.memory_space<vmem>>) semaphore(%arg21 : memref<!tpu.dma_semaphore, #tpu.memory_space<semaphore_mem>>) {add = true}
    %dma_wait3A_92 = arith.constant 0 : i32
    %dma_wait3A_93 = arith.constant 0 : i32
    %dma_wait3A_94 = tpu.memref_slice %arg9[%dma_wait3A_92, %dma_wait3A_93] : memref<79x128xi32, #tpu.memory_space<vmem>> -> memref<1x128xi32, #tpu.memory_space<vmem>>
    %dma_wait3A_95 = tpu.memref_squeeze %dma_wait3A_94 : memref<1x128xi32, #tpu.memory_space<vmem>> -> memref<128xi32, #tpu.memory_space<vmem>>
    %dma_wait3A_96 = arith.constant 0 : i32
    %dma_wait3A_97 = arith.constant 0 : i32
    %dma_wait3A_98 = tpu.memref_slice %arg7[%dma_wait3A_96, %dma_wait3A_97] : memref<10016x16xf32, #tpu.memory_space<vmem_shared>> -> memref<10016x16xf32, #tpu.memory_space<vmem_shared>>
    tpu.wait_indirect_dma semaphore(%arg18 : memref<!tpu.dma_semaphore, #tpu.memory_space<semaphore_mem>>) src(%arg10 : memref<128x16xf32, #tpu.memory_space<vmem>>) dst(%dma_wait3A_98 : memref<10016x16xf32, #tpu.memory_space<vmem_shared>>)
    %dma_wait3A_99 = arith.constant 0 : i32
    %dma_wait3A_100 = arith.constant 0 : i32
    %dma_wait3A_101 = tpu.memref_slice %arg9[%dma_wait3A_99, %dma_wait3A_100] : memref<79x128xi32, #tpu.memory_space<vmem>> -> memref<1x128xi32, #tpu.memory_space<vmem>>
    %dma_wait3A_102 = tpu.memref_squeeze %dma_wait3A_101 : memref<1x128xi32, #tpu.memory_space<vmem>> -> memref<128xi32, #tpu.memory_space<vmem>>
    %dma_wait3A_103 = arith.constant 0 : i32
    %dma_wait3A_104 = arith.constant 0 : i32
    %dma_wait3A_105 = tpu.memref_slice %arg7[%dma_wait3A_103, %dma_wait3A_104] : memref<10016x16xf32, #tpu.memory_space<vmem_shared>> -> memref<10016x16xf32, #tpu.memory_space<vmem_shared>>
    tpu.wait_indirect_dma semaphore(%arg19 : memref<!tpu.dma_semaphore, #tpu.memory_space<semaphore_mem>>) src(%arg11 : memref<128x16xf32, #tpu.memory_space<vmem>>) dst(%dma_wait3A_105 : memref<10016x16xf32, #tpu.memory_space<vmem_shared>>)
    %dma_wait3A_106 = arith.constant 0 : i32
    %dma_wait3A_107 = arith.constant 0 : i32
    %dma_wait3A_108 = tpu.memref_slice %arg9[%dma_wait3A_106, %dma_wait3A_107] : memref<79x128xi32, #tpu.memory_space<vmem>> -> memref<1x128xi32, #tpu.memory_space<vmem>>
    %dma_wait3A_109 = tpu.memref_squeeze %dma_wait3A_108 : memref<1x128xi32, #tpu.memory_space<vmem>> -> memref<128xi32, #tpu.memory_space<vmem>>
    %dma_wait3A_110 = arith.constant 0 : i32
    %dma_wait3A_111 = arith.constant 0 : i32
    %dma_wait3A_112 = tpu.memref_slice %arg7[%dma_wait3A_110, %dma_wait3A_111] : memref<10016x16xf32, #tpu.memory_space<vmem_shared>> -> memref<10016x16xf32, #tpu.memory_space<vmem_shared>>
    tpu.wait_indirect_dma semaphore(%arg20 : memref<!tpu.dma_semaphore, #tpu.memory_space<semaphore_mem>>) src(%arg12 : memref<128x16xf32, #tpu.memory_space<vmem>>) dst(%dma_wait3A_112 : memref<10016x16xf32, #tpu.memory_space<vmem_shared>>)
    %dma_wait3A_113 = arith.constant 0 : i32
    %dma_wait3A_114 = arith.constant 0 : i32
    %dma_wait3A_115 = tpu.memref_slice %arg9[%dma_wait3A_113, %dma_wait3A_114] : memref<79x128xi32, #tpu.memory_space<vmem>> -> memref<1x128xi32, #tpu.memory_space<vmem>>
    %dma_wait3A_116 = tpu.memref_squeeze %dma_wait3A_115 : memref<1x128xi32, #tpu.memory_space<vmem>> -> memref<128xi32, #tpu.memory_space<vmem>>
    %dma_wait3A_117 = arith.constant 0 : i32
    %dma_wait3A_118 = arith.constant 0 : i32
    %dma_wait3A_119 = tpu.memref_slice %arg7[%dma_wait3A_117, %dma_wait3A_118] : memref<10016x16xf32, #tpu.memory_space<vmem_shared>> -> memref<10016x16xf32, #tpu.memory_space<vmem_shared>>
    tpu.wait_indirect_dma semaphore(%arg21 : memref<!tpu.dma_semaphore, #tpu.memory_space<semaphore_mem>>) src(%arg13 : memref<128x16xf32, #tpu.memory_space<vmem>>) dst(%dma_wait3A_119 : memref<10016x16xf32, #tpu.memory_space<vmem_shared>>)
    %barrier3A_120 = arith.constant 0 : index
    tpu.barrier barrier_id(%barrier3A_120)
    %mul3A_121 = arith.constant 626 : i32
    %mul3A_122 = arith.muli %arg1, %mul3A_121 : i32
    %mul3A_123 = arith.constant 626 : i32
    %mul3A_124 = arith.muli %arg1, %mul3A_123 : i32
    "tpu.region"() ({
      %run_scoped3A = tpu.sem_alloc : memref<!tpu.dma_semaphore, #tpu.memory_space<semaphore_mem>>
      %dma_start3A_125 = arith.constant 0 : i32
      %dma_start3A_126 = tpu.memref_slice %arg6[%arg0, %mul3A_124, %dma_start3A_125] : memref<2x10016x16xf32, #tpu.memory_space<hbm>> -> memref<1x626x16xf32, #tpu.memory_space<hbm>>
      %dma_start3A_127 = tpu.memref_squeeze %dma_start3A_126 : memref<1x626x16xf32, #tpu.memory_space<hbm>> -> memref<626x16xf32, #tpu.memory_space<hbm>>
      %dma_start3A_128 = arith.constant 0 : i32
      %dma_start3A_129 = tpu.memref_slice %arg7[%mul3A_122, %dma_start3A_128] : memref<10016x16xf32, #tpu.memory_space<vmem_shared>> -> memref<626x16xf32, #tpu.memory_space<vmem_shared>>
      tpu.enqueue_dma source(%dma_start3A_129 : memref<626x16xf32, #tpu.memory_space<vmem_shared>>) target(%dma_start3A_127 : memref<626x16xf32, #tpu.memory_space<hbm>>) target_semaphore(%run_scoped3A : memref<!tpu.dma_semaphore, #tpu.memory_space<semaphore_mem>>)
      %dma_wait3A_130 = arith.constant 0 : i32
      %dma_wait3A_131 = tpu.memref_slice %arg6[%arg0, %mul3A_124, %dma_wait3A_130] : memref<2x10016x16xf32, #tpu.memory_space<hbm>> -> memref<1x626x16xf32, #tpu.memory_space<hbm>>
      %dma_wait3A_132 = tpu.memref_squeeze %dma_wait3A_131 : memref<1x626x16xf32, #tpu.memory_space<hbm>> -> memref<626x16xf32, #tpu.memory_space<hbm>>
      %dma_wait3A_133 = arith.constant 0 : i32
      %dma_wait3A_134 = tpu.memref_slice %arg7[%mul3A_122, %dma_wait3A_133] : memref<10016x16xf32, #tpu.memory_space<vmem_shared>> -> memref<626x16xf32, #tpu.memory_space<vmem_shared>>
      tpu.wait_dma2 semaphore(%run_scoped3A : memref<!tpu.dma_semaphore, #tpu.memory_space<semaphore_mem>>) src(%dma_wait3A_134 : memref<626x16xf32, #tpu.memory_space<vmem_shared>>) dst(%dma_wait3A_132 : memref<626x16xf32, #tpu.memory_space<hbm>>)
      tpu.yield
    }) : () -> ()
    return
  }
}

module attributes {stable_mosaic.version = 14 : i64} {
  func.func @_pre_body(%arg0: memref<10000x128xf32, #tpu.memory_space<vmem>>, %arg1: memref<128x16xf32, #tpu.memory_space<vmem>>, %arg2: memref<1x128xf32, #tpu.memory_space<vmem>>, %arg3: memref<128x128xf32, #tpu.memory_space<vmem>>, %arg4: memref<1x128xf32, #tpu.memory_space<vmem>>, %arg5: memref<128x128xf32, #tpu.memory_space<vmem>>, %arg6: memref<1x128xf32, #tpu.memory_space<vmem>>, %arg7: memref<1250x128xf32, #tpu.memory_space<vmem>>, %arg8: memref<1250x128xf32, #tpu.memory_space<vmem>>) attributes {dimension_semantics = [], scalar_prefetch = 0 : i64, scratch_operands = 0 : i64, tpu.core_type = #tpu.core_type<tc>} {
    %get3A = arith.constant 0 : index
    %get3A_0 = arith.constant 0 : index
    %get3A_1 = vector.load %arg0[%get3A, %get3A_0] : memref<10000x128xf32, #tpu.memory_space<vmem>>, vector<10000x128xf32>
    %reshape3A = vector.shape_cast %get3A_1 : vector<10000x128xf32> to vector<1250x8x128xf32>
    %get3A_2 = arith.constant 0 : index
    %get3A_3 = arith.constant 0 : index
    %get3A_4 = vector.load %arg1[%get3A_2, %get3A_3] : memref<128x16xf32, #tpu.memory_space<vmem>>, vector<128x16xf32>
    %slice3A = vector.extract_strided_slice %reshape3A {offsets = [0, 0, 0], sizes = [1250, 1, 128], strides = [1, 1, 1]} : vector<1250x8x128xf32> to vector<1250x1x128xf32>
    %squeeze3A = vector.shape_cast %slice3A : vector<1250x1x128xf32> to vector<1250x128xf32>
    %dot_general3A = arith.constant dense<0.000000e+00> : vector<1250x16xf32>
    %dot_general3A_5 = tpu.matmul %squeeze3A, %get3A_4, %dot_general3A {dimension_numbers = #tpu.dot_dimension_numbers<[1], [0], [0], [1], [0, 0, 1, 1], [], []>, transpose_lhs_hint = false} : vector<1250x128xf32>, vector<128x16xf32>, vector<1250x16xf32> -> vector<1250x16xf32>
    %slice3A_6 = vector.extract_strided_slice %reshape3A {offsets = [0, 1, 0], sizes = [1250, 1, 128], strides = [1, 1, 1]} : vector<1250x8x128xf32> to vector<1250x1x128xf32>
    %squeeze3A_7 = vector.shape_cast %slice3A_6 : vector<1250x1x128xf32> to vector<1250x128xf32>
    %dot_general3A_8 = arith.constant dense<0.000000e+00> : vector<1250x16xf32>
    %dot_general3A_9 = tpu.matmul %squeeze3A_7, %get3A_4, %dot_general3A_8 {dimension_numbers = #tpu.dot_dimension_numbers<[1], [0], [0], [1], [0, 0, 1, 1], [], []>, transpose_lhs_hint = false} : vector<1250x128xf32>, vector<128x16xf32>, vector<1250x16xf32> -> vector<1250x16xf32>
    %slice3A_10 = vector.extract_strided_slice %reshape3A {offsets = [0, 2, 0], sizes = [1250, 1, 128], strides = [1, 1, 1]} : vector<1250x8x128xf32> to vector<1250x1x128xf32>
    %squeeze3A_11 = vector.shape_cast %slice3A_10 : vector<1250x1x128xf32> to vector<1250x128xf32>
    %dot_general3A_12 = arith.constant dense<0.000000e+00> : vector<1250x16xf32>
    %dot_general3A_13 = tpu.matmul %squeeze3A_11, %get3A_4, %dot_general3A_12 {dimension_numbers = #tpu.dot_dimension_numbers<[1], [0], [0], [1], [0, 0, 1, 1], [], []>, transpose_lhs_hint = false} : vector<1250x128xf32>, vector<128x16xf32>, vector<1250x16xf32> -> vector<1250x16xf32>
    %slice3A_14 = vector.extract_strided_slice %reshape3A {offsets = [0, 3, 0], sizes = [1250, 1, 128], strides = [1, 1, 1]} : vector<1250x8x128xf32> to vector<1250x1x128xf32>
    %squeeze3A_15 = vector.shape_cast %slice3A_14 : vector<1250x1x128xf32> to vector<1250x128xf32>
    %dot_general3A_16 = arith.constant dense<0.000000e+00> : vector<1250x16xf32>
    %dot_general3A_17 = tpu.matmul %squeeze3A_15, %get3A_4, %dot_general3A_16 {dimension_numbers = #tpu.dot_dimension_numbers<[1], [0], [0], [1], [0, 0, 1, 1], [], []>, transpose_lhs_hint = false} : vector<1250x128xf32>, vector<128x16xf32>, vector<1250x16xf32> -> vector<1250x16xf32>
    %slice3A_18 = vector.extract_strided_slice %reshape3A {offsets = [0, 4, 0], sizes = [1250, 1, 128], strides = [1, 1, 1]} : vector<1250x8x128xf32> to vector<1250x1x128xf32>
    %squeeze3A_19 = vector.shape_cast %slice3A_18 : vector<1250x1x128xf32> to vector<1250x128xf32>
    %dot_general3A_20 = arith.constant dense<0.000000e+00> : vector<1250x16xf32>
    %dot_general3A_21 = tpu.matmul %squeeze3A_19, %get3A_4, %dot_general3A_20 {dimension_numbers = #tpu.dot_dimension_numbers<[1], [0], [0], [1], [0, 0, 1, 1], [], []>, transpose_lhs_hint = false} : vector<1250x128xf32>, vector<128x16xf32>, vector<1250x16xf32> -> vector<1250x16xf32>
    %slice3A_22 = vector.extract_strided_slice %reshape3A {offsets = [0, 5, 0], sizes = [1250, 1, 128], strides = [1, 1, 1]} : vector<1250x8x128xf32> to vector<1250x1x128xf32>
    %squeeze3A_23 = vector.shape_cast %slice3A_22 : vector<1250x1x128xf32> to vector<1250x128xf32>
    %dot_general3A_24 = arith.constant dense<0.000000e+00> : vector<1250x16xf32>
    %dot_general3A_25 = tpu.matmul %squeeze3A_23, %get3A_4, %dot_general3A_24 {dimension_numbers = #tpu.dot_dimension_numbers<[1], [0], [0], [1], [0, 0, 1, 1], [], []>, transpose_lhs_hint = false} : vector<1250x128xf32>, vector<128x16xf32>, vector<1250x16xf32> -> vector<1250x16xf32>
    %slice3A_26 = vector.extract_strided_slice %reshape3A {offsets = [0, 6, 0], sizes = [1250, 1, 128], strides = [1, 1, 1]} : vector<1250x8x128xf32> to vector<1250x1x128xf32>
    %squeeze3A_27 = vector.shape_cast %slice3A_26 : vector<1250x1x128xf32> to vector<1250x128xf32>
    %dot_general3A_28 = arith.constant dense<0.000000e+00> : vector<1250x16xf32>
    %dot_general3A_29 = tpu.matmul %squeeze3A_27, %get3A_4, %dot_general3A_28 {dimension_numbers = #tpu.dot_dimension_numbers<[1], [0], [0], [1], [0, 0, 1, 1], [], []>, transpose_lhs_hint = false} : vector<1250x128xf32>, vector<128x16xf32>, vector<1250x16xf32> -> vector<1250x16xf32>
    %slice3A_30 = vector.extract_strided_slice %reshape3A {offsets = [0, 7, 0], sizes = [1250, 1, 128], strides = [1, 1, 1]} : vector<1250x8x128xf32> to vector<1250x1x128xf32>
    %squeeze3A_31 = vector.shape_cast %slice3A_30 : vector<1250x1x128xf32> to vector<1250x128xf32>
    %dot_general3A_32 = arith.constant dense<0.000000e+00> : vector<1250x16xf32>
    %dot_general3A_33 = tpu.matmul %squeeze3A_31, %get3A_4, %dot_general3A_32 {dimension_numbers = #tpu.dot_dimension_numbers<[1], [0], [0], [1], [0, 0, 1, 1], [], []>, transpose_lhs_hint = false} : vector<1250x128xf32>, vector<128x16xf32>, vector<1250x16xf32> -> vector<1250x16xf32>
    %concatenate3A = tpu.concatenate %dot_general3A_5, %dot_general3A_9, %dot_general3A_13, %dot_general3A_17, %dot_general3A_21, %dot_general3A_25, %dot_general3A_29, %dot_general3A_33 in 1 : vector<1250x16xf32>, vector<1250x16xf32>, vector<1250x16xf32>, vector<1250x16xf32>, vector<1250x16xf32>, vector<1250x16xf32>, vector<1250x16xf32>, vector<1250x16xf32> -> vector<1250x128xf32>
    %get3A_34 = arith.constant 0 : index
    %get3A_35 = arith.constant 0 : index
    %get3A_36 = vector.load %arg2[%get3A_34, %get3A_35] : memref<1x128xf32, #tpu.memory_space<vmem>>, vector<1x128xf32>
    %add3A = vector.broadcast %get3A_36 : vector<1x128xf32> to vector<1250x128xf32>
    %add3A_37 = arith.addf %concatenate3A, %add3A : vector<1250x128xf32>
    %mul3A = arith.constant 0.999500393 : f32
    %mul3A_38 = vector.broadcast %mul3A : f32 to vector<1250x128xf32>
    %mul3A_39 = arith.mulf %mul3A_38, %add3A_37 : vector<1250x128xf32>
    %logistic3A = arith.negf %mul3A_39 : vector<1250x128xf32>
    %logistic3A_40 = math.exp %logistic3A : vector<1250x128xf32>
    %logistic3A_41 = arith.constant 1.000000e+00 : f32
    %logistic3A_42 = vector.broadcast %logistic3A_41 : f32 to vector<1250x128xf32>
    %logistic3A_43 = arith.addf %logistic3A_42, %logistic3A_40 : vector<1250x128xf32>
    %logistic3A_44 = arith.divf %logistic3A_42, %logistic3A_43 : vector<1250x128xf32>
    %get3A_45 = arith.constant 0 : index
    %get3A_46 = arith.constant 0 : index
    %get3A_47 = vector.load %arg3[%get3A_45, %get3A_46] : memref<128x128xf32, #tpu.memory_space<vmem>>, vector<128x128xf32>
    %dot_general3A_48 = arith.constant dense<0.000000e+00> : vector<1250x128xf32>
    %dot_general3A_49 = tpu.matmul %logistic3A_44, %get3A_47, %dot_general3A_48 {dimension_numbers = #tpu.dot_dimension_numbers<[1], [0], [0], [1], [0, 0, 1, 1], [], []>, transpose_lhs_hint = false} : vector<1250x128xf32>, vector<128x128xf32>, vector<1250x128xf32> -> vector<1250x128xf32>
    %get3A_50 = arith.constant 0 : index
    %get3A_51 = arith.constant 0 : index
    %get3A_52 = vector.load %arg4[%get3A_50, %get3A_51] : memref<1x128xf32, #tpu.memory_space<vmem>>, vector<1x128xf32>
    %add3A_53 = vector.broadcast %get3A_52 : vector<1x128xf32> to vector<1250x128xf32>
    %add3A_54 = arith.addf %dot_general3A_49, %add3A_53 : vector<1250x128xf32>
    %mul3A_55 = arith.constant 0.999500393 : f32
    %mul3A_56 = vector.broadcast %mul3A_55 : f32 to vector<1250x128xf32>
    %mul3A_57 = arith.mulf %mul3A_56, %add3A_54 : vector<1250x128xf32>
    %logistic3A_58 = arith.negf %mul3A_57 : vector<1250x128xf32>
    %logistic3A_59 = math.exp %logistic3A_58 : vector<1250x128xf32>
    %logistic3A_60 = arith.constant 1.000000e+00 : f32
    %logistic3A_61 = vector.broadcast %logistic3A_60 : f32 to vector<1250x128xf32>
    %logistic3A_62 = arith.addf %logistic3A_61, %logistic3A_59 : vector<1250x128xf32>
    %logistic3A_63 = arith.divf %logistic3A_61, %logistic3A_62 : vector<1250x128xf32>
    %swap3A = arith.constant 0 : index
    %swap3A_64 = arith.constant 0 : index
    %swap3A_65 = vector.load %arg7[%swap3A, %swap3A_64] : memref<1250x128xf32, #tpu.memory_space<vmem>>, vector<1250x128xf32>
    tpu.vector_store %arg7[%swap3A, %swap3A_64], %logistic3A_63 {strides = array<i32>} : memref<1250x128xf32, #tpu.memory_space<vmem>>, vector<1250x128xf32>,
    %get3A_66 = arith.constant 0 : index
    %get3A_67 = arith.constant 0 : index
    %get3A_68 = vector.load %arg5[%get3A_66, %get3A_67] : memref<128x128xf32, #tpu.memory_space<vmem>>, vector<128x128xf32>
    %dot_general3A_69 = arith.constant dense<0.000000e+00> : vector<1250x128xf32>
    %dot_general3A_70 = tpu.matmul %logistic3A_63, %get3A_68, %dot_general3A_69 {dimension_numbers = #tpu.dot_dimension_numbers<[1], [0], [0], [1], [0, 0, 1, 1], [], []>, transpose_lhs_hint = false} : vector<1250x128xf32>, vector<128x128xf32>, vector<1250x128xf32> -> vector<1250x128xf32>
    %get3A_71 = arith.constant 0 : index
    %get3A_72 = arith.constant 0 : index
    %get3A_73 = vector.load %arg6[%get3A_71, %get3A_72] : memref<1x128xf32, #tpu.memory_space<vmem>>, vector<1x128xf32>
    %add3A_74 = vector.broadcast %get3A_73 : vector<1x128xf32> to vector<1250x128xf32>
    %add3A_75 = arith.addf %dot_general3A_70, %add3A_74 : vector<1250x128xf32>
    %swap3A_76 = arith.constant 0 : index
    %swap3A_77 = arith.constant 0 : index
    %swap3A_78 = vector.load %arg8[%swap3A_76, %swap3A_77] : memref<1250x128xf32, #tpu.memory_space<vmem>>, vector<1250x128xf32>
    tpu.vector_store %arg8[%swap3A_76, %swap3A_77], %add3A_75 {strides = array<i32>} : memref<1250x128xf32, #tpu.memory_space<vmem>>, vector<1250x128xf32>,
    return
  }
}

module attributes {stable_mosaic.version = 14 : i64} {
  func.func @body(%arg0: memref<2x1252x128xf32, #tpu.memory_space<vmem>>, %arg1: memref<1250x128xf32, #tpu.memory_space<vmem>>, %arg2: memref<128x128xf32, #tpu.memory_space<vmem>>, %arg3: memref<128x128xf32, #tpu.memory_space<vmem>>, %arg4: memref<1x128xf32, #tpu.memory_space<vmem>>, %arg5: memref<1250x128xf32, #tpu.memory_space<vmem>>, %arg6: memref<1250x128xf32, #tpu.memory_space<vmem>>) attributes {dimension_semantics = [], scalar_prefetch = 0 : i64, scratch_operands = 0 : i64, tpu.core_type = #tpu.core_type<tc>} {
    %get3A = arith.constant 0 : index
    %get3A_0 = arith.constant 0 : index
    %get3A_1 = arith.constant 0 : index
    %get3A_2 = vector.load %arg0[%get3A, %get3A_0, %get3A_1] : memref<2x1252x128xf32, #tpu.memory_space<vmem>>, vector<1x1250x128xf32>
    %get3A_3 = vector.shape_cast %get3A_2 : vector<1x1250x128xf32> to vector<1250x128xf32>
    %get3A_4 = arith.constant 1 : index
    %get3A_5 = arith.constant 0 : index
    %get3A_6 = arith.constant 0 : index
    %get3A_7 = vector.load %arg0[%get3A_4, %get3A_5, %get3A_6] : memref<2x1252x128xf32, #tpu.memory_space<vmem>>, vector<1x1250x128xf32>
    %get3A_8 = vector.shape_cast %get3A_7 : vector<1x1250x128xf32> to vector<1250x128xf32>
    %add3A = arith.addf %get3A_3, %get3A_8 : vector<1250x128xf32>
    %mul3A = arith.constant 0.999500393 : f32
    %mul3A_9 = vector.broadcast %mul3A : f32 to vector<1250x128xf32>
    %mul3A_10 = arith.mulf %mul3A_9, %add3A : vector<1250x128xf32>
    %logistic3A = arith.negf %mul3A_10 : vector<1250x128xf32>
    %logistic3A_11 = math.exp %logistic3A : vector<1250x128xf32>
    %logistic3A_12 = arith.constant 1.000000e+00 : f32
    %logistic3A_13 = vector.broadcast %logistic3A_12 : f32 to vector<1250x128xf32>
    %logistic3A_14 = arith.addf %logistic3A_13, %logistic3A_11 : vector<1250x128xf32>
    %logistic3A_15 = arith.divf %logistic3A_13, %logistic3A_14 : vector<1250x128xf32>
    %swap3A = arith.constant 0 : index
    %swap3A_16 = arith.constant 0 : index
    %swap3A_17 = vector.load %arg5[%swap3A, %swap3A_16] : memref<1250x128xf32, #tpu.memory_space<vmem>>, vector<1250x128xf32>
    tpu.vector_store %arg5[%swap3A, %swap3A_16], %logistic3A_15 {strides = array<i32>} : memref<1250x128xf32, #tpu.memory_space<vmem>>, vector<1250x128xf32>,
    %get3A_18 = arith.constant 0 : index
    %get3A_19 = arith.constant 0 : index
    %get3A_20 = vector.load %arg2[%get3A_18, %get3A_19] : memref<128x128xf32, #tpu.memory_space<vmem>>, vector<128x128xf32>
    %dot_general3A = arith.constant dense<0.000000e+00> : vector<1250x128xf32>
    %dot_general3A_21 = tpu.matmul %logistic3A_15, %get3A_20, %dot_general3A {dimension_numbers = #tpu.dot_dimension_numbers<[1], [0], [0], [1], [0, 0, 1, 1], [], []>, transpose_lhs_hint = false} : vector<1250x128xf32>, vector<128x128xf32>, vector<1250x128xf32> -> vector<1250x128xf32>
    %get3A_22 = arith.constant 0 : index
    %get3A_23 = arith.constant 0 : index
    %get3A_24 = vector.load %arg4[%get3A_22, %get3A_23] : memref<1x128xf32, #tpu.memory_space<vmem>>, vector<1x128xf32>
    %add3A_25 = vector.broadcast %get3A_24 : vector<1x128xf32> to vector<1250x128xf32>
    %add3A_26 = arith.addf %dot_general3A_21, %add3A_25 : vector<1250x128xf32>
    %get3A_27 = arith.constant 0 : index
    %get3A_28 = arith.constant 0 : index
    %get3A_29 = vector.load %arg1[%get3A_27, %get3A_28] : memref<1250x128xf32, #tpu.memory_space<vmem>>, vector<1250x128xf32>
    %get3A_30 = arith.constant 0 : index
    %get3A_31 = arith.constant 0 : index
    %get3A_32 = vector.load %arg3[%get3A_30, %get3A_31] : memref<128x128xf32, #tpu.memory_space<vmem>>, vector<128x128xf32>
    %dot_general3A_33 = arith.constant dense<0.000000e+00> : vector<1250x128xf32>
    %dot_general3A_34 = tpu.matmul %get3A_29, %get3A_32, %dot_general3A_33 {dimension_numbers = #tpu.dot_dimension_numbers<[1], [0], [0], [1], [0, 0, 1, 1], [], []>, transpose_lhs_hint = false} : vector<1250x128xf32>, vector<128x128xf32>, vector<1250x128xf32> -> vector<1250x128xf32>
    %add3A_35 = arith.addf %add3A_26, %dot_general3A_34 : vector<1250x128xf32>
    %swap3A_36 = arith.constant 0 : index
    %swap3A_37 = arith.constant 0 : index
    %swap3A_38 = vector.load %arg6[%swap3A_36, %swap3A_37] : memref<1250x128xf32, #tpu.memory_space<vmem>>, vector<1250x128xf32>
    tpu.vector_store %arg6[%swap3A_36, %swap3A_37], %add3A_35 {strides = array<i32>} : memref<1250x128xf32, #tpu.memory_space<vmem>>, vector<1250x128xf32>,
    return
  }
}

module attributes {stable_mosaic.version = 14 : i64} {
  func.func @body(%arg0: memref<2x1252x128xf32, #tpu.memory_space<vmem>>, %arg1: memref<1250x128xf32, #tpu.memory_space<vmem>>, %arg2: memref<1250x128xf32, #tpu.memory_space<vmem>>, %arg3: memref<128x128xf32, #tpu.memory_space<vmem>>, %arg4: memref<128x128xf32, #tpu.memory_space<vmem>>, %arg5: memref<128x128xf32, #tpu.memory_space<vmem>>, %arg6: memref<1x128xf32, #tpu.memory_space<vmem>>, %arg7: memref<1250x128xf32, #tpu.memory_space<vmem>>, %arg8: memref<1250x128xf32, #tpu.memory_space<vmem>>) attributes {dimension_semantics = [], scalar_prefetch = 0 : i64, scratch_operands = 0 : i64, tpu.core_type = #tpu.core_type<tc>} {
    %get3A = arith.constant 0 : index
    %get3A_0 = arith.constant 0 : index
    %get3A_1 = arith.constant 0 : index
    %get3A_2 = vector.load %arg0[%get3A, %get3A_0, %get3A_1] : memref<2x1252x128xf32, #tpu.memory_space<vmem>>, vector<1x1250x128xf32>
    %get3A_3 = vector.shape_cast %get3A_2 : vector<1x1250x128xf32> to vector<1250x128xf32>
    %get3A_4 = arith.constant 1 : index
    %get3A_5 = arith.constant 0 : index
    %get3A_6 = arith.constant 0 : index
    %get3A_7 = vector.load %arg0[%get3A_4, %get3A_5, %get3A_6] : memref<2x1252x128xf32, #tpu.memory_space<vmem>>, vector<1x1250x128xf32>
    %get3A_8 = vector.shape_cast %get3A_7 : vector<1x1250x128xf32> to vector<1250x128xf32>
    %add3A = arith.addf %get3A_3, %get3A_8 : vector<1250x128xf32>
    %mul3A = arith.constant 0.999500393 : f32
    %mul3A_9 = vector.broadcast %mul3A : f32 to vector<1250x128xf32>
    %mul3A_10 = arith.mulf %mul3A_9, %add3A : vector<1250x128xf32>
    %logistic3A = arith.negf %mul3A_10 : vector<1250x128xf32>
    %logistic3A_11 = math.exp %logistic3A : vector<1250x128xf32>
    %logistic3A_12 = arith.constant 1.000000e+00 : f32
    %logistic3A_13 = vector.broadcast %logistic3A_12 : f32 to vector<1250x128xf32>
    %logistic3A_14 = arith.addf %logistic3A_13, %logistic3A_11 : vector<1250x128xf32>
    %logistic3A_15 = arith.divf %logistic3A_13, %logistic3A_14 : vector<1250x128xf32>
    %swap3A = arith.constant 0 : index
    %swap3A_16 = arith.constant 0 : index
    %swap3A_17 = vector.load %arg7[%swap3A, %swap3A_16] : memref<1250x128xf32, #tpu.memory_space<vmem>>, vector<1250x128xf32>
    tpu.vector_store %arg7[%swap3A, %swap3A_16], %logistic3A_15 {strides = array<i32>} : memref<1250x128xf32, #tpu.memory_space<vmem>>, vector<1250x128xf32>,
    %get3A_18 = arith.constant 0 : index
    %get3A_19 = arith.constant 0 : index
    %get3A_20 = vector.load %arg3[%get3A_18, %get3A_19] : memref<128x128xf32, #tpu.memory_space<vmem>>, vector<128x128xf32>
    %dot_general3A = arith.constant dense<0.000000e+00> : vector<1250x128xf32>
    %dot_general3A_21 = tpu.matmul %logistic3A_15, %get3A_20, %dot_general3A {dimension_numbers = #tpu.dot_dimension_numbers<[1], [0], [0], [1], [0, 0, 1, 1], [], []>, transpose_lhs_hint = false} : vector<1250x128xf32>, vector<128x128xf32>, vector<1250x128xf32> -> vector<1250x128xf32>
    %get3A_22 = arith.constant 0 : index
    %get3A_23 = arith.constant 0 : index
    %get3A_24 = vector.load %arg6[%get3A_22, %get3A_23] : memref<1x128xf32, #tpu.memory_space<vmem>>, vector<1x128xf32>
    %add3A_25 = vector.broadcast %get3A_24 : vector<1x128xf32> to vector<1250x128xf32>
    %add3A_26 = arith.addf %dot_general3A_21, %add3A_25 : vector<1250x128xf32>
    %get3A_27 = arith.constant 0 : index
    %get3A_28 = arith.constant 0 : index
    %get3A_29 = vector.load %arg1[%get3A_27, %get3A_28] : memref<1250x128xf32, #tpu.memory_space<vmem>>, vector<1250x128xf32>
    %get3A_30 = arith.constant 0 : index
    %get3A_31 = arith.constant 0 : index
    %get3A_32 = vector.load %arg4[%get3A_30, %get3A_31] : memref<128x128xf32, #tpu.memory_space<vmem>>, vector<128x128xf32>
    %dot_general3A_33 = arith.constant dense<0.000000e+00> : vector<1250x128xf32>
    %dot_general3A_34 = tpu.matmul %get3A_29, %get3A_32, %dot_general3A_33 {dimension_numbers = #tpu.dot_dimension_numbers<[1], [0], [0], [1], [0, 0, 1, 1], [], []>, transpose_lhs_hint = false} : vector<1250x128xf32>, vector<128x128xf32>, vector<1250x128xf32> -> vector<1250x128xf32>
    %add3A_35 = arith.addf %add3A_26, %dot_general3A_34 : vector<1250x128xf32>
    %get3A_36 = arith.constant 0 : index
    %get3A_37 = arith.constant 0 : index
    %get3A_38 = vector.load %arg2[%get3A_36, %get3A_37] : memref<1250x128xf32, #tpu.memory_space<vmem>>, vector<1250x128xf32>
    %get3A_39 = arith.constant 0 : index
    %get3A_40 = arith.constant 0 : index
    %get3A_41 = vector.load %arg5[%get3A_39, %get3A_40] : memref<128x128xf32, #tpu.memory_space<vmem>>, vector<128x128xf32>
    %dot_general3A_42 = arith.constant dense<0.000000e+00> : vector<1250x128xf32>
    %dot_general3A_43 = tpu.matmul %get3A_38, %get3A_41, %dot_general3A_42 {dimension_numbers = #tpu.dot_dimension_numbers<[1], [0], [0], [1], [0, 0, 1, 1], [], []>, transpose_lhs_hint = false} : vector<1250x128xf32>, vector<128x128xf32>, vector<1250x128xf32> -> vector<1250x128xf32>
    %add3A_44 = arith.addf %add3A_35, %dot_general3A_43 : vector<1250x128xf32>
    %swap3A_45 = arith.constant 0 : index
    %swap3A_46 = arith.constant 0 : index
    %swap3A_47 = vector.load %arg8[%swap3A_45, %swap3A_46] : memref<1250x128xf32, #tpu.memory_space<vmem>>, vector<1250x128xf32>
    tpu.vector_store %arg8[%swap3A_45, %swap3A_46], %add3A_44 {strides = array<i32>} : memref<1250x128xf32, #tpu.memory_space<vmem>>, vector<1250x128xf32>,
    return
  }
}

module attributes {stable_mosaic.version = 14 : i64} {
  func.func @body(%arg0: memref<2x1252x128xf32, #tpu.memory_space<vmem>>, %arg1: memref<1250x128xf32, #tpu.memory_space<vmem>>, %arg2: memref<1250x128xf32, #tpu.memory_space<vmem>>, %arg3: memref<1250x128xf32, #tpu.memory_space<vmem>>, %arg4: memref<128x128xf32, #tpu.memory_space<vmem>>, %arg5: memref<128x128xf32, #tpu.memory_space<vmem>>, %arg6: memref<128x128xf32, #tpu.memory_space<vmem>>, %arg7: memref<128x128xf32, #tpu.memory_space<vmem>>, %arg8: memref<1x128xf32, #tpu.memory_space<vmem>>, %arg9: memref<1250x128xf32, #tpu.memory_space<vmem>>, %arg10: memref<1250x128xf32, #tpu.memory_space<vmem>>) attributes {dimension_semantics = [], scalar_prefetch = 0 : i64, scratch_operands = 0 : i64, tpu.core_type = #tpu.core_type<tc>} {
    %get3A = arith.constant 0 : index
    %get3A_0 = arith.constant 0 : index
    %get3A_1 = arith.constant 0 : index
    %get3A_2 = vector.load %arg0[%get3A, %get3A_0, %get3A_1] : memref<2x1252x128xf32, #tpu.memory_space<vmem>>, vector<1x1250x128xf32>
    %get3A_3 = vector.shape_cast %get3A_2 : vector<1x1250x128xf32> to vector<1250x128xf32>
    %get3A_4 = arith.constant 1 : index
    %get3A_5 = arith.constant 0 : index
    %get3A_6 = arith.constant 0 : index
    %get3A_7 = vector.load %arg0[%get3A_4, %get3A_5, %get3A_6] : memref<2x1252x128xf32, #tpu.memory_space<vmem>>, vector<1x1250x128xf32>
    %get3A_8 = vector.shape_cast %get3A_7 : vector<1x1250x128xf32> to vector<1250x128xf32>
    %add3A = arith.addf %get3A_3, %get3A_8 : vector<1250x128xf32>
    %mul3A = arith.constant 0.999500393 : f32
    %mul3A_9 = vector.broadcast %mul3A : f32 to vector<1250x128xf32>
    %mul3A_10 = arith.mulf %mul3A_9, %add3A : vector<1250x128xf32>
    %logistic3A = arith.negf %mul3A_10 : vector<1250x128xf32>
    %logistic3A_11 = math.exp %logistic3A : vector<1250x128xf32>
    %logistic3A_12 = arith.constant 1.000000e+00 : f32
    %logistic3A_13 = vector.broadcast %logistic3A_12 : f32 to vector<1250x128xf32>
    %logistic3A_14 = arith.addf %logistic3A_13, %logistic3A_11 : vector<1250x128xf32>
    %logistic3A_15 = arith.divf %logistic3A_13, %logistic3A_14 : vector<1250x128xf32>
    %swap3A = arith.constant 0 : index
    %swap3A_16 = arith.constant 0 : index
    %swap3A_17 = vector.load %arg9[%swap3A, %swap3A_16] : memref<1250x128xf32, #tpu.memory_space<vmem>>, vector<1250x128xf32>
    tpu.vector_store %arg9[%swap3A, %swap3A_16], %logistic3A_15 {strides = array<i32>} : memref<1250x128xf32, #tpu.memory_space<vmem>>, vector<1250x128xf32>,
    %get3A_18 = arith.constant 0 : index
    %get3A_19 = arith.constant 0 : index
    %get3A_20 = vector.load %arg4[%get3A_18, %get3A_19] : memref<128x128xf32, #tpu.memory_space<vmem>>, vector<128x128xf32>
    %dot_general3A = arith.constant dense<0.000000e+00> : vector<1250x128xf32>
    %dot_general3A_21 = tpu.matmul %logistic3A_15, %get3A_20, %dot_general3A {dimension_numbers = #tpu.dot_dimension_numbers<[1], [0], [0], [1], [0, 0, 1, 1], [], []>, transpose_lhs_hint = false} : vector<1250x128xf32>, vector<128x128xf32>, vector<1250x128xf32> -> vector<1250x128xf32>
    %get3A_22 = arith.constant 0 : index
    %get3A_23 = arith.constant 0 : index
    %get3A_24 = vector.load %arg8[%get3A_22, %get3A_23] : memref<1x128xf32, #tpu.memory_space<vmem>>, vector<1x128xf32>
    %add3A_25 = vector.broadcast %get3A_24 : vector<1x128xf32> to vector<1250x128xf32>
    %add3A_26 = arith.addf %dot_general3A_21, %add3A_25 : vector<1250x128xf32>
    %get3A_27 = arith.constant 0 : index
    %get3A_28 = arith.constant 0 : index
    %get3A_29 = vector.load %arg1[%get3A_27, %get3A_28] : memref<1250x128xf32, #tpu.memory_space<vmem>>, vector<1250x128xf32>
    %get3A_30 = arith.constant 0 : index
    %get3A_31 = arith.constant 0 : index
    %get3A_32 = vector.load %arg5[%get3A_30, %get3A_31] : memref<128x128xf32, #tpu.memory_space<vmem>>, vector<128x128xf32>
    %dot_general3A_33 = arith.constant dense<0.000000e+00> : vector<1250x128xf32>
    %dot_general3A_34 = tpu.matmul %get3A_29, %get3A_32, %dot_general3A_33 {dimension_numbers = #tpu.dot_dimension_numbers<[1], [0], [0], [1], [0, 0, 1, 1], [], []>, transpose_lhs_hint = false} : vector<1250x128xf32>, vector<128x128xf32>, vector<1250x128xf32> -> vector<1250x128xf32>
    %add3A_35 = arith.addf %add3A_26, %dot_general3A_34 : vector<1250x128xf32>
    %get3A_36 = arith.constant 0 : index
    %get3A_37 = arith.constant 0 : index
    %get3A_38 = vector.load %arg2[%get3A_36, %get3A_37] : memref<1250x128xf32, #tpu.memory_space<vmem>>, vector<1250x128xf32>
    %get3A_39 = arith.constant 0 : index
    %get3A_40 = arith.constant 0 : index
    %get3A_41 = vector.load %arg6[%get3A_39, %get3A_40] : memref<128x128xf32, #tpu.memory_space<vmem>>, vector<128x128xf32>
    %dot_general3A_42 = arith.constant dense<0.000000e+00> : vector<1250x128xf32>
    %dot_general3A_43 = tpu.matmul %get3A_38, %get3A_41, %dot_general3A_42 {dimension_numbers = #tpu.dot_dimension_numbers<[1], [0], [0], [1], [0, 0, 1, 1], [], []>, transpose_lhs_hint = false} : vector<1250x128xf32>, vector<128x128xf32>, vector<1250x128xf32> -> vector<1250x128xf32>
    %add3A_44 = arith.addf %add3A_35, %dot_general3A_43 : vector<1250x128xf32>
    %get3A_45 = arith.constant 0 : index
    %get3A_46 = arith.constant 0 : index
    %get3A_47 = vector.load %arg3[%get3A_45, %get3A_46] : memref<1250x128xf32, #tpu.memory_space<vmem>>, vector<1250x128xf32>
    %get3A_48 = arith.constant 0 : index
    %get3A_49 = arith.constant 0 : index
    %get3A_50 = vector.load %arg7[%get3A_48, %get3A_49] : memref<128x128xf32, #tpu.memory_space<vmem>>, vector<128x128xf32>
    %dot_general3A_51 = arith.constant dense<0.000000e+00> : vector<1250x128xf32>
    %dot_general3A_52 = tpu.matmul %get3A_47, %get3A_50, %dot_general3A_51 {dimension_numbers = #tpu.dot_dimension_numbers<[1], [0], [0], [1], [0, 0, 1, 1], [], []>, transpose_lhs_hint = false} : vector<1250x128xf32>, vector<128x128xf32>, vector<1250x128xf32> -> vector<1250x128xf32>
    %add3A_53 = arith.addf %add3A_44, %dot_general3A_52 : vector<1250x128xf32>
    %swap3A_54 = arith.constant 0 : index
    %swap3A_55 = arith.constant 0 : index
    %swap3A_56 = vector.load %arg10[%swap3A_54, %swap3A_55] : memref<1250x128xf32, #tpu.memory_space<vmem>>, vector<1250x128xf32>
    tpu.vector_store %arg10[%swap3A_54, %swap3A_55], %add3A_53 {strides = array<i32>} : memref<1250x128xf32, #tpu.memory_space<vmem>>, vector<1250x128xf32>,
    return
  }
}

module attributes {stable_mosaic.version = 14 : i64} {
  func.func @_final_body(%arg0: memref<2x1252x128xf32, #tpu.memory_space<vmem>>, %arg1: memref<1250x128xf32, #tpu.memory_space<vmem>>, %arg2: memref<1250x128xf32, #tpu.memory_space<vmem>>, %arg3: memref<1250x128xf32, #tpu.memory_space<vmem>>, %arg4: memref<1250x128xf32, #tpu.memory_space<vmem>>, %arg5: memref<8x1250xi32, #tpu.memory_space<vmem>>, %arg6: memref<80x16xf32, #tpu.memory_space<vmem>>, %arg7: memref<1x16xf32, #tpu.memory_space<vmem>>, %arg8: memref<16x16xf32, #tpu.memory_space<vmem>>, %arg9: memref<1x16xf32, #tpu.memory_space<vmem>>, %arg10: memref<16x1xf32, #tpu.memory_space<vmem>>, %arg11: memref<1x1xf32, #tpu.memory_space<vmem>>, %arg12: memref<16x1xf32, #tpu.memory_space<vmem>>) attributes {dimension_semantics = [], scalar_prefetch = 0 : i64, scratch_operands = 0 : i64, tpu.core_type = #tpu.core_type<tc>} {
    %get3A = arith.constant 0 : index
    %get3A_0 = arith.constant 0 : index
    %get3A_1 = arith.constant 0 : index
    %get3A_2 = vector.load %arg0[%get3A, %get3A_0, %get3A_1] : memref<2x1252x128xf32, #tpu.memory_space<vmem>>, vector<1x1250x128xf32>
    %get3A_3 = vector.shape_cast %get3A_2 : vector<1x1250x128xf32> to vector<1250x128xf32>
    %get3A_4 = arith.constant 1 : index
    %get3A_5 = arith.constant 0 : index
    %get3A_6 = arith.constant 0 : index
    %get3A_7 = vector.load %arg0[%get3A_4, %get3A_5, %get3A_6] : memref<2x1252x128xf32, #tpu.memory_space<vmem>>, vector<1x1250x128xf32>
    %get3A_8 = vector.shape_cast %get3A_7 : vector<1x1250x128xf32> to vector<1250x128xf32>
    %add3A = arith.addf %get3A_3, %get3A_8 : vector<1250x128xf32>
    %mul3A = arith.constant 0.999500393 : f32
    %mul3A_9 = vector.broadcast %mul3A : f32 to vector<1250x128xf32>
    %mul3A_10 = arith.mulf %mul3A_9, %add3A : vector<1250x128xf32>
    %logistic3A = arith.negf %mul3A_10 : vector<1250x128xf32>
    %logistic3A_11 = math.exp %logistic3A : vector<1250x128xf32>
    %logistic3A_12 = arith.constant 1.000000e+00 : f32
    %logistic3A_13 = vector.broadcast %logistic3A_12 : f32 to vector<1250x128xf32>
    %logistic3A_14 = arith.addf %logistic3A_13, %logistic3A_11 : vector<1250x128xf32>
    %logistic3A_15 = arith.divf %logistic3A_13, %logistic3A_14 : vector<1250x128xf32>
    %get3A_16 = arith.constant 0 : index
    %get3A_17 = arith.constant 0 : index
    %get3A_18 = vector.load %arg1[%get3A_16, %get3A_17] : memref<1250x128xf32, #tpu.memory_space<vmem>>, vector<1250x128xf32>
    %get3A_19 = arith.constant 0 : index
    %get3A_20 = arith.constant 0 : index
    %get3A_21 = vector.load %arg2[%get3A_19, %get3A_20] : memref<1250x128xf32, #tpu.memory_space<vmem>>, vector<1250x128xf32>
    %get3A_22 = arith.constant 0 : index
    %get3A_23 = arith.constant 0 : index
    %get3A_24 = vector.load %arg3[%get3A_22, %get3A_23] : memref<1250x128xf32, #tpu.memory_space<vmem>>, vector<1250x128xf32>
    %get3A_25 = arith.constant 0 : index
    %get3A_26 = arith.constant 0 : index
    %get3A_27 = vector.load %arg4[%get3A_25, %get3A_26] : memref<1250x128xf32, #tpu.memory_space<vmem>>, vector<1250x128xf32>
    %get3A_28 = arith.constant 0 : index
    %get3A_29 = arith.constant 0 : index
    %get3A_30 = vector.load %arg5[%get3A_28, %get3A_29] : memref<8x1250xi32, #tpu.memory_space<vmem>>, vector<8x1250xi32>
    %iota3A = tpu.iota {dimensions = array<i32: 0>} : vector<16x1250xi32>
    %broadcast_in_dim3A = arith.constant 0.000000e+00 : f32
    %broadcast_in_dim3A_31 = vector.broadcast %broadcast_in_dim3A : f32 to vector<16x80xf32>
    %slice3A = vector.extract_strided_slice %get3A_30 {offsets = [0, 0], sizes = [1, 1250], strides = [1, 1]} : vector<8x1250xi32> to vector<1x1250xi32>
    %squeeze3A = vector.shape_cast %slice3A : vector<1x1250xi32> to vector<1250xi32>
    %broadcast_in_dim3A_32 = vector.shape_cast %squeeze3A : vector<1250xi32> to vector<1x1250xi32>
    %eq3A = vector.broadcast %broadcast_in_dim3A_32 : vector<1x1250xi32> to vector<16x1250xi32>
    %eq3A_33 = arith.cmpi eq, %eq3A, %iota3A : vector<16x1250xi32>
    %convert_element_type3A = arith.extui %eq3A_33 : vector<16x1250xi1> to vector<16x1250xi32>
    %convert_element_type3A_34 = arith.sitofp %convert_element_type3A : vector<16x1250xi32> to vector<16x1250xf32>
    %slice3A_35 = vector.extract_strided_slice %logistic3A_15 {offsets = [0, 0], sizes = [1250, 16], strides = [1, 1]} : vector<1250x128xf32> to vector<1250x16xf32>
    %slice3A_36 = vector.extract_strided_slice %get3A_18 {offsets = [0, 0], sizes = [1250, 16], strides = [1, 1]} : vector<1250x128xf32> to vector<1250x16xf32>
    %slice3A_37 = vector.extract_strided_slice %get3A_21 {offsets = [0, 0], sizes = [1250, 16], strides = [1, 1]} : vector<1250x128xf32> to vector<1250x16xf32>
    %slice3A_38 = vector.extract_strided_slice %get3A_24 {offsets = [0, 0], sizes = [1250, 16], strides = [1, 1]} : vector<1250x128xf32> to vector<1250x16xf32>
    %slice3A_39 = vector.extract_strided_slice %get3A_27 {offsets = [0, 0], sizes = [1250, 16], strides = [1, 1]} : vector<1250x128xf32> to vector<1250x16xf32>
    %concatenate3A = tpu.concatenate %slice3A_35, %slice3A_36, %slice3A_37, %slice3A_38, %slice3A_39 in 1 : vector<1250x16xf32>, vector<1250x16xf32>, vector<1250x16xf32>, vector<1250x16xf32>, vector<1250x16xf32> -> vector<1250x80xf32>
    %dot_general3A = arith.constant dense<0.000000e+00> : vector<16x80xf32>
    %dot_general3A_40 = tpu.matmul %convert_element_type3A_34, %concatenate3A, %dot_general3A {dimension_numbers = #tpu.dot_dimension_numbers<[1], [0], [0], [1], [0, 0, 1, 1], [], []>, transpose_lhs_hint = false} : vector<16x1250xf32>, vector<1250x80xf32>, vector<16x80xf32> -> vector<16x80xf32>
    %add3A_41 = arith.addf %broadcast_in_dim3A_31, %dot_general3A_40 : vector<16x80xf32>
    %slice3A_42 = vector.extract_strided_slice %get3A_30 {offsets = [1, 0], sizes = [1, 1250], strides = [1, 1]} : vector<8x1250xi32> to vector<1x1250xi32>
    %squeeze3A_43 = vector.shape_cast %slice3A_42 : vector<1x1250xi32> to vector<1250xi32>
    %broadcast_in_dim3A_44 = vector.shape_cast %squeeze3A_43 : vector<1250xi32> to vector<1x1250xi32>
    %eq3A_45 = vector.broadcast %broadcast_in_dim3A_44 : vector<1x1250xi32> to vector<16x1250xi32>
    %eq3A_46 = arith.cmpi eq, %eq3A_45, %iota3A : vector<16x1250xi32>
    %convert_element_type3A_47 = arith.extui %eq3A_46 : vector<16x1250xi1> to vector<16x1250xi32>
    %convert_element_type3A_48 = arith.sitofp %convert_element_type3A_47 : vector<16x1250xi32> to vector<16x1250xf32>
    %slice3A_49 = vector.extract_strided_slice %logistic3A_15 {offsets = [0, 16], sizes = [1250, 16], strides = [1, 1]} : vector<1250x128xf32> to vector<1250x16xf32>
    %slice3A_50 = vector.extract_strided_slice %get3A_18 {offsets = [0, 16], sizes = [1250, 16], strides = [1, 1]} : vector<1250x128xf32> to vector<1250x16xf32>
    %slice3A_51 = vector.extract_strided_slice %get3A_21 {offsets = [0, 16], sizes = [1250, 16], strides = [1, 1]} : vector<1250x128xf32> to vector<1250x16xf32>
    %slice3A_52 = vector.extract_strided_slice %get3A_24 {offsets = [0, 16], sizes = [1250, 16], strides = [1, 1]} : vector<1250x128xf32> to vector<1250x16xf32>
    %slice3A_53 = vector.extract_strided_slice %get3A_27 {offsets = [0, 16], sizes = [1250, 16], strides = [1, 1]} : vector<1250x128xf32> to vector<1250x16xf32>
    %concatenate3A_54 = tpu.concatenate %slice3A_49, %slice3A_50, %slice3A_51, %slice3A_52, %slice3A_53 in 1 : vector<1250x16xf32>, vector<1250x16xf32>, vector<1250x16xf32>, vector<1250x16xf32>, vector<1250x16xf32> -> vector<1250x80xf32>
    %dot_general3A_55 = arith.constant dense<0.000000e+00> : vector<16x80xf32>
    %dot_general3A_56 = tpu.matmul %convert_element_type3A_48, %concatenate3A_54, %dot_general3A_55 {dimension_numbers = #tpu.dot_dimension_numbers<[1], [0], [0], [1], [0, 0, 1, 1], [], []>, transpose_lhs_hint = false} : vector<16x1250xf32>, vector<1250x80xf32>, vector<16x80xf32> -> vector<16x80xf32>
    %add3A_57 = arith.addf %add3A_41, %dot_general3A_56 : vector<16x80xf32>
    %slice3A_58 = vector.extract_strided_slice %get3A_30 {offsets = [2, 0], sizes = [1, 1250], strides = [1, 1]} : vector<8x1250xi32> to vector<1x1250xi32>
    %squeeze3A_59 = vector.shape_cast %slice3A_58 : vector<1x1250xi32> to vector<1250xi32>
    %broadcast_in_dim3A_60 = vector.shape_cast %squeeze3A_59 : vector<1250xi32> to vector<1x1250xi32>
    %eq3A_61 = vector.broadcast %broadcast_in_dim3A_60 : vector<1x1250xi32> to vector<16x1250xi32>
    %eq3A_62 = arith.cmpi eq, %eq3A_61, %iota3A : vector<16x1250xi32>
    %convert_element_type3A_63 = arith.extui %eq3A_62 : vector<16x1250xi1> to vector<16x1250xi32>
    %convert_element_type3A_64 = arith.sitofp %convert_element_type3A_63 : vector<16x1250xi32> to vector<16x1250xf32>
    %slice3A_65 = vector.extract_strided_slice %logistic3A_15 {offsets = [0, 32], sizes = [1250, 16], strides = [1, 1]} : vector<1250x128xf32> to vector<1250x16xf32>
    %slice3A_66 = vector.extract_strided_slice %get3A_18 {offsets = [0, 32], sizes = [1250, 16], strides = [1, 1]} : vector<1250x128xf32> to vector<1250x16xf32>
    %slice3A_67 = vector.extract_strided_slice %get3A_21 {offsets = [0, 32], sizes = [1250, 16], strides = [1, 1]} : vector<1250x128xf32> to vector<1250x16xf32>
    %slice3A_68 = vector.extract_strided_slice %get3A_24 {offsets = [0, 32], sizes = [1250, 16], strides = [1, 1]} : vector<1250x128xf32> to vector<1250x16xf32>
    %slice3A_69 = vector.extract_strided_slice %get3A_27 {offsets = [0, 32], sizes = [1250, 16], strides = [1, 1]} : vector<1250x128xf32> to vector<1250x16xf32>
    %concatenate3A_70 = tpu.concatenate %slice3A_65, %slice3A_66, %slice3A_67, %slice3A_68, %slice3A_69 in 1 : vector<1250x16xf32>, vector<1250x16xf32>, vector<1250x16xf32>, vector<1250x16xf32>, vector<1250x16xf32> -> vector<1250x80xf32>
    %dot_general3A_71 = arith.constant dense<0.000000e+00> : vector<16x80xf32>
    %dot_general3A_72 = tpu.matmul %convert_element_type3A_64, %concatenate3A_70, %dot_general3A_71 {dimension_numbers = #tpu.dot_dimension_numbers<[1], [0], [0], [1], [0, 0, 1, 1], [], []>, transpose_lhs_hint = false} : vector<16x1250xf32>, vector<1250x80xf32>, vector<16x80xf32> -> vector<16x80xf32>
    %add3A_73 = arith.addf %add3A_57, %dot_general3A_72 : vector<16x80xf32>
    %slice3A_74 = vector.extract_strided_slice %get3A_30 {offsets = [3, 0], sizes = [1, 1250], strides = [1, 1]} : vector<8x1250xi32> to vector<1x1250xi32>
    %squeeze3A_75 = vector.shape_cast %slice3A_74 : vector<1x1250xi32> to vector<1250xi32>
    %broadcast_in_dim3A_76 = vector.shape_cast %squeeze3A_75 : vector<1250xi32> to vector<1x1250xi32>
    %eq3A_77 = vector.broadcast %broadcast_in_dim3A_76 : vector<1x1250xi32> to vector<16x1250xi32>
    %eq3A_78 = arith.cmpi eq, %eq3A_77, %iota3A : vector<16x1250xi32>
    %convert_element_type3A_79 = arith.extui %eq3A_78 : vector<16x1250xi1> to vector<16x1250xi32>
    %convert_element_type3A_80 = arith.sitofp %convert_element_type3A_79 : vector<16x1250xi32> to vector<16x1250xf32>
    %slice3A_81 = vector.extract_strided_slice %logistic3A_15 {offsets = [0, 48], sizes = [1250, 16], strides = [1, 1]} : vector<1250x128xf32> to vector<1250x16xf32>
    %slice3A_82 = vector.extract_strided_slice %get3A_18 {offsets = [0, 48], sizes = [1250, 16], strides = [1, 1]} : vector<1250x128xf32> to vector<1250x16xf32>
    %slice3A_83 = vector.extract_strided_slice %get3A_21 {offsets = [0, 48], sizes = [1250, 16], strides = [1, 1]} : vector<1250x128xf32> to vector<1250x16xf32>
    %slice3A_84 = vector.extract_strided_slice %get3A_24 {offsets = [0, 48], sizes = [1250, 16], strides = [1, 1]} : vector<1250x128xf32> to vector<1250x16xf32>
    %slice3A_85 = vector.extract_strided_slice %get3A_27 {offsets = [0, 48], sizes = [1250, 16], strides = [1, 1]} : vector<1250x128xf32> to vector<1250x16xf32>
    %concatenate3A_86 = tpu.concatenate %slice3A_81, %slice3A_82, %slice3A_83, %slice3A_84, %slice3A_85 in 1 : vector<1250x16xf32>, vector<1250x16xf32>, vector<1250x16xf32>, vector<1250x16xf32>, vector<1250x16xf32> -> vector<1250x80xf32>
    %dot_general3A_87 = arith.constant dense<0.000000e+00> : vector<16x80xf32>
    %dot_general3A_88 = tpu.matmul %convert_element_type3A_80, %concatenate3A_86, %dot_general3A_87 {dimension_numbers = #tpu.dot_dimension_numbers<[1], [0], [0], [1], [0, 0, 1, 1], [], []>, transpose_lhs_hint = false} : vector<16x1250xf32>, vector<1250x80xf32>, vector<16x80xf32> -> vector<16x80xf32>
    %add3A_89 = arith.addf %add3A_73, %dot_general3A_88 : vector<16x80xf32>
    %slice3A_90 = vector.extract_strided_slice %get3A_30 {offsets = [4, 0], sizes = [1, 1250], strides = [1, 1]} : vector<8x1250xi32> to vector<1x1250xi32>
    %squeeze3A_91 = vector.shape_cast %slice3A_90 : vector<1x1250xi32> to vector<1250xi32>
    %broadcast_in_dim3A_92 = vector.shape_cast %squeeze3A_91 : vector<1250xi32> to vector<1x1250xi32>
    %eq3A_93 = vector.broadcast %broadcast_in_dim3A_92 : vector<1x1250xi32> to vector<16x1250xi32>
    %eq3A_94 = arith.cmpi eq, %eq3A_93, %iota3A : vector<16x1250xi32>
    %convert_element_type3A_95 = arith.extui %eq3A_94 : vector<16x1250xi1> to vector<16x1250xi32>
    %convert_element_type3A_96 = arith.sitofp %convert_element_type3A_95 : vector<16x1250xi32> to vector<16x1250xf32>
    %slice3A_97 = vector.extract_strided_slice %logistic3A_15 {offsets = [0, 64], sizes = [1250, 16], strides = [1, 1]} : vector<1250x128xf32> to vector<1250x16xf32>
    %slice3A_98 = vector.extract_strided_slice %get3A_18 {offsets = [0, 64], sizes = [1250, 16], strides = [1, 1]} : vector<1250x128xf32> to vector<1250x16xf32>
    %slice3A_99 = vector.extract_strided_slice %get3A_21 {offsets = [0, 64], sizes = [1250, 16], strides = [1, 1]} : vector<1250x128xf32> to vector<1250x16xf32>
    %slice3A_100 = vector.extract_strided_slice %get3A_24 {offsets = [0, 64], sizes = [1250, 16], strides = [1, 1]} : vector<1250x128xf32> to vector<1250x16xf32>
    %slice3A_101 = vector.extract_strided_slice %get3A_27 {offsets = [0, 64], sizes = [1250, 16], strides = [1, 1]} : vector<1250x128xf32> to vector<1250x16xf32>
    %concatenate3A_102 = tpu.concatenate %slice3A_97, %slice3A_98, %slice3A_99, %slice3A_100, %slice3A_101 in 1 : vector<1250x16xf32>, vector<1250x16xf32>, vector<1250x16xf32>, vector<1250x16xf32>, vector<1250x16xf32> -> vector<1250x80xf32>
    %dot_general3A_103 = arith.constant dense<0.000000e+00> : vector<16x80xf32>
    %dot_general3A_104 = tpu.matmul %convert_element_type3A_96, %concatenate3A_102, %dot_general3A_103 {dimension_numbers = #tpu.dot_dimension_numbers<[1], [0], [0], [1], [0, 0, 1, 1], [], []>, transpose_lhs_hint = false} : vector<16x1250xf32>, vector<1250x80xf32>, vector<16x80xf32> -> vector<16x80xf32>
    %add3A_105 = arith.addf %add3A_89, %dot_general3A_104 : vector<16x80xf32>
    %slice3A_106 = vector.extract_strided_slice %get3A_30 {offsets = [5, 0], sizes = [1, 1250], strides = [1, 1]} : vector<8x1250xi32> to vector<1x1250xi32>
    %squeeze3A_107 = vector.shape_cast %slice3A_106 : vector<1x1250xi32> to vector<1250xi32>
    %broadcast_in_dim3A_108 = vector.shape_cast %squeeze3A_107 : vector<1250xi32> to vector<1x1250xi32>
    %eq3A_109 = vector.broadcast %broadcast_in_dim3A_108 : vector<1x1250xi32> to vector<16x1250xi32>
    %eq3A_110 = arith.cmpi eq, %eq3A_109, %iota3A : vector<16x1250xi32>
    %convert_element_type3A_111 = arith.extui %eq3A_110 : vector<16x1250xi1> to vector<16x1250xi32>
    %convert_element_type3A_112 = arith.sitofp %convert_element_type3A_111 : vector<16x1250xi32> to vector<16x1250xf32>
    %slice3A_113 = vector.extract_strided_slice %logistic3A_15 {offsets = [0, 80], sizes = [1250, 16], strides = [1, 1]} : vector<1250x128xf32> to vector<1250x16xf32>
    %slice3A_114 = vector.extract_strided_slice %get3A_18 {offsets = [0, 80], sizes = [1250, 16], strides = [1, 1]} : vector<1250x128xf32> to vector<1250x16xf32>
    %slice3A_115 = vector.extract_strided_slice %get3A_21 {offsets = [0, 80], sizes = [1250, 16], strides = [1, 1]} : vector<1250x128xf32> to vector<1250x16xf32>
    %slice3A_116 = vector.extract_strided_slice %get3A_24 {offsets = [0, 80], sizes = [1250, 16], strides = [1, 1]} : vector<1250x128xf32> to vector<1250x16xf32>
    %slice3A_117 = vector.extract_strided_slice %get3A_27 {offsets = [0, 80], sizes = [1250, 16], strides = [1, 1]} : vector<1250x128xf32> to vector<1250x16xf32>
    %concatenate3A_118 = tpu.concatenate %slice3A_113, %slice3A_114, %slice3A_115, %slice3A_116, %slice3A_117 in 1 : vector<1250x16xf32>, vector<1250x16xf32>, vector<1250x16xf32>, vector<1250x16xf32>, vector<1250x16xf32> -> vector<1250x80xf32>
    %dot_general3A_119 = arith.constant dense<0.000000e+00> : vector<16x80xf32>
    %dot_general3A_120 = tpu.matmul %convert_element_type3A_112, %concatenate3A_118, %dot_general3A_119 {dimension_numbers = #tpu.dot_dimension_numbers<[1], [0], [0], [1], [0, 0, 1, 1], [], []>, transpose_lhs_hint = false} : vector<16x1250xf32>, vector<1250x80xf32>, vector<16x80xf32> -> vector<16x80xf32>
    %add3A_121 = arith.addf %add3A_105, %dot_general3A_120 : vector<16x80xf32>
    %slice3A_122 = vector.extract_strided_slice %get3A_30 {offsets = [6, 0], sizes = [1, 1250], strides = [1, 1]} : vector<8x1250xi32> to vector<1x1250xi32>
    %squeeze3A_123 = vector.shape_cast %slice3A_122 : vector<1x1250xi32> to vector<1250xi32>
    %broadcast_in_dim3A_124 = vector.shape_cast %squeeze3A_123 : vector<1250xi32> to vector<1x1250xi32>
    %eq3A_125 = vector.broadcast %broadcast_in_dim3A_124 : vector<1x1250xi32> to vector<16x1250xi32>
    %eq3A_126 = arith.cmpi eq, %eq3A_125, %iota3A : vector<16x1250xi32>
    %convert_element_type3A_127 = arith.extui %eq3A_126 : vector<16x1250xi1> to vector<16x1250xi32>
    %convert_element_type3A_128 = arith.sitofp %convert_element_type3A_127 : vector<16x1250xi32> to vector<16x1250xf32>
    %slice3A_129 = vector.extract_strided_slice %logistic3A_15 {offsets = [0, 96], sizes = [1250, 16], strides = [1, 1]} : vector<1250x128xf32> to vector<1250x16xf32>
    %slice3A_130 = vector.extract_strided_slice %get3A_18 {offsets = [0, 96], sizes = [1250, 16], strides = [1, 1]} : vector<1250x128xf32> to vector<1250x16xf32>
    %slice3A_131 = vector.extract_strided_slice %get3A_21 {offsets = [0, 96], sizes = [1250, 16], strides = [1, 1]} : vector<1250x128xf32> to vector<1250x16xf32>
    %slice3A_132 = vector.extract_strided_slice %get3A_24 {offsets = [0, 96], sizes = [1250, 16], strides = [1, 1]} : vector<1250x128xf32> to vector<1250x16xf32>
    %slice3A_133 = vector.extract_strided_slice %get3A_27 {offsets = [0, 96], sizes = [1250, 16], strides = [1, 1]} : vector<1250x128xf32> to vector<1250x16xf32>
    %concatenate3A_134 = tpu.concatenate %slice3A_129, %slice3A_130, %slice3A_131, %slice3A_132, %slice3A_133 in 1 : vector<1250x16xf32>, vector<1250x16xf32>, vector<1250x16xf32>, vector<1250x16xf32>, vector<1250x16xf32> -> vector<1250x80xf32>
    %dot_general3A_135 = arith.constant dense<0.000000e+00> : vector<16x80xf32>
    %dot_general3A_136 = tpu.matmul %convert_element_type3A_128, %concatenate3A_134, %dot_general3A_135 {dimension_numbers = #tpu.dot_dimension_numbers<[1], [0], [0], [1], [0, 0, 1, 1], [], []>, transpose_lhs_hint = false} : vector<16x1250xf32>, vector<1250x80xf32>, vector<16x80xf32> -> vector<16x80xf32>
    %add3A_137 = arith.addf %add3A_121, %dot_general3A_136 : vector<16x80xf32>
    %slice3A_138 = vector.extract_strided_slice %get3A_30 {offsets = [7, 0], sizes = [1, 1250], strides = [1, 1]} : vector<8x1250xi32> to vector<1x1250xi32>
    %squeeze3A_139 = vector.shape_cast %slice3A_138 : vector<1x1250xi32> to vector<1250xi32>
    %broadcast_in_dim3A_140 = vector.shape_cast %squeeze3A_139 : vector<1250xi32> to vector<1x1250xi32>
    %eq3A_141 = vector.broadcast %broadcast_in_dim3A_140 : vector<1x1250xi32> to vector<16x1250xi32>
    %eq3A_142 = arith.cmpi eq, %eq3A_141, %iota3A : vector<16x1250xi32>
    %convert_element_type3A_143 = arith.extui %eq3A_142 : vector<16x1250xi1> to vector<16x1250xi32>
    %convert_element_type3A_144 = arith.sitofp %convert_element_type3A_143 : vector<16x1250xi32> to vector<16x1250xf32>
    %slice3A_145 = vector.extract_strided_slice %logistic3A_15 {offsets = [0, 112], sizes = [1250, 16], strides = [1, 1]} : vector<1250x128xf32> to vector<1250x16xf32>
    %slice3A_146 = vector.extract_strided_slice %get3A_18 {offsets = [0, 112], sizes = [1250, 16], strides = [1, 1]} : vector<1250x128xf32> to vector<1250x16xf32>
    %slice3A_147 = vector.extract_strided_slice %get3A_21 {offsets = [0, 112], sizes = [1250, 16], strides = [1, 1]} : vector<1250x128xf32> to vector<1250x16xf32>
    %slice3A_148 = vector.extract_strided_slice %get3A_24 {offsets = [0, 112], sizes = [1250, 16], strides = [1, 1]} : vector<1250x128xf32> to vector<1250x16xf32>
    %slice3A_149 = vector.extract_strided_slice %get3A_27 {offsets = [0, 112], sizes = [1250, 16], strides = [1, 1]} : vector<1250x128xf32> to vector<1250x16xf32>
    %concatenate3A_150 = tpu.concatenate %slice3A_145, %slice3A_146, %slice3A_147, %slice3A_148, %slice3A_149 in 1 : vector<1250x16xf32>, vector<1250x16xf32>, vector<1250x16xf32>, vector<1250x16xf32>, vector<1250x16xf32> -> vector<1250x80xf32>
    %dot_general3A_151 = arith.constant dense<0.000000e+00> : vector<16x80xf32>
    %dot_general3A_152 = tpu.matmul %convert_element_type3A_144, %concatenate3A_150, %dot_general3A_151 {dimension_numbers = #tpu.dot_dimension_numbers<[1], [0], [0], [1], [0, 0, 1, 1], [], []>, transpose_lhs_hint = false} : vector<16x1250xf32>, vector<1250x80xf32>, vector<16x80xf32> -> vector<16x80xf32>
    %add3A_153 = arith.addf %add3A_137, %dot_general3A_152 : vector<16x80xf32>
    %get3A_154 = arith.constant 0 : index
    %get3A_155 = arith.constant 0 : index
    %get3A_156 = vector.load %arg6[%get3A_154, %get3A_155] : memref<80x16xf32, #tpu.memory_space<vmem>>, vector<80x16xf32>
    %dot_general3A_157 = arith.constant dense<0.000000e+00> : vector<16x16xf32>
    %dot_general3A_158 = tpu.matmul %add3A_153, %get3A_156, %dot_general3A_157 {dimension_numbers = #tpu.dot_dimension_numbers<[1], [0], [0], [1], [0, 0, 1, 1], [], []>, transpose_lhs_hint = false} : vector<16x80xf32>, vector<80x16xf32>, vector<16x16xf32> -> vector<16x16xf32>
    %get3A_159 = arith.constant 0 : index
    %get3A_160 = arith.constant 0 : index
    %get3A_161 = vector.load %arg7[%get3A_159, %get3A_160] : memref<1x16xf32, #tpu.memory_space<vmem>>, vector<1x16xf32>
    %add3A_162 = vector.broadcast %get3A_161 : vector<1x16xf32> to vector<16x16xf32>
    %add3A_163 = arith.addf %dot_general3A_158, %add3A_162 : vector<16x16xf32>
    %mul3A_164 = arith.constant 0.999500393 : f32
    %mul3A_165 = vector.broadcast %mul3A_164 : f32 to vector<16x16xf32>
    %mul3A_166 = arith.mulf %mul3A_165, %add3A_163 : vector<16x16xf32>
    %logistic3A_167 = arith.negf %mul3A_166 : vector<16x16xf32>
    %logistic3A_168 = math.exp %logistic3A_167 : vector<16x16xf32>
    %logistic3A_169 = arith.constant 1.000000e+00 : f32
    %logistic3A_170 = vector.broadcast %logistic3A_169 : f32 to vector<16x16xf32>
    %logistic3A_171 = arith.addf %logistic3A_170, %logistic3A_168 : vector<16x16xf32>
    %logistic3A_172 = arith.divf %logistic3A_170, %logistic3A_171 : vector<16x16xf32>
    %get3A_173 = arith.constant 0 : index
    %get3A_174 = arith.constant 0 : index
    %get3A_175 = vector.load %arg8[%get3A_173, %get3A_174] : memref<16x16xf32, #tpu.memory_space<vmem>>, vector<16x16xf32>
    %dot_general3A_176 = arith.constant dense<0.000000e+00> : vector<16x16xf32>
    %dot_general3A_177 = tpu.matmul %logistic3A_172, %get3A_175, %dot_general3A_176 {dimension_numbers = #tpu.dot_dimension_numbers<[1], [0], [0], [1], [0, 0, 1, 1], [], []>, transpose_lhs_hint = false} : vector<16x16xf32>, vector<16x16xf32>, vector<16x16xf32> -> vector<16x16xf32>
    %get3A_178 = arith.constant 0 : index
    %get3A_179 = arith.constant 0 : index
    %get3A_180 = vector.load %arg9[%get3A_178, %get3A_179] : memref<1x16xf32, #tpu.memory_space<vmem>>, vector<1x16xf32>
    %add3A_181 = vector.broadcast %get3A_180 : vector<1x16xf32> to vector<16x16xf32>
    %add3A_182 = arith.addf %dot_general3A_177, %add3A_181 : vector<16x16xf32>
    %mul3A_183 = arith.constant 0.999500393 : f32
    %mul3A_184 = vector.broadcast %mul3A_183 : f32 to vector<16x16xf32>
    %mul3A_185 = arith.mulf %mul3A_184, %add3A_182 : vector<16x16xf32>
    %logistic3A_186 = arith.negf %mul3A_185 : vector<16x16xf32>
    %logistic3A_187 = math.exp %logistic3A_186 : vector<16x16xf32>
    %logistic3A_188 = arith.constant 1.000000e+00 : f32
    %logistic3A_189 = vector.broadcast %logistic3A_188 : f32 to vector<16x16xf32>
    %logistic3A_190 = arith.addf %logistic3A_189, %logistic3A_187 : vector<16x16xf32>
    %logistic3A_191 = arith.divf %logistic3A_189, %logistic3A_190 : vector<16x16xf32>
    %get3A_192 = arith.constant 0 : index
    %get3A_193 = arith.constant 0 : index
    %get3A_194 = vector.load %arg10[%get3A_192, %get3A_193] : memref<16x1xf32, #tpu.memory_space<vmem>>, vector<16x1xf32>
    %dot_general3A_195 = arith.constant dense<0.000000e+00> : vector<16x1xf32>
    %dot_general3A_196 = tpu.matmul %logistic3A_191, %get3A_194, %dot_general3A_195 {dimension_numbers = #tpu.dot_dimension_numbers<[1], [0], [0], [1], [0, 0, 1, 1], [], []>, transpose_lhs_hint = false} : vector<16x16xf32>, vector<16x1xf32>, vector<16x1xf32> -> vector<16x1xf32>
    %get3A_197 = arith.constant 0 : index
    %get3A_198 = arith.constant 0 : index
    %get3A_199 = vector.load %arg11[%get3A_197, %get3A_198] : memref<1x1xf32, #tpu.memory_space<vmem>>, vector<1x1xf32>
    %add3A_200 = vector.broadcast %get3A_199 : vector<1x1xf32> to vector<16x1xf32>
    %add3A_201 = arith.addf %dot_general3A_196, %add3A_200 : vector<16x1xf32>
    %logistic3A_202 = arith.negf %add3A_201 : vector<16x1xf32>
    %logistic3A_203 = math.exp %logistic3A_202 : vector<16x1xf32>
    %logistic3A_204 = arith.constant 1.000000e+00 : f32
    %logistic3A_205 = vector.broadcast %logistic3A_204 : f32 to vector<16x1xf32>
    %logistic3A_206 = arith.addf %logistic3A_205, %logistic3A_203 : vector<16x1xf32>
    %logistic3A_207 = arith.divf %logistic3A_205, %logistic3A_206 : vector<16x1xf32>
    %swap3A = arith.constant 0 : index
    %swap3A_208 = arith.constant 0 : index
    %swap3A_209 = vector.load %arg12[%swap3A, %swap3A_208] : memref<16x1xf32, #tpu.memory_space<vmem>>, vector<16x1xf32>
    tpu.vector_store %arg12[%swap3A, %swap3A_208], %logistic3A_207 {strides = array<i32>} : memref<16x1xf32, #tpu.memory_space<vmem>>, vector<16x1xf32>,
    return
  }
}

</mosaic_0001>

<sc_bundles>
// kernel: kernel.11.cloned.1.call-start
scs
__scs_entry_jumppad:
0x0: {  	(pc) =	sbr.rel $0x88, $3  }
0x1: {  	(tag) =	ssettag $0x0;
	lr =	simm.s32 $0x1  }
0x2: {  	[smem:$0x3F8C] =	sst lr;
	_ =	strace $0xD0000000  }
0x3: {  	_ = 	snop  }
0x4: {  	_ = 	snop  }
0x5: {  	_ = 	snop  }
0x6: {  	_ = 	snop  }
0x7: {  	_ = 	snop  }
__scs_overlays_trampoline_lowered:
0x8: {  	[smem:$0x3F9B] =	sst s0  }
0x9: {  	[smem:$0x3F9C] =	sst s1  }
0xa: {  	[smem:$0x3F9D] =	sst s2  }
0xb: {  	[smem:$0x3F9E] =	sst s3  }
0xc: {  	[smem:$0x3F9F] =	sst s4  }
0xd: {  	[smem:$0x3FA0] =	sst s5  }
0xe: {  	[smem:$0x3FA1] =	sst s6  }
0xf: {  	[smem:$0x3FA2] =	sst s7  }
0x10: {  	[smem:$0x3FA3] =	sst s8  }
0x11: {  	[smem:$0x3FA4] =	sst s9;
	s0 =	simm.s32 @!p0 $0x0  }
0x12: {  	s1 =	sld [smem:$0x3F8A];
	s0 =	simm.s32 @p0 $0x1  }
0x13: {  	[smem:$0x3FA5] =	sst s0;
	s0 =	simm.s32 @!p1 $0x0  }
0x14: {  	s2 =	sld [smem:$0x3F89];
	s0 =	simm.s32 @p1 $0x1  }
0x15: {  	[smem:$0x3FA6] =	sst s0;
	s0 =	simm.s32 @!p2 $0x0  }
0x16: {  	s3 =	sld [smem:$0x3FDB];
	s0 =	simm.s32 @p2 $0x1  }
0x17: {  	s4 =	simm.s32 $0x1BF5;
	[smem:$0x3FA8] =	sst s0  }
0x18: {  	s0 =	sld [smem:$0x3F8B];
	_ =	swait.ge [sflag:s4], $0x0  }
0x19: {  	s7 =	sld [smem:$0x3F8C]  }
0x1a: {  	s8 =	sadd.s32 $0xFFFFE003, lr  }
0x1b: {  	s9 =	sadd.s32 $0xFFFFFEF7, lr;
	s5 =	simm.s32 $0xFFFFFFFF;
	p2 =	slt.u32 s8, $0xFFFFF086  }
0x1c: {  	p1 =	slt.u32 s9, $0xF7A;
	s5 =	simm.s32 @!p2 $0x0  }
0x1d: {  	s5 =	simm.s32 @p1 $0x1;
	p0 =	seq.s32 s7, s2  }
0x1e: {  	s7 =	smul.u32 @!p0 $0xF7A, s2;
	p2 =	seq.s32 @!p0 s5, $0x0  }
0x1f: {  	s9 =	smul.u32 $0xF7A, s1;
	s8 =	simm.s32 @!p0 $0x1BF5;
	p2 =	por !p2, p0  }
0x20: {  	[sflag:s8] =	ssyncset.s32 @!p0 $0xFFFFF086;
	s6 =	sadd.s32 @!p0 s3, s7;
	s7 =	simm.s32 @!p0 $0x108  }
0x21: {  	s3 =	sadd.s32 s3, s9;
	s6 =	sadd.s32 @!p0 $0x88, s6;
	s7 =	simm.s32 @p2 $0x1082  }
0x22: {  	[simem:s7], [sflag:s8] =	dma.local @!p0 [hbm:s6], $0xF7A  }
0x23: {  	s9 =	sor.u32 $0xD0000000, s2;
	s6 =	simm.s32 $0x108;
	_ =	swait.ge @!p0 [sflag:s8], $0x0  }
0x24: {  	s3 =	sadd.s32 $0x88, s3;
	s6 =	simm.s32 @!p1 $0x1082;
	[sflag:s4] =	ssyncset.s32 $0xFFFFF086  }
0x25: {  	[simem:s6], [sflag:s4] =	dma.local [hbm:s3], $0xF7A  }
0x26: {  	[smem:$0x3F8C] =	sst s1;
	(tag) =	ssettag s2;
	_ =	strace s9  }
0x27: {  	s1 =	sld [smem:$0x3F9C]  }
0x28: {  	s2 =	sld [smem:$0x3F9D]  }
0x29: {  	s4 =	sld [smem:$0x3F9F]  }
0x2a: {  	p0 =	seq.s32 s5, $0x0;
	s5 =	sld [smem:$0x3FA0]  }
0x2b: {  	s6 =	sld [smem:$0x3FA1]  }
0x2c: {  	s7 =	sld [smem:$0x3FA2]  }
0x2d: {  	s3 =	simm.s32 $0x108;
	s8 =	sld [smem:$0x3FA3]  }
0x2e: {  	s3 =	simm.s32 @!p0 $0x1082;
	s9 =	sld [smem:$0x3FA4]  }
0x2f: {  	lr =	sadd.s32 s0, s3;
	s0 =	sld [smem:$0x3F9B]  }
0x30: {  	s3 =	sld [smem:$0x3F9E]  }
0x31: {  	[smem:$0x3FA7] =	sst s10  }
0x32: {  	s10 =	sld [smem:$0x3FA5];
	_ =	sdelay $0x3  }
0x33: {  	p0 =	seq.s32 s10, $0x1;
	s10 =	sld [smem:$0x3FA7];
	_ =	sdelay $0x3  }
0x34: {  	[smem:$0x3FA7] =	sst s10  }
0x35: {  	s10 =	sld [smem:$0x3FA6];
	_ =	sdelay $0x3  }
0x36: {  	p1 =	seq.s32 s10, $0x1;
	s10 =	sld [smem:$0x3FA7];
	_ =	sdelay $0x3  }
0x37: {  	[smem:$0x3FA7] =	sst s10  }
0x38: {  	s10 =	sld [smem:$0x3FA8]  }
0x39: {  	_ = 	snop;
	(pc) =	sbr.ind lr, $3  }
0x3a: {  	_ = 	snop  }
0x3b: {  	_ = 	snop  }
0x3c: {  	p2 =	seq.s32 s10, $0x1;
	s10 =	sld [smem:$0x3FA7]  }
0x3d: {  	_ =	shalt  }
0x3e: {  	_ =	shalt  }
0x3f: {  	_ =	shalt  }
0x40: {  	_ =	shalt  }
0x41: {  	_ =	shalt  }
0x42: {  	_ =	shalt  }
0x43: {  	_ =	shalt  }
0x44: {  	_ =	shalt  }
0x45: {  	_ =	shalt  }
0x46: {  	_ =	shalt  }
0x47: {  	_ =	shalt  }
0x48: {  	_ =	shalt  }
0x49: {  	_ =	shalt  }
0x4a: {  	_ =	shalt  }
0x4b: {  	_ =	shalt  }
0x4c: {  	_ =	shalt  }
0x4d: {  	_ =	shalt  }
0x4e: {  	_ =	shalt  }
0x4f: {  	_ =	shalt  }
0x50: {  	_ =	shalt  }
0x51: {  	_ =	shalt  }
0x52: {  	_ =	shalt  }
0x53: {  	_ =	shalt  }
0x54: {  	_ =	shalt  }
0x55: {  	_ =	shalt  }
0x56: {  	_ =	shalt  }
0x57: {  	_ =	shalt  }
0x58: {  	_ =	shalt  }
0x59: {  	_ =	shalt  }
0x5a: {  	_ =	shalt  }
0x5b: {  	_ =	shalt  }
0x5c: {  	_ =	shalt  }
0x5d: {  	_ =	shalt  }
0x5e: {  	_ =	shalt  }
0x5f: {  	_ =	shalt  }
0x60: {  	_ =	shalt  }
0x61: {  	_ =	shalt  }
0x62: {  	_ =	shalt  }
0x63: {  	_ =	shalt  }
0x64: {  	_ =	shalt  }
0x65: {  	_ =	shalt  }
0x66: {  	_ =	shalt  }
0x67: {  	_ =	shalt  }
0x68: {  	_ =	shalt  }
0x69: {  	_ =	shalt  }
0x6a: {  	_ =	shalt  }
0x6b: {  	_ =	shalt  }
0x6c: {  	_ =	shalt  }
0x6d: {  	_ =	shalt  }
0x6e: {  	_ =	shalt  }
0x6f: {  	_ =	shalt  }
0x70: {  	_ =	shalt  }
0x71: {  	_ =	shalt  }
0x72: {  	_ =	shalt  }
0x73: {  	_ =	shalt  }
0x74: {  	_ =	shalt  }
0x75: {  	_ =	shalt  }
0x76: {  	_ =	shalt  }
0x77: {  	_ =	shalt  }
0x78: {  	_ =	shalt  }
0x79: {  	_ =	shalt  }
0x7a: {  	_ =	shalt  }
0x7b: {  	_ =	shalt  }
0x7c: {  	_ =	shalt  }
0x7d: {  	_ =	shalt  }
0x7e: {  	_ =	shalt  }
0x7f: {  	_ =	shalt  }
0x80: {  	_ =	shalt  }
0x81: {  	_ =	shalt  }
0x82: {  	_ =	shalt  }
0x83: {  	_ =	shalt  }
0x84: {  	_ =	shalt  }
0x85: {  	_ =	shalt  }
0x86: {  	_ =	shalt  }
0x87: {  	_ =	shalt  }
.Lfunc_end0:
.L_simem_size_0:
called_computation_lowered:
.L_overlay_start_0:
0x88: {  	s2 =	sld [smem:$0x3FD9]  }
0x89: {  	s3 =	sld [smem:$0x3FFE];
	_ =	sdelay $0x1  }
0x8a: {  	s1 =	srdreg.scid  }
0x8b: {  	s0 =	sand.u32 $0x1, s1  }
0x8c: {  	s16 =	sshll.u32 s0, $0xA;
	s2 =	sadd.s32 s3, s2  }
0x8d: {  	s2 =	sadd.s32 s2, s16  }
0x8e: {  	[smem:$0x3FB3] =	sst s2  }
0x8f: {  	_ = 	snop  }
0x90: {  	(tm) =	ssettm $0x1  }
0x91: {  	s17 =	sld [smem:$0x3FFB];
	_ =	sdelay $0x3  }
0x92: {  	_ =	strace s17  }
0x93: {  	s2 =	sld [smem:$0x3FFC];
	_ =	sdelay $0x3  }
0x94: {  	_ =	strace s2  }
0x95: {  	s2 =	sld [smem:$0x3FFD];
	_ =	sdelay $0x3  }
0x96: {  	_ =	strace s2  }
0x97: {  	_ =	strace $0x8FFFFFFF  }
0x98: {  	s18 =	sld [smem:$0x3FDB];
	_ =	sdelay $0x1  }
0x99: {  	s19 =	simm.s32 $_scs_section_size  }
0x9a: {  	s4 =	simm.s32 $_size__tile_overlayer_lowered;
	s5 =	simm.s32 $_tile_overlayer_lowered  }
0x9b: {  	s22 =	simm.s32 $0x1BFF;
	s21 =	sshll.u32 s5, $0x1;
	s2 =	sadd.s32 s19, s18  }
0x9c: {  	s6 =	simm.s32 $0x0;
	s20 =	sshll.u32 s4, $0x1;
	s4 =	sadd.s32 s21, s2  }
0x9d: {  	[timem:s6], [sflag:s22] =	dma.local [hbm:s4], s20  }
0x9e: {  	_ =	swait.ge [sflag:s22], s20  }
0x9f: {  	s3 =	ssub.s32 $0x0, s20;
	[sflag:s22] =	ssyncset.done $0x0  }
0xa0: {  	[sflag:s22] =	ssyncadd.s32 s3;
	_ =	sdelay $0x1  }
0xa1: {  	s23 =	simm.s32 $0x1B8B  }
0xa2: {  	_ =	swait.ge [sflag:s23], $0x1  }
0xa3: {  	[sflag:s23] =	ssyncset.done $0x0  }
0xa4: {  	s25 =	simm.s32 $0x1B8E;
	s24 =	sld [smem:$0x3FFE];
	[sflag:s23] =	ssyncadd.s32 $0xFFFFFFFF  }
0xa5: {  	s26 =	simm.s32 $execute0_lowered;
	[smem:$0x3FD2] =	sst s25  }
0xa6: {  	s4 =	sshll.u32 s26, $0x1;
	_ =	strace $0x80000046;
	[dreg:$0x1] =	wrdreg $0xFFFFFFFF  }
0xa7: {  	s28 =	simm.s32 $_size_execute0_lowered;
	s2 =	sadd.s32 s2, s4;
	[dreg:$0x0] =	wrdreg $0x0  }
0xa8: {  	s4 =	sshll.u32 s28, $0x1;
	[dreg:$0x2] =	wrdreg s2  }
0xa9: {  	[dreg:$0x3] =	wrdreg s4  }
0xaa: {  	[dreg:$0x4] =	wrdreg $0xC0  }
0xab: {  	_ =	task [dreg:s6], $0x5FFFF  }
0xac: {  	[dreg:$0x1] =	wrdreg $0xFFFFFFFF  }
0xad: {  	[dreg:$0x0] =	wrdreg $0x60  }
0xae: {  	[dreg:$0x2] =	wrdreg s24  }
0xaf: {  	[dreg:$0x3] =	wrdreg $0x0  }
0xb0: {  	[dreg:$0x4] =	wrdreg $0x9  }
0xb1: {  	_ =	task.clear_ibuf [dreg:s6], $0x5FFFF;
	_ =	strace $0x90000046  }
0xb2: {  	s29 =	simm.s32 $0x9;
	_ =	strace $0x80000048  }
0xb3: {  	_ =	swait.ge [sflag:s29], $0x1  }
0xb4: {  	[sflag:s29] =	ssyncadd.s32 $0xFFFFFFFF  }
0xb5: {  	_ =	strace $0x90000048  }
0xb6: {  	_ =	sfence  }
0xb7: {  	s30 =	sld [smem:$0x0];
	_ =	sdelay $0x2  }
0xb8: {  	s31 =	sshll.u32 s1, $0xD;
	s1 =	sshrl.u32 s1, $0x2  }
0xb9: {  	s3 =	sand.u32 $0x4000, s31;
	s1 =	sadd.s32 s1, s30  }
0xba: {  	s0 =	sor.u32 s3, s0;
	s1 =	sshll.u32 s1, $0x11  }
0xbb: {  	s0 =	sor.u32 s1, s0  }
0xbc: {  	s0 =	sadd.s32 $0x8F2B, s0  }
0xbd: {  	[sflag:s0] =	ssyncadd.remote.s32 $0x1  }
0xbe: {  	_ =	sfence.sel $0xFFFF  }
0xbf: {  	[dreg:$0x0] =	wrdreg $0xFFFFFFFF;
	(pc) =	sbr.abs _section_cstart, $3  }
0xc0: {  	[dreg:$0x1] =	wrdreg $0xFFFFFFFF  }
0xc1: {  	_ =	task.clear_ibuf [dreg:s6], $0x2FFFF;
	_ =	strace $0x9FFFFFFF  }
0xc2: {  	(tm) =	ssettm $0x7FFFFFFF  }
0xc3: {  	_ =	shalt  }
tec
execute0_lowered:
.L_overlay_start_1:
0x0: {  	(tag) =	ssettag $0x1  }
0x1: {  	s0 =	srdreg.scid;
	s5 =	rddreg [dreg:$0x0]  }
0x2: {  	s12 =	stileid.u32;
	s2 =	rddreg [dreg:$0x1];
	s3 =	simm.s32 $0x0  }
0x3: {  	s13 =	simm.s32 $0x2720;
	s15 =	simm.s32 $0x80;
	s16 =	simm.s32 $0x7620  }
0x4: {  	s18 =	simm.s32 $0x7E20;
	s20 =	simm.s32 $0x8620;
	s22 =	simm.s32 $0x8E20  }
0x5: {  	s23 =	simm.s32 $0x1;
	s24 =	simm.s32 $0x2;
	s25 =	simm.s32 $0x3  }
0x6: {  	s28 =	simm.s32 $0x5;
	s29 =	simm.s32 $0x6;
	s30 =	simm.s32 $0x7  }
0x7: {  	s31 =	simm.s32 $0x8;
	s14 =	simm.s32 $0x7520;
	s17 =	simm.s32 $0x75A0  }
0x8: {  	s19 =	simm.s32 $0x0;
	s0 =	sand.u32 $0x1, s0;
	s6 =	smul.u32 $0x2720, s12  }
0x9: {  	[smem:$0x7FF] =	sst s3;
	s4 =	sadd.s32 $0x17C00, s5;
	s26 =	sshll.u32 s12, $0x6  }
0xa: {  	s1 =	sshll.u32 s0, $0x4;
	s7 =	smul.u32 $0x27200, s0;
	_ =	strace $0x80000047  }
0xb: {  	s0 =	ssub.s32 $0x2, s0;
	s1 =	sor.u32 s12, s1;
	s8 =	sshrl.u32 s6, $0x3  }
0xc: {  	s9 =	sshrl.u32 s0, $0x1;
	s11 =	sadd.s32 s6, s2;
	s12 =	simm.s32 $0x9  }
0xd: {  	s1 =	smul.u32 $0x4F0, s1;
	s7 =	sadd.s32 s6, s7;
	s8 =	sadd.s32 s8, s5  }
0xe: {  	s0 =	ssub.s32 s0, s9;
	s6 =	sor.u32 $0x1C09, s26;
	s11 =	sshrl.u32 s11, $0x3  }
0xf: {  	s26 =	simm.s32 $0x4;
	s7 =	sshrl.u32 s7, $0x3;
	s1 =	sadd.s32 s1, s5  }
0x10: {  	s10 =	sadd.s32 s7, s5;
	s5 =	sadd.s32 $0x1CC00, s8;
	s7 =	sadd.s32 $0x4000, s1  }
0x11: {  	s8 =	sadd.s32 $0xDE00, s1;
	s9 =	sadd.s32 $0x21C00, s10;
	s10 =	smax.u32 s0, $0x1  }
.LBB2_1:
0x12: {  	[spmem:s11], [sflag:s6] =	dma.local [hbm:s5], $0x4E4  }
0x13: {  	_ =	swait.ge [sflag:s12], $0x4E4  }
0x14: {  	[sflag:s12] =	ssyncset.done $0x0  }
0x15: {  	[sflag:s12] =	ssyncadd.s32 $0xFFFFFB1C  }
0x16: {  	[tilespmem:s13], [sflag:$0x9] =	stream.linear.gather [hbm4b:s7+s3], $0x2780, $0x38;
	[tilespmem:$0x9620] =	vst v63  }
0x17: {  	_ =	swait.ge [sflag:s12], $0x2780  }
0x18: {  	[sflag:s12] =	ssyncset.done $0x0  }
0x19: {  	s0 =	simm.s32 $0x4EA0;
	[sflag:s12] =	ssyncadd.s32 $0xFFFFD880  }
0x1a: {  	[tilespmem:s0], [sflag:$0x9] =	stream.linear.gather [hbm4b:s8+s3], $0x2780, $0x38;
	[tilespmem:$0x9620] =	vst v63  }
0x1b: {  	_ =	swait.ge [sflag:s12], $0x2780  }
0x1c: {  	[sflag:s12] =	ssyncset.done $0x0  }
0x1d: {  	[sflag:s12] =	ssyncadd.s32 $0xFFFFD880  }
0x1e: {  	[bflag:$0x0] =	sbarrier.arrive $0xFFFF  }
0x1f: {  	[tilespmem:s16], [sflag:$0x1] =	stream.indirect.gather [hbm4b:s4+s15], $0x10, s13, s15, $0xb8;
	[tilespmem:$0x9620] =	vst v63  }
0x20: {  	s21 =	simm.s32 $0x27A0  }
0x21: {  	[tilespmem:s18], [sflag:$0x2] =	stream.indirect.gather [hbm4b:s4+s15], $0x10, s21, s15, $0xb8;
	[tilespmem:$0x9620] =	vst v63  }
0x22: {  	s1 =	simm.s32 $0x2820  }
0x23: {  	[tilespmem:s20], [sflag:$0x3] =	stream.indirect.gather [hbm4b:s4+s15], $0x10, s1, s15, $0xb8;
	[tilespmem:$0x9620] =	vst v63  }
0x24: {  	s21 =	simm.s32 $0x28A0  }
0x25: {  	[tilespmem:s22], [sflag:$0x4] =	stream.indirect.gather [hbm4b:s4+s15], $0x10, s21, s15, $0xb8;
	[tilespmem:$0x9620] =	vst v63  }
0x26: {  	_ =	swait.ge [sflag:s23], $0x800  }
0x27: {  	[sflag:s23] =	ssyncset.done $0x0  }
0x28: {  	s1 =	simm.s32 $0x4EA0;
	[sflag:s23] =	ssyncadd.s32 $0xFFFFF800  }
0x29: {  	[spmem:s2] =	stream.indirect.scatter.add.f32 [tilespmem:s16], [sflag:$0x5], $0x10, s1, s15, $0xb8;
	[tilespmem:$0x9620] =	vst v63  }
0x2a: {  	_ =	swait.ge [sflag:s24], $0x800  }
0x2b: {  	[sflag:s24] =	ssyncset.done $0x0  }
0x2c: {  	s0 =	simm.s32 $0x4F20;
	[sflag:s24] =	ssyncadd.s32 $0xFFFFF800  }
0x2d: {  	[spmem:s2] =	stream.indirect.scatter.add.f32 [tilespmem:s18], [sflag:$0x6], $0x10, s0, s15, $0xb8;
	[tilespmem:$0x9620] =	vst v63  }
0x2e: {  	_ =	swait.ge [sflag:s25], $0x800  }
0x2f: {  	[sflag:s25] =	ssyncset.done $0x0  }
0x30: {  	s21 =	simm.s32 $0x4FA0;
	[sflag:s25] =	ssyncadd.s32 $0xFFFFF800  }
0x31: {  	[spmem:s2] =	stream.indirect.scatter.add.f32 [tilespmem:s20], [sflag:$0x7], $0x10, s21, s15, $0xb8;
	[tilespmem:$0x9620] =	vst v63  }
0x32: {  	_ =	swait.ge [sflag:s26], $0x800  }
0x33: {  	[sflag:s26] =	ssyncset.done $0x0  }
0x34: {  	s0 =	simm.s32 $0x5020;
	[sflag:s26] =	ssyncadd.s32 $0xFFFFF800  }
0x35: {  	[spmem:s2] =	stream.indirect.scatter.add.f32 [tilespmem:s22], [sflag:$0x8], $0x10, s0, s15, $0xb8;
	[tilespmem:$0x9620] =	vst v63  }
0x36: {  	_ =	swait.ge [sflag:s28], $0x800  }
0x37: {  	[sflag:s28] =	ssyncset.done $0x0  }
0x38: {  	s21 =	simm.s32 $0x2920;
	[sflag:s28] =	ssyncadd.s32 $0xFFFFF800  }
0x39: {  	[tilespmem:s16], [sflag:$0x1] =	stream.indirect.gather [hbm4b:s4+s15], $0x10, s21, s15, $0xb8;
	[tilespmem:$0x9620] =	vst v63  }
0x3a: {  	_ =	swait.ge [sflag:s29], $0x800  }
0x3b: {  	[sflag:s29] =	ssyncset.done $0x0  }
0x3c: {  	s0 =	simm.s32 $0x29A0;
	[sflag:s29] =	ssyncadd.s32 $0xFFFFF800  }
0x3d: {  	[tilespmem:s18], [sflag:$0x2] =	stream.indirect.gather [hbm4b:s4+s15], $0x10, s0, s15, $0xb8;
	[tilespmem:$0x9620] =	vst v63  }
0x3e: {  	_ =	swait.ge [sflag:s30], $0x800  }
0x3f: {  	[sflag:s30] =	ssyncset.done $0x0  }
0x40: {  	s21 =	simm.s32 $0x2A20;
	[sflag:s30] =	ssyncadd.s32 $0xFFFFF800  }
0x41: {  	[tilespmem:s20], [sflag:$0x3] =	stream.indirect.gather [hbm4b:s4+s15], $0x10, s21, s15, $0xb8;
	[tilespmem:$0x9620] =	vst v63  }
0x42: {  	_ =	swait.ge [sflag:s31], $0x800  }
0x43: {  	[sflag:s31] =	ssyncset.done $0x0  }
0x44: {  	s1 =	simm.s32 $0x2AA0;
	s21 =	simm.s32 $0x800;
	[sflag:s31] =	ssyncadd.s32 $0xFFFFF800  }
.LBB2_2:
0x45: {  	[tilespmem:s22], [sflag:$0x4] =	stream.indirect.gather [hbm4b:s4+s15], $0x10, s1, s15, $0xb8;
	[tilespmem:$0x9620] =	vst v63  }
0x46: {  	s1 =	smov.u32 s21  }
0x47: {  	p0 =	sne.s32 s21, $0x8800;
	s21 =	sadd.s32 $0x800, s21;
	_ =	swait.ge [sflag:s23], $0x800  }
0x48: {  	s1 =	sshra.s32 s1, $0x2;
	[sflag:s23] =	ssyncset.done $0x0  }
0x49: {  	s0 =	sadd.s32 $0x4EA0, s1;
	[sflag:s23] =	ssyncadd.s32 $0xFFFFF800  }
0x4a: {  	[spmem:s2] =	stream.indirect.scatter.add.f32 [tilespmem:s16], [sflag:$0x5], $0x10, s0, s15, $0xb8;
	[tilespmem:$0x9620] =	vst v63  }
0x4b: {  	_ =	swait.ge [sflag:s24], $0x800  }
0x4c: {  	[sflag:s24] =	ssyncset.done $0x0  }
0x4d: {  	s0 =	sadd.s32 $0x4F20, s1;
	[sflag:s24] =	ssyncadd.s32 $0xFFFFF800  }
0x4e: {  	[spmem:s2] =	stream.indirect.scatter.add.f32 [tilespmem:s18], [sflag:$0x6], $0x10, s0, s15, $0xb8;
	[tilespmem:$0x9620] =	vst v63  }
0x4f: {  	_ =	swait.ge [sflag:s25], $0x800  }
0x50: {  	[sflag:s25] =	ssyncset.done $0x0  }
0x51: {  	s0 =	sadd.s32 $0x4FA0, s1;
	[sflag:s25] =	ssyncadd.s32 $0xFFFFF800  }
0x52: {  	[spmem:s2] =	stream.indirect.scatter.add.f32 [tilespmem:s20], [sflag:$0x7], $0x10, s0, s15, $0xb8;
	[tilespmem:$0x9620] =	vst v63  }
0x53: {  	_ =	swait.ge [sflag:s26], $0x800  }
0x54: {  	[sflag:s26] =	ssyncset.done $0x0  }
0x55: {  	s0 =	sadd.s32 $0x5020, s1;
	[sflag:s26] =	ssyncadd.s32 $0xFFFFF800  }
0x56: {  	[spmem:s2] =	stream.indirect.scatter.add.f32 [tilespmem:s22], [sflag:$0x8], $0x10, s0, s15, $0xb8;
	[tilespmem:$0x9620] =	vst v63  }
0x57: {  	_ =	swait.ge [sflag:s28], $0x800  }
0x58: {  	[sflag:s28] =	ssyncset.done $0x0  }
0x59: {  	s0 =	sadd.s32 $0x2920, s1;
	[sflag:s28] =	ssyncadd.s32 $0xFFFFF800  }
0x5a: {  	[tilespmem:s16], [sflag:$0x1] =	stream.indirect.gather [hbm4b:s4+s15], $0x10, s0, s15, $0xb8;
	[tilespmem:$0x9620] =	vst v63  }
0x5b: {  	_ =	swait.ge [sflag:s29], $0x800  }
0x5c: {  	[sflag:s29] =	ssyncset.done $0x0  }
0x5d: {  	s0 =	sadd.s32 $0x29A0, s1;
	[sflag:s29] =	ssyncadd.s32 $0xFFFFF800  }
0x5e: {  	[tilespmem:s18], [sflag:$0x2] =	stream.indirect.gather [hbm4b:s4+s15], $0x10, s0, s15, $0xb8;
	[tilespmem:$0x9620] =	vst v63  }
0x5f: {  	_ =	swait.ge [sflag:s30], $0x800  }
0x60: {  	[sflag:s30] =	ssyncset.done $0x0  }
.Ltmp0:
0x61: {  	s0 =	sadd.s32 $0x2A20, s1;
	[sflag:s30] =	ssyncadd.s32 $0xFFFFF800;
	(pc) =	sbr.rel @p0 .LBB2_2-.Ltmp0, $4  }
0x62: {  	[tilespmem:s20], [sflag:$0x3] =	stream.indirect.gather [hbm4b:s4+s15], $0x10, s0, s15, $0xb8;
	[tilespmem:$0x9620] =	vst v63  }
0x63: {  	_ =	swait.ge [sflag:s31], $0x800  }
0x64: {  	[sflag:s31] =	ssyncset.done $0x0  }
0x65: {  	s1 =	sadd.s32 $0x2AA0, s1;
	[sflag:s31] =	ssyncadd.s32 $0xFFFFF800  }
0x66: {  	[tilespmem:s22], [sflag:$0x4] =	stream.indirect.gather [hbm4b:s4+s15], $0x10, s1, s15, $0xb8;
	[tilespmem:$0x9620] =	vst v63  }
0x67: {  	_ =	swait.ge [sflag:s23], $0x800  }
0x68: {  	[sflag:s23] =	ssyncset.done $0x0  }
0x69: {  	s0 =	simm.s32 $0x7420;
	[sflag:s23] =	ssyncadd.s32 $0xFFFFF800  }
0x6a: {  	[spmem:s2] =	stream.indirect.scatter.add.f32 [tilespmem:s16], [sflag:$0x5], $0x10, s0, s15, $0xb8;
	[tilespmem:$0x9620] =	vst v63  }
0x6b: {  	_ =	swait.ge [sflag:s24], $0x800  }
0x6c: {  	[sflag:s24] =	ssyncset.done $0x0  }
0x6d: {  	s21 =	simm.s32 $0x74A0;
	[sflag:s24] =	ssyncadd.s32 $0xFFFFF800  }
0x6e: {  	[spmem:s2] =	stream.indirect.scatter.add.f32 [tilespmem:s18], [sflag:$0x6], $0x10, s21, s15, $0xb8;
	[tilespmem:$0x9620] =	vst v63  }
0x6f: {  	_ =	swait.ge [sflag:s25], $0x800  }
0x70: {  	[sflag:s25] =	ssyncset.done $0x0  }
0x71: {  	[sflag:s25] =	ssyncadd.s32 $0xFFFFF800  }
0x72: {  	[spmem:s2] =	stream.indirect.scatter.add.f32 [tilespmem:s20], [sflag:$0x7], $0x10, s14, s15, $0xb8;
	[tilespmem:$0x9620] =	vst v63  }
0x73: {  	_ =	swait.ge [sflag:s26], $0x800  }
0x74: {  	[sflag:s26] =	ssyncset.done $0x0  }
0x75: {  	[sflag:s26] =	ssyncadd.s32 $0xFFFFF800  }
0x76: {  	[spmem:s2] =	stream.indirect.scatter.add.f32 [tilespmem:s22], [sflag:$0x8], $0x10, s17, s15, $0xb8;
	[tilespmem:$0x9620] =	vst v63  }
0x77: {  	_ =	swait.ge [sflag:s28], $0x800  }
0x78: {  	[sflag:s28] =	ssyncset.done $0x0  }
0x79: {  	[sflag:s28] =	ssyncadd.s32 $0xFFFFF800  }
0x7a: {  	_ =	swait.ge [sflag:s29], $0x800  }
0x7b: {  	[sflag:s29] =	ssyncset.done $0x0  }
0x7c: {  	[sflag:s29] =	ssyncadd.s32 $0xFFFFF800  }
0x7d: {  	_ =	swait.ge [sflag:s30], $0x800  }
0x7e: {  	[sflag:s30] =	ssyncset.done $0x0  }
0x7f: {  	[sflag:s30] =	ssyncadd.s32 $0xFFFFF800  }
0x80: {  	_ =	swait.ge [sflag:s31], $0x800  }
0x81: {  	s19 =	sadd.s32 $0x1, s19;
	[sflag:s31] =	ssyncset.done $0x0  }
0x82: {  	p0 =	sne.s32 s19, s10;
	[sflag:s31] =	ssyncadd.s32 $0xFFFFF800  }
.Ltmp1:
0x83: {  	[bflag:$0x0] =	sbarrier.arrive $0xFFFF;
	(pc) =	sbr.rel @p0 .LBB2_1-.Ltmp1, $4  }
0x84: {  	[hbm:s9], [sflag:s6] =	dma.local [spmem:s11], $0x4E4  }
0x85: {  	_ =	swait.ge [sflag:s12], $0x4E4  }
0x86: {  	[sflag:s12] =	ssyncset.done $0x0  }
0x87: {  	[sflag:s12] =	ssyncadd.s32 $0xFFFFFB1C  }
0x88: {  	_ =	sfence.sel $0x180000  }
0x89: {  	[bflag:$0x0] =	sbarrier.arrive $0xFFFF  }
0x8a: {  	_ =	strace $0x90000047  }
0x8b: {  	s0 =	stileid.u32;
	[bflag:$0x2] =	sbarrier.arrive $0xFFFF  }
0x8c: {  	p0 =	sne.s32 s0, $0x0;
	s0 =	rddreg [dreg:$0x2]  }
0x8d: {  	s0 =	sadd.s32 @!p0 $0x100000, s0  }
0x8e: {  	[sflag:s0] =	ssyncadd.tile.s32 @!p0 $0x1;
	_ =	shalt  }
.Lfunc_end2:
_tile_overlayer_lowered:
.L_overlay_start_2:
0x8f: {  	(tag) =	ssettag $0x2  }
0x90: {  	s0 =	rddreg [dreg:$0x0];
	s2 =	stileid.u32  }
0x91: {  	s1 =	rddreg [dreg:$0x1];
	p0 =	sne.s32 s2, $0x0  }
0x92: {  	s3 =	rddreg [dreg:$0x2];
	[bflag:$0x3] =	sbarrier.arrive $0xFFFF;
	s2 =	simm.s32 @!p0 $0x1C09  }
0x93: {  	[timem:s3], [sflag:s2] =	dma.local @!p0 [hbm:s0], s1  }
0x94: {  	s0 =	simm.s32 @!p0 $0x9  }
0x95: {  	_ =	swait.ge @!p0 [sflag:s0], s1  }
0x96: {  	s1 =	ssub.s32 @!p0 $0x0, s1;
	[sflag:s0] =	ssyncset.done @!p0 $0x0  }
0x97: {  	[sflag:s0] =	ssyncadd.s32 @!p0 s1  }
0x98: {  	[bflag:$0x3] =	sbarrier.arrive $0xFFFF  }
0x99: {  	_ =	shalt  }

// kernel: kernel.14.cloned.1.call-start
scs
__scs_entry_jumppad:
0x0: {  	(pc) =	sbr.rel $0x88, $3  }
0x1: {  	(tag) =	ssettag $0x0;
	lr =	simm.s32 $0x1  }
0x2: {  	[smem:$0x3F8C] =	sst lr;
	_ =	strace $0xD0000000  }
0x3: {  	_ = 	snop  }
0x4: {  	_ = 	snop  }
0x5: {  	_ = 	snop  }
0x6: {  	_ = 	snop  }
0x7: {  	_ = 	snop  }
__scs_overlays_trampoline_lowered:
0x8: {  	[smem:$0x3F9B] =	sst s0  }
0x9: {  	[smem:$0x3F9C] =	sst s1  }
0xa: {  	[smem:$0x3F9D] =	sst s2  }
0xb: {  	[smem:$0x3F9E] =	sst s3  }
0xc: {  	[smem:$0x3F9F] =	sst s4  }
0xd: {  	[smem:$0x3FA0] =	sst s5  }
0xe: {  	[smem:$0x3FA1] =	sst s6  }
0xf: {  	[smem:$0x3FA2] =	sst s7  }
0x10: {  	[smem:$0x3FA3] =	sst s8  }
0x11: {  	[smem:$0x3FA4] =	sst s9;
	s0 =	simm.s32 @!p0 $0x0  }
0x12: {  	s1 =	sld [smem:$0x3F8A];
	s0 =	simm.s32 @p0 $0x1  }
0x13: {  	[smem:$0x3FA5] =	sst s0;
	s0 =	simm.s32 @!p1 $0x0  }
0x14: {  	s2 =	sld [smem:$0x3F89];
	s0 =	simm.s32 @p1 $0x1  }
0x15: {  	[smem:$0x3FA6] =	sst s0;
	s0 =	simm.s32 @!p2 $0x0  }
0x16: {  	s3 =	sld [smem:$0x3FDB];
	s0 =	simm.s32 @p2 $0x1  }
0x17: {  	s4 =	simm.s32 $0x1BF5;
	[smem:$0x3FA8] =	sst s0  }
0x18: {  	s0 =	sld [smem:$0x3F8B];
	_ =	swait.ge [sflag:s4], $0x0  }
0x19: {  	s7 =	sld [smem:$0x3F8C]  }
0x1a: {  	s8 =	sadd.s32 $0xFFFFE003, lr  }
0x1b: {  	s9 =	sadd.s32 $0xFFFFFEF7, lr;
	s5 =	simm.s32 $0xFFFFFFFF;
	p2 =	slt.u32 s8, $0xFFFFF086  }
0x1c: {  	p1 =	slt.u32 s9, $0xF7A;
	s5 =	simm.s32 @!p2 $0x0  }
0x1d: {  	s5 =	simm.s32 @p1 $0x1;
	p0 =	seq.s32 s7, s2  }
0x1e: {  	s7 =	smul.u32 @!p0 $0xF7A, s2;
	p2 =	seq.s32 @!p0 s5, $0x0  }
0x1f: {  	s9 =	smul.u32 $0xF7A, s1;
	s8 =	simm.s32 @!p0 $0x1BF5;
	p2 =	por !p2, p0  }
0x20: {  	[sflag:s8] =	ssyncset.s32 @!p0 $0xFFFFF086;
	s6 =	sadd.s32 @!p0 s3, s7;
	s7 =	simm.s32 @!p0 $0x108  }
0x21: {  	s3 =	sadd.s32 s3, s9;
	s6 =	sadd.s32 @!p0 $0x88, s6;
	s7 =	simm.s32 @p2 $0x1082  }
0x22: {  	[simem:s7], [sflag:s8] =	dma.local @!p0 [hbm:s6], $0xF7A  }
0x23: {  	s9 =	sor.u32 $0xD0000000, s2;
	s6 =	simm.s32 $0x108;
	_ =	swait.ge @!p0 [sflag:s8], $0x0  }
0x24: {  	s3 =	sadd.s32 $0x88, s3;
	s6 =	simm.s32 @!p1 $0x1082;
	[sflag:s4] =	ssyncset.s32 $0xFFFFF086  }
0x25: {  	[simem:s6], [sflag:s4] =	dma.local [hbm:s3], $0xF7A  }
0x26: {  	[smem:$0x3F8C] =	sst s1;
	(tag) =	ssettag s2;
	_ =	strace s9  }
0x27: {  	s1 =	sld [smem:$0x3F9C]  }
0x28: {  	s2 =	sld [smem:$0x3F9D]  }
0x29: {  	s4 =	sld [smem:$0x3F9F]  }
0x2a: {  	p0 =	seq.s32 s5, $0x0;
	s5 =	sld [smem:$0x3FA0]  }
0x2b: {  	s6 =	sld [smem:$0x3FA1]  }
0x2c: {  	s7 =	sld [smem:$0x3FA2]  }
0x2d: {  	s3 =	simm.s32 $0x108;
	s8 =	sld [smem:$0x3FA3]  }
0x2e: {  	s3 =	simm.s32 @!p0 $0x1082;
	s9 =	sld [smem:$0x3FA4]  }
0x2f: {  	lr =	sadd.s32 s0, s3;
	s0 =	sld [smem:$0x3F9B]  }
0x30: {  	s3 =	sld [smem:$0x3F9E]  }
0x31: {  	[smem:$0x3FA7] =	sst s10  }
0x32: {  	s10 =	sld [smem:$0x3FA5];
	_ =	sdelay $0x3  }
0x33: {  	p0 =	seq.s32 s10, $0x1;
	s10 =	sld [smem:$0x3FA7];
	_ =	sdelay $0x3  }
0x34: {  	[smem:$0x3FA7] =	sst s10  }
0x35: {  	s10 =	sld [smem:$0x3FA6];
	_ =	sdelay $0x3  }
0x36: {  	p1 =	seq.s32 s10, $0x1;
	s10 =	sld [smem:$0x3FA7];
	_ =	sdelay $0x3  }
0x37: {  	[smem:$0x3FA7] =	sst s10  }
0x38: {  	s10 =	sld [smem:$0x3FA8]  }
0x39: {  	_ = 	snop;
	(pc) =	sbr.ind lr, $3  }
0x3a: {  	_ = 	snop  }
0x3b: {  	_ = 	snop  }
0x3c: {  	p2 =	seq.s32 s10, $0x1;
	s10 =	sld [smem:$0x3FA7]  }
0x3d: {  	_ =	shalt  }
0x3e: {  	_ =	shalt  }
0x3f: {  	_ =	shalt  }
0x40: {  	_ =	shalt  }
0x41: {  	_ =	shalt  }
0x42: {  	_ =	shalt  }
0x43: {  	_ =	shalt  }
0x44: {  	_ =	shalt  }
0x45: {  	_ =	shalt  }
0x46: {  	_ =	shalt  }
0x47: {  	_ =	shalt  }
0x48: {  	_ =	shalt  }
0x49: {  	_ =	shalt  }
0x4a: {  	_ =	shalt  }
0x4b: {  	_ =	shalt  }
0x4c: {  	_ =	shalt  }
0x4d: {  	_ =	shalt  }
0x4e: {  	_ =	shalt  }
0x4f: {  	_ =	shalt  }
0x50: {  	_ =	shalt  }
0x51: {  	_ =	shalt  }
0x52: {  	_ =	shalt  }
0x53: {  	_ =	shalt  }
0x54: {  	_ =	shalt  }
0x55: {  	_ =	shalt  }
0x56: {  	_ =	shalt  }
0x57: {  	_ =	shalt  }
0x58: {  	_ =	shalt  }
0x59: {  	_ =	shalt  }
0x5a: {  	_ =	shalt  }
0x5b: {  	_ =	shalt  }
0x5c: {  	_ =	shalt  }
0x5d: {  	_ =	shalt  }
0x5e: {  	_ =	shalt  }
0x5f: {  	_ =	shalt  }
0x60: {  	_ =	shalt  }
0x61: {  	_ =	shalt  }
0x62: {  	_ =	shalt  }
0x63: {  	_ =	shalt  }
0x64: {  	_ =	shalt  }
0x65: {  	_ =	shalt  }
0x66: {  	_ =	shalt  }
0x67: {  	_ =	shalt  }
0x68: {  	_ =	shalt  }
0x69: {  	_ =	shalt  }
0x6a: {  	_ =	shalt  }
0x6b: {  	_ =	shalt  }
0x6c: {  	_ =	shalt  }
0x6d: {  	_ =	shalt  }
0x6e: {  	_ =	shalt  }
0x6f: {  	_ =	shalt  }
0x70: {  	_ =	shalt  }
0x71: {  	_ =	shalt  }
0x72: {  	_ =	shalt  }
0x73: {  	_ =	shalt  }
0x74: {  	_ =	shalt  }
0x75: {  	_ =	shalt  }
0x76: {  	_ =	shalt  }
0x77: {  	_ =	shalt  }
0x78: {  	_ =	shalt  }
0x79: {  	_ =	shalt  }
0x7a: {  	_ =	shalt  }
0x7b: {  	_ =	shalt  }
0x7c: {  	_ =	shalt  }
0x7d: {  	_ =	shalt  }
0x7e: {  	_ =	shalt  }
0x7f: {  	_ =	shalt  }
0x80: {  	_ =	shalt  }
0x81: {  	_ =	shalt  }
0x82: {  	_ =	shalt  }
0x83: {  	_ =	shalt  }
0x84: {  	_ =	shalt  }
0x85: {  	_ =	shalt  }
0x86: {  	_ =	shalt  }
0x87: {  	_ =	shalt  }
.Lfunc_end0:
.L_simem_size_0:
called_computation.1_lowered:
.L_overlay_start_0:
0x88: {  	s2 =	sld [smem:$0x3FD9]  }
0x89: {  	s3 =	sld [smem:$0x3FFE];
	_ =	sdelay $0x1  }
0x8a: {  	s1 =	srdreg.scid  }
0x8b: {  	s0 =	sand.u32 $0x1, s1  }
0x8c: {  	s16 =	sshll.u32 s0, $0xA;
	s2 =	sadd.s32 s3, s2  }
0x8d: {  	s2 =	sadd.s32 s2, s16  }
0x8e: {  	[smem:$0x3FB3] =	sst s2  }
0x8f: {  	_ = 	snop  }
0x90: {  	(tm) =	ssettm $0x1  }
0x91: {  	s17 =	sld [smem:$0x3FFB];
	_ =	sdelay $0x3  }
0x92: {  	_ =	strace s17  }
0x93: {  	s2 =	sld [smem:$0x3FFC];
	_ =	sdelay $0x3  }
0x94: {  	_ =	strace s2  }
0x95: {  	s2 =	sld [smem:$0x3FFD];
	_ =	sdelay $0x3  }
0x96: {  	_ =	strace s2  }
0x97: {  	_ =	strace $0x8FFFFFFF  }
0x98: {  	s18 =	sld [smem:$0x3FDB];
	_ =	sdelay $0x1  }
0x99: {  	s19 =	simm.s32 $_scs_section_size  }
0x9a: {  	s4 =	simm.s32 $_size__tile_overlayer_lowered;
	s5 =	simm.s32 $_tile_overlayer_lowered  }
0x9b: {  	s22 =	simm.s32 $0x1BFF;
	s21 =	sshll.u32 s5, $0x1;
	s2 =	sadd.s32 s19, s18  }
0x9c: {  	s6 =	simm.s32 $0x0;
	s20 =	sshll.u32 s4, $0x1;
	s4 =	sadd.s32 s21, s2  }
0x9d: {  	[timem:s6], [sflag:s22] =	dma.local [hbm:s4], s20  }
0x9e: {  	_ =	swait.ge [sflag:s22], s20  }
0x9f: {  	s3 =	ssub.s32 $0x0, s20;
	[sflag:s22] =	ssyncset.done $0x0  }
0xa0: {  	[sflag:s22] =	ssyncadd.s32 s3;
	_ =	sdelay $0x1  }
0xa1: {  	s23 =	simm.s32 $0x1B8B  }
0xa2: {  	_ =	swait.ge [sflag:s23], $0x1  }
0xa3: {  	[sflag:s23] =	ssyncset.done $0x0  }
0xa4: {  	s25 =	simm.s32 $0x1B8E;
	s24 =	sld [smem:$0x3FFE];
	[sflag:s23] =	ssyncadd.s32 $0xFFFFFFFF  }
0xa5: {  	s26 =	simm.s32 $execute0_lowered;
	[smem:$0x3FD2] =	sst s25  }
0xa6: {  	s4 =	sshll.u32 s26, $0x1;
	_ =	strace $0x80000049;
	[dreg:$0x1] =	wrdreg $0xFFFFFFFF  }
0xa7: {  	s28 =	simm.s32 $_size_execute0_lowered;
	s2 =	sadd.s32 s2, s4;
	[dreg:$0x0] =	wrdreg $0x0  }
0xa8: {  	s4 =	sshll.u32 s28, $0x1;
	[dreg:$0x2] =	wrdreg s2  }
0xa9: {  	[dreg:$0x3] =	wrdreg s4  }
0xaa: {  	[dreg:$0x4] =	wrdreg $0xC0  }
0xab: {  	_ =	task [dreg:s6], $0x5FFFF  }
0xac: {  	[dreg:$0x1] =	wrdreg $0xFFFFFFFF  }
0xad: {  	[dreg:$0x0] =	wrdreg $0x60  }
0xae: {  	[dreg:$0x2] =	wrdreg s24  }
0xaf: {  	[dreg:$0x3] =	wrdreg $0x0  }
0xb0: {  	[dreg:$0x4] =	wrdreg $0x9  }
0xb1: {  	_ =	task.clear_ibuf [dreg:s6], $0x5FFFF;
	_ =	strace $0x90000049  }
0xb2: {  	s29 =	simm.s32 $0x9;
	_ =	strace $0x8000004B  }
0xb3: {  	_ =	swait.ge [sflag:s29], $0x1  }
0xb4: {  	[sflag:s29] =	ssyncadd.s32 $0xFFFFFFFF  }
0xb5: {  	_ =	strace $0x9000004B  }
0xb6: {  	_ =	sfence  }
0xb7: {  	s30 =	sld [smem:$0x0];
	_ =	sdelay $0x2  }
0xb8: {  	s31 =	sshll.u32 s1, $0xD;
	s1 =	sshrl.u32 s1, $0x2  }
0xb9: {  	s3 =	sand.u32 $0x4000, s31;
	s1 =	sadd.s32 s1, s30  }
0xba: {  	s0 =	sor.u32 s3, s0;
	s1 =	sshll.u32 s1, $0x11  }
0xbb: {  	s0 =	sor.u32 s1, s0  }
0xbc: {  	s0 =	sadd.s32 $0x8F2B, s0  }
0xbd: {  	[sflag:s0] =	ssyncadd.remote.s32 $0x1  }
0xbe: {  	_ =	sfence.sel $0xFFFF  }
0xbf: {  	[dreg:$0x0] =	wrdreg $0xFFFFFFFF;
	(pc) =	sbr.abs _section_cstart, $3  }
0xc0: {  	[dreg:$0x1] =	wrdreg $0xFFFFFFFF  }
0xc1: {  	_ =	task.clear_ibuf [dreg:s6], $0x2FFFF;
	_ =	strace $0x9FFFFFFF  }
0xc2: {  	(tm) =	ssettm $0x7FFFFFFF  }
0xc3: {  	_ =	shalt  }
tec
execute0_lowered:
.L_overlay_start_1:
0x0: {  	(tag) =	ssettag $0x1  }
0x1: {  	s0 =	srdreg.scid;
	s5 =	rddreg [dreg:$0x0]  }
0x2: {  	s12 =	stileid.u32;
	s2 =	rddreg [dreg:$0x1];
	s3 =	simm.s32 $0x0  }
0x3: {  	s13 =	simm.s32 $0x2720;
	s15 =	simm.s32 $0x80;
	s16 =	simm.s32 $0x7620  }
0x4: {  	s18 =	simm.s32 $0x7E20;
	s20 =	simm.s32 $0x8620;
	s22 =	simm.s32 $0x8E20  }
0x5: {  	s23 =	simm.s32 $0x1;
	s24 =	simm.s32 $0x2;
	s25 =	simm.s32 $0x3  }
0x6: {  	s28 =	simm.s32 $0x5;
	s29 =	simm.s32 $0x6;
	s30 =	simm.s32 $0x7  }
0x7: {  	s31 =	simm.s32 $0x8;
	s14 =	simm.s32 $0x7520;
	s17 =	simm.s32 $0x75A0  }
0x8: {  	s19 =	simm.s32 $0x0;
	s0 =	sand.u32 $0x1, s0;
	s6 =	smul.u32 $0x2720, s12  }
0x9: {  	[smem:$0x7FF] =	sst s3;
	s4 =	sadd.s32 $0x17C00, s5;
	s26 =	sshll.u32 s12, $0x6  }
0xa: {  	s1 =	sshll.u32 s0, $0x4;
	s7 =	smul.u32 $0x27200, s0;
	_ =	strace $0x8000004A  }
0xb: {  	s0 =	ssub.s32 $0x2, s0;
	s1 =	sor.u32 s12, s1;
	s8 =	sshrl.u32 s6, $0x3  }
0xc: {  	s9 =	sshrl.u32 s0, $0x1;
	s11 =	sadd.s32 s6, s2;
	s12 =	simm.s32 $0x9  }
0xd: {  	s1 =	smul.u32 $0x4F0, s1;
	s7 =	sadd.s32 s6, s7;
	s8 =	sadd.s32 s8, s5  }
0xe: {  	s0 =	ssub.s32 s0, s9;
	s6 =	sor.u32 $0x1C09, s26;
	s11 =	sshrl.u32 s11, $0x3  }
0xf: {  	s26 =	simm.s32 $0x4;
	s7 =	sshrl.u32 s7, $0x3;
	s1 =	sadd.s32 s1, s5  }
0x10: {  	s10 =	sadd.s32 s7, s5;
	s5 =	sadd.s32 $0x1CC00, s8;
	s7 =	sadd.s32 $0x4000, s1  }
0x11: {  	s8 =	sadd.s32 $0xDE00, s1;
	s9 =	sadd.s32 $0x21C00, s10;
	s10 =	smax.u32 s0, $0x1  }
.LBB2_1:
0x12: {  	[spmem:s11], [sflag:s6] =	dma.local [hbm:s5], $0x4E4  }
0x13: {  	_ =	swait.ge [sflag:s12], $0x4E4  }
0x14: {  	[sflag:s12] =	ssyncset.done $0x0  }
0x15: {  	[sflag:s12] =	ssyncadd.s32 $0xFFFFFB1C  }
0x16: {  	[tilespmem:s13], [sflag:$0x9] =	stream.linear.gather [hbm4b:s7+s3], $0x2780, $0x38;
	[tilespmem:$0x9620] =	vst v63  }
0x17: {  	_ =	swait.ge [sflag:s12], $0x2780  }
0x18: {  	[sflag:s12] =	ssyncset.done $0x0  }
0x19: {  	s0 =	simm.s32 $0x4EA0;
	[sflag:s12] =	ssyncadd.s32 $0xFFFFD880  }
0x1a: {  	[tilespmem:s0], [sflag:$0x9] =	stream.linear.gather [hbm4b:s8+s3], $0x2780, $0x38;
	[tilespmem:$0x9620] =	vst v63  }
0x1b: {  	_ =	swait.ge [sflag:s12], $0x2780  }
0x1c: {  	[sflag:s12] =	ssyncset.done $0x0  }
0x1d: {  	[sflag:s12] =	ssyncadd.s32 $0xFFFFD880  }
0x1e: {  	[bflag:$0x0] =	sbarrier.arrive $0xFFFF  }
0x1f: {  	[tilespmem:s16], [sflag:$0x1] =	stream.indirect.gather [hbm4b:s4+s15], $0x10, s13, s15, $0xb8;
	[tilespmem:$0x9620] =	vst v63  }
0x20: {  	s21 =	simm.s32 $0x27A0  }
0x21: {  	[tilespmem:s18], [sflag:$0x2] =	stream.indirect.gather [hbm4b:s4+s15], $0x10, s21, s15, $0xb8;
	[tilespmem:$0x9620] =	vst v63  }
0x22: {  	s1 =	simm.s32 $0x2820  }
0x23: {  	[tilespmem:s20], [sflag:$0x3] =	stream.indirect.gather [hbm4b:s4+s15], $0x10, s1, s15, $0xb8;
	[tilespmem:$0x9620] =	vst v63  }
0x24: {  	s21 =	simm.s32 $0x28A0  }
0x25: {  	[tilespmem:s22], [sflag:$0x4] =	stream.indirect.gather [hbm4b:s4+s15], $0x10, s21, s15, $0xb8;
	[tilespmem:$0x9620] =	vst v63  }
0x26: {  	_ =	swait.ge [sflag:s23], $0x800  }
0x27: {  	[sflag:s23] =	ssyncset.done $0x0  }
0x28: {  	s1 =	simm.s32 $0x4EA0;
	[sflag:s23] =	ssyncadd.s32 $0xFFFFF800  }
0x29: {  	[spmem:s2] =	stream.indirect.scatter.add.f32 [tilespmem:s16], [sflag:$0x5], $0x10, s1, s15, $0xb8;
	[tilespmem:$0x9620] =	vst v63  }
0x2a: {  	_ =	swait.ge [sflag:s24], $0x800  }
0x2b: {  	[sflag:s24] =	ssyncset.done $0x0  }
0x2c: {  	s0 =	simm.s32 $0x4F20;
	[sflag:s24] =	ssyncadd.s32 $0xFFFFF800  }
0x2d: {  	[spmem:s2] =	stream.indirect.scatter.add.f32 [tilespmem:s18], [sflag:$0x6], $0x10, s0, s15, $0xb8;
	[tilespmem:$0x9620] =	vst v63  }
0x2e: {  	_ =	swait.ge [sflag:s25], $0x800  }
0x2f: {  	[sflag:s25] =	ssyncset.done $0x0  }
0x30: {  	s21 =	simm.s32 $0x4FA0;
	[sflag:s25] =	ssyncadd.s32 $0xFFFFF800  }
0x31: {  	[spmem:s2] =	stream.indirect.scatter.add.f32 [tilespmem:s20], [sflag:$0x7], $0x10, s21, s15, $0xb8;
	[tilespmem:$0x9620] =	vst v63  }
0x32: {  	_ =	swait.ge [sflag:s26], $0x800  }
0x33: {  	[sflag:s26] =	ssyncset.done $0x0  }
0x34: {  	s0 =	simm.s32 $0x5020;
	[sflag:s26] =	ssyncadd.s32 $0xFFFFF800  }
0x35: {  	[spmem:s2] =	stream.indirect.scatter.add.f32 [tilespmem:s22], [sflag:$0x8], $0x10, s0, s15, $0xb8;
	[tilespmem:$0x9620] =	vst v63  }
0x36: {  	_ =	swait.ge [sflag:s28], $0x800  }
0x37: {  	[sflag:s28] =	ssyncset.done $0x0  }
0x38: {  	s21 =	simm.s32 $0x2920;
	[sflag:s28] =	ssyncadd.s32 $0xFFFFF800  }
0x39: {  	[tilespmem:s16], [sflag:$0x1] =	stream.indirect.gather [hbm4b:s4+s15], $0x10, s21, s15, $0xb8;
	[tilespmem:$0x9620] =	vst v63  }
0x3a: {  	_ =	swait.ge [sflag:s29], $0x800  }
0x3b: {  	[sflag:s29] =	ssyncset.done $0x0  }
0x3c: {  	s0 =	simm.s32 $0x29A0;
	[sflag:s29] =	ssyncadd.s32 $0xFFFFF800  }
0x3d: {  	[tilespmem:s18], [sflag:$0x2] =	stream.indirect.gather [hbm4b:s4+s15], $0x10, s0, s15, $0xb8;
	[tilespmem:$0x9620] =	vst v63  }
0x3e: {  	_ =	swait.ge [sflag:s30], $0x800  }
0x3f: {  	[sflag:s30] =	ssyncset.done $0x0  }
0x40: {  	s21 =	simm.s32 $0x2A20;
	[sflag:s30] =	ssyncadd.s32 $0xFFFFF800  }
0x41: {  	[tilespmem:s20], [sflag:$0x3] =	stream.indirect.gather [hbm4b:s4+s15], $0x10, s21, s15, $0xb8;
	[tilespmem:$0x9620] =	vst v63  }
0x42: {  	_ =	swait.ge [sflag:s31], $0x800  }
0x43: {  	[sflag:s31] =	ssyncset.done $0x0  }
0x44: {  	s1 =	simm.s32 $0x2AA0;
	s21 =	simm.s32 $0x800;
	[sflag:s31] =	ssyncadd.s32 $0xFFFFF800  }
.LBB2_2:
0x45: {  	[tilespmem:s22], [sflag:$0x4] =	stream.indirect.gather [hbm4b:s4+s15], $0x10, s1, s15, $0xb8;
	[tilespmem:$0x9620] =	vst v63  }
0x46: {  	s1 =	smov.u32 s21  }
0x47: {  	p0 =	sne.s32 s21, $0x8800;
	s21 =	sadd.s32 $0x800, s21;
	_ =	swait.ge [sflag:s23], $0x800  }
0x48: {  	s1 =	sshra.s32 s1, $0x2;
	[sflag:s23] =	ssyncset.done $0x0  }
0x49: {  	s0 =	sadd.s32 $0x4EA0, s1;
	[sflag:s23] =	ssyncadd.s32 $0xFFFFF800  }
0x4a: {  	[spmem:s2] =	stream.indirect.scatter.add.f32 [tilespmem:s16], [sflag:$0x5], $0x10, s0, s15, $0xb8;
	[tilespmem:$0x9620] =	vst v63  }
0x4b: {  	_ =	swait.ge [sflag:s24], $0x800  }
0x4c: {  	[sflag:s24] =	ssyncset.done $0x0  }
0x4d: {  	s0 =	sadd.s32 $0x4F20, s1;
	[sflag:s24] =	ssyncadd.s32 $0xFFFFF800  }
0x4e: {  	[spmem:s2] =	stream.indirect.scatter.add.f32 [tilespmem:s18], [sflag:$0x6], $0x10, s0, s15, $0xb8;
	[tilespmem:$0x9620] =	vst v63  }
0x4f: {  	_ =	swait.ge [sflag:s25], $0x800  }
0x50: {  	[sflag:s25] =	ssyncset.done $0x0  }
0x51: {  	s0 =	sadd.s32 $0x4FA0, s1;
	[sflag:s25] =	ssyncadd.s32 $0xFFFFF800  }
0x52: {  	[spmem:s2] =	stream.indirect.scatter.add.f32 [tilespmem:s20], [sflag:$0x7], $0x10, s0, s15, $0xb8;
	[tilespmem:$0x9620] =	vst v63  }
0x53: {  	_ =	swait.ge [sflag:s26], $0x800  }
0x54: {  	[sflag:s26] =	ssyncset.done $0x0  }
0x55: {  	s0 =	sadd.s32 $0x5020, s1;
	[sflag:s26] =	ssyncadd.s32 $0xFFFFF800  }
0x56: {  	[spmem:s2] =	stream.indirect.scatter.add.f32 [tilespmem:s22], [sflag:$0x8], $0x10, s0, s15, $0xb8;
	[tilespmem:$0x9620] =	vst v63  }
0x57: {  	_ =	swait.ge [sflag:s28], $0x800  }
0x58: {  	[sflag:s28] =	ssyncset.done $0x0  }
0x59: {  	s0 =	sadd.s32 $0x2920, s1;
	[sflag:s28] =	ssyncadd.s32 $0xFFFFF800  }
0x5a: {  	[tilespmem:s16], [sflag:$0x1] =	stream.indirect.gather [hbm4b:s4+s15], $0x10, s0, s15, $0xb8;
	[tilespmem:$0x9620] =	vst v63  }
0x5b: {  	_ =	swait.ge [sflag:s29], $0x800  }
0x5c: {  	[sflag:s29] =	ssyncset.done $0x0  }
0x5d: {  	s0 =	sadd.s32 $0x29A0, s1;
	[sflag:s29] =	ssyncadd.s32 $0xFFFFF800  }
0x5e: {  	[tilespmem:s18], [sflag:$0x2] =	stream.indirect.gather [hbm4b:s4+s15], $0x10, s0, s15, $0xb8;
	[tilespmem:$0x9620] =	vst v63  }
0x5f: {  	_ =	swait.ge [sflag:s30], $0x800  }
0x60: {  	[sflag:s30] =	ssyncset.done $0x0  }
.Ltmp0:
0x61: {  	s0 =	sadd.s32 $0x2A20, s1;
	[sflag:s30] =	ssyncadd.s32 $0xFFFFF800;
	(pc) =	sbr.rel @p0 .LBB2_2-.Ltmp0, $4  }
0x62: {  	[tilespmem:s20], [sflag:$0x3] =	stream.indirect.gather [hbm4b:s4+s15], $0x10, s0, s15, $0xb8;
	[tilespmem:$0x9620] =	vst v63  }
0x63: {  	_ =	swait.ge [sflag:s31], $0x800  }
0x64: {  	[sflag:s31] =	ssyncset.done $0x0  }
0x65: {  	s1 =	sadd.s32 $0x2AA0, s1;
	[sflag:s31] =	ssyncadd.s32 $0xFFFFF800  }
0x66: {  	[tilespmem:s22], [sflag:$0x4] =	stream.indirect.gather [hbm4b:s4+s15], $0x10, s1, s15, $0xb8;
	[tilespmem:$0x9620] =	vst v63  }
0x67: {  	_ =	swait.ge [sflag:s23], $0x800  }
0x68: {  	[sflag:s23] =	ssyncset.done $0x0  }
0x69: {  	s0 =	simm.s32 $0x7420;
	[sflag:s23] =	ssyncadd.s32 $0xFFFFF800  }
0x6a: {  	[spmem:s2] =	stream.indirect.scatter.add.f32 [tilespmem:s16], [sflag:$0x5], $0x10, s0, s15, $0xb8;
	[tilespmem:$0x9620] =	vst v63  }
0x6b: {  	_ =	swait.ge [sflag:s24], $0x800  }
0x6c: {  	[sflag:s24] =	ssyncset.done $0x0  }
0x6d: {  	s21 =	simm.s32 $0x74A0;
	[sflag:s24] =	ssyncadd.s32 $0xFFFFF800  }
0x6e: {  	[spmem:s2] =	stream.indirect.scatter.add.f32 [tilespmem:s18], [sflag:$0x6], $0x10, s21, s15, $0xb8;
	[tilespmem:$0x9620] =	vst v63  }
0x6f: {  	_ =	swait.ge [sflag:s25], $0x800  }
0x70: {  	[sflag:s25] =	ssyncset.done $0x0  }
0x71: {  	[sflag:s25] =	ssyncadd.s32 $0xFFFFF800  }
0x72: {  	[spmem:s2] =	stream.indirect.scatter.add.f32 [tilespmem:s20], [sflag:$0x7], $0x10, s14, s15, $0xb8;
	[tilespmem:$0x9620] =	vst v63  }
0x73: {  	_ =	swait.ge [sflag:s26], $0x800  }
0x74: {  	[sflag:s26] =	ssyncset.done $0x0  }
0x75: {  	[sflag:s26] =	ssyncadd.s32 $0xFFFFF800  }
0x76: {  	[spmem:s2] =	stream.indirect.scatter.add.f32 [tilespmem:s22], [sflag:$0x8], $0x10, s17, s15, $0xb8;
	[tilespmem:$0x9620] =	vst v63  }
0x77: {  	_ =	swait.ge [sflag:s28], $0x800  }
0x78: {  	[sflag:s28] =	ssyncset.done $0x0  }
0x79: {  	[sflag:s28] =	ssyncadd.s32 $0xFFFFF800  }
0x7a: {  	_ =	swait.ge [sflag:s29], $0x800  }
0x7b: {  	[sflag:s29] =	ssyncset.done $0x0  }
0x7c: {  	[sflag:s29] =	ssyncadd.s32 $0xFFFFF800  }
0x7d: {  	_ =	swait.ge [sflag:s30], $0x800  }
0x7e: {  	[sflag:s30] =	ssyncset.done $0x0  }
0x7f: {  	[sflag:s30] =	ssyncadd.s32 $0xFFFFF800  }
0x80: {  	_ =	swait.ge [sflag:s31], $0x800  }
0x81: {  	s19 =	sadd.s32 $0x1, s19;
	[sflag:s31] =	ssyncset.done $0x0  }
0x82: {  	p0 =	sne.s32 s19, s10;
	[sflag:s31] =	ssyncadd.s32 $0xFFFFF800  }
.Ltmp1:
0x83: {  	[bflag:$0x0] =	sbarrier.arrive $0xFFFF;
	(pc) =	sbr.rel @p0 .LBB2_1-.Ltmp1, $4  }
0x84: {  	[hbm:s9], [sflag:s6] =	dma.local [spmem:s11], $0x4E4  }
0x85: {  	_ =	swait.ge [sflag:s12], $0x4E4  }
0x86: {  	[sflag:s12] =	ssyncset.done $0x0  }
0x87: {  	[sflag:s12] =	ssyncadd.s32 $0xFFFFFB1C  }
0x88: {  	_ =	sfence.sel $0x180000  }
0x89: {  	[bflag:$0x0] =	sbarrier.arrive $0xFFFF  }
0x8a: {  	_ =	strace $0x9000004A  }
0x8b: {  	s0 =	stileid.u32;
	[bflag:$0x2] =	sbarrier.arrive $0xFFFF  }
0x8c: {  	p0 =	sne.s32 s0, $0x0;
	s0 =	rddreg [dreg:$0x2]  }
0x8d: {  	s0 =	sadd.s32 @!p0 $0x100000, s0  }
0x8e: {  	[sflag:s0] =	ssyncadd.tile.s32 @!p0 $0x1;
	_ =	shalt  }
.Lfunc_end2:
_tile_overlayer_lowered:
.L_overlay_start_2:
0x8f: {  	(tag) =	ssettag $0x2  }
0x90: {  	s0 =	rddreg [dreg:$0x0];
	s2 =	stileid.u32  }
0x91: {  	s1 =	rddreg [dreg:$0x1];
	p0 =	sne.s32 s2, $0x0  }
0x92: {  	s3 =	rddreg [dreg:$0x2];
	[bflag:$0x3] =	sbarrier.arrive $0xFFFF;
	s2 =	simm.s32 @!p0 $0x1C09  }
0x93: {  	[timem:s3], [sflag:s2] =	dma.local @!p0 [hbm:s0], s1  }
0x94: {  	s0 =	simm.s32 @!p0 $0x9  }
0x95: {  	_ =	swait.ge @!p0 [sflag:s0], s1  }
0x96: {  	s1 =	ssub.s32 @!p0 $0x0, s1;
	[sflag:s0] =	ssyncset.done @!p0 $0x0  }
0x97: {  	[sflag:s0] =	ssyncadd.s32 @!p0 s1  }
0x98: {  	[bflag:$0x3] =	sbarrier.arrive $0xFFFF  }
0x99: {  	_ =	shalt  }

// kernel: kernel.17.cloned.1.call-start
scs
__scs_entry_jumppad:
0x0: {  	(pc) =	sbr.rel $0x88, $3  }
0x1: {  	(tag) =	ssettag $0x0;
	lr =	simm.s32 $0x1  }
0x2: {  	[smem:$0x3F8C] =	sst lr;
	_ =	strace $0xD0000000  }
0x3: {  	_ = 	snop  }
0x4: {  	_ = 	snop  }
0x5: {  	_ = 	snop  }
0x6: {  	_ = 	snop  }
0x7: {  	_ = 	snop  }
__scs_overlays_trampoline_lowered:
0x8: {  	[smem:$0x3F9B] =	sst s0  }
0x9: {  	[smem:$0x3F9C] =	sst s1  }
0xa: {  	[smem:$0x3F9D] =	sst s2  }
0xb: {  	[smem:$0x3F9E] =	sst s3  }
0xc: {  	[smem:$0x3F9F] =	sst s4  }
0xd: {  	[smem:$0x3FA0] =	sst s5  }
0xe: {  	[smem:$0x3FA1] =	sst s6  }
0xf: {  	[smem:$0x3FA2] =	sst s7  }
0x10: {  	[smem:$0x3FA3] =	sst s8  }
0x11: {  	[smem:$0x3FA4] =	sst s9;
	s0 =	simm.s32 @!p0 $0x0  }
0x12: {  	s1 =	sld [smem:$0x3F8A];
	s0 =	simm.s32 @p0 $0x1  }
0x13: {  	[smem:$0x3FA5] =	sst s0;
	s0 =	simm.s32 @!p1 $0x0  }
0x14: {  	s2 =	sld [smem:$0x3F89];
	s0 =	simm.s32 @p1 $0x1  }
0x15: {  	[smem:$0x3FA6] =	sst s0;
	s0 =	simm.s32 @!p2 $0x0  }
0x16: {  	s3 =	sld [smem:$0x3FDB];
	s0 =	simm.s32 @p2 $0x1  }
0x17: {  	s4 =	simm.s32 $0x1BF5;
	[smem:$0x3FA8] =	sst s0  }
0x18: {  	s0 =	sld [smem:$0x3F8B];
	_ =	swait.ge [sflag:s4], $0x0  }
0x19: {  	s7 =	sld [smem:$0x3F8C]  }
0x1a: {  	s8 =	sadd.s32 $0xFFFFE003, lr  }
0x1b: {  	s9 =	sadd.s32 $0xFFFFFEF7, lr;
	s5 =	simm.s32 $0xFFFFFFFF;
	p2 =	slt.u32 s8, $0xFFFFF086  }
0x1c: {  	p1 =	slt.u32 s9, $0xF7A;
	s5 =	simm.s32 @!p2 $0x0  }
0x1d: {  	s5 =	simm.s32 @p1 $0x1;
	p0 =	seq.s32 s7, s2  }
0x1e: {  	s7 =	smul.u32 @!p0 $0xF7A, s2;
	p2 =	seq.s32 @!p0 s5, $0x0  }
0x1f: {  	s9 =	smul.u32 $0xF7A, s1;
	s8 =	simm.s32 @!p0 $0x1BF5;
	p2 =	por !p2, p0  }
0x20: {  	[sflag:s8] =	ssyncset.s32 @!p0 $0xFFFFF086;
	s6 =	sadd.s32 @!p0 s3, s7;
	s7 =	simm.s32 @!p0 $0x108  }
0x21: {  	s3 =	sadd.s32 s3, s9;
	s6 =	sadd.s32 @!p0 $0x88, s6;
	s7 =	simm.s32 @p2 $0x1082  }
0x22: {  	[simem:s7], [sflag:s8] =	dma.local @!p0 [hbm:s6], $0xF7A  }
0x23: {  	s9 =	sor.u32 $0xD0000000, s2;
	s6 =	simm.s32 $0x108;
	_ =	swait.ge @!p0 [sflag:s8], $0x0  }
0x24: {  	s3 =	sadd.s32 $0x88, s3;
	s6 =	simm.s32 @!p1 $0x1082;
	[sflag:s4] =	ssyncset.s32 $0xFFFFF086  }
0x25: {  	[simem:s6], [sflag:s4] =	dma.local [hbm:s3], $0xF7A  }
0x26: {  	[smem:$0x3F8C] =	sst s1;
	(tag) =	ssettag s2;
	_ =	strace s9  }
0x27: {  	s1 =	sld [smem:$0x3F9C]  }
0x28: {  	s2 =	sld [smem:$0x3F9D]  }
0x29: {  	s4 =	sld [smem:$0x3F9F]  }
0x2a: {  	p0 =	seq.s32 s5, $0x0;
	s5 =	sld [smem:$0x3FA0]  }
0x2b: {  	s6 =	sld [smem:$0x3FA1]  }
0x2c: {  	s7 =	sld [smem:$0x3FA2]  }
0x2d: {  	s3 =	simm.s32 $0x108;
	s8 =	sld [smem:$0x3FA3]  }
0x2e: {  	s3 =	simm.s32 @!p0 $0x1082;
	s9 =	sld [smem:$0x3FA4]  }
0x2f: {  	lr =	sadd.s32 s0, s3;
	s0 =	sld [smem:$0x3F9B]  }
0x30: {  	s3 =	sld [smem:$0x3F9E]  }
0x31: {  	[smem:$0x3FA7] =	sst s10  }
0x32: {  	s10 =	sld [smem:$0x3FA5];
	_ =	sdelay $0x3  }
0x33: {  	p0 =	seq.s32 s10, $0x1;
	s10 =	sld [smem:$0x3FA7];
	_ =	sdelay $0x3  }
0x34: {  	[smem:$0x3FA7] =	sst s10  }
0x35: {  	s10 =	sld [smem:$0x3FA6];
	_ =	sdelay $0x3  }
0x36: {  	p1 =	seq.s32 s10, $0x1;
	s10 =	sld [smem:$0x3FA7];
	_ =	sdelay $0x3  }
0x37: {  	[smem:$0x3FA7] =	sst s10  }
0x38: {  	s10 =	sld [smem:$0x3FA8]  }
0x39: {  	_ = 	snop;
	(pc) =	sbr.ind lr, $3  }
0x3a: {  	_ = 	snop  }
0x3b: {  	_ = 	snop  }
0x3c: {  	p2 =	seq.s32 s10, $0x1;
	s10 =	sld [smem:$0x3FA7]  }
0x3d: {  	_ =	shalt  }
0x3e: {  	_ =	shalt  }
0x3f: {  	_ =	shalt  }
0x40: {  	_ =	shalt  }
0x41: {  	_ =	shalt  }
0x42: {  	_ =	shalt  }
0x43: {  	_ =	shalt  }
0x44: {  	_ =	shalt  }
0x45: {  	_ =	shalt  }
0x46: {  	_ =	shalt  }
0x47: {  	_ =	shalt  }
0x48: {  	_ =	shalt  }
0x49: {  	_ =	shalt  }
0x4a: {  	_ =	shalt  }
0x4b: {  	_ =	shalt  }
0x4c: {  	_ =	shalt  }
0x4d: {  	_ =	shalt  }
0x4e: {  	_ =	shalt  }
0x4f: {  	_ =	shalt  }
0x50: {  	_ =	shalt  }
0x51: {  	_ =	shalt  }
0x52: {  	_ =	shalt  }
0x53: {  	_ =	shalt  }
0x54: {  	_ =	shalt  }
0x55: {  	_ =	shalt  }
0x56: {  	_ =	shalt  }
0x57: {  	_ =	shalt  }
0x58: {  	_ =	shalt  }
0x59: {  	_ =	shalt  }
0x5a: {  	_ =	shalt  }
0x5b: {  	_ =	shalt  }
0x5c: {  	_ =	shalt  }
0x5d: {  	_ =	shalt  }
0x5e: {  	_ =	shalt  }
0x5f: {  	_ =	shalt  }
0x60: {  	_ =	shalt  }
0x61: {  	_ =	shalt  }
0x62: {  	_ =	shalt  }
0x63: {  	_ =	shalt  }
0x64: {  	_ =	shalt  }
0x65: {  	_ =	shalt  }
0x66: {  	_ =	shalt  }
0x67: {  	_ =	shalt  }
0x68: {  	_ =	shalt  }
0x69: {  	_ =	shalt  }
0x6a: {  	_ =	shalt  }
0x6b: {  	_ =	shalt  }
0x6c: {  	_ =	shalt  }
0x6d: {  	_ =	shalt  }
0x6e: {  	_ =	shalt  }
0x6f: {  	_ =	shalt  }
0x70: {  	_ =	shalt  }
0x71: {  	_ =	shalt  }
0x72: {  	_ =	shalt  }
0x73: {  	_ =	shalt  }
0x74: {  	_ =	shalt  }
0x75: {  	_ =	shalt  }
0x76: {  	_ =	shalt  }
0x77: {  	_ =	shalt  }
0x78: {  	_ =	shalt  }
0x79: {  	_ =	shalt  }
0x7a: {  	_ =	shalt  }
0x7b: {  	_ =	shalt  }
0x7c: {  	_ =	shalt  }
0x7d: {  	_ =	shalt  }
0x7e: {  	_ =	shalt  }
0x7f: {  	_ =	shalt  }
0x80: {  	_ =	shalt  }
0x81: {  	_ =	shalt  }
0x82: {  	_ =	shalt  }
0x83: {  	_ =	shalt  }
0x84: {  	_ =	shalt  }
0x85: {  	_ =	shalt  }
0x86: {  	_ =	shalt  }
0x87: {  	_ =	shalt  }
.Lfunc_end0:
.L_simem_size_0:
called_computation.2_lowered:
.L_overlay_start_0:
0x88: {  	s2 =	sld [smem:$0x3FD9]  }
0x89: {  	s3 =	sld [smem:$0x3FFE];
	_ =	sdelay $0x1  }
0x8a: {  	s1 =	srdreg.scid  }
0x8b: {  	s0 =	sand.u32 $0x1, s1  }
0x8c: {  	s16 =	sshll.u32 s0, $0xA;
	s2 =	sadd.s32 s3, s2  }
0x8d: {  	s2 =	sadd.s32 s2, s16  }
0x8e: {  	[smem:$0x3FB3] =	sst s2  }
0x8f: {  	_ = 	snop  }
0x90: {  	(tm) =	ssettm $0x1  }
0x91: {  	s17 =	sld [smem:$0x3FFB];
	_ =	sdelay $0x3  }
0x92: {  	_ =	strace s17  }
0x93: {  	s2 =	sld [smem:$0x3FFC];
	_ =	sdelay $0x3  }
0x94: {  	_ =	strace s2  }
0x95: {  	s2 =	sld [smem:$0x3FFD];
	_ =	sdelay $0x3  }
0x96: {  	_ =	strace s2  }
0x97: {  	_ =	strace $0x8FFFFFFF  }
0x98: {  	s18 =	sld [smem:$0x3FDB];
	_ =	sdelay $0x1  }
0x99: {  	s19 =	simm.s32 $_scs_section_size  }
0x9a: {  	s4 =	simm.s32 $_size__tile_overlayer_lowered;
	s5 =	simm.s32 $_tile_overlayer_lowered  }
0x9b: {  	s22 =	simm.s32 $0x1BFF;
	s21 =	sshll.u32 s5, $0x1;
	s2 =	sadd.s32 s19, s18  }
0x9c: {  	s6 =	simm.s32 $0x0;
	s20 =	sshll.u32 s4, $0x1;
	s4 =	sadd.s32 s21, s2  }
0x9d: {  	[timem:s6], [sflag:s22] =	dma.local [hbm:s4], s20  }
0x9e: {  	_ =	swait.ge [sflag:s22], s20  }
0x9f: {  	s3 =	ssub.s32 $0x0, s20;
	[sflag:s22] =	ssyncset.done $0x0  }
0xa0: {  	[sflag:s22] =	ssyncadd.s32 s3;
	_ =	sdelay $0x1  }
0xa1: {  	s23 =	simm.s32 $0x1B8B  }
0xa2: {  	_ =	swait.ge [sflag:s23], $0x1  }
0xa3: {  	[sflag:s23] =	ssyncset.done $0x0  }
0xa4: {  	s25 =	simm.s32 $0x1B8E;
	s24 =	sld [smem:$0x3FFE];
	[sflag:s23] =	ssyncadd.s32 $0xFFFFFFFF  }
0xa5: {  	s26 =	simm.s32 $execute0_lowered;
	[smem:$0x3FD2] =	sst s25  }
0xa6: {  	s4 =	sshll.u32 s26, $0x1;
	_ =	strace $0x8000004C;
	[dreg:$0x1] =	wrdreg $0xFFFFFFFF  }
0xa7: {  	s28 =	simm.s32 $_size_execute0_lowered;
	s2 =	sadd.s32 s2, s4;
	[dreg:$0x0] =	wrdreg $0x0  }
0xa8: {  	s4 =	sshll.u32 s28, $0x1;
	[dreg:$0x2] =	wrdreg s2  }
0xa9: {  	[dreg:$0x3] =	wrdreg s4  }
0xaa: {  	[dreg:$0x4] =	wrdreg $0xC0  }
0xab: {  	_ =	task [dreg:s6], $0x5FFFF  }
0xac: {  	[dreg:$0x1] =	wrdreg $0xFFFFFFFF  }
0xad: {  	[dreg:$0x0] =	wrdreg $0x60  }
0xae: {  	[dreg:$0x2] =	wrdreg s24  }
0xaf: {  	[dreg:$0x3] =	wrdreg $0x0  }
0xb0: {  	[dreg:$0x4] =	wrdreg $0x9  }
0xb1: {  	_ =	task.clear_ibuf [dreg:s6], $0x5FFFF;
	_ =	strace $0x9000004C  }
0xb2: {  	s29 =	simm.s32 $0x9;
	_ =	strace $0x8000004E  }
0xb3: {  	_ =	swait.ge [sflag:s29], $0x1  }
0xb4: {  	[sflag:s29] =	ssyncadd.s32 $0xFFFFFFFF  }
0xb5: {  	_ =	strace $0x9000004E  }
0xb6: {  	_ =	sfence  }
0xb7: {  	s30 =	sld [smem:$0x0];
	_ =	sdelay $0x2  }
0xb8: {  	s31 =	sshll.u32 s1, $0xD;
	s1 =	sshrl.u32 s1, $0x2  }
0xb9: {  	s3 =	sand.u32 $0x4000, s31;
	s1 =	sadd.s32 s1, s30  }
0xba: {  	s0 =	sor.u32 s3, s0;
	s1 =	sshll.u32 s1, $0x11  }
0xbb: {  	s0 =	sor.u32 s1, s0  }
0xbc: {  	s0 =	sadd.s32 $0x8F2B, s0  }
0xbd: {  	[sflag:s0] =	ssyncadd.remote.s32 $0x1  }
0xbe: {  	_ =	sfence.sel $0xFFFF  }
0xbf: {  	[dreg:$0x0] =	wrdreg $0xFFFFFFFF;
	(pc) =	sbr.abs _section_cstart, $3  }
0xc0: {  	[dreg:$0x1] =	wrdreg $0xFFFFFFFF  }
0xc1: {  	_ =	task.clear_ibuf [dreg:s6], $0x2FFFF;
	_ =	strace $0x9FFFFFFF  }
0xc2: {  	(tm) =	ssettm $0x7FFFFFFF  }
0xc3: {  	_ =	shalt  }
tec
execute0_lowered:
.L_overlay_start_1:
0x0: {  	(tag) =	ssettag $0x1  }
0x1: {  	s0 =	srdreg.scid;
	s5 =	rddreg [dreg:$0x0]  }
0x2: {  	s12 =	stileid.u32;
	s2 =	rddreg [dreg:$0x1];
	s3 =	simm.s32 $0x0  }
0x3: {  	s13 =	simm.s32 $0x2720;
	s15 =	simm.s32 $0x80;
	s16 =	simm.s32 $0x7620  }
0x4: {  	s18 =	simm.s32 $0x7E20;
	s20 =	simm.s32 $0x8620;
	s22 =	simm.s32 $0x8E20  }
0x5: {  	s23 =	simm.s32 $0x1;
	s24 =	simm.s32 $0x2;
	s25 =	simm.s32 $0x3  }
0x6: {  	s28 =	simm.s32 $0x5;
	s29 =	simm.s32 $0x6;
	s30 =	simm.s32 $0x7  }
0x7: {  	s31 =	simm.s32 $0x8;
	s14 =	simm.s32 $0x7520;
	s17 =	simm.s32 $0x75A0  }
0x8: {  	s19 =	simm.s32 $0x0;
	s0 =	sand.u32 $0x1, s0;
	s6 =	smul.u32 $0x2720, s12  }
0x9: {  	[smem:$0x7FF] =	sst s3;
	s4 =	sadd.s32 $0x17C00, s5;
	s26 =	sshll.u32 s12, $0x6  }
0xa: {  	s1 =	sshll.u32 s0, $0x4;
	s7 =	smul.u32 $0x27200, s0;
	_ =	strace $0x8000004D  }
0xb: {  	s0 =	ssub.s32 $0x2, s0;
	s1 =	sor.u32 s12, s1;
	s8 =	sshrl.u32 s6, $0x3  }
0xc: {  	s9 =	sshrl.u32 s0, $0x1;
	s11 =	sadd.s32 s6, s2;
	s12 =	simm.s32 $0x9  }
0xd: {  	s1 =	smul.u32 $0x4F0, s1;
	s7 =	sadd.s32 s6, s7;
	s8 =	sadd.s32 s8, s5  }
0xe: {  	s0 =	ssub.s32 s0, s9;
	s6 =	sor.u32 $0x1C09, s26;
	s11 =	sshrl.u32 s11, $0x3  }
0xf: {  	s26 =	simm.s32 $0x4;
	s7 =	sshrl.u32 s7, $0x3;
	s1 =	sadd.s32 s1, s5  }
0x10: {  	s10 =	sadd.s32 s7, s5;
	s5 =	sadd.s32 $0x1CC00, s8;
	s7 =	sadd.s32 $0x4000, s1  }
0x11: {  	s8 =	sadd.s32 $0xDE00, s1;
	s9 =	sadd.s32 $0x21C00, s10;
	s10 =	smax.u32 s0, $0x1  }
.LBB2_1:
0x12: {  	[spmem:s11], [sflag:s6] =	dma.local [hbm:s5], $0x4E4  }
0x13: {  	_ =	swait.ge [sflag:s12], $0x4E4  }
0x14: {  	[sflag:s12] =	ssyncset.done $0x0  }
0x15: {  	[sflag:s12] =	ssyncadd.s32 $0xFFFFFB1C  }
0x16: {  	[tilespmem:s13], [sflag:$0x9] =	stream.linear.gather [hbm4b:s7+s3], $0x2780, $0x38;
	[tilespmem:$0x9620] =	vst v63  }
0x17: {  	_ =	swait.ge [sflag:s12], $0x2780  }
0x18: {  	[sflag:s12] =	ssyncset.done $0x0  }
0x19: {  	s0 =	simm.s32 $0x4EA0;
	[sflag:s12] =	ssyncadd.s32 $0xFFFFD880  }
0x1a: {  	[tilespmem:s0], [sflag:$0x9] =	stream.linear.gather [hbm4b:s8+s3], $0x2780, $0x38;
	[tilespmem:$0x9620] =	vst v63  }
0x1b: {  	_ =	swait.ge [sflag:s12], $0x2780  }
0x1c: {  	[sflag:s12] =	ssyncset.done $0x0  }
0x1d: {  	[sflag:s12] =	ssyncadd.s32 $0xFFFFD880  }
0x1e: {  	[bflag:$0x0] =	sbarrier.arrive $0xFFFF  }
0x1f: {  	[tilespmem:s16], [sflag:$0x1] =	stream.indirect.gather [hbm4b:s4+s15], $0x10, s13, s15, $0xb8;
	[tilespmem:$0x9620] =	vst v63  }
0x20: {  	s21 =	simm.s32 $0x27A0  }
0x21: {  	[tilespmem:s18], [sflag:$0x2] =	stream.indirect.gather [hbm4b:s4+s15], $0x10, s21, s15, $0xb8;
	[tilespmem:$0x9620] =	vst v63  }
0x22: {  	s1 =	simm.s32 $0x2820  }
0x23: {  	[tilespmem:s20], [sflag:$0x3] =	stream.indirect.gather [hbm4b:s4+s15], $0x10, s1, s15, $0xb8;
	[tilespmem:$0x9620] =	vst v63  }
0x24: {  	s21 =	simm.s32 $0x28A0  }
0x25: {  	[tilespmem:s22], [sflag:$0x4] =	stream.indirect.gather [hbm4b:s4+s15], $0x10, s21, s15, $0xb8;
	[tilespmem:$0x9620] =	vst v63  }
0x26: {  	_ =	swait.ge [sflag:s23], $0x800  }
0x27: {  	[sflag:s23] =	ssyncset.done $0x0  }
0x28: {  	s1 =	simm.s32 $0x4EA0;
	[sflag:s23] =	ssyncadd.s32 $0xFFFFF800  }
0x29: {  	[spmem:s2] =	stream.indirect.scatter.add.f32 [tilespmem:s16], [sflag:$0x5], $0x10, s1, s15, $0xb8;
	[tilespmem:$0x9620] =	vst v63  }
0x2a: {  	_ =	swait.ge [sflag:s24], $0x800  }
0x2b: {  	[sflag:s24] =	ssyncset.done $0x0  }
0x2c: {  	s0 =	simm.s32 $0x4F20;
	[sflag:s24] =	ssyncadd.s32 $0xFFFFF800  }
0x2d: {  	[spmem:s2] =	stream.indirect.scatter.add.f32 [tilespmem:s18], [sflag:$0x6], $0x10, s0, s15, $0xb8;
	[tilespmem:$0x9620] =	vst v63  }
0x2e: {  	_ =	swait.ge [sflag:s25], $0x800  }
0x2f: {  	[sflag:s25] =	ssyncset.done $0x0  }
0x30: {  	s21 =	simm.s32 $0x4FA0;
	[sflag:s25] =	ssyncadd.s32 $0xFFFFF800  }
0x31: {  	[spmem:s2] =	stream.indirect.scatter.add.f32 [tilespmem:s20], [sflag:$0x7], $0x10, s21, s15, $0xb8;
	[tilespmem:$0x9620] =	vst v63  }
0x32: {  	_ =	swait.ge [sflag:s26], $0x800  }
0x33: {  	[sflag:s26] =	ssyncset.done $0x0  }
0x34: {  	s0 =	simm.s32 $0x5020;
	[sflag:s26] =	ssyncadd.s32 $0xFFFFF800  }
0x35: {  	[spmem:s2] =	stream.indirect.scatter.add.f32 [tilespmem:s22], [sflag:$0x8], $0x10, s0, s15, $0xb8;
	[tilespmem:$0x9620] =	vst v63  }
0x36: {  	_ =	swait.ge [sflag:s28], $0x800  }
0x37: {  	[sflag:s28] =	ssyncset.done $0x0  }
0x38: {  	s21 =	simm.s32 $0x2920;
	[sflag:s28] =	ssyncadd.s32 $0xFFFFF800  }
0x39: {  	[tilespmem:s16], [sflag:$0x1] =	stream.indirect.gather [hbm4b:s4+s15], $0x10, s21, s15, $0xb8;
	[tilespmem:$0x9620] =	vst v63  }
0x3a: {  	_ =	swait.ge [sflag:s29], $0x800  }
0x3b: {  	[sflag:s29] =	ssyncset.done $0x0  }
0x3c: {  	s0 =	simm.s32 $0x29A0;
	[sflag:s29] =	ssyncadd.s32 $0xFFFFF800  }
0x3d: {  	[tilespmem:s18], [sflag:$0x2] =	stream.indirect.gather [hbm4b:s4+s15], $0x10, s0, s15, $0xb8;
	[tilespmem:$0x9620] =	vst v63  }
0x3e: {  	_ =	swait.ge [sflag:s30], $0x800  }
0x3f: {  	[sflag:s30] =	ssyncset.done $0x0  }
0x40: {  	s21 =	simm.s32 $0x2A20;
	[sflag:s30] =	ssyncadd.s32 $0xFFFFF800  }
0x41: {  	[tilespmem:s20], [sflag:$0x3] =	stream.indirect.gather [hbm4b:s4+s15], $0x10, s21, s15, $0xb8;
	[tilespmem:$0x9620] =	vst v63  }
0x42: {  	_ =	swait.ge [sflag:s31], $0x800  }
0x43: {  	[sflag:s31] =	ssyncset.done $0x0  }
0x44: {  	s1 =	simm.s32 $0x2AA0;
	s21 =	simm.s32 $0x800;
	[sflag:s31] =	ssyncadd.s32 $0xFFFFF800  }
.LBB2_2:
0x45: {  	[tilespmem:s22], [sflag:$0x4] =	stream.indirect.gather [hbm4b:s4+s15], $0x10, s1, s15, $0xb8;
	[tilespmem:$0x9620] =	vst v63  }
0x46: {  	s1 =	smov.u32 s21  }
0x47: {  	p0 =	sne.s32 s21, $0x8800;
	s21 =	sadd.s32 $0x800, s21;
	_ =	swait.ge [sflag:s23], $0x800  }
0x48: {  	s1 =	sshra.s32 s1, $0x2;
	[sflag:s23] =	ssyncset.done $0x0  }
0x49: {  	s0 =	sadd.s32 $0x4EA0, s1;
	[sflag:s23] =	ssyncadd.s32 $0xFFFFF800  }
0x4a: {  	[spmem:s2] =	stream.indirect.scatter.add.f32 [tilespmem:s16], [sflag:$0x5], $0x10, s0, s15, $0xb8;
	[tilespmem:$0x9620] =	vst v63  }
0x4b: {  	_ =	swait.ge [sflag:s24], $0x800  }
0x4c: {  	[sflag:s24] =	ssyncset.done $0x0  }
0x4d: {  	s0 =	sadd.s32 $0x4F20, s1;
	[sflag:s24] =	ssyncadd.s32 $0xFFFFF800  }
0x4e: {  	[spmem:s2] =	stream.indirect.scatter.add.f32 [tilespmem:s18], [sflag:$0x6], $0x10, s0, s15, $0xb8;
	[tilespmem:$0x9620] =	vst v63  }
0x4f: {  	_ =	swait.ge [sflag:s25], $0x800  }
0x50: {  	[sflag:s25] =	ssyncset.done $0x0  }
0x51: {  	s0 =	sadd.s32 $0x4FA0, s1;
	[sflag:s25] =	ssyncadd.s32 $0xFFFFF800  }
0x52: {  	[spmem:s2] =	stream.indirect.scatter.add.f32 [tilespmem:s20], [sflag:$0x7], $0x10, s0, s15, $0xb8;
	[tilespmem:$0x9620] =	vst v63  }
0x53: {  	_ =	swait.ge [sflag:s26], $0x800  }
0x54: {  	[sflag:s26] =	ssyncset.done $0x0  }
0x55: {  	s0 =	sadd.s32 $0x5020, s1;
	[sflag:s26] =	ssyncadd.s32 $0xFFFFF800  }
0x56: {  	[spmem:s2] =	stream.indirect.scatter.add.f32 [tilespmem:s22], [sflag:$0x8], $0x10, s0, s15, $0xb8;
	[tilespmem:$0x9620] =	vst v63  }
0x57: {  	_ =	swait.ge [sflag:s28], $0x800  }
0x58: {  	[sflag:s28] =	ssyncset.done $0x0  }
0x59: {  	s0 =	sadd.s32 $0x2920, s1;
	[sflag:s28] =	ssyncadd.s32 $0xFFFFF800  }
0x5a: {  	[tilespmem:s16], [sflag:$0x1] =	stream.indirect.gather [hbm4b:s4+s15], $0x10, s0, s15, $0xb8;
	[tilespmem:$0x9620] =	vst v63  }
0x5b: {  	_ =	swait.ge [sflag:s29], $0x800  }
0x5c: {  	[sflag:s29] =	ssyncset.done $0x0  }
0x5d: {  	s0 =	sadd.s32 $0x29A0, s1;
	[sflag:s29] =	ssyncadd.s32 $0xFFFFF800  }
0x5e: {  	[tilespmem:s18], [sflag:$0x2] =	stream.indirect.gather [hbm4b:s4+s15], $0x10, s0, s15, $0xb8;
	[tilespmem:$0x9620] =	vst v63  }
0x5f: {  	_ =	swait.ge [sflag:s30], $0x800  }
0x60: {  	[sflag:s30] =	ssyncset.done $0x0  }
.Ltmp0:
0x61: {  	s0 =	sadd.s32 $0x2A20, s1;
	[sflag:s30] =	ssyncadd.s32 $0xFFFFF800;
	(pc) =	sbr.rel @p0 .LBB2_2-.Ltmp0, $4  }
0x62: {  	[tilespmem:s20], [sflag:$0x3] =	stream.indirect.gather [hbm4b:s4+s15], $0x10, s0, s15, $0xb8;
	[tilespmem:$0x9620] =	vst v63  }
0x63: {  	_ =	swait.ge [sflag:s31], $0x800  }
0x64: {  	[sflag:s31] =	ssyncset.done $0x0  }
0x65: {  	s1 =	sadd.s32 $0x2AA0, s1;
	[sflag:s31] =	ssyncadd.s32 $0xFFFFF800  }
0x66: {  	[tilespmem:s22], [sflag:$0x4] =	stream.indirect.gather [hbm4b:s4+s15], $0x10, s1, s15, $0xb8;
	[tilespmem:$0x9620] =	vst v63  }
0x67: {  	_ =	swait.ge [sflag:s23], $0x800  }
0x68: {  	[sflag:s23] =	ssyncset.done $0x0  }
0x69: {  	s0 =	simm.s32 $0x7420;
	[sflag:s23] =	ssyncadd.s32 $0xFFFFF800  }
0x6a: {  	[spmem:s2] =	stream.indirect.scatter.add.f32 [tilespmem:s16], [sflag:$0x5], $0x10, s0, s15, $0xb8;
	[tilespmem:$0x9620] =	vst v63  }
0x6b: {  	_ =	swait.ge [sflag:s24], $0x800  }
0x6c: {  	[sflag:s24] =	ssyncset.done $0x0  }
0x6d: {  	s21 =	simm.s32 $0x74A0;
	[sflag:s24] =	ssyncadd.s32 $0xFFFFF800  }
0x6e: {  	[spmem:s2] =	stream.indirect.scatter.add.f32 [tilespmem:s18], [sflag:$0x6], $0x10, s21, s15, $0xb8;
	[tilespmem:$0x9620] =	vst v63  }
0x6f: {  	_ =	swait.ge [sflag:s25], $0x800  }
0x70: {  	[sflag:s25] =	ssyncset.done $0x0  }
0x71: {  	[sflag:s25] =	ssyncadd.s32 $0xFFFFF800  }
0x72: {  	[spmem:s2] =	stream.indirect.scatter.add.f32 [tilespmem:s20], [sflag:$0x7], $0x10, s14, s15, $0xb8;
	[tilespmem:$0x9620] =	vst v63  }
0x73: {  	_ =	swait.ge [sflag:s26], $0x800  }
0x74: {  	[sflag:s26] =	ssyncset.done $0x0  }
0x75: {  	[sflag:s26] =	ssyncadd.s32 $0xFFFFF800  }
0x76: {  	[spmem:s2] =	stream.indirect.scatter.add.f32 [tilespmem:s22], [sflag:$0x8], $0x10, s17, s15, $0xb8;
	[tilespmem:$0x9620] =	vst v63  }
0x77: {  	_ =	swait.ge [sflag:s28], $0x800  }
0x78: {  	[sflag:s28] =	ssyncset.done $0x0  }
0x79: {  	[sflag:s28] =	ssyncadd.s32 $0xFFFFF800  }
0x7a: {  	_ =	swait.ge [sflag:s29], $0x800  }
0x7b: {  	[sflag:s29] =	ssyncset.done $0x0  }
0x7c: {  	[sflag:s29] =	ssyncadd.s32 $0xFFFFF800  }
0x7d: {  	_ =	swait.ge [sflag:s30], $0x800  }
0x7e: {  	[sflag:s30] =	ssyncset.done $0x0  }
0x7f: {  	[sflag:s30] =	ssyncadd.s32 $0xFFFFF800  }
0x80: {  	_ =	swait.ge [sflag:s31], $0x800  }
0x81: {  	s19 =	sadd.s32 $0x1, s19;
	[sflag:s31] =	ssyncset.done $0x0  }
0x82: {  	p0 =	sne.s32 s19, s10;
	[sflag:s31] =	ssyncadd.s32 $0xFFFFF800  }
.Ltmp1:
0x83: {  	[bflag:$0x0] =	sbarrier.arrive $0xFFFF;
	(pc) =	sbr.rel @p0 .LBB2_1-.Ltmp1, $4  }
0x84: {  	[hbm:s9], [sflag:s6] =	dma.local [spmem:s11], $0x4E4  }
0x85: {  	_ =	swait.ge [sflag:s12], $0x4E4  }
0x86: {  	[sflag:s12] =	ssyncset.done $0x0  }
0x87: {  	[sflag:s12] =	ssyncadd.s32 $0xFFFFFB1C  }
0x88: {  	_ =	sfence.sel $0x180000  }
0x89: {  	[bflag:$0x0] =	sbarrier.arrive $0xFFFF  }
0x8a: {  	_ =	strace $0x9000004D  }
0x8b: {  	s0 =	stileid.u32;
	[bflag:$0x2] =	sbarrier.arrive $0xFFFF  }
0x8c: {  	p0 =	sne.s32 s0, $0x0;
	s0 =	rddreg [dreg:$0x2]  }
0x8d: {  	s0 =	sadd.s32 @!p0 $0x100000, s0  }
0x8e: {  	[sflag:s0] =	ssyncadd.tile.s32 @!p0 $0x1;
	_ =	shalt  }
.Lfunc_end2:
_tile_overlayer_lowered:
.L_overlay_start_2:
0x8f: {  	(tag) =	ssettag $0x2  }
0x90: {  	s0 =	rddreg [dreg:$0x0];
	s2 =	stileid.u32  }
0x91: {  	s1 =	rddreg [dreg:$0x1];
	p0 =	sne.s32 s2, $0x0  }
0x92: {  	s3 =	rddreg [dreg:$0x2];
	[bflag:$0x3] =	sbarrier.arrive $0xFFFF;
	s2 =	simm.s32 @!p0 $0x1C09  }
0x93: {  	[timem:s3], [sflag:s2] =	dma.local @!p0 [hbm:s0], s1  }
0x94: {  	s0 =	simm.s32 @!p0 $0x9  }
0x95: {  	_ =	swait.ge @!p0 [sflag:s0], s1  }
0x96: {  	s1 =	ssub.s32 @!p0 $0x0, s1;
	[sflag:s0] =	ssyncset.done @!p0 $0x0  }
0x97: {  	[sflag:s0] =	ssyncadd.s32 @!p0 s1  }
0x98: {  	[bflag:$0x3] =	sbarrier.arrive $0xFFFF  }
0x99: {  	_ =	shalt  }

// kernel: kernel.20.cloned.1.call-start
scs
__scs_entry_jumppad:
0x0: {  	(pc) =	sbr.rel $0x88, $3  }
0x1: {  	(tag) =	ssettag $0x0;
	lr =	simm.s32 $0x1  }
0x2: {  	[smem:$0x3F8C] =	sst lr;
	_ =	strace $0xD0000000  }
0x3: {  	_ = 	snop  }
0x4: {  	_ = 	snop  }
0x5: {  	_ = 	snop  }
0x6: {  	_ = 	snop  }
0x7: {  	_ = 	snop  }
__scs_overlays_trampoline_lowered:
0x8: {  	[smem:$0x3F9B] =	sst s0  }
0x9: {  	[smem:$0x3F9C] =	sst s1  }
0xa: {  	[smem:$0x3F9D] =	sst s2  }
0xb: {  	[smem:$0x3F9E] =	sst s3  }
0xc: {  	[smem:$0x3F9F] =	sst s4  }
0xd: {  	[smem:$0x3FA0] =	sst s5  }
0xe: {  	[smem:$0x3FA1] =	sst s6  }
0xf: {  	[smem:$0x3FA2] =	sst s7  }
0x10: {  	[smem:$0x3FA3] =	sst s8  }
0x11: {  	[smem:$0x3FA4] =	sst s9;
	s0 =	simm.s32 @!p0 $0x0  }
0x12: {  	s1 =	sld [smem:$0x3F8A];
	s0 =	simm.s32 @p0 $0x1  }
0x13: {  	[smem:$0x3FA5] =	sst s0;
	s0 =	simm.s32 @!p1 $0x0  }
0x14: {  	s2 =	sld [smem:$0x3F89];
	s0 =	simm.s32 @p1 $0x1  }
0x15: {  	[smem:$0x3FA6] =	sst s0;
	s0 =	simm.s32 @!p2 $0x0  }
0x16: {  	s3 =	sld [smem:$0x3FDB];
	s0 =	simm.s32 @p2 $0x1  }
0x17: {  	s4 =	simm.s32 $0x1BF5;
	[smem:$0x3FA8] =	sst s0  }
0x18: {  	s0 =	sld [smem:$0x3F8B];
	_ =	swait.ge [sflag:s4], $0x0  }
0x19: {  	s7 =	sld [smem:$0x3F8C]  }
0x1a: {  	s8 =	sadd.s32 $0xFFFFE003, lr  }
0x1b: {  	s9 =	sadd.s32 $0xFFFFFEF7, lr;
	s5 =	simm.s32 $0xFFFFFFFF;
	p2 =	slt.u32 s8, $0xFFFFF086  }
0x1c: {  	p1 =	slt.u32 s9, $0xF7A;
	s5 =	simm.s32 @!p2 $0x0  }
0x1d: {  	s5 =	simm.s32 @p1 $0x1;
	p0 =	seq.s32 s7, s2  }
0x1e: {  	s7 =	smul.u32 @!p0 $0xF7A, s2;
	p2 =	seq.s32 @!p0 s5, $0x0  }
0x1f: {  	s9 =	smul.u32 $0xF7A, s1;
	s8 =	simm.s32 @!p0 $0x1BF5;
	p2 =	por !p2, p0  }
0x20: {  	[sflag:s8] =	ssyncset.s32 @!p0 $0xFFFFF086;
	s6 =	sadd.s32 @!p0 s3, s7;
	s7 =	simm.s32 @!p0 $0x108  }
0x21: {  	s3 =	sadd.s32 s3, s9;
	s6 =	sadd.s32 @!p0 $0x88, s6;
	s7 =	simm.s32 @p2 $0x1082  }
0x22: {  	[simem:s7], [sflag:s8] =	dma.local @!p0 [hbm:s6], $0xF7A  }
0x23: {  	s9 =	sor.u32 $0xD0000000, s2;
	s6 =	simm.s32 $0x108;
	_ =	swait.ge @!p0 [sflag:s8], $0x0  }
0x24: {  	s3 =	sadd.s32 $0x88, s3;
	s6 =	simm.s32 @!p1 $0x1082;
	[sflag:s4] =	ssyncset.s32 $0xFFFFF086  }
0x25: {  	[simem:s6], [sflag:s4] =	dma.local [hbm:s3], $0xF7A  }
0x26: {  	[smem:$0x3F8C] =	sst s1;
	(tag) =	ssettag s2;
	_ =	strace s9  }
0x27: {  	s1 =	sld [smem:$0x3F9C]  }
0x28: {  	s2 =	sld [smem:$0x3F9D]  }
0x29: {  	s4 =	sld [smem:$0x3F9F]  }
0x2a: {  	p0 =	seq.s32 s5, $0x0;
	s5 =	sld [smem:$0x3FA0]  }
0x2b: {  	s6 =	sld [smem:$0x3FA1]  }
0x2c: {  	s7 =	sld [smem:$0x3FA2]  }
0x2d: {  	s3 =	simm.s32 $0x108;
	s8 =	sld [smem:$0x3FA3]  }
0x2e: {  	s3 =	simm.s32 @!p0 $0x1082;
	s9 =	sld [smem:$0x3FA4]  }
0x2f: {  	lr =	sadd.s32 s0, s3;
	s0 =	sld [smem:$0x3F9B]  }
0x30: {  	s3 =	sld [smem:$0x3F9E]  }
0x31: {  	[smem:$0x3FA7] =	sst s10  }
0x32: {  	s10 =	sld [smem:$0x3FA5];
	_ =	sdelay $0x3  }
0x33: {  	p0 =	seq.s32 s10, $0x1;
	s10 =	sld [smem:$0x3FA7];
	_ =	sdelay $0x3  }
0x34: {  	[smem:$0x3FA7] =	sst s10  }
0x35: {  	s10 =	sld [smem:$0x3FA6];
	_ =	sdelay $0x3  }
0x36: {  	p1 =	seq.s32 s10, $0x1;
	s10 =	sld [smem:$0x3FA7];
	_ =	sdelay $0x3  }
0x37: {  	[smem:$0x3FA7] =	sst s10  }
0x38: {  	s10 =	sld [smem:$0x3FA8]  }
0x39: {  	_ = 	snop;
	(pc) =	sbr.ind lr, $3  }
0x3a: {  	_ = 	snop  }
0x3b: {  	_ = 	snop  }
0x3c: {  	p2 =	seq.s32 s10, $0x1;
	s10 =	sld [smem:$0x3FA7]  }
0x3d: {  	_ =	shalt  }
0x3e: {  	_ =	shalt  }
0x3f: {  	_ =	shalt  }
0x40: {  	_ =	shalt  }
0x41: {  	_ =	shalt  }
0x42: {  	_ =	shalt  }
0x43: {  	_ =	shalt  }
0x44: {  	_ =	shalt  }
0x45: {  	_ =	shalt  }
0x46: {  	_ =	shalt  }
0x47: {  	_ =	shalt  }
0x48: {  	_ =	shalt  }
0x49: {  	_ =	shalt  }
0x4a: {  	_ =	shalt  }
0x4b: {  	_ =	shalt  }
0x4c: {  	_ =	shalt  }
0x4d: {  	_ =	shalt  }
0x4e: {  	_ =	shalt  }
0x4f: {  	_ =	shalt  }
0x50: {  	_ =	shalt  }
0x51: {  	_ =	shalt  }
0x52: {  	_ =	shalt  }
0x53: {  	_ =	shalt  }
0x54: {  	_ =	shalt  }
0x55: {  	_ =	shalt  }
0x56: {  	_ =	shalt  }
0x57: {  	_ =	shalt  }
0x58: {  	_ =	shalt  }
0x59: {  	_ =	shalt  }
0x5a: {  	_ =	shalt  }
0x5b: {  	_ =	shalt  }
0x5c: {  	_ =	shalt  }
0x5d: {  	_ =	shalt  }
0x5e: {  	_ =	shalt  }
0x5f: {  	_ =	shalt  }
0x60: {  	_ =	shalt  }
0x61: {  	_ =	shalt  }
0x62: {  	_ =	shalt  }
0x63: {  	_ =	shalt  }
0x64: {  	_ =	shalt  }
0x65: {  	_ =	shalt  }
0x66: {  	_ =	shalt  }
0x67: {  	_ =	shalt  }
0x68: {  	_ =	shalt  }
0x69: {  	_ =	shalt  }
0x6a: {  	_ =	shalt  }
0x6b: {  	_ =	shalt  }
0x6c: {  	_ =	shalt  }
0x6d: {  	_ =	shalt  }
0x6e: {  	_ =	shalt  }
0x6f: {  	_ =	shalt  }
0x70: {  	_ =	shalt  }
0x71: {  	_ =	shalt  }
0x72: {  	_ =	shalt  }
0x73: {  	_ =	shalt  }
0x74: {  	_ =	shalt  }
0x75: {  	_ =	shalt  }
0x76: {  	_ =	shalt  }
0x77: {  	_ =	shalt  }
0x78: {  	_ =	shalt  }
0x79: {  	_ =	shalt  }
0x7a: {  	_ =	shalt  }
0x7b: {  	_ =	shalt  }
0x7c: {  	_ =	shalt  }
0x7d: {  	_ =	shalt  }
0x7e: {  	_ =	shalt  }
0x7f: {  	_ =	shalt  }
0x80: {  	_ =	shalt  }
0x81: {  	_ =	shalt  }
0x82: {  	_ =	shalt  }
0x83: {  	_ =	shalt  }
0x84: {  	_ =	shalt  }
0x85: {  	_ =	shalt  }
0x86: {  	_ =	shalt  }
0x87: {  	_ =	shalt  }
.Lfunc_end0:
.L_simem_size_0:
called_computation.3_lowered:
.L_overlay_start_0:
0x88: {  	s2 =	sld [smem:$0x3FD9]  }
0x89: {  	s3 =	sld [smem:$0x3FFE];
	_ =	sdelay $0x1  }
0x8a: {  	s1 =	srdreg.scid  }
0x8b: {  	s0 =	sand.u32 $0x1, s1  }
0x8c: {  	s16 =	sshll.u32 s0, $0xA;
	s2 =	sadd.s32 s3, s2  }
0x8d: {  	s2 =	sadd.s32 s2, s16  }
0x8e: {  	[smem:$0x3FB3] =	sst s2  }
0x8f: {  	_ = 	snop  }
0x90: {  	(tm) =	ssettm $0x1  }
0x91: {  	s17 =	sld [smem:$0x3FFB];
	_ =	sdelay $0x3  }
0x92: {  	_ =	strace s17  }
0x93: {  	s2 =	sld [smem:$0x3FFC];
	_ =	sdelay $0x3  }
0x94: {  	_ =	strace s2  }
0x95: {  	s2 =	sld [smem:$0x3FFD];
	_ =	sdelay $0x3  }
0x96: {  	_ =	strace s2  }
0x97: {  	_ =	strace $0x8FFFFFFF  }
0x98: {  	s18 =	sld [smem:$0x3FDB];
	_ =	sdelay $0x1  }
0x99: {  	s19 =	simm.s32 $_scs_section_size  }
0x9a: {  	s4 =	simm.s32 $_size__tile_overlayer_lowered;
	s5 =	simm.s32 $_tile_overlayer_lowered  }
0x9b: {  	s22 =	simm.s32 $0x1BFF;
	s21 =	sshll.u32 s5, $0x1;
	s2 =	sadd.s32 s19, s18  }
0x9c: {  	s6 =	simm.s32 $0x0;
	s20 =	sshll.u32 s4, $0x1;
	s4 =	sadd.s32 s21, s2  }
0x9d: {  	[timem:s6], [sflag:s22] =	dma.local [hbm:s4], s20  }
0x9e: {  	_ =	swait.ge [sflag:s22], s20  }
0x9f: {  	s3 =	ssub.s32 $0x0, s20;
	[sflag:s22] =	ssyncset.done $0x0  }
0xa0: {  	[sflag:s22] =	ssyncadd.s32 s3;
	_ =	sdelay $0x1  }
0xa1: {  	s23 =	simm.s32 $0x1B8B  }
0xa2: {  	_ =	swait.ge [sflag:s23], $0x1  }
0xa3: {  	[sflag:s23] =	ssyncset.done $0x0  }
0xa4: {  	s25 =	simm.s32 $0x1B8E;
	s24 =	sld [smem:$0x3FFE];
	[sflag:s23] =	ssyncadd.s32 $0xFFFFFFFF  }
0xa5: {  	s26 =	simm.s32 $execute0_lowered;
	[smem:$0x3FD2] =	sst s25  }
0xa6: {  	s4 =	sshll.u32 s26, $0x1;
	_ =	strace $0x8000004F;
	[dreg:$0x1] =	wrdreg $0xFFFFFFFF  }
0xa7: {  	s28 =	simm.s32 $_size_execute0_lowered;
	s2 =	sadd.s32 s2, s4;
	[dreg:$0x0] =	wrdreg $0x0  }
0xa8: {  	s4 =	sshll.u32 s28, $0x1;
	[dreg:$0x2] =	wrdreg s2  }
0xa9: {  	[dreg:$0x3] =	wrdreg s4  }
0xaa: {  	[dreg:$0x4] =	wrdreg $0xC0  }
0xab: {  	_ =	task [dreg:s6], $0x5FFFF  }
0xac: {  	[dreg:$0x1] =	wrdreg $0xFFFFFFFF  }
0xad: {  	[dreg:$0x0] =	wrdreg $0x60  }
0xae: {  	[dreg:$0x2] =	wrdreg s24  }
0xaf: {  	[dreg:$0x3] =	wrdreg $0x0  }
0xb0: {  	[dreg:$0x4] =	wrdreg $0x9  }
0xb1: {  	_ =	task.clear_ibuf [dreg:s6], $0x5FFFF;
	_ =	strace $0x9000004F  }
0xb2: {  	s29 =	simm.s32 $0x9;
	_ =	strace $0x80000051  }
0xb3: {  	_ =	swait.ge [sflag:s29], $0x1  }
0xb4: {  	[sflag:s29] =	ssyncadd.s32 $0xFFFFFFFF  }
0xb5: {  	_ =	strace $0x90000051  }
0xb6: {  	_ =	sfence  }
0xb7: {  	s30 =	sld [smem:$0x0];
	_ =	sdelay $0x2  }
0xb8: {  	s31 =	sshll.u32 s1, $0xD;
	s1 =	sshrl.u32 s1, $0x2  }
0xb9: {  	s3 =	sand.u32 $0x4000, s31;
	s1 =	sadd.s32 s1, s30  }
0xba: {  	s0 =	sor.u32 s3, s0;
	s1 =	sshll.u32 s1, $0x11  }
0xbb: {  	s0 =	sor.u32 s1, s0  }
0xbc: {  	s0 =	sadd.s32 $0x8F2B, s0  }
0xbd: {  	[sflag:s0] =	ssyncadd.remote.s32 $0x1  }
0xbe: {  	_ =	sfence.sel $0xFFFF  }
0xbf: {  	[dreg:$0x0] =	wrdreg $0xFFFFFFFF;
	(pc) =	sbr.abs _section_cstart, $3  }
0xc0: {  	[dreg:$0x1] =	wrdreg $0xFFFFFFFF  }
0xc1: {  	_ =	task.clear_ibuf [dreg:s6], $0x2FFFF;
	_ =	strace $0x9FFFFFFF  }
0xc2: {  	(tm) =	ssettm $0x7FFFFFFF  }
0xc3: {  	_ =	shalt  }
tec
execute0_lowered:
.L_overlay_start_1:
0x0: {  	(tag) =	ssettag $0x1  }
0x1: {  	s0 =	srdreg.scid;
	s5 =	rddreg [dreg:$0x0]  }
0x2: {  	s12 =	stileid.u32;
	s2 =	rddreg [dreg:$0x1];
	s3 =	simm.s32 $0x0  }
0x3: {  	s13 =	simm.s32 $0x2720;
	s15 =	simm.s32 $0x80;
	s16 =	simm.s32 $0x7620  }
0x4: {  	s18 =	simm.s32 $0x7E20;
	s20 =	simm.s32 $0x8620;
	s22 =	simm.s32 $0x8E20  }
0x5: {  	s23 =	simm.s32 $0x1;
	s24 =	simm.s32 $0x2;
	s25 =	simm.s32 $0x3  }
0x6: {  	s28 =	simm.s32 $0x5;
	s29 =	simm.s32 $0x6;
	s30 =	simm.s32 $0x7  }
0x7: {  	s31 =	simm.s32 $0x8;
	s14 =	simm.s32 $0x7520;
	s17 =	simm.s32 $0x75A0  }
0x8: {  	s19 =	simm.s32 $0x0;
	s0 =	sand.u32 $0x1, s0;
	s6 =	smul.u32 $0x2720, s12  }
0x9: {  	[smem:$0x7FF] =	sst s3;
	s4 =	sadd.s32 $0x17C00, s5;
	s26 =	sshll.u32 s12, $0x6  }
0xa: {  	s1 =	sshll.u32 s0, $0x4;
	s7 =	smul.u32 $0x27200, s0;
	_ =	strace $0x80000050  }
0xb: {  	s0 =	ssub.s32 $0x2, s0;
	s1 =	sor.u32 s12, s1;
	s8 =	sshrl.u32 s6, $0x3  }
0xc: {  	s9 =	sshrl.u32 s0, $0x1;
	s11 =	sadd.s32 s6, s2;
	s12 =	simm.s32 $0x9  }
0xd: {  	s1 =	smul.u32 $0x4F0, s1;
	s7 =	sadd.s32 s6, s7;
	s8 =	sadd.s32 s8, s5  }
0xe: {  	s0 =	ssub.s32 s0, s9;
	s6 =	sor.u32 $0x1C09, s26;
	s11 =	sshrl.u32 s11, $0x3  }
0xf: {  	s26 =	simm.s32 $0x4;
	s7 =	sshrl.u32 s7, $0x3;
	s1 =	sadd.s32 s1, s5  }
0x10: {  	s10 =	sadd.s32 s7, s5;
	s5 =	sadd.s32 $0x1CC00, s8;
	s7 =	sadd.s32 $0x4000, s1  }
0x11: {  	s8 =	sadd.s32 $0xDE00, s1;
	s9 =	sadd.s32 $0x21C00, s10;
	s10 =	smax.u32 s0, $0x1  }
.LBB2_1:
0x12: {  	[spmem:s11], [sflag:s6] =	dma.local [hbm:s5], $0x4E4  }
0x13: {  	_ =	swait.ge [sflag:s12], $0x4E4  }
0x14: {  	[sflag:s12] =	ssyncset.done $0x0  }
0x15: {  	[sflag:s12] =	ssyncadd.s32 $0xFFFFFB1C  }
0x16: {  	[tilespmem:s13], [sflag:$0x9] =	stream.linear.gather [hbm4b:s7+s3], $0x2780, $0x38;
	[tilespmem:$0x9620] =	vst v63  }
0x17: {  	_ =	swait.ge [sflag:s12], $0x2780  }
0x18: {  	[sflag:s12] =	ssyncset.done $0x0  }
0x19: {  	s0 =	simm.s32 $0x4EA0;
	[sflag:s12] =	ssyncadd.s32 $0xFFFFD880  }
0x1a: {  	[tilespmem:s0], [sflag:$0x9] =	stream.linear.gather [hbm4b:s8+s3], $0x2780, $0x38;
	[tilespmem:$0x9620] =	vst v63  }
0x1b: {  	_ =	swait.ge [sflag:s12], $0x2780  }
0x1c: {  	[sflag:s12] =	ssyncset.done $0x0  }
0x1d: {  	[sflag:s12] =	ssyncadd.s32 $0xFFFFD880  }
0x1e: {  	[bflag:$0x0] =	sbarrier.arrive $0xFFFF  }
0x1f: {  	[tilespmem:s16], [sflag:$0x1] =	stream.indirect.gather [hbm4b:s4+s15], $0x10, s13, s15, $0xb8;
	[tilespmem:$0x9620] =	vst v63  }
0x20: {  	s21 =	simm.s32 $0x27A0  }
0x21: {  	[tilespmem:s18], [sflag:$0x2] =	stream.indirect.gather [hbm4b:s4+s15], $0x10, s21, s15, $0xb8;
	[tilespmem:$0x9620] =	vst v63  }
0x22: {  	s1 =	simm.s32 $0x2820  }
0x23: {  	[tilespmem:s20], [sflag:$0x3] =	stream.indirect.gather [hbm4b:s4+s15], $0x10, s1, s15, $0xb8;
	[tilespmem:$0x9620] =	vst v63  }
0x24: {  	s21 =	simm.s32 $0x28A0  }
0x25: {  	[tilespmem:s22], [sflag:$0x4] =	stream.indirect.gather [hbm4b:s4+s15], $0x10, s21, s15, $0xb8;
	[tilespmem:$0x9620] =	vst v63  }
0x26: {  	_ =	swait.ge [sflag:s23], $0x800  }
0x27: {  	[sflag:s23] =	ssyncset.done $0x0  }
0x28: {  	s1 =	simm.s32 $0x4EA0;
	[sflag:s23] =	ssyncadd.s32 $0xFFFFF800  }
0x29: {  	[spmem:s2] =	stream.indirect.scatter.add.f32 [tilespmem:s16], [sflag:$0x5], $0x10, s1, s15, $0xb8;
	[tilespmem:$0x9620] =	vst v63  }
0x2a: {  	_ =	swait.ge [sflag:s24], $0x800  }
0x2b: {  	[sflag:s24] =	ssyncset.done $0x0  }
0x2c: {  	s0 =	simm.s32 $0x4F20;
	[sflag:s24] =	ssyncadd.s32 $0xFFFFF800  }
0x2d: {  	[spmem:s2] =	stream.indirect.scatter.add.f32 [tilespmem:s18], [sflag:$0x6], $0x10, s0, s15, $0xb8;
	[tilespmem:$0x9620] =	vst v63  }
0x2e: {  	_ =	swait.ge [sflag:s25], $0x800  }
0x2f: {  	[sflag:s25] =	ssyncset.done $0x0  }
0x30: {  	s21 =	simm.s32 $0x4FA0;
	[sflag:s25] =	ssyncadd.s32 $0xFFFFF800  }
0x31: {  	[spmem:s2] =	stream.indirect.scatter.add.f32 [tilespmem:s20], [sflag:$0x7], $0x10, s21, s15, $0xb8;
	[tilespmem:$0x9620] =	vst v63  }
0x32: {  	_ =	swait.ge [sflag:s26], $0x800  }
0x33: {  	[sflag:s26] =	ssyncset.done $0x0  }
0x34: {  	s0 =	simm.s32 $0x5020;
	[sflag:s26] =	ssyncadd.s32 $0xFFFFF800  }
0x35: {  	[spmem:s2] =	stream.indirect.scatter.add.f32 [tilespmem:s22], [sflag:$0x8], $0x10, s0, s15, $0xb8;
	[tilespmem:$0x9620] =	vst v63  }
0x36: {  	_ =	swait.ge [sflag:s28], $0x800  }
0x37: {  	[sflag:s28] =	ssyncset.done $0x0  }
0x38: {  	s21 =	simm.s32 $0x2920;
	[sflag:s28] =	ssyncadd.s32 $0xFFFFF800  }
0x39: {  	[tilespmem:s16], [sflag:$0x1] =	stream.indirect.gather [hbm4b:s4+s15], $0x10, s21, s15, $0xb8;
	[tilespmem:$0x9620] =	vst v63  }
0x3a: {  	_ =	swait.ge [sflag:s29], $0x800  }
0x3b: {  	[sflag:s29] =	ssyncset.done $0x0  }
0x3c: {  	s0 =	simm.s32 $0x29A0;
	[sflag:s29] =	ssyncadd.s32 $0xFFFFF800  }
0x3d: {  	[tilespmem:s18], [sflag:$0x2] =	stream.indirect.gather [hbm4b:s4+s15], $0x10, s0, s15, $0xb8;
	[tilespmem:$0x9620] =	vst v63  }
0x3e: {  	_ =	swait.ge [sflag:s30], $0x800  }
0x3f: {  	[sflag:s30] =	ssyncset.done $0x0  }
0x40: {  	s21 =	simm.s32 $0x2A20;
	[sflag:s30] =	ssyncadd.s32 $0xFFFFF800  }
0x41: {  	[tilespmem:s20], [sflag:$0x3] =	stream.indirect.gather [hbm4b:s4+s15], $0x10, s21, s15, $0xb8;
	[tilespmem:$0x9620] =	vst v63  }
0x42: {  	_ =	swait.ge [sflag:s31], $0x800  }
0x43: {  	[sflag:s31] =	ssyncset.done $0x0  }
0x44: {  	s1 =	simm.s32 $0x2AA0;
	s21 =	simm.s32 $0x800;
	[sflag:s31] =	ssyncadd.s32 $0xFFFFF800  }
.LBB2_2:
0x45: {  	[tilespmem:s22], [sflag:$0x4] =	stream.indirect.gather [hbm4b:s4+s15], $0x10, s1, s15, $0xb8;
	[tilespmem:$0x9620] =	vst v63  }
0x46: {  	s1 =	smov.u32 s21  }
0x47: {  	p0 =	sne.s32 s21, $0x8800;
	s21 =	sadd.s32 $0x800, s21;
	_ =	swait.ge [sflag:s23], $0x800  }
0x48: {  	s1 =	sshra.s32 s1, $0x2;
	[sflag:s23] =	ssyncset.done $0x0  }
0x49: {  	s0 =	sadd.s32 $0x4EA0, s1;
	[sflag:s23] =	ssyncadd.s32 $0xFFFFF800  }
0x4a: {  	[spmem:s2] =	stream.indirect.scatter.add.f32 [tilespmem:s16], [sflag:$0x5], $0x10, s0, s15, $0xb8;
	[tilespmem:$0x9620] =	vst v63  }
0x4b: {  	_ =	swait.ge [sflag:s24], $0x800  }
0x4c: {  	[sflag:s24] =	ssyncset.done $0x0  }
0x4d: {  	s0 =	sadd.s32 $0x4F20, s1;
	[sflag:s24] =	ssyncadd.s32 $0xFFFFF800  }
0x4e: {  	[spmem:s2] =	stream.indirect.scatter.add.f32 [tilespmem:s18], [sflag:$0x6], $0x10, s0, s15, $0xb8;
	[tilespmem:$0x9620] =	vst v63  }
0x4f: {  	_ =	swait.ge [sflag:s25], $0x800  }
0x50: {  	[sflag:s25] =	ssyncset.done $0x0  }
0x51: {  	s0 =	sadd.s32 $0x4FA0, s1;
	[sflag:s25] =	ssyncadd.s32 $0xFFFFF800  }
0x52: {  	[spmem:s2] =	stream.indirect.scatter.add.f32 [tilespmem:s20], [sflag:$0x7], $0x10, s0, s15, $0xb8;
	[tilespmem:$0x9620] =	vst v63  }
0x53: {  	_ =	swait.ge [sflag:s26], $0x800  }
0x54: {  	[sflag:s26] =	ssyncset.done $0x0  }
0x55: {  	s0 =	sadd.s32 $0x5020, s1;
	[sflag:s26] =	ssyncadd.s32 $0xFFFFF800  }
0x56: {  	[spmem:s2] =	stream.indirect.scatter.add.f32 [tilespmem:s22], [sflag:$0x8], $0x10, s0, s15, $0xb8;
	[tilespmem:$0x9620] =	vst v63  }
0x57: {  	_ =	swait.ge [sflag:s28], $0x800  }
0x58: {  	[sflag:s28] =	ssyncset.done $0x0  }
0x59: {  	s0 =	sadd.s32 $0x2920, s1;
	[sflag:s28] =	ssyncadd.s32 $0xFFFFF800  }
0x5a: {  	[tilespmem:s16], [sflag:$0x1] =	stream.indirect.gather [hbm4b:s4+s15], $0x10, s0, s15, $0xb8;
	[tilespmem:$0x9620] =	vst v63  }
0x5b: {  	_ =	swait.ge [sflag:s29], $0x800  }
0x5c: {  	[sflag:s29] =	ssyncset.done $0x0  }
0x5d: {  	s0 =	sadd.s32 $0x29A0, s1;
	[sflag:s29] =	ssyncadd.s32 $0xFFFFF800  }
0x5e: {  	[tilespmem:s18], [sflag:$0x2] =	stream.indirect.gather [hbm4b:s4+s15], $0x10, s0, s15, $0xb8;
	[tilespmem:$0x9620] =	vst v63  }
0x5f: {  	_ =	swait.ge [sflag:s30], $0x800  }
0x60: {  	[sflag:s30] =	ssyncset.done $0x0  }
.Ltmp0:
0x61: {  	s0 =	sadd.s32 $0x2A20, s1;
	[sflag:s30] =	ssyncadd.s32 $0xFFFFF800;
	(pc) =	sbr.rel @p0 .LBB2_2-.Ltmp0, $4  }
0x62: {  	[tilespmem:s20], [sflag:$0x3] =	stream.indirect.gather [hbm4b:s4+s15], $0x10, s0, s15, $0xb8;
	[tilespmem:$0x9620] =	vst v63  }
0x63: {  	_ =	swait.ge [sflag:s31], $0x800  }
0x64: {  	[sflag:s31] =	ssyncset.done $0x0  }
0x65: {  	s1 =	sadd.s32 $0x2AA0, s1;
	[sflag:s31] =	ssyncadd.s32 $0xFFFFF800  }
0x66: {  	[tilespmem:s22], [sflag:$0x4] =	stream.indirect.gather [hbm4b:s4+s15], $0x10, s1, s15, $0xb8;
	[tilespmem:$0x9620] =	vst v63  }
0x67: {  	_ =	swait.ge [sflag:s23], $0x800  }
0x68: {  	[sflag:s23] =	ssyncset.done $0x0  }
0x69: {  	s0 =	simm.s32 $0x7420;
	[sflag:s23] =	ssyncadd.s32 $0xFFFFF800  }
0x6a: {  	[spmem:s2] =	stream.indirect.scatter.add.f32 [tilespmem:s16], [sflag:$0x5], $0x10, s0, s15, $0xb8;
	[tilespmem:$0x9620] =	vst v63  }
0x6b: {  	_ =	swait.ge [sflag:s24], $0x800  }
0x6c: {  	[sflag:s24] =	ssyncset.done $0x0  }
0x6d: {  	s21 =	simm.s32 $0x74A0;
	[sflag:s24] =	ssyncadd.s32 $0xFFFFF800  }
0x6e: {  	[spmem:s2] =	stream.indirect.scatter.add.f32 [tilespmem:s18], [sflag:$0x6], $0x10, s21, s15, $0xb8;
	[tilespmem:$0x9620] =	vst v63  }
0x6f: {  	_ =	swait.ge [sflag:s25], $0x800  }
0x70: {  	[sflag:s25] =	ssyncset.done $0x0  }
0x71: {  	[sflag:s25] =	ssyncadd.s32 $0xFFFFF800  }
0x72: {  	[spmem:s2] =	stream.indirect.scatter.add.f32 [tilespmem:s20], [sflag:$0x7], $0x10, s14, s15, $0xb8;
	[tilespmem:$0x9620] =	vst v63  }
0x73: {  	_ =	swait.ge [sflag:s26], $0x800  }
0x74: {  	[sflag:s26] =	ssyncset.done $0x0  }
0x75: {  	[sflag:s26] =	ssyncadd.s32 $0xFFFFF800  }
0x76: {  	[spmem:s2] =	stream.indirect.scatter.add.f32 [tilespmem:s22], [sflag:$0x8], $0x10, s17, s15, $0xb8;
	[tilespmem:$0x9620] =	vst v63  }
0x77: {  	_ =	swait.ge [sflag:s28], $0x800  }
0x78: {  	[sflag:s28] =	ssyncset.done $0x0  }
0x79: {  	[sflag:s28] =	ssyncadd.s32 $0xFFFFF800  }
0x7a: {  	_ =	swait.ge [sflag:s29], $0x800  }
0x7b: {  	[sflag:s29] =	ssyncset.done $0x0  }
0x7c: {  	[sflag:s29] =	ssyncadd.s32 $0xFFFFF800  }
0x7d: {  	_ =	swait.ge [sflag:s30], $0x800  }
0x7e: {  	[sflag:s30] =	ssyncset.done $0x0  }
0x7f: {  	[sflag:s30] =	ssyncadd.s32 $0xFFFFF800  }
0x80: {  	_ =	swait.ge [sflag:s31], $0x800  }
0x81: {  	s19 =	sadd.s32 $0x1, s19;
	[sflag:s31] =	ssyncset.done $0x0  }
0x82: {  	p0 =	sne.s32 s19, s10;
	[sflag:s31] =	ssyncadd.s32 $0xFFFFF800  }
.Ltmp1:
0x83: {  	[bflag:$0x0] =	sbarrier.arrive $0xFFFF;
	(pc) =	sbr.rel @p0 .LBB2_1-.Ltmp1, $4  }
0x84: {  	[hbm:s9], [sflag:s6] =	dma.local [spmem:s11], $0x4E4  }
0x85: {  	_ =	swait.ge [sflag:s12], $0x4E4  }
0x86: {  	[sflag:s12] =	ssyncset.done $0x0  }
0x87: {  	[sflag:s12] =	ssyncadd.s32 $0xFFFFFB1C  }
0x88: {  	_ =	sfence.sel $0x180000  }
0x89: {  	[bflag:$0x0] =	sbarrier.arrive $0xFFFF  }
0x8a: {  	_ =	strace $0x90000050  }
0x8b: {  	s0 =	stileid.u32;
	[bflag:$0x2] =	sbarrier.arrive $0xFFFF  }
0x8c: {  	p0 =	sne.s32 s0, $0x0;
	s0 =	rddreg [dreg:$0x2]  }
0x8d: {  	s0 =	sadd.s32 @!p0 $0x100000, s0  }
0x8e: {  	[sflag:s0] =	ssyncadd.tile.s32 @!p0 $0x1;
	_ =	shalt  }
.Lfunc_end2:
_tile_overlayer_lowered:
.L_overlay_start_2:
0x8f: {  	(tag) =	ssettag $0x2  }
0x90: {  	s0 =	rddreg [dreg:$0x0];
	s2 =	stileid.u32  }
0x91: {  	s1 =	rddreg [dreg:$0x1];
	p0 =	sne.s32 s2, $0x0  }
0x92: {  	s3 =	rddreg [dreg:$0x2];
	[bflag:$0x3] =	sbarrier.arrive $0xFFFF;
	s2 =	simm.s32 @!p0 $0x1C09  }
0x93: {  	[timem:s3], [sflag:s2] =	dma.local @!p0 [hbm:s0], s1  }
0x94: {  	s0 =	simm.s32 @!p0 $0x9  }
0x95: {  	_ =	swait.ge @!p0 [sflag:s0], s1  }
0x96: {  	s1 =	ssub.s32 @!p0 $0x0, s1;
	[sflag:s0] =	ssyncset.done @!p0 $0x0  }
0x97: {  	[sflag:s0] =	ssyncadd.s32 @!p0 s1  }
0x98: {  	[bflag:$0x3] =	sbarrier.arrive $0xFFFF  }
0x99: {  	_ =	shalt  }

</sc_bundles>
